<compile_context>
chip_gen: v7x
topology: tpu7x:2x2x1
jax: 0.10.2.dev20260603
libtpu: 0.0.44.dev20260713+nightly
codegen_flags: <defaults>
</compile_context>

<pallas_src>
import jax
import jax.numpy as jnp
from jax import lax
from jax.experimental import pallas as pl
from jax.experimental.pallas import tpu as pltpu
from jax.experimental.pallas import tpu_sc as plsc

N = 10000
E = 320000
D = 128
DH = D // 2
NPAD = 10240

NC = 2
NS = 16
EPT = E // NS
C = 128
EPTP = ((EPT + C - 1) // C) * C
EPAD = EPTP * NS
NCHUNK = EPTP // C
RPT = NPAD // NS
ZCOPIES = RPT // C


def _fc1_body(x_ref, w_ref, b_ref, o_ref):
    y = jnp.dot(x_ref[...], w_ref[0], preferred_element_type=jnp.float32)
    o_ref[0] = jnp.maximum(y + b_ref[0], 0.0)


def _agg_body(hs_hbm, src_hbm, dst_hbm, w_hbm, out_f, out_w,
              src0_v, dst0_v, w0_v, src1_v, dst1_v, w1_v,
              rows0_v, rows1_v, half_v, wrow_v, zrow_v,
              acc_f, acc_w, sem_g0, sem_g1):
    cid = lax.axis_index("c")
    sid = lax.axis_index("s")

    def _zrow(r, _):
        for j in range(DH // 16):
            half_v[r, pl.ds(j * 16, 16)] = jnp.zeros((16,), jnp.float32)
        return 0
    lax.fori_loop(0, C, _zrow, 0)

    def _zroww(r, _):
        zrow_v[r, :] = jnp.zeros((16,), jnp.float32)
        return 0
    lax.fori_loop(0, RPT, _zroww, 0)

    for k in range(ZCOPIES):
        pltpu.sync_copy(half_v, acc_f.at[pl.ds(sid * RPT + k * C, C)])
    pltpu.sync_copy(zrow_v, acc_w.at[pl.ds(sid * RPT, RPT)])
    plsc.subcore_barrier()

    off16 = jnp.full((16,), cid * NPAD, jnp.int32)

    def _load_edges(c, srcv, dstv, wv):
        base = sid * EPTP + c * C
        pltpu.sync_copy(src_hbm.at[pl.ds(base, C)], srcv)
        pltpu.sync_copy(dst_hbm.at[pl.ds(base, C)], dstv)
        pltpu.sync_copy(w_hbm.at[pl.ds(base, C)], wv)
        for t in range(C // 16):
            srcv[pl.ds(t * 16, 16)] = srcv[pl.ds(t * 16, 16)] + off16

    def _drain(rowsv, sem):
        pltpu.make_async_copy(hs_hbm.at[pl.ds(0, C)], rowsv, sem).wait()

    def _compute(rowsv, dstv, wv):
        def _edge16(t, _):
            wvec = wv[pl.ds(t * 16, 16)]
            for l in range(16):
                r = t * 16 + l
                w16 = jnp.full((16,), wvec[l], jnp.float32)
                for j in range(DH // 16):
                    x = rowsv[r, pl.ds(j * 16, 16)]
                    half_v[r, pl.ds(j * 16, 16)] = x * w16
                wrow_v[r, :] = w16
            return 0
        lax.fori_loop(0, C // 16, _edge16, 0)
        pltpu.sync_copy(half_v, acc_f.at[dstv], add=True)
        pltpu.sync_copy(wrow_v, acc_w.at[dstv], add=True)

    _load_edges(0, src0_v, dst0_v, w0_v)
    pltpu.async_copy(hs_hbm.at[src0_v], rows0_v, sem_g0)

    def _pair(i, _):
        c0 = 2 * i
        _load_edges(c0 + 1, src1_v, dst1_v, w1_v)
        pltpu.async_copy(hs_hbm.at[src1_v], rows1_v, sem_g1)
        _drain(rows0_v, sem_g0)
        _compute(rows0_v, dst0_v, w0_v)
        _load_edges(c0 + 2, src0_v, dst0_v, w0_v)
        pltpu.async_copy(hs_hbm.at[src0_v], rows0_v, sem_g0)
        _drain(rows1_v, sem_g1)
        _compute(rows1_v, dst1_v, w1_v)
        return 0
    lax.fori_loop(0, (NCHUNK - 1) // 2, _pair, 0)
    _drain(rows0_v, sem_g0)
    _compute(rows0_v, dst0_v, w0_v)

    plsc.subcore_barrier()

    for k in range(ZCOPIES):
        b = sid * RPT + k * C
        pltpu.sync_copy(acc_f.at[pl.ds(b, C)], half_v)
        pltpu.sync_copy(half_v, out_f.at[cid, pl.ds(b, C)])
    pltpu.sync_copy(acc_w.at[pl.ds(sid * RPT, RPT)], zrow_v)
    pltpu.sync_copy(zrow_v, out_w.at[cid, pl.ds(sid * RPT, RPT)])


def _fc2_body(accf_ref, accw_ref, hd_ref, w2_ref, b2_ref, o_ref, ss_ref):
    i = pl.program_id(0)
    vs = jnp.concatenate([accf_ref[0], accf_ref[1]], axis=-1)
    ws = accw_ref[0, :, 0:1]
    ws = jnp.maximum(ws, 1.0)
    nv = vs / ws
    y = jnp.dot(nv, w2_ref[0:D, :], preferred_element_type=jnp.float32)
    y = y + jnp.dot(hd_ref[...], w2_ref[D:2 * D, :],
                    preferred_element_type=jnp.float32)
    y = jnp.maximum(y + b2_ref[...], 0.0)
    o_ref[...] = y
    br = o_ref.shape[0]
    row = i * br + lax.broadcasted_iota(jnp.int32, (br, 1), 0)
    sq = jnp.where(row < N, y * y, 0.0)

    @pl.when(i == 0)
    def _():
        ss_ref[...] = jnp.zeros((1, 1), jnp.float32)
    ss_ref[...] += jnp.sum(sq).reshape(1, 1)


def _norm_body(x_ref, ss_ref, o_ref):
    o_ref[...] = x_ref[...] * lax.rsqrt(ss_ref[0, 0])


def kernel(h_src, h_dst, edge_index, edge_weight, W1, b1, W2, b2):
    f32 = jnp.float32
    h_src_p = jnp.pad(h_src, ((0, NPAD - N), (0, 0)))
    h_dst_p = jnp.pad(h_dst, ((0, NPAD - N), (0, 0)))
    src = jnp.pad(edge_index[0].astype(jnp.int32), (0, EPAD - E))
    dst = jnp.pad(edge_index[1].astype(jnp.int32), (0, EPAD - E))
    b1r = b1.reshape(1, D).astype(f32)
    b2r = b2.reshape(1, D).astype(f32)

    W1s = W1.astype(f32).reshape(D, NC, DH).transpose(1, 0, 2)
    b1s = b1.astype(f32).reshape(NC, 1, DH)
    BR1 = 512
    hs2 = pl.pallas_call(
        _fc1_body,
        grid=(NC, NPAD // BR1),
        in_specs=[
            pl.BlockSpec((BR1, D), lambda h, i: (i, 0)),
            pl.BlockSpec((1, D, DH), lambda h, i: (h, 0, 0)),
            pl.BlockSpec((1, 1, DH), lambda h, i: (h, 0, 0)),
        ],
        out_specs=pl.BlockSpec((1, BR1, DH), lambda h, i: (h, i, 0)),
        out_shape=jax.ShapeDtypeStruct((NC, NPAD, DH), f32),
    )(h_src_p, W1s, b1s)
    hs = hs2.reshape(NC * NPAD, DH)

    mesh = plsc.VectorSubcoreMesh(core_axis_name="c", subcore_axis_name="s")
    agg = pl.kernel(
        _agg_body,
        out_type=(
            jax.ShapeDtypeStruct((NC, NPAD, DH), f32),
            jax.ShapeDtypeStruct((NC, NPAD, 16), f32),
        ),
        mesh=mesh,
        compiler_params=pltpu.CompilerParams(use_tc_tiling_on_sc=False),
        scratch_types=[
            pltpu.VMEM((C,), jnp.int32),
            pltpu.VMEM((C,), jnp.int32),
            pltpu.VMEM((C,), f32),
            pltpu.VMEM((C,), jnp.int32),
            pltpu.VMEM((C,), jnp.int32),
            pltpu.VMEM((C,), f32),
            pltpu.VMEM((C, DH), f32),
            pltpu.VMEM((C, DH), f32),
            pltpu.VMEM((C, DH), f32),
            pltpu.VMEM((C, 16), f32),
            pltpu.VMEM((RPT, 16), f32),
            pltpu.VMEM_SHARED((NPAD, DH), f32),
            pltpu.VMEM_SHARED((NPAD, 16), f32),
            pltpu.SemaphoreType.DMA,
            pltpu.SemaphoreType.DMA,
        ],
    )
    ew = jnp.pad(edge_weight.astype(f32), (0, EPAD - E))
    acc_f, acc_w = agg(hs, src, dst, ew)

    BR2 = 256
    new_pre, sumsq = pl.pallas_call(
        _fc2_body,
        grid=(NPAD // BR2,),
        in_specs=[
            pl.BlockSpec((NC, BR2, DH), lambda i: (0, i, 0)),
            pl.BlockSpec((1, BR2, 16), lambda i: (0, i, 0)),
            pl.BlockSpec((BR2, D), lambda i: (i, 0)),
            pl.BlockSpec((2 * D, D), lambda i: (0, 0)),
            pl.BlockSpec((1, D), lambda i: (0, 0)),
        ],
        out_specs=(
            pl.BlockSpec((BR2, D), lambda i: (i, 0)),
            pl.BlockSpec((1, 1), lambda i: (0, 0)),
        ),
        out_shape=(
            jax.ShapeDtypeStruct((NPAD, D), f32),
            jax.ShapeDtypeStruct((1, 1), f32),
        ),
    )(acc_f, acc_w, h_dst_p, W2, b2r)

    BR3 = 512
    new = pl.pallas_call(
        _norm_body,
        grid=(NPAD // BR3,),
        in_specs=[
            pl.BlockSpec((BR3, D), lambda i: (i, 0)),
            pl.BlockSpec((1, 1), lambda i: (0, 0)),
        ],
        out_specs=pl.BlockSpec((BR3, D), lambda i: (i, 0)),
        out_shape=jax.ShapeDtypeStruct((NPAD, D), f32),
    )(new_pre, sumsq)

    return new[:N]

# --- scband reference (transcript-rebuilt; emitter-appended) ---
"""Pipeline reference for scband-convolve-42185168781626 (READ-ONLY COPY).

The authoritative reference and input builder live on the scoring server;
editing this copy changes nothing except your own understanding.
"""

import jax, jax.numpy as jnp
import numpy as np

N_NODES = 10000
E = 320000
D = 128
H = 128
OUT = 128


def setup_inputs(seed: int = 0) -> dict:
    key = jax.random.key(seed)
    k1, k2, k3, k4, k5, k6 = jax.random.split(key, 6)
    h_src = jax.random.normal(k1, (N_NODES, D), dtype=jnp.float32)
    h_dst = jax.random.normal(k2, (N_NODES, D), dtype=jnp.float32)
    edge_index = jax.random.randint(k3, (2, E), 0, N_NODES)
    edge_weight = jax.random.uniform(k4, (E,), dtype=jnp.float32)
    W1 = jax.random.normal(k5, (D, H), dtype=jnp.float32) * 0.05
    b1 = jnp.zeros((H,), dtype=jnp.float32)
    W2 = jax.random.normal(k6, (H + D, OUT), dtype=jnp.float32) * 0.05
    b2 = jnp.zeros((OUT,), dtype=jnp.float32)
    return {"h_src": h_src, "h_dst": h_dst, "edge_index": edge_index,
            "edge_weight": edge_weight, "W1": W1, "b1": b1, "W2": W2, "b2": b2}


def reference(h_src, h_dst, edge_index, edge_weight, W1, b1, W2, b2):
    # fc_1 with relu
    hs = jax.nn.relu(h_src @ W1 + b1)
    src = edge_index[0]
    dst = edge_index[1]
    # u_mul_e('u','w','v') then sum over incoming edges per dst node
    u = hs[src]                                   # gather src features per edge
    v = u * edge_weight[:, None]                  # weight each message
    vs = jax.ops.segment_sum(v, dst, num_segments=h_dst.shape[0])
    # copy_e('w','m') then sum -> total incoming edge weight per dst node
    ws = jax.ops.segment_sum(edge_weight, dst, num_segments=h_dst.shape[0])
    ws = jnp.clip(ws, 1.0, jnp.inf)[:, None]
    nv = vs / ws
    new = jnp.concatenate([nv, h_dst], axis=-1)
    new = jax.nn.relu(new @ W2 + b2)
    l2norm = jnp.linalg.norm(new)
    new = new / l2norm
    return new

if __name__ == "__main__":
    import jax
    _d = setup_inputs()
    print(jax.jit(kernel)(*tuple(_d.values())))

</pallas_src>

<mosaic_0001>
#map = affine_map<(d0, d1) -> (0, 0)>
#map1 = affine_map<(d0, d1) -> (0)>
#map2 = affine_map<(d0, d1) -> (0, 0, 0)>
module attributes {stable_mosaic.version = 14 : i64} {
  func.func @_agg_body(%arg0: i32, %arg1: i32, %arg2: memref<20480x64xf32, #tpu.memory_space<hbm>>, %arg3: memref<321536xi32, #tpu.memory_space<hbm>>, %arg4: memref<321536xi32, #tpu.memory_space<hbm>>, %arg5: memref<321536xf32, #tpu.memory_space<hbm>>, %arg6: memref<2x10240x64xf32, #tpu.memory_space<hbm>>, %arg7: memref<2x10240x16xf32, #tpu.memory_space<hbm>>, %arg8: memref<128xi32, #tpu.memory_space<vmem>>, %arg9: memref<128xi32, #tpu.memory_space<vmem>>, %arg10: memref<128xf32, #tpu.memory_space<vmem>>, %arg11: memref<128xi32, #tpu.memory_space<vmem>>, %arg12: memref<128xi32, #tpu.memory_space<vmem>>, %arg13: memref<128xf32, #tpu.memory_space<vmem>>, %arg14: memref<128x64xf32, #tpu.memory_space<vmem>>, %arg15: memref<128x64xf32, #tpu.memory_space<vmem>>, %arg16: memref<128x64xf32, #tpu.memory_space<vmem>>, %arg17: memref<128x16xf32, #tpu.memory_space<vmem>>, %arg18: memref<640x16xf32, #tpu.memory_space<vmem>>, %arg19: memref<10240x64xf32, #tpu.memory_space<vmem_shared>>, %arg20: memref<10240x16xf32, #tpu.memory_space<vmem_shared>>, %arg21: memref<!tpu.dma_semaphore, #tpu.memory_space<semaphore_mem>>, %arg22: memref<!tpu.dma_semaphore, #tpu.memory_space<semaphore_mem>>) attributes {dimension_semantics = [#tpu.dimension_semantics<core_parallel>, #tpu.dimension_semantics<subcore_parallel>], iteration_bounds = array<i64: 2, 16>, scalar_prefetch = 0 : i64, scratch_operands = 15 : i64, tpu.core_type = #tpu.core_type<sc_vector_subcore>, window_params = [{transform_indices = #map}, {transform_indices = #map1}, {transform_indices = #map1}, {transform_indices = #map1}, {transform_indices = #map2}, {transform_indices = #map2}]} {
    %scan3A = arith.constant 0 : i32
    %scan3A_0 = arith.constant 0 : i32
    %scan3A_1 = arith.constant 128 : i32
    %scan3A_2 = arith.addi %scan3A_0, %scan3A_1 : i32
    %scan3A_3 = arith.constant 1 : i32
    %scan3A_4 = scf.for %scan3A_147 = %scan3A_0 to %scan3A_2 step %scan3A_3 iter_args(%scan3A_148 = %scan3A) -> (i32)  : i32 {
      %broadcast_in_dim3A_149 = arith.constant 0.000000e+00 : f32
      %broadcast_in_dim3A_150 = vector.broadcast %broadcast_in_dim3A_149 : f32 to vector<16xf32>
      %swap3A_151 = arith.index_cast %scan3A_147 : i32 to index
      %swap3A_152 = arith.constant 0 : index
      %swap3A_153 = tpu.vector_load %arg16[%swap3A_151, %swap3A_152] {strides = array<i32>} : memref<128x64xf32, #tpu.memory_space<vmem>>, vector<1x16xf32>,
      %swap3A_154 = vector.shape_cast %swap3A_153 : vector<1x16xf32> to vector<16xf32>
      %swap3A_155 = vector.shape_cast %broadcast_in_dim3A_150 : vector<16xf32> to vector<1x16xf32>
      tpu.vector_store %arg16[%swap3A_151, %swap3A_152], %swap3A_155 {strides = array<i32>} : memref<128x64xf32, #tpu.memory_space<vmem>>, vector<1x16xf32>,
      %broadcast_in_dim3A_156 = arith.constant 0.000000e+00 : f32
      %broadcast_in_dim3A_157 = vector.broadcast %broadcast_in_dim3A_156 : f32 to vector<16xf32>
      %swap3A_158 = arith.index_cast %scan3A_147 : i32 to index
      %swap3A_159 = arith.constant 16 : index
      %swap3A_160 = tpu.vector_load %arg16[%swap3A_158, %swap3A_159] {strides = array<i32>} : memref<128x64xf32, #tpu.memory_space<vmem>>, vector<1x16xf32>,
      %swap3A_161 = vector.shape_cast %swap3A_160 : vector<1x16xf32> to vector<16xf32>
      %swap3A_162 = vector.shape_cast %broadcast_in_dim3A_157 : vector<16xf32> to vector<1x16xf32>
      tpu.vector_store %arg16[%swap3A_158, %swap3A_159], %swap3A_162 {strides = array<i32>} : memref<128x64xf32, #tpu.memory_space<vmem>>, vector<1x16xf32>,
      %broadcast_in_dim3A_163 = arith.constant 0.000000e+00 : f32
      %broadcast_in_dim3A_164 = vector.broadcast %broadcast_in_dim3A_163 : f32 to vector<16xf32>
      %swap3A_165 = arith.index_cast %scan3A_147 : i32 to index
      %swap3A_166 = arith.constant 32 : index
      %swap3A_167 = tpu.vector_load %arg16[%swap3A_165, %swap3A_166] {strides = array<i32>} : memref<128x64xf32, #tpu.memory_space<vmem>>, vector<1x16xf32>,
      %swap3A_168 = vector.shape_cast %swap3A_167 : vector<1x16xf32> to vector<16xf32>
      %swap3A_169 = vector.shape_cast %broadcast_in_dim3A_164 : vector<16xf32> to vector<1x16xf32>
      tpu.vector_store %arg16[%swap3A_165, %swap3A_166], %swap3A_169 {strides = array<i32>} : memref<128x64xf32, #tpu.memory_space<vmem>>, vector<1x16xf32>,
      %broadcast_in_dim3A_170 = arith.constant 0.000000e+00 : f32
      %broadcast_in_dim3A_171 = vector.broadcast %broadcast_in_dim3A_170 : f32 to vector<16xf32>
      %swap3A_172 = arith.index_cast %scan3A_147 : i32 to index
      %swap3A_173 = arith.constant 48 : index
      %swap3A_174 = tpu.vector_load %arg16[%swap3A_172, %swap3A_173] {strides = array<i32>} : memref<128x64xf32, #tpu.memory_space<vmem>>, vector<1x16xf32>,
      %swap3A_175 = vector.shape_cast %swap3A_174 : vector<1x16xf32> to vector<16xf32>
      %swap3A_176 = vector.shape_cast %broadcast_in_dim3A_171 : vector<16xf32> to vector<1x16xf32>
      tpu.vector_store %arg16[%swap3A_172, %swap3A_173], %swap3A_176 {strides = array<i32>} : memref<128x64xf32, #tpu.memory_space<vmem>>, vector<1x16xf32>,
      %scan3A_177 = arith.constant 0 : i32
      scf.yield %scan3A_177 : i32
    }
    %scan3A_5 = arith.constant 128 : i32
    %scan3A_6 = arith.constant 0 : i32
    %scan3A_7 = arith.constant 0 : i32
    %scan3A_8 = arith.constant 640 : i32
    %scan3A_9 = arith.addi %scan3A_7, %scan3A_8 : i32
    %scan3A_10 = arith.constant 1 : i32
    %scan3A_11 = scf.for %scan3A_147 = %scan3A_7 to %scan3A_9 step %scan3A_10 iter_args(%scan3A_148 = %scan3A_6) -> (i32)  : i32 {
      %broadcast_in_dim3A_149 = arith.constant 0.000000e+00 : f32
      %broadcast_in_dim3A_150 = vector.broadcast %broadcast_in_dim3A_149 : f32 to vector<16xf32>
      %swap3A_151 = arith.index_cast %scan3A_147 : i32 to index
      %swap3A_152 = arith.constant 0 : index
      %swap3A_153 = tpu.vector_load %arg18[%swap3A_151, %swap3A_152] {strides = array<i32>} : memref<640x16xf32, #tpu.memory_space<vmem>>, vector<1x16xf32>,
      %swap3A_154 = vector.shape_cast %swap3A_153 : vector<1x16xf32> to vector<16xf32>
      %swap3A_155 = vector.shape_cast %broadcast_in_dim3A_150 : vector<16xf32> to vector<1x16xf32>
      tpu.vector_store %arg18[%swap3A_151, %swap3A_152], %swap3A_155 {strides = array<i32>} : memref<640x16xf32, #tpu.memory_space<vmem>>, vector<1x16xf32>,
      %scan3A_156 = arith.constant 0 : i32
      scf.yield %scan3A_156 : i32
    }
    %scan3A_12 = arith.constant 640 : i32
    %mul3A = arith.constant 640 : i32
    %mul3A_13 = arith.muli %arg1, %mul3A : i32
    %add3A = arith.constant 0 : i32
    %add3A_14 = arith.addi %mul3A_13, %add3A : i32
    "tpu.region"() ({
      %run_scoped3A = tpu.sem_alloc : memref<!tpu.dma_semaphore, #tpu.memory_space<semaphore_mem>>
      %dma_start3A_147 = arith.constant 0 : i32
      %dma_start3A_148 = tpu.memref_slice %arg19[%add3A_14, %dma_start3A_147] : memref<10240x64xf32, #tpu.memory_space<vmem_shared>> -> memref<128x64xf32, #tpu.memory_space<vmem_shared>>
      %dma_start3A_149 = arith.constant 0 : i32
      %dma_start3A_150 = tpu.memref_slice %arg19[%add3A_14, %dma_start3A_149] : memref<10240x64xf32, #tpu.memory_space<vmem_shared>> -> memref<128x64xf32, #tpu.memory_space<vmem_shared>>
      tpu.enqueue_dma source(%arg16 : memref<128x64xf32, #tpu.memory_space<vmem>>) target(%dma_start3A_150 : memref<128x64xf32, #tpu.memory_space<vmem_shared>>) target_semaphore(%run_scoped3A : memref<!tpu.dma_semaphore, #tpu.memory_space<semaphore_mem>>)
      %dma_wait3A_151 = arith.constant 0 : i32
      %dma_wait3A_152 = tpu.memref_slice %arg19[%add3A_14, %dma_wait3A_151] : memref<10240x64xf32, #tpu.memory_space<vmem_shared>> -> memref<128x64xf32, #tpu.memory_space<vmem_shared>>
      %dma_wait3A_153 = arith.constant 0 : i32
      %dma_wait3A_154 = tpu.memref_slice %arg19[%add3A_14, %dma_wait3A_153] : memref<10240x64xf32, #tpu.memory_space<vmem_shared>> -> memref<128x64xf32, #tpu.memory_space<vmem_shared>>
      tpu.wait_dma2 semaphore(%run_scoped3A : memref<!tpu.dma_semaphore, #tpu.memory_space<semaphore_mem>>) src(%arg16 : memref<128x64xf32, #tpu.memory_space<vmem>>) dst(%dma_wait3A_154 : memref<128x64xf32, #tpu.memory_space<vmem_shared>>)
      tpu.yield
    }) : () -> ()
    %mul3A_15 = arith.constant 640 : i32
    %mul3A_16 = arith.muli %arg1, %mul3A_15 : i32
    %add3A_17 = arith.constant 128 : i32
    %add3A_18 = arith.addi %mul3A_16, %add3A_17 : i32
    "tpu.region"() ({
      %run_scoped3A = tpu.sem_alloc : memref<!tpu.dma_semaphore, #tpu.memory_space<semaphore_mem>>
      %dma_start3A_147 = arith.constant 0 : i32
      %dma_start3A_148 = tpu.memref_slice %arg19[%add3A_18, %dma_start3A_147] : memref<10240x64xf32, #tpu.memory_space<vmem_shared>> -> memref<128x64xf32, #tpu.memory_space<vmem_shared>>
      %dma_start3A_149 = arith.constant 0 : i32
      %dma_start3A_150 = tpu.memref_slice %arg19[%add3A_18, %dma_start3A_149] : memref<10240x64xf32, #tpu.memory_space<vmem_shared>> -> memref<128x64xf32, #tpu.memory_space<vmem_shared>>
      tpu.enqueue_dma source(%arg16 : memref<128x64xf32, #tpu.memory_space<vmem>>) target(%dma_start3A_150 : memref<128x64xf32, #tpu.memory_space<vmem_shared>>) target_semaphore(%run_scoped3A : memref<!tpu.dma_semaphore, #tpu.memory_space<semaphore_mem>>)
      %dma_wait3A_151 = arith.constant 0 : i32
      %dma_wait3A_152 = tpu.memref_slice %arg19[%add3A_18, %dma_wait3A_151] : memref<10240x64xf32, #tpu.memory_space<vmem_shared>> -> memref<128x64xf32, #tpu.memory_space<vmem_shared>>
      %dma_wait3A_153 = arith.constant 0 : i32
      %dma_wait3A_154 = tpu.memref_slice %arg19[%add3A_18, %dma_wait3A_153] : memref<10240x64xf32, #tpu.memory_space<vmem_shared>> -> memref<128x64xf32, #tpu.memory_space<vmem_shared>>
      tpu.wait_dma2 semaphore(%run_scoped3A : memref<!tpu.dma_semaphore, #tpu.memory_space<semaphore_mem>>) src(%arg16 : memref<128x64xf32, #tpu.memory_space<vmem>>) dst(%dma_wait3A_154 : memref<128x64xf32, #tpu.memory_space<vmem_shared>>)
      tpu.yield
    }) : () -> ()
    %mul3A_19 = arith.constant 640 : i32
    %mul3A_20 = arith.muli %arg1, %mul3A_19 : i32
    %add3A_21 = arith.constant 256 : i32
    %add3A_22 = arith.addi %mul3A_20, %add3A_21 : i32
    "tpu.region"() ({
      %run_scoped3A = tpu.sem_alloc : memref<!tpu.dma_semaphore, #tpu.memory_space<semaphore_mem>>
      %dma_start3A_147 = arith.constant 0 : i32
      %dma_start3A_148 = tpu.memref_slice %arg19[%add3A_22, %dma_start3A_147] : memref<10240x64xf32, #tpu.memory_space<vmem_shared>> -> memref<128x64xf32, #tpu.memory_space<vmem_shared>>
      %dma_start3A_149 = arith.constant 0 : i32
      %dma_start3A_150 = tpu.memref_slice %arg19[%add3A_22, %dma_start3A_149] : memref<10240x64xf32, #tpu.memory_space<vmem_shared>> -> memref<128x64xf32, #tpu.memory_space<vmem_shared>>
      tpu.enqueue_dma source(%arg16 : memref<128x64xf32, #tpu.memory_space<vmem>>) target(%dma_start3A_150 : memref<128x64xf32, #tpu.memory_space<vmem_shared>>) target_semaphore(%run_scoped3A : memref<!tpu.dma_semaphore, #tpu.memory_space<semaphore_mem>>)
      %dma_wait3A_151 = arith.constant 0 : i32
      %dma_wait3A_152 = tpu.memref_slice %arg19[%add3A_22, %dma_wait3A_151] : memref<10240x64xf32, #tpu.memory_space<vmem_shared>> -> memref<128x64xf32, #tpu.memory_space<vmem_shared>>
      %dma_wait3A_153 = arith.constant 0 : i32
      %dma_wait3A_154 = tpu.memref_slice %arg19[%add3A_22, %dma_wait3A_153] : memref<10240x64xf32, #tpu.memory_space<vmem_shared>> -> memref<128x64xf32, #tpu.memory_space<vmem_shared>>
      tpu.wait_dma2 semaphore(%run_scoped3A : memref<!tpu.dma_semaphore, #tpu.memory_space<semaphore_mem>>) src(%arg16 : memref<128x64xf32, #tpu.memory_space<vmem>>) dst(%dma_wait3A_154 : memref<128x64xf32, #tpu.memory_space<vmem_shared>>)
      tpu.yield
    }) : () -> ()
    %mul3A_23 = arith.constant 640 : i32
    %mul3A_24 = arith.muli %arg1, %mul3A_23 : i32
    %add3A_25 = arith.constant 384 : i32
    %add3A_26 = arith.addi %mul3A_24, %add3A_25 : i32
    "tpu.region"() ({
      %run_scoped3A = tpu.sem_alloc : memref<!tpu.dma_semaphore, #tpu.memory_space<semaphore_mem>>
      %dma_start3A_147 = arith.constant 0 : i32
      %dma_start3A_148 = tpu.memref_slice %arg19[%add3A_26, %dma_start3A_147] : memref<10240x64xf32, #tpu.memory_space<vmem_shared>> -> memref<128x64xf32, #tpu.memory_space<vmem_shared>>
      %dma_start3A_149 = arith.constant 0 : i32
      %dma_start3A_150 = tpu.memref_slice %arg19[%add3A_26, %dma_start3A_149] : memref<10240x64xf32, #tpu.memory_space<vmem_shared>> -> memref<128x64xf32, #tpu.memory_space<vmem_shared>>
      tpu.enqueue_dma source(%arg16 : memref<128x64xf32, #tpu.memory_space<vmem>>) target(%dma_start3A_150 : memref<128x64xf32, #tpu.memory_space<vmem_shared>>) target_semaphore(%run_scoped3A : memref<!tpu.dma_semaphore, #tpu.memory_space<semaphore_mem>>)
      %dma_wait3A_151 = arith.constant 0 : i32
      %dma_wait3A_152 = tpu.memref_slice %arg19[%add3A_26, %dma_wait3A_151] : memref<10240x64xf32, #tpu.memory_space<vmem_shared>> -> memref<128x64xf32, #tpu.memory_space<vmem_shared>>
      %dma_wait3A_153 = arith.constant 0 : i32
      %dma_wait3A_154 = tpu.memref_slice %arg19[%add3A_26, %dma_wait3A_153] : memref<10240x64xf32, #tpu.memory_space<vmem_shared>> -> memref<128x64xf32, #tpu.memory_space<vmem_shared>>
      tpu.wait_dma2 semaphore(%run_scoped3A : memref<!tpu.dma_semaphore, #tpu.memory_space<semaphore_mem>>) src(%arg16 : memref<128x64xf32, #tpu.memory_space<vmem>>) dst(%dma_wait3A_154 : memref<128x64xf32, #tpu.memory_space<vmem_shared>>)
      tpu.yield
    }) : () -> ()
    %mul3A_27 = arith.constant 640 : i32
    %mul3A_28 = arith.muli %arg1, %mul3A_27 : i32
    %add3A_29 = arith.constant 512 : i32
    %add3A_30 = arith.addi %mul3A_28, %add3A_29 : i32
    "tpu.region"() ({
      %run_scoped3A = tpu.sem_alloc : memref<!tpu.dma_semaphore, #tpu.memory_space<semaphore_mem>>
      %dma_start3A_147 = arith.constant 0 : i32
      %dma_start3A_148 = tpu.memref_slice %arg19[%add3A_30, %dma_start3A_147] : memref<10240x64xf32, #tpu.memory_space<vmem_shared>> -> memref<128x64xf32, #tpu.memory_space<vmem_shared>>
      %dma_start3A_149 = arith.constant 0 : i32
      %dma_start3A_150 = tpu.memref_slice %arg19[%add3A_30, %dma_start3A_149] : memref<10240x64xf32, #tpu.memory_space<vmem_shared>> -> memref<128x64xf32, #tpu.memory_space<vmem_shared>>
      tpu.enqueue_dma source(%arg16 : memref<128x64xf32, #tpu.memory_space<vmem>>) target(%dma_start3A_150 : memref<128x64xf32, #tpu.memory_space<vmem_shared>>) target_semaphore(%run_scoped3A : memref<!tpu.dma_semaphore, #tpu.memory_space<semaphore_mem>>)
      %dma_wait3A_151 = arith.constant 0 : i32
      %dma_wait3A_152 = tpu.memref_slice %arg19[%add3A_30, %dma_wait3A_151] : memref<10240x64xf32, #tpu.memory_space<vmem_shared>> -> memref<128x64xf32, #tpu.memory_space<vmem_shared>>
      %dma_wait3A_153 = arith.constant 0 : i32
      %dma_wait3A_154 = tpu.memref_slice %arg19[%add3A_30, %dma_wait3A_153] : memref<10240x64xf32, #tpu.memory_space<vmem_shared>> -> memref<128x64xf32, #tpu.memory_space<vmem_shared>>
      tpu.wait_dma2 semaphore(%run_scoped3A : memref<!tpu.dma_semaphore, #tpu.memory_space<semaphore_mem>>) src(%arg16 : memref<128x64xf32, #tpu.memory_space<vmem>>) dst(%dma_wait3A_154 : memref<128x64xf32, #tpu.memory_space<vmem_shared>>)
      tpu.yield
    }) : () -> ()
    %mul3A_31 = arith.constant 640 : i32
    %mul3A_32 = arith.muli %arg1, %mul3A_31 : i32
    "tpu.region"() ({
      %run_scoped3A = tpu.sem_alloc : memref<!tpu.dma_semaphore, #tpu.memory_space<semaphore_mem>>
      %dma_start3A_147 = arith.constant 0 : i32
      %dma_start3A_148 = tpu.memref_slice %arg20[%mul3A_32, %dma_start3A_147] : memref<10240x16xf32, #tpu.memory_space<vmem_shared>> -> memref<640x16xf32, #tpu.memory_space<vmem_shared>>
      %dma_start3A_149 = arith.constant 0 : i32
      %dma_start3A_150 = tpu.memref_slice %arg20[%mul3A_32, %dma_start3A_149] : memref<10240x16xf32, #tpu.memory_space<vmem_shared>> -> memref<640x16xf32, #tpu.memory_space<vmem_shared>>
      tpu.enqueue_dma source(%arg18 : memref<640x16xf32, #tpu.memory_space<vmem>>) target(%dma_start3A_150 : memref<640x16xf32, #tpu.memory_space<vmem_shared>>) target_semaphore(%run_scoped3A : memref<!tpu.dma_semaphore, #tpu.memory_space<semaphore_mem>>)
      %dma_wait3A_151 = arith.constant 0 : i32
      %dma_wait3A_152 = tpu.memref_slice %arg20[%mul3A_32, %dma_wait3A_151] : memref<10240x16xf32, #tpu.memory_space<vmem_shared>> -> memref<640x16xf32, #tpu.memory_space<vmem_shared>>
      %dma_wait3A_153 = arith.constant 0 : i32
      %dma_wait3A_154 = tpu.memref_slice %arg20[%mul3A_32, %dma_wait3A_153] : memref<10240x16xf32, #tpu.memory_space<vmem_shared>> -> memref<640x16xf32, #tpu.memory_space<vmem_shared>>
      tpu.wait_dma2 semaphore(%run_scoped3A : memref<!tpu.dma_semaphore, #tpu.memory_space<semaphore_mem>>) src(%arg18 : memref<640x16xf32, #tpu.memory_space<vmem>>) dst(%dma_wait3A_154 : memref<640x16xf32, #tpu.memory_space<vmem_shared>>)
      tpu.yield
    }) : () -> ()
    %barrier3A = arith.constant 0 : index
    tpu.barrier barrier_id(%barrier3A)
    %mul3A_33 = arith.constant 10240 : i32
    %mul3A_34 = arith.muli %arg0, %mul3A_33 : i32
    %broadcast_in_dim3A = vector.broadcast %mul3A_34 : i32 to vector<16xi32>
    %mul3A_35 = arith.constant 20096 : i32
    %mul3A_36 = arith.muli %arg1, %mul3A_35 : i32
    %add3A_37 = arith.constant 0 : i32
    %add3A_38 = arith.addi %mul3A_36, %add3A_37 : i32
    "tpu.region"() ({
      %run_scoped3A = tpu.sem_alloc : memref<!tpu.dma_semaphore, #tpu.memory_space<semaphore_mem>>
      %dma_start3A_147 = tpu.memref_slice %arg3[%add3A_38] : memref<321536xi32, #tpu.memory_space<hbm>> -> memref<128xi32, #tpu.memory_space<hbm>>
      %dma_start3A_148 = tpu.memref_slice %arg3[%add3A_38] : memref<321536xi32, #tpu.memory_space<hbm>> -> memref<128xi32, #tpu.memory_space<hbm>>
      tpu.enqueue_dma source(%dma_start3A_148 : memref<128xi32, #tpu.memory_space<hbm>>) target(%arg8 : memref<128xi32, #tpu.memory_space<vmem>>) target_semaphore(%run_scoped3A : memref<!tpu.dma_semaphore, #tpu.memory_space<semaphore_mem>>)
      %dma_wait3A_149 = tpu.memref_slice %arg3[%add3A_38] : memref<321536xi32, #tpu.memory_space<hbm>> -> memref<128xi32, #tpu.memory_space<hbm>>
      %dma_wait3A_150 = tpu.memref_slice %arg3[%add3A_38] : memref<321536xi32, #tpu.memory_space<hbm>> -> memref<128xi32, #tpu.memory_space<hbm>>
      tpu.wait_dma2 semaphore(%run_scoped3A : memref<!tpu.dma_semaphore, #tpu.memory_space<semaphore_mem>>) src(%dma_wait3A_150 : memref<128xi32, #tpu.memory_space<hbm>>) dst(%arg8 : memref<128xi32, #tpu.memory_space<vmem>>)
      tpu.yield
    }) : () -> ()
    "tpu.region"() ({
      %run_scoped3A = tpu.sem_alloc : memref<!tpu.dma_semaphore, #tpu.memory_space<semaphore_mem>>
      %dma_start3A_147 = tpu.memref_slice %arg4[%add3A_38] : memref<321536xi32, #tpu.memory_space<hbm>> -> memref<128xi32, #tpu.memory_space<hbm>>
      %dma_start3A_148 = tpu.memref_slice %arg4[%add3A_38] : memref<321536xi32, #tpu.memory_space<hbm>> -> memref<128xi32, #tpu.memory_space<hbm>>
      tpu.enqueue_dma source(%dma_start3A_148 : memref<128xi32, #tpu.memory_space<hbm>>) target(%arg9 : memref<128xi32, #tpu.memory_space<vmem>>) target_semaphore(%run_scoped3A : memref<!tpu.dma_semaphore, #tpu.memory_space<semaphore_mem>>)
      %dma_wait3A_149 = tpu.memref_slice %arg4[%add3A_38] : memref<321536xi32, #tpu.memory_space<hbm>> -> memref<128xi32, #tpu.memory_space<hbm>>
      %dma_wait3A_150 = tpu.memref_slice %arg4[%add3A_38] : memref<321536xi32, #tpu.memory_space<hbm>> -> memref<128xi32, #tpu.memory_space<hbm>>
      tpu.wait_dma2 semaphore(%run_scoped3A : memref<!tpu.dma_semaphore, #tpu.memory_space<semaphore_mem>>) src(%dma_wait3A_150 : memref<128xi32, #tpu.memory_space<hbm>>) dst(%arg9 : memref<128xi32, #tpu.memory_space<vmem>>)
      tpu.yield
    }) : () -> ()
    "tpu.region"() ({
      %run_scoped3A = tpu.sem_alloc : memref<!tpu.dma_semaphore, #tpu.memory_space<semaphore_mem>>
      %dma_start3A_147 = tpu.memref_slice %arg5[%add3A_38] : memref<321536xf32, #tpu.memory_space<hbm>> -> memref<128xf32, #tpu.memory_space<hbm>>
      %dma_start3A_148 = tpu.memref_slice %arg5[%add3A_38] : memref<321536xf32, #tpu.memory_space<hbm>> -> memref<128xf32, #tpu.memory_space<hbm>>
      tpu.enqueue_dma source(%dma_start3A_148 : memref<128xf32, #tpu.memory_space<hbm>>) target(%arg10 : memref<128xf32, #tpu.memory_space<vmem>>) target_semaphore(%run_scoped3A : memref<!tpu.dma_semaphore, #tpu.memory_space<semaphore_mem>>)
      %dma_wait3A_149 = tpu.memref_slice %arg5[%add3A_38] : memref<321536xf32, #tpu.memory_space<hbm>> -> memref<128xf32, #tpu.memory_space<hbm>>
      %dma_wait3A_150 = tpu.memref_slice %arg5[%add3A_38] : memref<321536xf32, #tpu.memory_space<hbm>> -> memref<128xf32, #tpu.memory_space<hbm>>
      tpu.wait_dma2 semaphore(%run_scoped3A : memref<!tpu.dma_semaphore, #tpu.memory_space<semaphore_mem>>) src(%dma_wait3A_150 : memref<128xf32, #tpu.memory_space<hbm>>) dst(%arg10 : memref<128xf32, #tpu.memory_space<vmem>>)
      tpu.yield
    }) : () -> ()
    %get3A = arith.constant 0 : index
    %get3A_39 = tpu.vector_load %arg8[%get3A] {strides = array<i32>} : memref<128xi32, #tpu.memory_space<vmem>>, vector<16xi32>,
    %get3A_40 = vector.shape_cast %get3A_39 : vector<16xi32> to vector<16xi32>
    %add3A_41 = arith.addi %get3A_40, %broadcast_in_dim3A : vector<16xi32>
    %swap3A = arith.constant 0 : index
    %swap3A_42 = tpu.vector_load %arg8[%swap3A] {strides = array<i32>} : memref<128xi32, #tpu.memory_space<vmem>>, vector<16xi32>,
    %swap3A_43 = vector.shape_cast %swap3A_42 : vector<16xi32> to vector<16xi32>
    %swap3A_44 = vector.shape_cast %add3A_41 : vector<16xi32> to vector<16xi32>
    tpu.vector_store %arg8[%swap3A], %swap3A_44 {strides = array<i32>} : memref<128xi32, #tpu.memory_space<vmem>>, vector<16xi32>,
    %get3A_45 = arith.constant 16 : index
    %get3A_46 = tpu.vector_load %arg8[%get3A_45] {strides = array<i32>} : memref<128xi32, #tpu.memory_space<vmem>>, vector<16xi32>,
    %get3A_47 = vector.shape_cast %get3A_46 : vector<16xi32> to vector<16xi32>
    %add3A_48 = arith.addi %get3A_47, %broadcast_in_dim3A : vector<16xi32>
    %swap3A_49 = arith.constant 16 : index
    %swap3A_50 = tpu.vector_load %arg8[%swap3A_49] {strides = array<i32>} : memref<128xi32, #tpu.memory_space<vmem>>, vector<16xi32>,
    %swap3A_51 = vector.shape_cast %swap3A_50 : vector<16xi32> to vector<16xi32>
    %swap3A_52 = vector.shape_cast %add3A_48 : vector<16xi32> to vector<16xi32>
    tpu.vector_store %arg8[%swap3A_49], %swap3A_52 {strides = array<i32>} : memref<128xi32, #tpu.memory_space<vmem>>, vector<16xi32>,
    %get3A_53 = arith.constant 32 : index
    %get3A_54 = tpu.vector_load %arg8[%get3A_53] {strides = array<i32>} : memref<128xi32, #tpu.memory_space<vmem>>, vector<16xi32>,
    %get3A_55 = vector.shape_cast %get3A_54 : vector<16xi32> to vector<16xi32>
    %add3A_56 = arith.addi %get3A_55, %broadcast_in_dim3A : vector<16xi32>
    %swap3A_57 = arith.constant 32 : index
    %swap3A_58 = tpu.vector_load %arg8[%swap3A_57] {strides = array<i32>} : memref<128xi32, #tpu.memory_space<vmem>>, vector<16xi32>,
    %swap3A_59 = vector.shape_cast %swap3A_58 : vector<16xi32> to vector<16xi32>
    %swap3A_60 = vector.shape_cast %add3A_56 : vector<16xi32> to vector<16xi32>
    tpu.vector_store %arg8[%swap3A_57], %swap3A_60 {strides = array<i32>} : memref<128xi32, #tpu.memory_space<vmem>>, vector<16xi32>,
    %get3A_61 = arith.constant 48 : index
    %get3A_62 = tpu.vector_load %arg8[%get3A_61] {strides = array<i32>} : memref<128xi32, #tpu.memory_space<vmem>>, vector<16xi32>,
    %get3A_63 = vector.shape_cast %get3A_62 : vector<16xi32> to vector<16xi32>
    %add3A_64 = arith.addi %get3A_63, %broadcast_in_dim3A : vector<16xi32>
    %swap3A_65 = arith.constant 48 : index
    %swap3A_66 = tpu.vector_load %arg8[%swap3A_65] {strides = array<i32>} : memref<128xi32, #tpu.memory_space<vmem>>, vector<16xi32>,
    %swap3A_67 = vector.shape_cast %swap3A_66 : vector<16xi32> to vector<16xi32>
    %swap3A_68 = vector.shape_cast %add3A_64 : vector<16xi32> to vector<16xi32>
    tpu.vector_store %arg8[%swap3A_65], %swap3A_68 {strides = array<i32>} : memref<128xi32, #tpu.memory_space<vmem>>, vector<16xi32>,
    %get3A_69 = arith.constant 64 : index
    %get3A_70 = tpu.vector_load %arg8[%get3A_69] {strides = array<i32>} : memref<128xi32, #tpu.memory_space<vmem>>, vector<16xi32>,
    %get3A_71 = vector.shape_cast %get3A_70 : vector<16xi32> to vector<16xi32>
    %add3A_72 = arith.addi %get3A_71, %broadcast_in_dim3A : vector<16xi32>
    %swap3A_73 = arith.constant 64 : index
    %swap3A_74 = tpu.vector_load %arg8[%swap3A_73] {strides = array<i32>} : memref<128xi32, #tpu.memory_space<vmem>>, vector<16xi32>,
    %swap3A_75 = vector.shape_cast %swap3A_74 : vector<16xi32> to vector<16xi32>
    %swap3A_76 = vector.shape_cast %add3A_72 : vector<16xi32> to vector<16xi32>
    tpu.vector_store %arg8[%swap3A_73], %swap3A_76 {strides = array<i32>} : memref<128xi32, #tpu.memory_space<vmem>>, vector<16xi32>,
    %get3A_77 = arith.constant 80 : index
    %get3A_78 = tpu.vector_load %arg8[%get3A_77] {strides = array<i32>} : memref<128xi32, #tpu.memory_space<vmem>>, vector<16xi32>,
    %get3A_79 = vector.shape_cast %get3A_78 : vector<16xi32> to vector<16xi32>
    %add3A_80 = arith.addi %get3A_79, %broadcast_in_dim3A : vector<16xi32>
    %swap3A_81 = arith.constant 80 : index
    %swap3A_82 = tpu.vector_load %arg8[%swap3A_81] {strides = array<i32>} : memref<128xi32, #tpu.memory_space<vmem>>, vector<16xi32>,
    %swap3A_83 = vector.shape_cast %swap3A_82 : vector<16xi32> to vector<16xi32>
    %swap3A_84 = vector.shape_cast %add3A_80 : vector<16xi32> to vector<16xi32>
    tpu.vector_store %arg8[%swap3A_81], %swap3A_84 {strides = array<i32>} : memref<128xi32, #tpu.memory_space<vmem>>, vector<16xi32>,
    %get3A_85 = arith.constant 96 : index
    %get3A_86 = tpu.vector_load %arg8[%get3A_85] {strides = array<i32>} : memref<128xi32, #tpu.memory_space<vmem>>, vector<16xi32>,
    %get3A_87 = vector.shape_cast %get3A_86 : vector<16xi32> to vector<16xi32>
    %add3A_88 = arith.addi %get3A_87, %broadcast_in_dim3A : vector<16xi32>
    %swap3A_89 = arith.constant 96 : index
    %swap3A_90 = tpu.vector_load %arg8[%swap3A_89] {strides = array<i32>} : memref<128xi32, #tpu.memory_space<vmem>>, vector<16xi32>,
    %swap3A_91 = vector.shape_cast %swap3A_90 : vector<16xi32> to vector<16xi32>
    %swap3A_92 = vector.shape_cast %add3A_88 : vector<16xi32> to vector<16xi32>
    tpu.vector_store %arg8[%swap3A_89], %swap3A_92 {strides = array<i32>} : memref<128xi32, #tpu.memory_space<vmem>>, vector<16xi32>,
    %get3A_93 = arith.constant 112 : index
    %get3A_94 = tpu.vector_load %arg8[%get3A_93] {strides = array<i32>} : memref<128xi32, #tpu.memory_space<vmem>>, vector<16xi32>,
    %get3A_95 = vector.shape_cast %get3A_94 : vector<16xi32> to vector<16xi32>
    %add3A_96 = arith.addi %get3A_95, %broadcast_in_dim3A : vector<16xi32>
    %swap3A_97 = arith.constant 112 : index
    %swap3A_98 = tpu.vector_load %arg8[%swap3A_97] {strides = array<i32>} : memref<128xi32, #tpu.memory_space<vmem>>, vector<16xi32>,
    %swap3A_99 = vector.shape_cast %swap3A_98 : vector<16xi32> to vector<16xi32>
    %swap3A_100 = vector.shape_cast %add3A_96 : vector<16xi32> to vector<16xi32>
    tpu.vector_store %arg8[%swap3A_97], %swap3A_100 {strides = array<i32>} : memref<128xi32, #tpu.memory_space<vmem>>, vector<16xi32>,
    %dma_start3A = arith.constant 0 : i32
    %dma_start3A_101 = arith.constant 0 : i32
    %dma_start3A_102 = tpu.memref_slice %arg2[%dma_start3A, %dma_start3A_101] : memref<20480x64xf32, #tpu.memory_space<hbm>> -> memref<20480x64xf32, #tpu.memory_space<hbm>>
    tpu.enqueue_indirect_dma source(%dma_start3A_102 : memref<20480x64xf32, #tpu.memory_space<hbm>>) target(%arg14 : memref<128x64xf32, #tpu.memory_space<vmem>>) offsets(%arg8 : memref<128xi32, #tpu.memory_space<vmem>>) semaphore(%arg21 : memref<!tpu.dma_semaphore, #tpu.memory_space<semaphore_mem>>)
    %scan3A_103 = arith.constant 0 : i32
    %scan3A_104 = arith.constant 0 : i32
    %scan3A_105 = arith.constant 78 : i32
    %scan3A_106 = arith.addi %scan3A_104, %scan3A_105 : i32
    %scan3A_107 = arith.constant 1 : i32
    %scan3A_108 = scf.for %scan3A_147 = %scan3A_104 to %scan3A_106 step %scan3A_107 iter_args(%scan3A_148 = %scan3A_103) -> (i32)  : i32 {
      %mul3A_149 = arith.constant 2 : i32
      %mul3A_150 = arith.muli %mul3A_149, %scan3A_147 : i32
      %add3A_151 = arith.constant 1 : i32
      %add3A_152 = arith.addi %mul3A_150, %add3A_151 : i32
      %mul3A_153 = arith.constant 20096 : i32
      %mul3A_154 = arith.muli %arg1, %mul3A_153 : i32
      %mul3A_155 = arith.constant 128 : i32
      %mul3A_156 = arith.muli %add3A_152, %mul3A_155 : i32
      %add3A_157 = arith.addi %mul3A_154, %mul3A_156 : i32
      "tpu.region"() ({
        %run_scoped3A = tpu.sem_alloc : memref<!tpu.dma_semaphore, #tpu.memory_space<semaphore_mem>>
        %dma_start3A_326 = tpu.memref_slice %arg3[%add3A_157] : memref<321536xi32, #tpu.memory_space<hbm>> -> memref<128xi32, #tpu.memory_space<hbm>>
        %dma_start3A_327 = tpu.memref_slice %arg3[%add3A_157] : memref<321536xi32, #tpu.memory_space<hbm>> -> memref<128xi32, #tpu.memory_space<hbm>>
        tpu.enqueue_dma source(%dma_start3A_327 : memref<128xi32, #tpu.memory_space<hbm>>) target(%arg11 : memref<128xi32, #tpu.memory_space<vmem>>) target_semaphore(%run_scoped3A : memref<!tpu.dma_semaphore, #tpu.memory_space<semaphore_mem>>)
        %dma_wait3A_328 = tpu.memref_slice %arg3[%add3A_157] : memref<321536xi32, #tpu.memory_space<hbm>> -> memref<128xi32, #tpu.memory_space<hbm>>
        %dma_wait3A_329 = tpu.memref_slice %arg3[%add3A_157] : memref<321536xi32, #tpu.memory_space<hbm>> -> memref<128xi32, #tpu.memory_space<hbm>>
        tpu.wait_dma2 semaphore(%run_scoped3A : memref<!tpu.dma_semaphore, #tpu.memory_space<semaphore_mem>>) src(%dma_wait3A_329 : memref<128xi32, #tpu.memory_space<hbm>>) dst(%arg11 : memref<128xi32, #tpu.memory_space<vmem>>)
        tpu.yield
      }) : () -> ()
      "tpu.region"() ({
        %run_scoped3A = tpu.sem_alloc : memref<!tpu.dma_semaphore, #tpu.memory_space<semaphore_mem>>
        %dma_start3A_326 = tpu.memref_slice %arg4[%add3A_157] : memref<321536xi32, #tpu.memory_space<hbm>> -> memref<128xi32, #tpu.memory_space<hbm>>
        %dma_start3A_327 = tpu.memref_slice %arg4[%add3A_157] : memref<321536xi32, #tpu.memory_space<hbm>> -> memref<128xi32, #tpu.memory_space<hbm>>
        tpu.enqueue_dma source(%dma_start3A_327 : memref<128xi32, #tpu.memory_space<hbm>>) target(%arg12 : memref<128xi32, #tpu.memory_space<vmem>>) target_semaphore(%run_scoped3A : memref<!tpu.dma_semaphore, #tpu.memory_space<semaphore_mem>>)
        %dma_wait3A_328 = tpu.memref_slice %arg4[%add3A_157] : memref<321536xi32, #tpu.memory_space<hbm>> -> memref<128xi32, #tpu.memory_space<hbm>>
        %dma_wait3A_329 = tpu.memref_slice %arg4[%add3A_157] : memref<321536xi32, #tpu.memory_space<hbm>> -> memref<128xi32, #tpu.memory_space<hbm>>
        tpu.wait_dma2 semaphore(%run_scoped3A : memref<!tpu.dma_semaphore, #tpu.memory_space<semaphore_mem>>) src(%dma_wait3A_329 : memref<128xi32, #tpu.memory_space<hbm>>) dst(%arg12 : memref<128xi32, #tpu.memory_space<vmem>>)
        tpu.yield
      }) : () -> ()
      "tpu.region"() ({
        %run_scoped3A = tpu.sem_alloc : memref<!tpu.dma_semaphore, #tpu.memory_space<semaphore_mem>>
        %dma_start3A_326 = tpu.memref_slice %arg5[%add3A_157] : memref<321536xf32, #tpu.memory_space<hbm>> -> memref<128xf32, #tpu.memory_space<hbm>>
        %dma_start3A_327 = tpu.memref_slice %arg5[%add3A_157] : memref<321536xf32, #tpu.memory_space<hbm>> -> memref<128xf32, #tpu.memory_space<hbm>>
        tpu.enqueue_dma source(%dma_start3A_327 : memref<128xf32, #tpu.memory_space<hbm>>) target(%arg13 : memref<128xf32, #tpu.memory_space<vmem>>) target_semaphore(%run_scoped3A : memref<!tpu.dma_semaphore, #tpu.memory_space<semaphore_mem>>)
        %dma_wait3A_328 = tpu.memref_slice %arg5[%add3A_157] : memref<321536xf32, #tpu.memory_space<hbm>> -> memref<128xf32, #tpu.memory_space<hbm>>
        %dma_wait3A_329 = tpu.memref_slice %arg5[%add3A_157] : memref<321536xf32, #tpu.memory_space<hbm>> -> memref<128xf32, #tpu.memory_space<hbm>>
        tpu.wait_dma2 semaphore(%run_scoped3A : memref<!tpu.dma_semaphore, #tpu.memory_space<semaphore_mem>>) src(%dma_wait3A_329 : memref<128xf32, #tpu.memory_space<hbm>>) dst(%arg13 : memref<128xf32, #tpu.memory_space<vmem>>)
        tpu.yield
      }) : () -> ()
      %get3A_158 = arith.constant 0 : index
      %get3A_159 = tpu.vector_load %arg11[%get3A_158] {strides = array<i32>} : memref<128xi32, #tpu.memory_space<vmem>>, vector<16xi32>,
      %get3A_160 = vector.shape_cast %get3A_159 : vector<16xi32> to vector<16xi32>
      %add3A_161 = arith.addi %get3A_160, %broadcast_in_dim3A : vector<16xi32>
      %swap3A_162 = arith.constant 0 : index
      %swap3A_163 = tpu.vector_load %arg11[%swap3A_162] {strides = array<i32>} : memref<128xi32, #tpu.memory_space<vmem>>, vector<16xi32>,
      %swap3A_164 = vector.shape_cast %swap3A_163 : vector<16xi32> to vector<16xi32>
      %swap3A_165 = vector.shape_cast %add3A_161 : vector<16xi32> to vector<16xi32>
      tpu.vector_store %arg11[%swap3A_162], %swap3A_165 {strides = array<i32>} : memref<128xi32, #tpu.memory_space<vmem>>, vector<16xi32>,
      %get3A_166 = arith.constant 16 : index
      %get3A_167 = tpu.vector_load %arg11[%get3A_166] {strides = array<i32>} : memref<128xi32, #tpu.memory_space<vmem>>, vector<16xi32>,
      %get3A_168 = vector.shape_cast %get3A_167 : vector<16xi32> to vector<16xi32>
      %add3A_169 = arith.addi %get3A_168, %broadcast_in_dim3A : vector<16xi32>
      %swap3A_170 = arith.constant 16 : index
      %swap3A_171 = tpu.vector_load %arg11[%swap3A_170] {strides = array<i32>} : memref<128xi32, #tpu.memory_space<vmem>>, vector<16xi32>,
      %swap3A_172 = vector.shape_cast %swap3A_171 : vector<16xi32> to vector<16xi32>
      %swap3A_173 = vector.shape_cast %add3A_169 : vector<16xi32> to vector<16xi32>
      tpu.vector_store %arg11[%swap3A_170], %swap3A_173 {strides = array<i32>} : memref<128xi32, #tpu.memory_space<vmem>>, vector<16xi32>,
      %get3A_174 = arith.constant 32 : index
      %get3A_175 = tpu.vector_load %arg11[%get3A_174] {strides = array<i32>} : memref<128xi32, #tpu.memory_space<vmem>>, vector<16xi32>,
      %get3A_176 = vector.shape_cast %get3A_175 : vector<16xi32> to vector<16xi32>
      %add3A_177 = arith.addi %get3A_176, %broadcast_in_dim3A : vector<16xi32>
      %swap3A_178 = arith.constant 32 : index
      %swap3A_179 = tpu.vector_load %arg11[%swap3A_178] {strides = array<i32>} : memref<128xi32, #tpu.memory_space<vmem>>, vector<16xi32>,
      %swap3A_180 = vector.shape_cast %swap3A_179 : vector<16xi32> to vector<16xi32>
      %swap3A_181 = vector.shape_cast %add3A_177 : vector<16xi32> to vector<16xi32>
      tpu.vector_store %arg11[%swap3A_178], %swap3A_181 {strides = array<i32>} : memref<128xi32, #tpu.memory_space<vmem>>, vector<16xi32>,
      %get3A_182 = arith.constant 48 : index
      %get3A_183 = tpu.vector_load %arg11[%get3A_182] {strides = array<i32>} : memref<128xi32, #tpu.memory_space<vmem>>, vector<16xi32>,
      %get3A_184 = vector.shape_cast %get3A_183 : vector<16xi32> to vector<16xi32>
      %add3A_185 = arith.addi %get3A_184, %broadcast_in_dim3A : vector<16xi32>
      %swap3A_186 = arith.constant 48 : index
      %swap3A_187 = tpu.vector_load %arg11[%swap3A_186] {strides = array<i32>} : memref<128xi32, #tpu.memory_space<vmem>>, vector<16xi32>,
      %swap3A_188 = vector.shape_cast %swap3A_187 : vector<16xi32> to vector<16xi32>
      %swap3A_189 = vector.shape_cast %add3A_185 : vector<16xi32> to vector<16xi32>
      tpu.vector_store %arg11[%swap3A_186], %swap3A_189 {strides = array<i32>} : memref<128xi32, #tpu.memory_space<vmem>>, vector<16xi32>,
      %get3A_190 = arith.constant 64 : index
      %get3A_191 = tpu.vector_load %arg11[%get3A_190] {strides = array<i32>} : memref<128xi32, #tpu.memory_space<vmem>>, vector<16xi32>,
      %get3A_192 = vector.shape_cast %get3A_191 : vector<16xi32> to vector<16xi32>
      %add3A_193 = arith.addi %get3A_192, %broadcast_in_dim3A : vector<16xi32>
      %swap3A_194 = arith.constant 64 : index
      %swap3A_195 = tpu.vector_load %arg11[%swap3A_194] {strides = array<i32>} : memref<128xi32, #tpu.memory_space<vmem>>, vector<16xi32>,
      %swap3A_196 = vector.shape_cast %swap3A_195 : vector<16xi32> to vector<16xi32>
      %swap3A_197 = vector.shape_cast %add3A_193 : vector<16xi32> to vector<16xi32>
      tpu.vector_store %arg11[%swap3A_194], %swap3A_197 {strides = array<i32>} : memref<128xi32, #tpu.memory_space<vmem>>, vector<16xi32>,
      %get3A_198 = arith.constant 80 : index
      %get3A_199 = tpu.vector_load %arg11[%get3A_198] {strides = array<i32>} : memref<128xi32, #tpu.memory_space<vmem>>, vector<16xi32>,
      %get3A_200 = vector.shape_cast %get3A_199 : vector<16xi32> to vector<16xi32>
      %add3A_201 = arith.addi %get3A_200, %broadcast_in_dim3A : vector<16xi32>
      %swap3A_202 = arith.constant 80 : index
      %swap3A_203 = tpu.vector_load %arg11[%swap3A_202] {strides = array<i32>} : memref<128xi32, #tpu.memory_space<vmem>>, vector<16xi32>,
      %swap3A_204 = vector.shape_cast %swap3A_203 : vector<16xi32> to vector<16xi32>
      %swap3A_205 = vector.shape_cast %add3A_201 : vector<16xi32> to vector<16xi32>
      tpu.vector_store %arg11[%swap3A_202], %swap3A_205 {strides = array<i32>} : memref<128xi32, #tpu.memory_space<vmem>>, vector<16xi32>,
      %get3A_206 = arith.constant 96 : index
      %get3A_207 = tpu.vector_load %arg11[%get3A_206] {strides = array<i32>} : memref<128xi32, #tpu.memory_space<vmem>>, vector<16xi32>,
      %get3A_208 = vector.shape_cast %get3A_207 : vector<16xi32> to vector<16xi32>
      %add3A_209 = arith.addi %get3A_208, %broadcast_in_dim3A : vector<16xi32>
      %swap3A_210 = arith.constant 96 : index
      %swap3A_211 = tpu.vector_load %arg11[%swap3A_210] {strides = array<i32>} : memref<128xi32, #tpu.memory_space<vmem>>, vector<16xi32>,
      %swap3A_212 = vector.shape_cast %swap3A_211 : vector<16xi32> to vector<16xi32>
      %swap3A_213 = vector.shape_cast %add3A_209 : vector<16xi32> to vector<16xi32>
      tpu.vector_store %arg11[%swap3A_210], %swap3A_213 {strides = array<i32>} : memref<128xi32, #tpu.memory_space<vmem>>, vector<16xi32>,
      %get3A_214 = arith.constant 112 : index
      %get3A_215 = tpu.vector_load %arg11[%get3A_214] {strides = array<i32>} : memref<128xi32, #tpu.memory_space<vmem>>, vector<16xi32>,
      %get3A_216 = vector.shape_cast %get3A_215 : vector<16xi32> to vector<16xi32>
      %add3A_217 = arith.addi %get3A_216, %broadcast_in_dim3A : vector<16xi32>
      %swap3A_218 = arith.constant 112 : index
      %swap3A_219 = tpu.vector_load %arg11[%swap3A_218] {strides = array<i32>} : memref<128xi32, #tpu.memory_space<vmem>>, vector<16xi32>,
      %swap3A_220 = vector.shape_cast %swap3A_219 : vector<16xi32> to vector<16xi32>
      %swap3A_221 = vector.shape_cast %add3A_217 : vector<16xi32> to vector<16xi32>
      tpu.vector_store %arg11[%swap3A_218], %swap3A_221 {strides = array<i32>} : memref<128xi32, #tpu.memory_space<vmem>>, vector<16xi32>,
      %dma_start3A_222 = arith.constant 0 : i32
      %dma_start3A_223 = arith.constant 0 : i32
      %dma_start3A_224 = tpu.memref_slice %arg2[%dma_start3A_222, %dma_start3A_223] : memref<20480x64xf32, #tpu.memory_space<hbm>> -> memref<20480x64xf32, #tpu.memory_space<hbm>>
      tpu.enqueue_indirect_dma source(%dma_start3A_224 : memref<20480x64xf32, #tpu.memory_space<hbm>>) target(%arg15 : memref<128x64xf32, #tpu.memory_space<vmem>>) offsets(%arg11 : memref<128xi32, #tpu.memory_space<vmem>>) semaphore(%arg22 : memref<!tpu.dma_semaphore, #tpu.memory_space<semaphore_mem>>)
      %dma_wait3A_225 = arith.constant 0 : i32
      %dma_wait3A_226 = arith.constant 0 : i32
      %dma_wait3A_227 = tpu.memref_slice %arg2[%dma_wait3A_225, %dma_wait3A_226] : memref<20480x64xf32, #tpu.memory_space<hbm>> -> memref<128x64xf32, #tpu.memory_space<hbm>>
      %dma_wait3A_228 = arith.constant 0 : i32
      %dma_wait3A_229 = arith.constant 0 : i32
      %dma_wait3A_230 = tpu.memref_slice %arg2[%dma_wait3A_228, %dma_wait3A_229] : memref<20480x64xf32, #tpu.memory_space<hbm>> -> memref<128x64xf32, #tpu.memory_space<hbm>>
      tpu.wait_dma2 semaphore(%arg21 : memref<!tpu.dma_semaphore, #tpu.memory_space<semaphore_mem>>) src(%dma_wait3A_230 : memref<128x64xf32, #tpu.memory_space<hbm>>) dst(%arg14 : memref<128x64xf32, #tpu.memory_space<vmem>>)
      %scan3A_231 = arith.constant 0 : i32
      %scan3A_232 = arith.constant 0 : i32
      %scan3A_233 = arith.constant 8 : i32
      %scan3A_234 = arith.addi %scan3A_232, %scan3A_233 : i32
      %scan3A_235 = arith.constant 1 : i32
      %scan3A_236 = scf.for %scan3A_326 = %scan3A_232 to %scan3A_234 step %scan3A_235 iter_args(%scan3A_327 = %scan3A_231) -> (i32)  : i32 {
        %mul3A_328 = arith.constant 16 : i32
        %mul3A_329 = arith.muli %scan3A_326, %mul3A_328 : i32
        %get3A_330 = arith.index_cast %mul3A_329 : i32 to index
        %get3A_331 = tpu.vector_load %arg10[%get3A_330] {strides = array<i32>} : memref<128xf32, #tpu.memory_space<vmem>>, vector<16xf32>,
        %get3A_332 = vector.shape_cast %get3A_331 : vector<16xf32> to vector<16xf32>
        %mul3A_333 = arith.constant 16 : i32
        %mul3A_334 = arith.muli %scan3A_326, %mul3A_333 : i32
        %add3A_335 = arith.constant 0 : i32
        %add3A_336 = arith.addi %mul3A_334, %add3A_335 : i32
        %slice3A = vector.extract_strided_slice %get3A_332 {offsets = [0], sizes = [1], strides = [1]} : vector<16xf32> to vector<1xf32>
        %squeeze3A = vector.extract %slice3A[0] : f32 from vector<1xf32>
        %broadcast_in_dim3A_337 = vector.broadcast %squeeze3A : f32 to vector<16xf32>
        %get3A_338 = arith.index_cast %add3A_336 : i32 to index
        %get3A_339 = arith.constant 0 : index
        %get3A_340 = tpu.vector_load %arg14[%get3A_338, %get3A_339] {strides = array<i32>} : memref<128x64xf32, #tpu.memory_space<vmem>>, vector<1x16xf32>,
        %get3A_341 = vector.shape_cast %get3A_340 : vector<1x16xf32> to vector<16xf32>
        %mul3A_342 = arith.mulf %get3A_341, %broadcast_in_dim3A_337 : vector<16xf32>
        %swap3A_343 = arith.index_cast %add3A_336 : i32 to index
        %swap3A_344 = arith.constant 0 : index
        %swap3A_345 = tpu.vector_load %arg16[%swap3A_343, %swap3A_344] {strides = array<i32>} : memref<128x64xf32, #tpu.memory_space<vmem>>, vector<1x16xf32>,
        %swap3A_346 = vector.shape_cast %swap3A_345 : vector<1x16xf32> to vector<16xf32>
        %swap3A_347 = vector.shape_cast %mul3A_342 : vector<16xf32> to vector<1x16xf32>
        tpu.vector_store %arg16[%swap3A_343, %swap3A_344], %swap3A_347 {strides = array<i32>} : memref<128x64xf32, #tpu.memory_space<vmem>>, vector<1x16xf32>,
        %get3A_348 = arith.index_cast %add3A_336 : i32 to index
        %get3A_349 = arith.constant 16 : index
        %get3A_350 = tpu.vector_load %arg14[%get3A_348, %get3A_349] {strides = array<i32>} : memref<128x64xf32, #tpu.memory_space<vmem>>, vector<1x16xf32>,
        %get3A_351 = vector.shape_cast %get3A_350 : vector<1x16xf32> to vector<16xf32>
        %mul3A_352 = arith.mulf %get3A_351, %broadcast_in_dim3A_337 : vector<16xf32>
        %swap3A_353 = arith.index_cast %add3A_336 : i32 to index
        %swap3A_354 = arith.constant 16 : index
        %swap3A_355 = tpu.vector_load %arg16[%swap3A_353, %swap3A_354] {strides = array<i32>} : memref<128x64xf32, #tpu.memory_space<vmem>>, vector<1x16xf32>,
        %swap3A_356 = vector.shape_cast %swap3A_355 : vector<1x16xf32> to vector<16xf32>
        %swap3A_357 = vector.shape_cast %mul3A_352 : vector<16xf32> to vector<1x16xf32>
        tpu.vector_store %arg16[%swap3A_353, %swap3A_354], %swap3A_357 {strides = array<i32>} : memref<128x64xf32, #tpu.memory_space<vmem>>, vector<1x16xf32>,
        %get3A_358 = arith.index_cast %add3A_336 : i32 to index
        %get3A_359 = arith.constant 32 : index
        %get3A_360 = tpu.vector_load %arg14[%get3A_358, %get3A_359] {strides = array<i32>} : memref<128x64xf32, #tpu.memory_space<vmem>>, vector<1x16xf32>,
        %get3A_361 = vector.shape_cast %get3A_360 : vector<1x16xf32> to vector<16xf32>
        %mul3A_362 = arith.mulf %get3A_361, %broadcast_in_dim3A_337 : vector<16xf32>
        %swap3A_363 = arith.index_cast %add3A_336 : i32 to index
        %swap3A_364 = arith.constant 32 : index
        %swap3A_365 = tpu.vector_load %arg16[%swap3A_363, %swap3A_364] {strides = array<i32>} : memref<128x64xf32, #tpu.memory_space<vmem>>, vector<1x16xf32>,
        %swap3A_366 = vector.shape_cast %swap3A_365 : vector<1x16xf32> to vector<16xf32>
        %swap3A_367 = vector.shape_cast %mul3A_362 : vector<16xf32> to vector<1x16xf32>
        tpu.vector_store %arg16[%swap3A_363, %swap3A_364], %swap3A_367 {strides = array<i32>} : memref<128x64xf32, #tpu.memory_space<vmem>>, vector<1x16xf32>,
        %get3A_368 = arith.index_cast %add3A_336 : i32 to index
        %get3A_369 = arith.constant 48 : index
        %get3A_370 = tpu.vector_load %arg14[%get3A_368, %get3A_369] {strides = array<i32>} : memref<128x64xf32, #tpu.memory_space<vmem>>, vector<1x16xf32>,
        %get3A_371 = vector.shape_cast %get3A_370 : vector<1x16xf32> to vector<16xf32>
        %mul3A_372 = arith.mulf %get3A_371, %broadcast_in_dim3A_337 : vector<16xf32>
        %swap3A_373 = arith.index_cast %add3A_336 : i32 to index
        %swap3A_374 = arith.constant 48 : index
        %swap3A_375 = tpu.vector_load %arg16[%swap3A_373, %swap3A_374] {strides = array<i32>} : memref<128x64xf32, #tpu.memory_space<vmem>>, vector<1x16xf32>,
        %swap3A_376 = vector.shape_cast %swap3A_375 : vector<1x16xf32> to vector<16xf32>
        %swap3A_377 = vector.shape_cast %mul3A_372 : vector<16xf32> to vector<1x16xf32>
        tpu.vector_store %arg16[%swap3A_373, %swap3A_374], %swap3A_377 {strides = array<i32>} : memref<128x64xf32, #tpu.memory_space<vmem>>, vector<1x16xf32>,
        %swap3A_378 = arith.index_cast %add3A_336 : i32 to index
        %swap3A_379 = arith.constant 0 : index
        %swap3A_380 = tpu.vector_load %arg17[%swap3A_378, %swap3A_379] {strides = array<i32>} : memref<128x16xf32, #tpu.memory_space<vmem>>, vector<1x16xf32>,
        %swap3A_381 = vector.shape_cast %swap3A_380 : vector<1x16xf32> to vector<16xf32>
        %swap3A_382 = vector.shape_cast %broadcast_in_dim3A_337 : vector<16xf32> to vector<1x16xf32>
        tpu.vector_store %arg17[%swap3A_378, %swap3A_379], %swap3A_382 {strides = array<i32>} : memref<128x16xf32, #tpu.memory_space<vmem>>, vector<1x16xf32>,
        %mul3A_383 = arith.constant 16 : i32
        %mul3A_384 = arith.muli %scan3A_326, %mul3A_383 : i32
        %add3A_385 = arith.constant 1 : i32
        %add3A_386 = arith.addi %mul3A_384, %add3A_385 : i32
        %slice3A_387 = vector.extract_strided_slice %get3A_332 {offsets = [1], sizes = [1], strides = [1]} : vector<16xf32> to vector<1xf32>
        %squeeze3A_388 = vector.extract %slice3A_387[0] : f32 from vector<1xf32>
        %broadcast_in_dim3A_389 = vector.broadcast %squeeze3A_388 : f32 to vector<16xf32>
        %get3A_390 = arith.index_cast %add3A_386 : i32 to index
        %get3A_391 = arith.constant 0 : index
        %get3A_392 = tpu.vector_load %arg14[%get3A_390, %get3A_391] {strides = array<i32>} : memref<128x64xf32, #tpu.memory_space<vmem>>, vector<1x16xf32>,
        %get3A_393 = vector.shape_cast %get3A_392 : vector<1x16xf32> to vector<16xf32>
        %mul3A_394 = arith.mulf %get3A_393, %broadcast_in_dim3A_389 : vector<16xf32>
        %swap3A_395 = arith.index_cast %add3A_386 : i32 to index
        %swap3A_396 = arith.constant 0 : index
        %swap3A_397 = tpu.vector_load %arg16[%swap3A_395, %swap3A_396] {strides = array<i32>} : memref<128x64xf32, #tpu.memory_space<vmem>>, vector<1x16xf32>,
        %swap3A_398 = vector.shape_cast %swap3A_397 : vector<1x16xf32> to vector<16xf32>
        %swap3A_399 = vector.shape_cast %mul3A_394 : vector<16xf32> to vector<1x16xf32>
        tpu.vector_store %arg16[%swap3A_395, %swap3A_396], %swap3A_399 {strides = array<i32>} : memref<128x64xf32, #tpu.memory_space<vmem>>, vector<1x16xf32>,
        %get3A_400 = arith.index_cast %add3A_386 : i32 to index
        %get3A_401 = arith.constant 16 : index
        %get3A_402 = tpu.vector_load %arg14[%get3A_400, %get3A_401] {strides = array<i32>} : memref<128x64xf32, #tpu.memory_space<vmem>>, vector<1x16xf32>,
        %get3A_403 = vector.shape_cast %get3A_402 : vector<1x16xf32> to vector<16xf32>
        %mul3A_404 = arith.mulf %get3A_403, %broadcast_in_dim3A_389 : vector<16xf32>
        %swap3A_405 = arith.index_cast %add3A_386 : i32 to index
        %swap3A_406 = arith.constant 16 : index
        %swap3A_407 = tpu.vector_load %arg16[%swap3A_405, %swap3A_406] {strides = array<i32>} : memref<128x64xf32, #tpu.memory_space<vmem>>, vector<1x16xf32>,
        %swap3A_408 = vector.shape_cast %swap3A_407 : vector<1x16xf32> to vector<16xf32>
        %swap3A_409 = vector.shape_cast %mul3A_404 : vector<16xf32> to vector<1x16xf32>
        tpu.vector_store %arg16[%swap3A_405, %swap3A_406], %swap3A_409 {strides = array<i32>} : memref<128x64xf32, #tpu.memory_space<vmem>>, vector<1x16xf32>,
        %get3A_410 = arith.index_cast %add3A_386 : i32 to index
        %get3A_411 = arith.constant 32 : index
        %get3A_412 = tpu.vector_load %arg14[%get3A_410, %get3A_411] {strides = array<i32>} : memref<128x64xf32, #tpu.memory_space<vmem>>, vector<1x16xf32>,
        %get3A_413 = vector.shape_cast %get3A_412 : vector<1x16xf32> to vector<16xf32>
        %mul3A_414 = arith.mulf %get3A_413, %broadcast_in_dim3A_389 : vector<16xf32>
        %swap3A_415 = arith.index_cast %add3A_386 : i32 to index
        %swap3A_416 = arith.constant 32 : index
        %swap3A_417 = tpu.vector_load %arg16[%swap3A_415, %swap3A_416] {strides = array<i32>} : memref<128x64xf32, #tpu.memory_space<vmem>>, vector<1x16xf32>,
        %swap3A_418 = vector.shape_cast %swap3A_417 : vector<1x16xf32> to vector<16xf32>
        %swap3A_419 = vector.shape_cast %mul3A_414 : vector<16xf32> to vector<1x16xf32>
        tpu.vector_store %arg16[%swap3A_415, %swap3A_416], %swap3A_419 {strides = array<i32>} : memref<128x64xf32, #tpu.memory_space<vmem>>, vector<1x16xf32>,
        %get3A_420 = arith.index_cast %add3A_386 : i32 to index
        %get3A_421 = arith.constant 48 : index
        %get3A_422 = tpu.vector_load %arg14[%get3A_420, %get3A_421] {strides = array<i32>} : memref<128x64xf32, #tpu.memory_space<vmem>>, vector<1x16xf32>,
        %get3A_423 = vector.shape_cast %get3A_422 : vector<1x16xf32> to vector<16xf32>
        %mul3A_424 = arith.mulf %get3A_423, %broadcast_in_dim3A_389 : vector<16xf32>
        %swap3A_425 = arith.index_cast %add3A_386 : i32 to index
        %swap3A_426 = arith.constant 48 : index
        %swap3A_427 = tpu.vector_load %arg16[%swap3A_425, %swap3A_426] {strides = array<i32>} : memref<128x64xf32, #tpu.memory_space<vmem>>, vector<1x16xf32>,
        %swap3A_428 = vector.shape_cast %swap3A_427 : vector<1x16xf32> to vector<16xf32>
        %swap3A_429 = vector.shape_cast %mul3A_424 : vector<16xf32> to vector<1x16xf32>
        tpu.vector_store %arg16[%swap3A_425, %swap3A_426], %swap3A_429 {strides = array<i32>} : memref<128x64xf32, #tpu.memory_space<vmem>>, vector<1x16xf32>,
        %swap3A_430 = arith.index_cast %add3A_386 : i32 to index
        %swap3A_431 = arith.constant 0 : index
        %swap3A_432 = tpu.vector_load %arg17[%swap3A_430, %swap3A_431] {strides = array<i32>} : memref<128x16xf32, #tpu.memory_space<vmem>>, vector<1x16xf32>,
        %swap3A_433 = vector.shape_cast %swap3A_432 : vector<1x16xf32> to vector<16xf32>
        %swap3A_434 = vector.shape_cast %broadcast_in_dim3A_389 : vector<16xf32> to vector<1x16xf32>
        tpu.vector_store %arg17[%swap3A_430, %swap3A_431], %swap3A_434 {strides = array<i32>} : memref<128x16xf32, #tpu.memory_space<vmem>>, vector<1x16xf32>,
        %mul3A_435 = arith.constant 16 : i32
        %mul3A_436 = arith.muli %scan3A_326, %mul3A_435 : i32
        %add3A_437 = arith.constant 2 : i32
        %add3A_438 = arith.addi %mul3A_436, %add3A_437 : i32
        %slice3A_439 = vector.extract_strided_slice %get3A_332 {offsets = [2], sizes = [1], strides = [1]} : vector<16xf32> to vector<1xf32>
        %squeeze3A_440 = vector.extract %slice3A_439[0] : f32 from vector<1xf32>
        %broadcast_in_dim3A_441 = vector.broadcast %squeeze3A_440 : f32 to vector<16xf32>
        %get3A_442 = arith.index_cast %add3A_438 : i32 to index
        %get3A_443 = arith.constant 0 : index
        %get3A_444 = tpu.vector_load %arg14[%get3A_442, %get3A_443] {strides = array<i32>} : memref<128x64xf32, #tpu.memory_space<vmem>>, vector<1x16xf32>,
        %get3A_445 = vector.shape_cast %get3A_444 : vector<1x16xf32> to vector<16xf32>
        %mul3A_446 = arith.mulf %get3A_445, %broadcast_in_dim3A_441 : vector<16xf32>
        %swap3A_447 = arith.index_cast %add3A_438 : i32 to index
        %swap3A_448 = arith.constant 0 : index
        %swap3A_449 = tpu.vector_load %arg16[%swap3A_447, %swap3A_448] {strides = array<i32>} : memref<128x64xf32, #tpu.memory_space<vmem>>, vector<1x16xf32>,
        %swap3A_450 = vector.shape_cast %swap3A_449 : vector<1x16xf32> to vector<16xf32>
        %swap3A_451 = vector.shape_cast %mul3A_446 : vector<16xf32> to vector<1x16xf32>
        tpu.vector_store %arg16[%swap3A_447, %swap3A_448], %swap3A_451 {strides = array<i32>} : memref<128x64xf32, #tpu.memory_space<vmem>>, vector<1x16xf32>,
        %get3A_452 = arith.index_cast %add3A_438 : i32 to index
        %get3A_453 = arith.constant 16 : index
        %get3A_454 = tpu.vector_load %arg14[%get3A_452, %get3A_453] {strides = array<i32>} : memref<128x64xf32, #tpu.memory_space<vmem>>, vector<1x16xf32>,
        %get3A_455 = vector.shape_cast %get3A_454 : vector<1x16xf32> to vector<16xf32>
        %mul3A_456 = arith.mulf %get3A_455, %broadcast_in_dim3A_441 : vector<16xf32>
        %swap3A_457 = arith.index_cast %add3A_438 : i32 to index
        %swap3A_458 = arith.constant 16 : index
        %swap3A_459 = tpu.vector_load %arg16[%swap3A_457, %swap3A_458] {strides = array<i32>} : memref<128x64xf32, #tpu.memory_space<vmem>>, vector<1x16xf32>,
        %swap3A_460 = vector.shape_cast %swap3A_459 : vector<1x16xf32> to vector<16xf32>
        %swap3A_461 = vector.shape_cast %mul3A_456 : vector<16xf32> to vector<1x16xf32>
        tpu.vector_store %arg16[%swap3A_457, %swap3A_458], %swap3A_461 {strides = array<i32>} : memref<128x64xf32, #tpu.memory_space<vmem>>, vector<1x16xf32>,
        %get3A_462 = arith.index_cast %add3A_438 : i32 to index
        %get3A_463 = arith.constant 32 : index
        %get3A_464 = tpu.vector_load %arg14[%get3A_462, %get3A_463] {strides = array<i32>} : memref<128x64xf32, #tpu.memory_space<vmem>>, vector<1x16xf32>,
        %get3A_465 = vector.shape_cast %get3A_464 : vector<1x16xf32> to vector<16xf32>
        %mul3A_466 = arith.mulf %get3A_465, %broadcast_in_dim3A_441 : vector<16xf32>
        %swap3A_467 = arith.index_cast %add3A_438 : i32 to index
        %swap3A_468 = arith.constant 32 : index
        %swap3A_469 = tpu.vector_load %arg16[%swap3A_467, %swap3A_468] {strides = array<i32>} : memref<128x64xf32, #tpu.memory_space<vmem>>, vector<1x16xf32>,
        %swap3A_470 = vector.shape_cast %swap3A_469 : vector<1x16xf32> to vector<16xf32>
        %swap3A_471 = vector.shape_cast %mul3A_466 : vector<16xf32> to vector<1x16xf32>
        tpu.vector_store %arg16[%swap3A_467, %swap3A_468], %swap3A_471 {strides = array<i32>} : memref<128x64xf32, #tpu.memory_space<vmem>>, vector<1x16xf32>,
        %get3A_472 = arith.index_cast %add3A_438 : i32 to index
        %get3A_473 = arith.constant 48 : index
        %get3A_474 = tpu.vector_load %arg14[%get3A_472, %get3A_473] {strides = array<i32>} : memref<128x64xf32, #tpu.memory_space<vmem>>, vector<1x16xf32>,
        %get3A_475 = vector.shape_cast %get3A_474 : vector<1x16xf32> to vector<16xf32>
        %mul3A_476 = arith.mulf %get3A_475, %broadcast_in_dim3A_441 : vector<16xf32>
        %swap3A_477 = arith.index_cast %add3A_438 : i32 to index
        %swap3A_478 = arith.constant 48 : index
        %swap3A_479 = tpu.vector_load %arg16[%swap3A_477, %swap3A_478] {strides = array<i32>} : memref<128x64xf32, #tpu.memory_space<vmem>>, vector<1x16xf32>,
        %swap3A_480 = vector.shape_cast %swap3A_479 : vector<1x16xf32> to vector<16xf32>
        %swap3A_481 = vector.shape_cast %mul3A_476 : vector<16xf32> to vector<1x16xf32>
        tpu.vector_store %arg16[%swap3A_477, %swap3A_478], %swap3A_481 {strides = array<i32>} : memref<128x64xf32, #tpu.memory_space<vmem>>, vector<1x16xf32>,
        %swap3A_482 = arith.index_cast %add3A_438 : i32 to index
        %swap3A_483 = arith.constant 0 : index
        %swap3A_484 = tpu.vector_load %arg17[%swap3A_482, %swap3A_483] {strides = array<i32>} : memref<128x16xf32, #tpu.memory_space<vmem>>, vector<1x16xf32>,
        %swap3A_485 = vector.shape_cast %swap3A_484 : vector<1x16xf32> to vector<16xf32>
        %swap3A_486 = vector.shape_cast %broadcast_in_dim3A_441 : vector<16xf32> to vector<1x16xf32>
        tpu.vector_store %arg17[%swap3A_482, %swap3A_483], %swap3A_486 {strides = array<i32>} : memref<128x16xf32, #tpu.memory_space<vmem>>, vector<1x16xf32>,
        %mul3A_487 = arith.constant 16 : i32
        %mul3A_488 = arith.muli %scan3A_326, %mul3A_487 : i32
        %add3A_489 = arith.constant 3 : i32
        %add3A_490 = arith.addi %mul3A_488, %add3A_489 : i32
        %slice3A_491 = vector.extract_strided_slice %get3A_332 {offsets = [3], sizes = [1], strides = [1]} : vector<16xf32> to vector<1xf32>
        %squeeze3A_492 = vector.extract %slice3A_491[0] : f32 from vector<1xf32>
        %broadcast_in_dim3A_493 = vector.broadcast %squeeze3A_492 : f32 to vector<16xf32>
        %get3A_494 = arith.index_cast %add3A_490 : i32 to index
        %get3A_495 = arith.constant 0 : index
        %get3A_496 = tpu.vector_load %arg14[%get3A_494, %get3A_495] {strides = array<i32>} : memref<128x64xf32, #tpu.memory_space<vmem>>, vector<1x16xf32>,
        %get3A_497 = vector.shape_cast %get3A_496 : vector<1x16xf32> to vector<16xf32>
        %mul3A_498 = arith.mulf %get3A_497, %broadcast_in_dim3A_493 : vector<16xf32>
        %swap3A_499 = arith.index_cast %add3A_490 : i32 to index
        %swap3A_500 = arith.constant 0 : index
        %swap3A_501 = tpu.vector_load %arg16[%swap3A_499, %swap3A_500] {strides = array<i32>} : memref<128x64xf32, #tpu.memory_space<vmem>>, vector<1x16xf32>,
        %swap3A_502 = vector.shape_cast %swap3A_501 : vector<1x16xf32> to vector<16xf32>
        %swap3A_503 = vector.shape_cast %mul3A_498 : vector<16xf32> to vector<1x16xf32>
        tpu.vector_store %arg16[%swap3A_499, %swap3A_500], %swap3A_503 {strides = array<i32>} : memref<128x64xf32, #tpu.memory_space<vmem>>, vector<1x16xf32>,
        %get3A_504 = arith.index_cast %add3A_490 : i32 to index
        %get3A_505 = arith.constant 16 : index
        %get3A_506 = tpu.vector_load %arg14[%get3A_504, %get3A_505] {strides = array<i32>} : memref<128x64xf32, #tpu.memory_space<vmem>>, vector<1x16xf32>,
        %get3A_507 = vector.shape_cast %get3A_506 : vector<1x16xf32> to vector<16xf32>
        %mul3A_508 = arith.mulf %get3A_507, %broadcast_in_dim3A_493 : vector<16xf32>
        %swap3A_509 = arith.index_cast %add3A_490 : i32 to index
        %swap3A_510 = arith.constant 16 : index
        %swap3A_511 = tpu.vector_load %arg16[%swap3A_509, %swap3A_510] {strides = array<i32>} : memref<128x64xf32, #tpu.memory_space<vmem>>, vector<1x16xf32>,
        %swap3A_512 = vector.shape_cast %swap3A_511 : vector<1x16xf32> to vector<16xf32>
        %swap3A_513 = vector.shape_cast %mul3A_508 : vector<16xf32> to vector<1x16xf32>
        tpu.vector_store %arg16[%swap3A_509, %swap3A_510], %swap3A_513 {strides = array<i32>} : memref<128x64xf32, #tpu.memory_space<vmem>>, vector<1x16xf32>,
        %get3A_514 = arith.index_cast %add3A_490 : i32 to index
        %get3A_515 = arith.constant 32 : index
        %get3A_516 = tpu.vector_load %arg14[%get3A_514, %get3A_515] {strides = array<i32>} : memref<128x64xf32, #tpu.memory_space<vmem>>, vector<1x16xf32>,
        %get3A_517 = vector.shape_cast %get3A_516 : vector<1x16xf32> to vector<16xf32>
        %mul3A_518 = arith.mulf %get3A_517, %broadcast_in_dim3A_493 : vector<16xf32>
        %swap3A_519 = arith.index_cast %add3A_490 : i32 to index
        %swap3A_520 = arith.constant 32 : index
        %swap3A_521 = tpu.vector_load %arg16[%swap3A_519, %swap3A_520] {strides = array<i32>} : memref<128x64xf32, #tpu.memory_space<vmem>>, vector<1x16xf32>,
        %swap3A_522 = vector.shape_cast %swap3A_521 : vector<1x16xf32> to vector<16xf32>
        %swap3A_523 = vector.shape_cast %mul3A_518 : vector<16xf32> to vector<1x16xf32>
        tpu.vector_store %arg16[%swap3A_519, %swap3A_520], %swap3A_523 {strides = array<i32>} : memref<128x64xf32, #tpu.memory_space<vmem>>, vector<1x16xf32>,
        %get3A_524 = arith.index_cast %add3A_490 : i32 to index
        %get3A_525 = arith.constant 48 : index
        %get3A_526 = tpu.vector_load %arg14[%get3A_524, %get3A_525] {strides = array<i32>} : memref<128x64xf32, #tpu.memory_space<vmem>>, vector<1x16xf32>,
        %get3A_527 = vector.shape_cast %get3A_526 : vector<1x16xf32> to vector<16xf32>
        %mul3A_528 = arith.mulf %get3A_527, %broadcast_in_dim3A_493 : vector<16xf32>
        %swap3A_529 = arith.index_cast %add3A_490 : i32 to index
        %swap3A_530 = arith.constant 48 : index
        %swap3A_531 = tpu.vector_load %arg16[%swap3A_529, %swap3A_530] {strides = array<i32>} : memref<128x64xf32, #tpu.memory_space<vmem>>, vector<1x16xf32>,
        %swap3A_532 = vector.shape_cast %swap3A_531 : vector<1x16xf32> to vector<16xf32>
        %swap3A_533 = vector.shape_cast %mul3A_528 : vector<16xf32> to vector<1x16xf32>
        tpu.vector_store %arg16[%swap3A_529, %swap3A_530], %swap3A_533 {strides = array<i32>} : memref<128x64xf32, #tpu.memory_space<vmem>>, vector<1x16xf32>,
        %swap3A_534 = arith.index_cast %add3A_490 : i32 to index
        %swap3A_535 = arith.constant 0 : index
        %swap3A_536 = tpu.vector_load %arg17[%swap3A_534, %swap3A_535] {strides = array<i32>} : memref<128x16xf32, #tpu.memory_space<vmem>>, vector<1x16xf32>,
        %swap3A_537 = vector.shape_cast %swap3A_536 : vector<1x16xf32> to vector<16xf32>
        %swap3A_538 = vector.shape_cast %broadcast_in_dim3A_493 : vector<16xf32> to vector<1x16xf32>
        tpu.vector_store %arg17[%swap3A_534, %swap3A_535], %swap3A_538 {strides = array<i32>} : memref<128x16xf32, #tpu.memory_space<vmem>>, vector<1x16xf32>,
        %mul3A_539 = arith.constant 16 : i32
        %mul3A_540 = arith.muli %scan3A_326, %mul3A_539 : i32
        %add3A_541 = arith.constant 4 : i32
        %add3A_542 = arith.addi %mul3A_540, %add3A_541 : i32
        %slice3A_543 = vector.extract_strided_slice %get3A_332 {offsets = [4], sizes = [1], strides = [1]} : vector<16xf32> to vector<1xf32>
        %squeeze3A_544 = vector.extract %slice3A_543[0] : f32 from vector<1xf32>
        %broadcast_in_dim3A_545 = vector.broadcast %squeeze3A_544 : f32 to vector<16xf32>
        %get3A_546 = arith.index_cast %add3A_542 : i32 to index
        %get3A_547 = arith.constant 0 : index
        %get3A_548 = tpu.vector_load %arg14[%get3A_546, %get3A_547] {strides = array<i32>} : memref<128x64xf32, #tpu.memory_space<vmem>>, vector<1x16xf32>,
        %get3A_549 = vector.shape_cast %get3A_548 : vector<1x16xf32> to vector<16xf32>
        %mul3A_550 = arith.mulf %get3A_549, %broadcast_in_dim3A_545 : vector<16xf32>
        %swap3A_551 = arith.index_cast %add3A_542 : i32 to index
        %swap3A_552 = arith.constant 0 : index
        %swap3A_553 = tpu.vector_load %arg16[%swap3A_551, %swap3A_552] {strides = array<i32>} : memref<128x64xf32, #tpu.memory_space<vmem>>, vector<1x16xf32>,
        %swap3A_554 = vector.shape_cast %swap3A_553 : vector<1x16xf32> to vector<16xf32>
        %swap3A_555 = vector.shape_cast %mul3A_550 : vector<16xf32> to vector<1x16xf32>
        tpu.vector_store %arg16[%swap3A_551, %swap3A_552], %swap3A_555 {strides = array<i32>} : memref<128x64xf32, #tpu.memory_space<vmem>>, vector<1x16xf32>,
        %get3A_556 = arith.index_cast %add3A_542 : i32 to index
        %get3A_557 = arith.constant 16 : index
        %get3A_558 = tpu.vector_load %arg14[%get3A_556, %get3A_557] {strides = array<i32>} : memref<128x64xf32, #tpu.memory_space<vmem>>, vector<1x16xf32>,
        %get3A_559 = vector.shape_cast %get3A_558 : vector<1x16xf32> to vector<16xf32>
        %mul3A_560 = arith.mulf %get3A_559, %broadcast_in_dim3A_545 : vector<16xf32>
        %swap3A_561 = arith.index_cast %add3A_542 : i32 to index
        %swap3A_562 = arith.constant 16 : index
        %swap3A_563 = tpu.vector_load %arg16[%swap3A_561, %swap3A_562] {strides = array<i32>} : memref<128x64xf32, #tpu.memory_space<vmem>>, vector<1x16xf32>,
        %swap3A_564 = vector.shape_cast %swap3A_563 : vector<1x16xf32> to vector<16xf32>
        %swap3A_565 = vector.shape_cast %mul3A_560 : vector<16xf32> to vector<1x16xf32>
        tpu.vector_store %arg16[%swap3A_561, %swap3A_562], %swap3A_565 {strides = array<i32>} : memref<128x64xf32, #tpu.memory_space<vmem>>, vector<1x16xf32>,
        %get3A_566 = arith.index_cast %add3A_542 : i32 to index
        %get3A_567 = arith.constant 32 : index
        %get3A_568 = tpu.vector_load %arg14[%get3A_566, %get3A_567] {strides = array<i32>} : memref<128x64xf32, #tpu.memory_space<vmem>>, vector<1x16xf32>,
        %get3A_569 = vector.shape_cast %get3A_568 : vector<1x16xf32> to vector<16xf32>
        %mul3A_570 = arith.mulf %get3A_569, %broadcast_in_dim3A_545 : vector<16xf32>
        %swap3A_571 = arith.index_cast %add3A_542 : i32 to index
        %swap3A_572 = arith.constant 32 : index
        %swap3A_573 = tpu.vector_load %arg16[%swap3A_571, %swap3A_572] {strides = array<i32>} : memref<128x64xf32, #tpu.memory_space<vmem>>, vector<1x16xf32>,
        %swap3A_574 = vector.shape_cast %swap3A_573 : vector<1x16xf32> to vector<16xf32>
        %swap3A_575 = vector.shape_cast %mul3A_570 : vector<16xf32> to vector<1x16xf32>
        tpu.vector_store %arg16[%swap3A_571, %swap3A_572], %swap3A_575 {strides = array<i32>} : memref<128x64xf32, #tpu.memory_space<vmem>>, vector<1x16xf32>,
        %get3A_576 = arith.index_cast %add3A_542 : i32 to index
        %get3A_577 = arith.constant 48 : index
        %get3A_578 = tpu.vector_load %arg14[%get3A_576, %get3A_577] {strides = array<i32>} : memref<128x64xf32, #tpu.memory_space<vmem>>, vector<1x16xf32>,
        %get3A_579 = vector.shape_cast %get3A_578 : vector<1x16xf32> to vector<16xf32>
        %mul3A_580 = arith.mulf %get3A_579, %broadcast_in_dim3A_545 : vector<16xf32>
        %swap3A_581 = arith.index_cast %add3A_542 : i32 to index
        %swap3A_582 = arith.constant 48 : index
        %swap3A_583 = tpu.vector_load %arg16[%swap3A_581, %swap3A_582] {strides = array<i32>} : memref<128x64xf32, #tpu.memory_space<vmem>>, vector<1x16xf32>,
        %swap3A_584 = vector.shape_cast %swap3A_583 : vector<1x16xf32> to vector<16xf32>
        %swap3A_585 = vector.shape_cast %mul3A_580 : vector<16xf32> to vector<1x16xf32>
        tpu.vector_store %arg16[%swap3A_581, %swap3A_582], %swap3A_585 {strides = array<i32>} : memref<128x64xf32, #tpu.memory_space<vmem>>, vector<1x16xf32>,
        %swap3A_586 = arith.index_cast %add3A_542 : i32 to index
        %swap3A_587 = arith.constant 0 : index
        %swap3A_588 = tpu.vector_load %arg17[%swap3A_586, %swap3A_587] {strides = array<i32>} : memref<128x16xf32, #tpu.memory_space<vmem>>, vector<1x16xf32>,
        %swap3A_589 = vector.shape_cast %swap3A_588 : vector<1x16xf32> to vector<16xf32>
        %swap3A_590 = vector.shape_cast %broadcast_in_dim3A_545 : vector<16xf32> to vector<1x16xf32>
        tpu.vector_store %arg17[%swap3A_586, %swap3A_587], %swap3A_590 {strides = array<i32>} : memref<128x16xf32, #tpu.memory_space<vmem>>, vector<1x16xf32>,
        %mul3A_591 = arith.constant 16 : i32
        %mul3A_592 = arith.muli %scan3A_326, %mul3A_591 : i32
        %add3A_593 = arith.constant 5 : i32
        %add3A_594 = arith.addi %mul3A_592, %add3A_593 : i32
        %slice3A_595 = vector.extract_strided_slice %get3A_332 {offsets = [5], sizes = [1], strides = [1]} : vector<16xf32> to vector<1xf32>
        %squeeze3A_596 = vector.extract %slice3A_595[0] : f32 from vector<1xf32>
        %broadcast_in_dim3A_597 = vector.broadcast %squeeze3A_596 : f32 to vector<16xf32>
        %get3A_598 = arith.index_cast %add3A_594 : i32 to index
        %get3A_599 = arith.constant 0 : index
        %get3A_600 = tpu.vector_load %arg14[%get3A_598, %get3A_599] {strides = array<i32>} : memref<128x64xf32, #tpu.memory_space<vmem>>, vector<1x16xf32>,
        %get3A_601 = vector.shape_cast %get3A_600 : vector<1x16xf32> to vector<16xf32>
        %mul3A_602 = arith.mulf %get3A_601, %broadcast_in_dim3A_597 : vector<16xf32>
        %swap3A_603 = arith.index_cast %add3A_594 : i32 to index
        %swap3A_604 = arith.constant 0 : index
        %swap3A_605 = tpu.vector_load %arg16[%swap3A_603, %swap3A_604] {strides = array<i32>} : memref<128x64xf32, #tpu.memory_space<vmem>>, vector<1x16xf32>,
        %swap3A_606 = vector.shape_cast %swap3A_605 : vector<1x16xf32> to vector<16xf32>
        %swap3A_607 = vector.shape_cast %mul3A_602 : vector<16xf32> to vector<1x16xf32>
        tpu.vector_store %arg16[%swap3A_603, %swap3A_604], %swap3A_607 {strides = array<i32>} : memref<128x64xf32, #tpu.memory_space<vmem>>, vector<1x16xf32>,
        %get3A_608 = arith.index_cast %add3A_594 : i32 to index
        %get3A_609 = arith.constant 16 : index
        %get3A_610 = tpu.vector_load %arg14[%get3A_608, %get3A_609] {strides = array<i32>} : memref<128x64xf32, #tpu.memory_space<vmem>>, vector<1x16xf32>,
        %get3A_611 = vector.shape_cast %get3A_610 : vector<1x16xf32> to vector<16xf32>
        %mul3A_612 = arith.mulf %get3A_611, %broadcast_in_dim3A_597 : vector<16xf32>
        %swap3A_613 = arith.index_cast %add3A_594 : i32 to index
        %swap3A_614 = arith.constant 16 : index
        %swap3A_615 = tpu.vector_load %arg16[%swap3A_613, %swap3A_614] {strides = array<i32>} : memref<128x64xf32, #tpu.memory_space<vmem>>, vector<1x16xf32>,
        %swap3A_616 = vector.shape_cast %swap3A_615 : vector<1x16xf32> to vector<16xf32>
        %swap3A_617 = vector.shape_cast %mul3A_612 : vector<16xf32> to vector<1x16xf32>
        tpu.vector_store %arg16[%swap3A_613, %swap3A_614], %swap3A_617 {strides = array<i32>} : memref<128x64xf32, #tpu.memory_space<vmem>>, vector<1x16xf32>,
        %get3A_618 = arith.index_cast %add3A_594 : i32 to index
        %get3A_619 = arith.constant 32 : index
        %get3A_620 = tpu.vector_load %arg14[%get3A_618, %get3A_619] {strides = array<i32>} : memref<128x64xf32, #tpu.memory_space<vmem>>, vector<1x16xf32>,
        %get3A_621 = vector.shape_cast %get3A_620 : vector<1x16xf32> to vector<16xf32>
        %mul3A_622 = arith.mulf %get3A_621, %broadcast_in_dim3A_597 : vector<16xf32>
        %swap3A_623 = arith.index_cast %add3A_594 : i32 to index
        %swap3A_624 = arith.constant 32 : index
        %swap3A_625 = tpu.vector_load %arg16[%swap3A_623, %swap3A_624] {strides = array<i32>} : memref<128x64xf32, #tpu.memory_space<vmem>>, vector<1x16xf32>,
        %swap3A_626 = vector.shape_cast %swap3A_625 : vector<1x16xf32> to vector<16xf32>
        %swap3A_627 = vector.shape_cast %mul3A_622 : vector<16xf32> to vector<1x16xf32>
        tpu.vector_store %arg16[%swap3A_623, %swap3A_624], %swap3A_627 {strides = array<i32>} : memref<128x64xf32, #tpu.memory_space<vmem>>, vector<1x16xf32>,
        %get3A_628 = arith.index_cast %add3A_594 : i32 to index
        %get3A_629 = arith.constant 48 : index
        %get3A_630 = tpu.vector_load %arg14[%get3A_628, %get3A_629] {strides = array<i32>} : memref<128x64xf32, #tpu.memory_space<vmem>>, vector<1x16xf32>,
        %get3A_631 = vector.shape_cast %get3A_630 : vector<1x16xf32> to vector<16xf32>
        %mul3A_632 = arith.mulf %get3A_631, %broadcast_in_dim3A_597 : vector<16xf32>
        %swap3A_633 = arith.index_cast %add3A_594 : i32 to index
        %swap3A_634 = arith.constant 48 : index
        %swap3A_635 = tpu.vector_load %arg16[%swap3A_633, %swap3A_634] {strides = array<i32>} : memref<128x64xf32, #tpu.memory_space<vmem>>, vector<1x16xf32>,
        %swap3A_636 = vector.shape_cast %swap3A_635 : vector<1x16xf32> to vector<16xf32>
        %swap3A_637 = vector.shape_cast %mul3A_632 : vector<16xf32> to vector<1x16xf32>
        tpu.vector_store %arg16[%swap3A_633, %swap3A_634], %swap3A_637 {strides = array<i32>} : memref<128x64xf32, #tpu.memory_space<vmem>>, vector<1x16xf32>,
        %swap3A_638 = arith.index_cast %add3A_594 : i32 to index
        %swap3A_639 = arith.constant 0 : index
        %swap3A_640 = tpu.vector_load %arg17[%swap3A_638, %swap3A_639] {strides = array<i32>} : memref<128x16xf32, #tpu.memory_space<vmem>>, vector<1x16xf32>,
        %swap3A_641 = vector.shape_cast %swap3A_640 : vector<1x16xf32> to vector<16xf32>
        %swap3A_642 = vector.shape_cast %broadcast_in_dim3A_597 : vector<16xf32> to vector<1x16xf32>
        tpu.vector_store %arg17[%swap3A_638, %swap3A_639], %swap3A_642 {strides = array<i32>} : memref<128x16xf32, #tpu.memory_space<vmem>>, vector<1x16xf32>,
        %mul3A_643 = arith.constant 16 : i32
        %mul3A_644 = arith.muli %scan3A_326, %mul3A_643 : i32
        %add3A_645 = arith.constant 6 : i32
        %add3A_646 = arith.addi %mul3A_644, %add3A_645 : i32
        %slice3A_647 = vector.extract_strided_slice %get3A_332 {offsets = [6], sizes = [1], strides = [1]} : vector<16xf32> to vector<1xf32>
        %squeeze3A_648 = vector.extract %slice3A_647[0] : f32 from vector<1xf32>
        %broadcast_in_dim3A_649 = vector.broadcast %squeeze3A_648 : f32 to vector<16xf32>
        %get3A_650 = arith.index_cast %add3A_646 : i32 to index
        %get3A_651 = arith.constant 0 : index
        %get3A_652 = tpu.vector_load %arg14[%get3A_650, %get3A_651] {strides = array<i32>} : memref<128x64xf32, #tpu.memory_space<vmem>>, vector<1x16xf32>,
        %get3A_653 = vector.shape_cast %get3A_652 : vector<1x16xf32> to vector<16xf32>
        %mul3A_654 = arith.mulf %get3A_653, %broadcast_in_dim3A_649 : vector<16xf32>
        %swap3A_655 = arith.index_cast %add3A_646 : i32 to index
        %swap3A_656 = arith.constant 0 : index
        %swap3A_657 = tpu.vector_load %arg16[%swap3A_655, %swap3A_656] {strides = array<i32>} : memref<128x64xf32, #tpu.memory_space<vmem>>, vector<1x16xf32>,
        %swap3A_658 = vector.shape_cast %swap3A_657 : vector<1x16xf32> to vector<16xf32>
        %swap3A_659 = vector.shape_cast %mul3A_654 : vector<16xf32> to vector<1x16xf32>
        tpu.vector_store %arg16[%swap3A_655, %swap3A_656], %swap3A_659 {strides = array<i32>} : memref<128x64xf32, #tpu.memory_space<vmem>>, vector<1x16xf32>,
        %get3A_660 = arith.index_cast %add3A_646 : i32 to index
        %get3A_661 = arith.constant 16 : index
        %get3A_662 = tpu.vector_load %arg14[%get3A_660, %get3A_661] {strides = array<i32>} : memref<128x64xf32, #tpu.memory_space<vmem>>, vector<1x16xf32>,
        %get3A_663 = vector.shape_cast %get3A_662 : vector<1x16xf32> to vector<16xf32>
        %mul3A_664 = arith.mulf %get3A_663, %broadcast_in_dim3A_649 : vector<16xf32>
        %swap3A_665 = arith.index_cast %add3A_646 : i32 to index
        %swap3A_666 = arith.constant 16 : index
        %swap3A_667 = tpu.vector_load %arg16[%swap3A_665, %swap3A_666] {strides = array<i32>} : memref<128x64xf32, #tpu.memory_space<vmem>>, vector<1x16xf32>,
        %swap3A_668 = vector.shape_cast %swap3A_667 : vector<1x16xf32> to vector<16xf32>
        %swap3A_669 = vector.shape_cast %mul3A_664 : vector<16xf32> to vector<1x16xf32>
        tpu.vector_store %arg16[%swap3A_665, %swap3A_666], %swap3A_669 {strides = array<i32>} : memref<128x64xf32, #tpu.memory_space<vmem>>, vector<1x16xf32>,
        %get3A_670 = arith.index_cast %add3A_646 : i32 to index
        %get3A_671 = arith.constant 32 : index
        %get3A_672 = tpu.vector_load %arg14[%get3A_670, %get3A_671] {strides = array<i32>} : memref<128x64xf32, #tpu.memory_space<vmem>>, vector<1x16xf32>,
        %get3A_673 = vector.shape_cast %get3A_672 : vector<1x16xf32> to vector<16xf32>
        %mul3A_674 = arith.mulf %get3A_673, %broadcast_in_dim3A_649 : vector<16xf32>
        %swap3A_675 = arith.index_cast %add3A_646 : i32 to index
        %swap3A_676 = arith.constant 32 : index
        %swap3A_677 = tpu.vector_load %arg16[%swap3A_675, %swap3A_676] {strides = array<i32>} : memref<128x64xf32, #tpu.memory_space<vmem>>, vector<1x16xf32>,
        %swap3A_678 = vector.shape_cast %swap3A_677 : vector<1x16xf32> to vector<16xf32>
        %swap3A_679 = vector.shape_cast %mul3A_674 : vector<16xf32> to vector<1x16xf32>
        tpu.vector_store %arg16[%swap3A_675, %swap3A_676], %swap3A_679 {strides = array<i32>} : memref<128x64xf32, #tpu.memory_space<vmem>>, vector<1x16xf32>,
        %get3A_680 = arith.index_cast %add3A_646 : i32 to index
        %get3A_681 = arith.constant 48 : index
        %get3A_682 = tpu.vector_load %arg14[%get3A_680, %get3A_681] {strides = array<i32>} : memref<128x64xf32, #tpu.memory_space<vmem>>, vector<1x16xf32>,
        %get3A_683 = vector.shape_cast %get3A_682 : vector<1x16xf32> to vector<16xf32>
        %mul3A_684 = arith.mulf %get3A_683, %broadcast_in_dim3A_649 : vector<16xf32>
        %swap3A_685 = arith.index_cast %add3A_646 : i32 to index
        %swap3A_686 = arith.constant 48 : index
        %swap3A_687 = tpu.vector_load %arg16[%swap3A_685, %swap3A_686] {strides = array<i32>} : memref<128x64xf32, #tpu.memory_space<vmem>>, vector<1x16xf32>,
        %swap3A_688 = vector.shape_cast %swap3A_687 : vector<1x16xf32> to vector<16xf32>
        %swap3A_689 = vector.shape_cast %mul3A_684 : vector<16xf32> to vector<1x16xf32>
        tpu.vector_store %arg16[%swap3A_685, %swap3A_686], %swap3A_689 {strides = array<i32>} : memref<128x64xf32, #tpu.memory_space<vmem>>, vector<1x16xf32>,
        %swap3A_690 = arith.index_cast %add3A_646 : i32 to index
        %swap3A_691 = arith.constant 0 : index
        %swap3A_692 = tpu.vector_load %arg17[%swap3A_690, %swap3A_691] {strides = array<i32>} : memref<128x16xf32, #tpu.memory_space<vmem>>, vector<1x16xf32>,
        %swap3A_693 = vector.shape_cast %swap3A_692 : vector<1x16xf32> to vector<16xf32>
        %swap3A_694 = vector.shape_cast %broadcast_in_dim3A_649 : vector<16xf32> to vector<1x16xf32>
        tpu.vector_store %arg17[%swap3A_690, %swap3A_691], %swap3A_694 {strides = array<i32>} : memref<128x16xf32, #tpu.memory_space<vmem>>, vector<1x16xf32>,
        %mul3A_695 = arith.constant 16 : i32
        %mul3A_696 = arith.muli %scan3A_326, %mul3A_695 : i32
        %add3A_697 = arith.constant 7 : i32
        %add3A_698 = arith.addi %mul3A_696, %add3A_697 : i32
        %slice3A_699 = vector.extract_strided_slice %get3A_332 {offsets = [7], sizes = [1], strides = [1]} : vector<16xf32> to vector<1xf32>
        %squeeze3A_700 = vector.extract %slice3A_699[0] : f32 from vector<1xf32>
        %broadcast_in_dim3A_701 = vector.broadcast %squeeze3A_700 : f32 to vector<16xf32>
        %get3A_702 = arith.index_cast %add3A_698 : i32 to index
        %get3A_703 = arith.constant 0 : index
        %get3A_704 = tpu.vector_load %arg14[%get3A_702, %get3A_703] {strides = array<i32>} : memref<128x64xf32, #tpu.memory_space<vmem>>, vector<1x16xf32>,
        %get3A_705 = vector.shape_cast %get3A_704 : vector<1x16xf32> to vector<16xf32>
        %mul3A_706 = arith.mulf %get3A_705, %broadcast_in_dim3A_701 : vector<16xf32>
        %swap3A_707 = arith.index_cast %add3A_698 : i32 to index
        %swap3A_708 = arith.constant 0 : index
        %swap3A_709 = tpu.vector_load %arg16[%swap3A_707, %swap3A_708] {strides = array<i32>} : memref<128x64xf32, #tpu.memory_space<vmem>>, vector<1x16xf32>,
        %swap3A_710 = vector.shape_cast %swap3A_709 : vector<1x16xf32> to vector<16xf32>
        %swap3A_711 = vector.shape_cast %mul3A_706 : vector<16xf32> to vector<1x16xf32>
        tpu.vector_store %arg16[%swap3A_707, %swap3A_708], %swap3A_711 {strides = array<i32>} : memref<128x64xf32, #tpu.memory_space<vmem>>, vector<1x16xf32>,
        %get3A_712 = arith.index_cast %add3A_698 : i32 to index
        %get3A_713 = arith.constant 16 : index
        %get3A_714 = tpu.vector_load %arg14[%get3A_712, %get3A_713] {strides = array<i32>} : memref<128x64xf32, #tpu.memory_space<vmem>>, vector<1x16xf32>,
        %get3A_715 = vector.shape_cast %get3A_714 : vector<1x16xf32> to vector<16xf32>
        %mul3A_716 = arith.mulf %get3A_715, %broadcast_in_dim3A_701 : vector<16xf32>
        %swap3A_717 = arith.index_cast %add3A_698 : i32 to index
        %swap3A_718 = arith.constant 16 : index
        %swap3A_719 = tpu.vector_load %arg16[%swap3A_717, %swap3A_718] {strides = array<i32>} : memref<128x64xf32, #tpu.memory_space<vmem>>, vector<1x16xf32>,
        %swap3A_720 = vector.shape_cast %swap3A_719 : vector<1x16xf32> to vector<16xf32>
        %swap3A_721 = vector.shape_cast %mul3A_716 : vector<16xf32> to vector<1x16xf32>
        tpu.vector_store %arg16[%swap3A_717, %swap3A_718], %swap3A_721 {strides = array<i32>} : memref<128x64xf32, #tpu.memory_space<vmem>>, vector<1x16xf32>,
        %get3A_722 = arith.index_cast %add3A_698 : i32 to index
        %get3A_723 = arith.constant 32 : index
        %get3A_724 = tpu.vector_load %arg14[%get3A_722, %get3A_723] {strides = array<i32>} : memref<128x64xf32, #tpu.memory_space<vmem>>, vector<1x16xf32>,
        %get3A_725 = vector.shape_cast %get3A_724 : vector<1x16xf32> to vector<16xf32>
        %mul3A_726 = arith.mulf %get3A_725, %broadcast_in_dim3A_701 : vector<16xf32>
        %swap3A_727 = arith.index_cast %add3A_698 : i32 to index
        %swap3A_728 = arith.constant 32 : index
        %swap3A_729 = tpu.vector_load %arg16[%swap3A_727, %swap3A_728] {strides = array<i32>} : memref<128x64xf32, #tpu.memory_space<vmem>>, vector<1x16xf32>,
        %swap3A_730 = vector.shape_cast %swap3A_729 : vector<1x16xf32> to vector<16xf32>
        %swap3A_731 = vector.shape_cast %mul3A_726 : vector<16xf32> to vector<1x16xf32>
        tpu.vector_store %arg16[%swap3A_727, %swap3A_728], %swap3A_731 {strides = array<i32>} : memref<128x64xf32, #tpu.memory_space<vmem>>, vector<1x16xf32>,
        %get3A_732 = arith.index_cast %add3A_698 : i32 to index
        %get3A_733 = arith.constant 48 : index
        %get3A_734 = tpu.vector_load %arg14[%get3A_732, %get3A_733] {strides = array<i32>} : memref<128x64xf32, #tpu.memory_space<vmem>>, vector<1x16xf32>,
        %get3A_735 = vector.shape_cast %get3A_734 : vector<1x16xf32> to vector<16xf32>
        %mul3A_736 = arith.mulf %get3A_735, %broadcast_in_dim3A_701 : vector<16xf32>
        %swap3A_737 = arith.index_cast %add3A_698 : i32 to index
        %swap3A_738 = arith.constant 48 : index
        %swap3A_739 = tpu.vector_load %arg16[%swap3A_737, %swap3A_738] {strides = array<i32>} : memref<128x64xf32, #tpu.memory_space<vmem>>, vector<1x16xf32>,
        %swap3A_740 = vector.shape_cast %swap3A_739 : vector<1x16xf32> to vector<16xf32>
        %swap3A_741 = vector.shape_cast %mul3A_736 : vector<16xf32> to vector<1x16xf32>
        tpu.vector_store %arg16[%swap3A_737, %swap3A_738], %swap3A_741 {strides = array<i32>} : memref<128x64xf32, #tpu.memory_space<vmem>>, vector<1x16xf32>,
        %swap3A_742 = arith.index_cast %add3A_698 : i32 to index
        %swap3A_743 = arith.constant 0 : index
        %swap3A_744 = tpu.vector_load %arg17[%swap3A_742, %swap3A_743] {strides = array<i32>} : memref<128x16xf32, #tpu.memory_space<vmem>>, vector<1x16xf32>,
        %swap3A_745 = vector.shape_cast %swap3A_744 : vector<1x16xf32> to vector<16xf32>
        %swap3A_746 = vector.shape_cast %broadcast_in_dim3A_701 : vector<16xf32> to vector<1x16xf32>
        tpu.vector_store %arg17[%swap3A_742, %swap3A_743], %swap3A_746 {strides = array<i32>} : memref<128x16xf32, #tpu.memory_space<vmem>>, vector<1x16xf32>,
        %mul3A_747 = arith.constant 16 : i32
        %mul3A_748 = arith.muli %scan3A_326, %mul3A_747 : i32
        %add3A_749 = arith.constant 8 : i32
        %add3A_750 = arith.addi %mul3A_748, %add3A_749 : i32
        %slice3A_751 = vector.extract_strided_slice %get3A_332 {offsets = [8], sizes = [1], strides = [1]} : vector<16xf32> to vector<1xf32>
        %squeeze3A_752 = vector.extract %slice3A_751[0] : f32 from vector<1xf32>
        %broadcast_in_dim3A_753 = vector.broadcast %squeeze3A_752 : f32 to vector<16xf32>
        %get3A_754 = arith.index_cast %add3A_750 : i32 to index
        %get3A_755 = arith.constant 0 : index
        %get3A_756 = tpu.vector_load %arg14[%get3A_754, %get3A_755] {strides = array<i32>} : memref<128x64xf32, #tpu.memory_space<vmem>>, vector<1x16xf32>,
        %get3A_757 = vector.shape_cast %get3A_756 : vector<1x16xf32> to vector<16xf32>
        %mul3A_758 = arith.mulf %get3A_757, %broadcast_in_dim3A_753 : vector<16xf32>
        %swap3A_759 = arith.index_cast %add3A_750 : i32 to index
        %swap3A_760 = arith.constant 0 : index
        %swap3A_761 = tpu.vector_load %arg16[%swap3A_759, %swap3A_760] {strides = array<i32>} : memref<128x64xf32, #tpu.memory_space<vmem>>, vector<1x16xf32>,
        %swap3A_762 = vector.shape_cast %swap3A_761 : vector<1x16xf32> to vector<16xf32>
        %swap3A_763 = vector.shape_cast %mul3A_758 : vector<16xf32> to vector<1x16xf32>
        tpu.vector_store %arg16[%swap3A_759, %swap3A_760], %swap3A_763 {strides = array<i32>} : memref<128x64xf32, #tpu.memory_space<vmem>>, vector<1x16xf32>,
        %get3A_764 = arith.index_cast %add3A_750 : i32 to index
        %get3A_765 = arith.constant 16 : index
        %get3A_766 = tpu.vector_load %arg14[%get3A_764, %get3A_765] {strides = array<i32>} : memref<128x64xf32, #tpu.memory_space<vmem>>, vector<1x16xf32>,
        %get3A_767 = vector.shape_cast %get3A_766 : vector<1x16xf32> to vector<16xf32>
        %mul3A_768 = arith.mulf %get3A_767, %broadcast_in_dim3A_753 : vector<16xf32>
        %swap3A_769 = arith.index_cast %add3A_750 : i32 to index
        %swap3A_770 = arith.constant 16 : index
        %swap3A_771 = tpu.vector_load %arg16[%swap3A_769, %swap3A_770] {strides = array<i32>} : memref<128x64xf32, #tpu.memory_space<vmem>>, vector<1x16xf32>,
        %swap3A_772 = vector.shape_cast %swap3A_771 : vector<1x16xf32> to vector<16xf32>
        %swap3A_773 = vector.shape_cast %mul3A_768 : vector<16xf32> to vector<1x16xf32>
        tpu.vector_store %arg16[%swap3A_769, %swap3A_770], %swap3A_773 {strides = array<i32>} : memref<128x64xf32, #tpu.memory_space<vmem>>, vector<1x16xf32>,
        %get3A_774 = arith.index_cast %add3A_750 : i32 to index
        %get3A_775 = arith.constant 32 : index
        %get3A_776 = tpu.vector_load %arg14[%get3A_774, %get3A_775] {strides = array<i32>} : memref<128x64xf32, #tpu.memory_space<vmem>>, vector<1x16xf32>,
        %get3A_777 = vector.shape_cast %get3A_776 : vector<1x16xf32> to vector<16xf32>
        %mul3A_778 = arith.mulf %get3A_777, %broadcast_in_dim3A_753 : vector<16xf32>
        %swap3A_779 = arith.index_cast %add3A_750 : i32 to index
        %swap3A_780 = arith.constant 32 : index
        %swap3A_781 = tpu.vector_load %arg16[%swap3A_779, %swap3A_780] {strides = array<i32>} : memref<128x64xf32, #tpu.memory_space<vmem>>, vector<1x16xf32>,
        %swap3A_782 = vector.shape_cast %swap3A_781 : vector<1x16xf32> to vector<16xf32>
        %swap3A_783 = vector.shape_cast %mul3A_778 : vector<16xf32> to vector<1x16xf32>
        tpu.vector_store %arg16[%swap3A_779, %swap3A_780], %swap3A_783 {strides = array<i32>} : memref<128x64xf32, #tpu.memory_space<vmem>>, vector<1x16xf32>,
        %get3A_784 = arith.index_cast %add3A_750 : i32 to index
        %get3A_785 = arith.constant 48 : index
        %get3A_786 = tpu.vector_load %arg14[%get3A_784, %get3A_785] {strides = array<i32>} : memref<128x64xf32, #tpu.memory_space<vmem>>, vector<1x16xf32>,
        %get3A_787 = vector.shape_cast %get3A_786 : vector<1x16xf32> to vector<16xf32>
        %mul3A_788 = arith.mulf %get3A_787, %broadcast_in_dim3A_753 : vector<16xf32>
        %swap3A_789 = arith.index_cast %add3A_750 : i32 to index
        %swap3A_790 = arith.constant 48 : index
        %swap3A_791 = tpu.vector_load %arg16[%swap3A_789, %swap3A_790] {strides = array<i32>} : memref<128x64xf32, #tpu.memory_space<vmem>>, vector<1x16xf32>,
        %swap3A_792 = vector.shape_cast %swap3A_791 : vector<1x16xf32> to vector<16xf32>
        %swap3A_793 = vector.shape_cast %mul3A_788 : vector<16xf32> to vector<1x16xf32>
        tpu.vector_store %arg16[%swap3A_789, %swap3A_790], %swap3A_793 {strides = array<i32>} : memref<128x64xf32, #tpu.memory_space<vmem>>, vector<1x16xf32>,
        %swap3A_794 = arith.index_cast %add3A_750 : i32 to index
        %swap3A_795 = arith.constant 0 : index
        %swap3A_796 = tpu.vector_load %arg17[%swap3A_794, %swap3A_795] {strides = array<i32>} : memref<128x16xf32, #tpu.memory_space<vmem>>, vector<1x16xf32>,
        %swap3A_797 = vector.shape_cast %swap3A_796 : vector<1x16xf32> to vector<16xf32>
        %swap3A_798 = vector.shape_cast %broadcast_in_dim3A_753 : vector<16xf32> to vector<1x16xf32>
        tpu.vector_store %arg17[%swap3A_794, %swap3A_795], %swap3A_798 {strides = array<i32>} : memref<128x16xf32, #tpu.memory_space<vmem>>, vector<1x16xf32>,
        %mul3A_799 = arith.constant 16 : i32
        %mul3A_800 = arith.muli %scan3A_326, %mul3A_799 : i32
        %add3A_801 = arith.constant 9 : i32
        %add3A_802 = arith.addi %mul3A_800, %add3A_801 : i32
        %slice3A_803 = vector.extract_strided_slice %get3A_332 {offsets = [9], sizes = [1], strides = [1]} : vector<16xf32> to vector<1xf32>
        %squeeze3A_804 = vector.extract %slice3A_803[0] : f32 from vector<1xf32>
        %broadcast_in_dim3A_805 = vector.broadcast %squeeze3A_804 : f32 to vector<16xf32>
        %get3A_806 = arith.index_cast %add3A_802 : i32 to index
        %get3A_807 = arith.constant 0 : index
        %get3A_808 = tpu.vector_load %arg14[%get3A_806, %get3A_807] {strides = array<i32>} : memref<128x64xf32, #tpu.memory_space<vmem>>, vector<1x16xf32>,
        %get3A_809 = vector.shape_cast %get3A_808 : vector<1x16xf32> to vector<16xf32>
        %mul3A_810 = arith.mulf %get3A_809, %broadcast_in_dim3A_805 : vector<16xf32>
        %swap3A_811 = arith.index_cast %add3A_802 : i32 to index
        %swap3A_812 = arith.constant 0 : index
        %swap3A_813 = tpu.vector_load %arg16[%swap3A_811, %swap3A_812] {strides = array<i32>} : memref<128x64xf32, #tpu.memory_space<vmem>>, vector<1x16xf32>,
        %swap3A_814 = vector.shape_cast %swap3A_813 : vector<1x16xf32> to vector<16xf32>
        %swap3A_815 = vector.shape_cast %mul3A_810 : vector<16xf32> to vector<1x16xf32>
        tpu.vector_store %arg16[%swap3A_811, %swap3A_812], %swap3A_815 {strides = array<i32>} : memref<128x64xf32, #tpu.memory_space<vmem>>, vector<1x16xf32>,
        %get3A_816 = arith.index_cast %add3A_802 : i32 to index
        %get3A_817 = arith.constant 16 : index
        %get3A_818 = tpu.vector_load %arg14[%get3A_816, %get3A_817] {strides = array<i32>} : memref<128x64xf32, #tpu.memory_space<vmem>>, vector<1x16xf32>,
        %get3A_819 = vector.shape_cast %get3A_818 : vector<1x16xf32> to vector<16xf32>
        %mul3A_820 = arith.mulf %get3A_819, %broadcast_in_dim3A_805 : vector<16xf32>
        %swap3A_821 = arith.index_cast %add3A_802 : i32 to index
        %swap3A_822 = arith.constant 16 : index
        %swap3A_823 = tpu.vector_load %arg16[%swap3A_821, %swap3A_822] {strides = array<i32>} : memref<128x64xf32, #tpu.memory_space<vmem>>, vector<1x16xf32>,
        %swap3A_824 = vector.shape_cast %swap3A_823 : vector<1x16xf32> to vector<16xf32>
        %swap3A_825 = vector.shape_cast %mul3A_820 : vector<16xf32> to vector<1x16xf32>
        tpu.vector_store %arg16[%swap3A_821, %swap3A_822], %swap3A_825 {strides = array<i32>} : memref<128x64xf32, #tpu.memory_space<vmem>>, vector<1x16xf32>,
        %get3A_826 = arith.index_cast %add3A_802 : i32 to index
        %get3A_827 = arith.constant 32 : index
        %get3A_828 = tpu.vector_load %arg14[%get3A_826, %get3A_827] {strides = array<i32>} : memref<128x64xf32, #tpu.memory_space<vmem>>, vector<1x16xf32>,
        %get3A_829 = vector.shape_cast %get3A_828 : vector<1x16xf32> to vector<16xf32>
        %mul3A_830 = arith.mulf %get3A_829, %broadcast_in_dim3A_805 : vector<16xf32>
        %swap3A_831 = arith.index_cast %add3A_802 : i32 to index
        %swap3A_832 = arith.constant 32 : index
        %swap3A_833 = tpu.vector_load %arg16[%swap3A_831, %swap3A_832] {strides = array<i32>} : memref<128x64xf32, #tpu.memory_space<vmem>>, vector<1x16xf32>,
        %swap3A_834 = vector.shape_cast %swap3A_833 : vector<1x16xf32> to vector<16xf32>
        %swap3A_835 = vector.shape_cast %mul3A_830 : vector<16xf32> to vector<1x16xf32>
        tpu.vector_store %arg16[%swap3A_831, %swap3A_832], %swap3A_835 {strides = array<i32>} : memref<128x64xf32, #tpu.memory_space<vmem>>, vector<1x16xf32>,
        %get3A_836 = arith.index_cast %add3A_802 : i32 to index
        %get3A_837 = arith.constant 48 : index
        %get3A_838 = tpu.vector_load %arg14[%get3A_836, %get3A_837] {strides = array<i32>} : memref<128x64xf32, #tpu.memory_space<vmem>>, vector<1x16xf32>,
        %get3A_839 = vector.shape_cast %get3A_838 : vector<1x16xf32> to vector<16xf32>
        %mul3A_840 = arith.mulf %get3A_839, %broadcast_in_dim3A_805 : vector<16xf32>
        %swap3A_841 = arith.index_cast %add3A_802 : i32 to index
        %swap3A_842 = arith.constant 48 : index
        %swap3A_843 = tpu.vector_load %arg16[%swap3A_841, %swap3A_842] {strides = array<i32>} : memref<128x64xf32, #tpu.memory_space<vmem>>, vector<1x16xf32>,
        %swap3A_844 = vector.shape_cast %swap3A_843 : vector<1x16xf32> to vector<16xf32>
        %swap3A_845 = vector.shape_cast %mul3A_840 : vector<16xf32> to vector<1x16xf32>
        tpu.vector_store %arg16[%swap3A_841, %swap3A_842], %swap3A_845 {strides = array<i32>} : memref<128x64xf32, #tpu.memory_space<vmem>>, vector<1x16xf32>,
        %swap3A_846 = arith.index_cast %add3A_802 : i32 to index
        %swap3A_847 = arith.constant 0 : index
        %swap3A_848 = tpu.vector_load %arg17[%swap3A_846, %swap3A_847] {strides = array<i32>} : memref<128x16xf32, #tpu.memory_space<vmem>>, vector<1x16xf32>,
        %swap3A_849 = vector.shape_cast %swap3A_848 : vector<1x16xf32> to vector<16xf32>
        %swap3A_850 = vector.shape_cast %broadcast_in_dim3A_805 : vector<16xf32> to vector<1x16xf32>
        tpu.vector_store %arg17[%swap3A_846, %swap3A_847], %swap3A_850 {strides = array<i32>} : memref<128x16xf32, #tpu.memory_space<vmem>>, vector<1x16xf32>,
        %mul3A_851 = arith.constant 16 : i32
        %mul3A_852 = arith.muli %scan3A_326, %mul3A_851 : i32
        %add3A_853 = arith.constant 10 : i32
        %add3A_854 = arith.addi %mul3A_852, %add3A_853 : i32
        %slice3A_855 = vector.extract_strided_slice %get3A_332 {offsets = [10], sizes = [1], strides = [1]} : vector<16xf32> to vector<1xf32>
        %squeeze3A_856 = vector.extract %slice3A_855[0] : f32 from vector<1xf32>
        %broadcast_in_dim3A_857 = vector.broadcast %squeeze3A_856 : f32 to vector<16xf32>
        %get3A_858 = arith.index_cast %add3A_854 : i32 to index
        %get3A_859 = arith.constant 0 : index
        %get3A_860 = tpu.vector_load %arg14[%get3A_858, %get3A_859] {strides = array<i32>} : memref<128x64xf32, #tpu.memory_space<vmem>>, vector<1x16xf32>,
        %get3A_861 = vector.shape_cast %get3A_860 : vector<1x16xf32> to vector<16xf32>
        %mul3A_862 = arith.mulf %get3A_861, %broadcast_in_dim3A_857 : vector<16xf32>
        %swap3A_863 = arith.index_cast %add3A_854 : i32 to index
        %swap3A_864 = arith.constant 0 : index
        %swap3A_865 = tpu.vector_load %arg16[%swap3A_863, %swap3A_864] {strides = array<i32>} : memref<128x64xf32, #tpu.memory_space<vmem>>, vector<1x16xf32>,
        %swap3A_866 = vector.shape_cast %swap3A_865 : vector<1x16xf32> to vector<16xf32>
        %swap3A_867 = vector.shape_cast %mul3A_862 : vector<16xf32> to vector<1x16xf32>
        tpu.vector_store %arg16[%swap3A_863, %swap3A_864], %swap3A_867 {strides = array<i32>} : memref<128x64xf32, #tpu.memory_space<vmem>>, vector<1x16xf32>,
        %get3A_868 = arith.index_cast %add3A_854 : i32 to index
        %get3A_869 = arith.constant 16 : index
        %get3A_870 = tpu.vector_load %arg14[%get3A_868, %get3A_869] {strides = array<i32>} : memref<128x64xf32, #tpu.memory_space<vmem>>, vector<1x16xf32>,
        %get3A_871 = vector.shape_cast %get3A_870 : vector<1x16xf32> to vector<16xf32>
        %mul3A_872 = arith.mulf %get3A_871, %broadcast_in_dim3A_857 : vector<16xf32>
        %swap3A_873 = arith.index_cast %add3A_854 : i32 to index
        %swap3A_874 = arith.constant 16 : index
        %swap3A_875 = tpu.vector_load %arg16[%swap3A_873, %swap3A_874] {strides = array<i32>} : memref<128x64xf32, #tpu.memory_space<vmem>>, vector<1x16xf32>,
        %swap3A_876 = vector.shape_cast %swap3A_875 : vector<1x16xf32> to vector<16xf32>
        %swap3A_877 = vector.shape_cast %mul3A_872 : vector<16xf32> to vector<1x16xf32>
        tpu.vector_store %arg16[%swap3A_873, %swap3A_874], %swap3A_877 {strides = array<i32>} : memref<128x64xf32, #tpu.memory_space<vmem>>, vector<1x16xf32>,
        %get3A_878 = arith.index_cast %add3A_854 : i32 to index
        %get3A_879 = arith.constant 32 : index
        %get3A_880 = tpu.vector_load %arg14[%get3A_878, %get3A_879] {strides = array<i32>} : memref<128x64xf32, #tpu.memory_space<vmem>>, vector<1x16xf32>,
        %get3A_881 = vector.shape_cast %get3A_880 : vector<1x16xf32> to vector<16xf32>
        %mul3A_882 = arith.mulf %get3A_881, %broadcast_in_dim3A_857 : vector<16xf32>
        %swap3A_883 = arith.index_cast %add3A_854 : i32 to index
        %swap3A_884 = arith.constant 32 : index
        %swap3A_885 = tpu.vector_load %arg16[%swap3A_883, %swap3A_884] {strides = array<i32>} : memref<128x64xf32, #tpu.memory_space<vmem>>, vector<1x16xf32>,
        %swap3A_886 = vector.shape_cast %swap3A_885 : vector<1x16xf32> to vector<16xf32>
        %swap3A_887 = vector.shape_cast %mul3A_882 : vector<16xf32> to vector<1x16xf32>
        tpu.vector_store %arg16[%swap3A_883, %swap3A_884], %swap3A_887 {strides = array<i32>} : memref<128x64xf32, #tpu.memory_space<vmem>>, vector<1x16xf32>,
        %get3A_888 = arith.index_cast %add3A_854 : i32 to index
        %get3A_889 = arith.constant 48 : index
        %get3A_890 = tpu.vector_load %arg14[%get3A_888, %get3A_889] {strides = array<i32>} : memref<128x64xf32, #tpu.memory_space<vmem>>, vector<1x16xf32>,
        %get3A_891 = vector.shape_cast %get3A_890 : vector<1x16xf32> to vector<16xf32>
        %mul3A_892 = arith.mulf %get3A_891, %broadcast_in_dim3A_857 : vector<16xf32>
        %swap3A_893 = arith.index_cast %add3A_854 : i32 to index
        %swap3A_894 = arith.constant 48 : index
        %swap3A_895 = tpu.vector_load %arg16[%swap3A_893, %swap3A_894] {strides = array<i32>} : memref<128x64xf32, #tpu.memory_space<vmem>>, vector<1x16xf32>,
        %swap3A_896 = vector.shape_cast %swap3A_895 : vector<1x16xf32> to vector<16xf32>
        %swap3A_897 = vector.shape_cast %mul3A_892 : vector<16xf32> to vector<1x16xf32>
        tpu.vector_store %arg16[%swap3A_893, %swap3A_894], %swap3A_897 {strides = array<i32>} : memref<128x64xf32, #tpu.memory_space<vmem>>, vector<1x16xf32>,
        %swap3A_898 = arith.index_cast %add3A_854 : i32 to index
        %swap3A_899 = arith.constant 0 : index
        %swap3A_900 = tpu.vector_load %arg17[%swap3A_898, %swap3A_899] {strides = array<i32>} : memref<128x16xf32, #tpu.memory_space<vmem>>, vector<1x16xf32>,
        %swap3A_901 = vector.shape_cast %swap3A_900 : vector<1x16xf32> to vector<16xf32>
        %swap3A_902 = vector.shape_cast %broadcast_in_dim3A_857 : vector<16xf32> to vector<1x16xf32>
        tpu.vector_store %arg17[%swap3A_898, %swap3A_899], %swap3A_902 {strides = array<i32>} : memref<128x16xf32, #tpu.memory_space<vmem>>, vector<1x16xf32>,
        %mul3A_903 = arith.constant 16 : i32
        %mul3A_904 = arith.muli %scan3A_326, %mul3A_903 : i32
        %add3A_905 = arith.constant 11 : i32
        %add3A_906 = arith.addi %mul3A_904, %add3A_905 : i32
        %slice3A_907 = vector.extract_strided_slice %get3A_332 {offsets = [11], sizes = [1], strides = [1]} : vector<16xf32> to vector<1xf32>
        %squeeze3A_908 = vector.extract %slice3A_907[0] : f32 from vector<1xf32>
        %broadcast_in_dim3A_909 = vector.broadcast %squeeze3A_908 : f32 to vector<16xf32>
        %get3A_910 = arith.index_cast %add3A_906 : i32 to index
        %get3A_911 = arith.constant 0 : index
        %get3A_912 = tpu.vector_load %arg14[%get3A_910, %get3A_911] {strides = array<i32>} : memref<128x64xf32, #tpu.memory_space<vmem>>, vector<1x16xf32>,
        %get3A_913 = vector.shape_cast %get3A_912 : vector<1x16xf32> to vector<16xf32>
        %mul3A_914 = arith.mulf %get3A_913, %broadcast_in_dim3A_909 : vector<16xf32>
        %swap3A_915 = arith.index_cast %add3A_906 : i32 to index
        %swap3A_916 = arith.constant 0 : index
        %swap3A_917 = tpu.vector_load %arg16[%swap3A_915, %swap3A_916] {strides = array<i32>} : memref<128x64xf32, #tpu.memory_space<vmem>>, vector<1x16xf32>,
        %swap3A_918 = vector.shape_cast %swap3A_917 : vector<1x16xf32> to vector<16xf32>
        %swap3A_919 = vector.shape_cast %mul3A_914 : vector<16xf32> to vector<1x16xf32>
        tpu.vector_store %arg16[%swap3A_915, %swap3A_916], %swap3A_919 {strides = array<i32>} : memref<128x64xf32, #tpu.memory_space<vmem>>, vector<1x16xf32>,
        %get3A_920 = arith.index_cast %add3A_906 : i32 to index
        %get3A_921 = arith.constant 16 : index
        %get3A_922 = tpu.vector_load %arg14[%get3A_920, %get3A_921] {strides = array<i32>} : memref<128x64xf32, #tpu.memory_space<vmem>>, vector<1x16xf32>,
        %get3A_923 = vector.shape_cast %get3A_922 : vector<1x16xf32> to vector<16xf32>
        %mul3A_924 = arith.mulf %get3A_923, %broadcast_in_dim3A_909 : vector<16xf32>
        %swap3A_925 = arith.index_cast %add3A_906 : i32 to index
        %swap3A_926 = arith.constant 16 : index
        %swap3A_927 = tpu.vector_load %arg16[%swap3A_925, %swap3A_926] {strides = array<i32>} : memref<128x64xf32, #tpu.memory_space<vmem>>, vector<1x16xf32>,
        %swap3A_928 = vector.shape_cast %swap3A_927 : vector<1x16xf32> to vector<16xf32>
        %swap3A_929 = vector.shape_cast %mul3A_924 : vector<16xf32> to vector<1x16xf32>
        tpu.vector_store %arg16[%swap3A_925, %swap3A_926], %swap3A_929 {strides = array<i32>} : memref<128x64xf32, #tpu.memory_space<vmem>>, vector<1x16xf32>,
        %get3A_930 = arith.index_cast %add3A_906 : i32 to index
        %get3A_931 = arith.constant 32 : index
        %get3A_932 = tpu.vector_load %arg14[%get3A_930, %get3A_931] {strides = array<i32>} : memref<128x64xf32, #tpu.memory_space<vmem>>, vector<1x16xf32>,
        %get3A_933 = vector.shape_cast %get3A_932 : vector<1x16xf32> to vector<16xf32>
        %mul3A_934 = arith.mulf %get3A_933, %broadcast_in_dim3A_909 : vector<16xf32>
        %swap3A_935 = arith.index_cast %add3A_906 : i32 to index
        %swap3A_936 = arith.constant 32 : index
        %swap3A_937 = tpu.vector_load %arg16[%swap3A_935, %swap3A_936] {strides = array<i32>} : memref<128x64xf32, #tpu.memory_space<vmem>>, vector<1x16xf32>,
        %swap3A_938 = vector.shape_cast %swap3A_937 : vector<1x16xf32> to vector<16xf32>
        %swap3A_939 = vector.shape_cast %mul3A_934 : vector<16xf32> to vector<1x16xf32>
        tpu.vector_store %arg16[%swap3A_935, %swap3A_936], %swap3A_939 {strides = array<i32>} : memref<128x64xf32, #tpu.memory_space<vmem>>, vector<1x16xf32>,
        %get3A_940 = arith.index_cast %add3A_906 : i32 to index
        %get3A_941 = arith.constant 48 : index
        %get3A_942 = tpu.vector_load %arg14[%get3A_940, %get3A_941] {strides = array<i32>} : memref<128x64xf32, #tpu.memory_space<vmem>>, vector<1x16xf32>,
        %get3A_943 = vector.shape_cast %get3A_942 : vector<1x16xf32> to vector<16xf32>
        %mul3A_944 = arith.mulf %get3A_943, %broadcast_in_dim3A_909 : vector<16xf32>
        %swap3A_945 = arith.index_cast %add3A_906 : i32 to index
        %swap3A_946 = arith.constant 48 : index
        %swap3A_947 = tpu.vector_load %arg16[%swap3A_945, %swap3A_946] {strides = array<i32>} : memref<128x64xf32, #tpu.memory_space<vmem>>, vector<1x16xf32>,
        %swap3A_948 = vector.shape_cast %swap3A_947 : vector<1x16xf32> to vector<16xf32>
        %swap3A_949 = vector.shape_cast %mul3A_944 : vector<16xf32> to vector<1x16xf32>
        tpu.vector_store %arg16[%swap3A_945, %swap3A_946], %swap3A_949 {strides = array<i32>} : memref<128x64xf32, #tpu.memory_space<vmem>>, vector<1x16xf32>,
        %swap3A_950 = arith.index_cast %add3A_906 : i32 to index
        %swap3A_951 = arith.constant 0 : index
        %swap3A_952 = tpu.vector_load %arg17[%swap3A_950, %swap3A_951] {strides = array<i32>} : memref<128x16xf32, #tpu.memory_space<vmem>>, vector<1x16xf32>,
        %swap3A_953 = vector.shape_cast %swap3A_952 : vector<1x16xf32> to vector<16xf32>
        %swap3A_954 = vector.shape_cast %broadcast_in_dim3A_909 : vector<16xf32> to vector<1x16xf32>
        tpu.vector_store %arg17[%swap3A_950, %swap3A_951], %swap3A_954 {strides = array<i32>} : memref<128x16xf32, #tpu.memory_space<vmem>>, vector<1x16xf32>,
        %mul3A_955 = arith.constant 16 : i32
        %mul3A_956 = arith.muli %scan3A_326, %mul3A_955 : i32
        %add3A_957 = arith.constant 12 : i32
        %add3A_958 = arith.addi %mul3A_956, %add3A_957 : i32
        %slice3A_959 = vector.extract_strided_slice %get3A_332 {offsets = [12], sizes = [1], strides = [1]} : vector<16xf32> to vector<1xf32>
        %squeeze3A_960 = vector.extract %slice3A_959[0] : f32 from vector<1xf32>
        %broadcast_in_dim3A_961 = vector.broadcast %squeeze3A_960 : f32 to vector<16xf32>
        %get3A_962 = arith.index_cast %add3A_958 : i32 to index
        %get3A_963 = arith.constant 0 : index
        %get3A_964 = tpu.vector_load %arg14[%get3A_962, %get3A_963] {strides = array<i32>} : memref<128x64xf32, #tpu.memory_space<vmem>>, vector<1x16xf32>,
        %get3A_965 = vector.shape_cast %get3A_964 : vector<1x16xf32> to vector<16xf32>
        %mul3A_966 = arith.mulf %get3A_965, %broadcast_in_dim3A_961 : vector<16xf32>
        %swap3A_967 = arith.index_cast %add3A_958 : i32 to index
        %swap3A_968 = arith.constant 0 : index
        %swap3A_969 = tpu.vector_load %arg16[%swap3A_967, %swap3A_968] {strides = array<i32>} : memref<128x64xf32, #tpu.memory_space<vmem>>, vector<1x16xf32>,
        %swap3A_970 = vector.shape_cast %swap3A_969 : vector<1x16xf32> to vector<16xf32>
        %swap3A_971 = vector.shape_cast %mul3A_966 : vector<16xf32> to vector<1x16xf32>
        tpu.vector_store %arg16[%swap3A_967, %swap3A_968], %swap3A_971 {strides = array<i32>} : memref<128x64xf32, #tpu.memory_space<vmem>>, vector<1x16xf32>,
        %get3A_972 = arith.index_cast %add3A_958 : i32 to index
        %get3A_973 = arith.constant 16 : index
        %get3A_974 = tpu.vector_load %arg14[%get3A_972, %get3A_973] {strides = array<i32>} : memref<128x64xf32, #tpu.memory_space<vmem>>, vector<1x16xf32>,
        %get3A_975 = vector.shape_cast %get3A_974 : vector<1x16xf32> to vector<16xf32>
        %mul3A_976 = arith.mulf %get3A_975, %broadcast_in_dim3A_961 : vector<16xf32>
        %swap3A_977 = arith.index_cast %add3A_958 : i32 to index
        %swap3A_978 = arith.constant 16 : index
        %swap3A_979 = tpu.vector_load %arg16[%swap3A_977, %swap3A_978] {strides = array<i32>} : memref<128x64xf32, #tpu.memory_space<vmem>>, vector<1x16xf32>,
        %swap3A_980 = vector.shape_cast %swap3A_979 : vector<1x16xf32> to vector<16xf32>
        %swap3A_981 = vector.shape_cast %mul3A_976 : vector<16xf32> to vector<1x16xf32>
        tpu.vector_store %arg16[%swap3A_977, %swap3A_978], %swap3A_981 {strides = array<i32>} : memref<128x64xf32, #tpu.memory_space<vmem>>, vector<1x16xf32>,
        %get3A_982 = arith.index_cast %add3A_958 : i32 to index
        %get3A_983 = arith.constant 32 : index
        %get3A_984 = tpu.vector_load %arg14[%get3A_982, %get3A_983] {strides = array<i32>} : memref<128x64xf32, #tpu.memory_space<vmem>>, vector<1x16xf32>,
        %get3A_985 = vector.shape_cast %get3A_984 : vector<1x16xf32> to vector<16xf32>
        %mul3A_986 = arith.mulf %get3A_985, %broadcast_in_dim3A_961 : vector<16xf32>
        %swap3A_987 = arith.index_cast %add3A_958 : i32 to index
        %swap3A_988 = arith.constant 32 : index
        %swap3A_989 = tpu.vector_load %arg16[%swap3A_987, %swap3A_988] {strides = array<i32>} : memref<128x64xf32, #tpu.memory_space<vmem>>, vector<1x16xf32>,
        %swap3A_990 = vector.shape_cast %swap3A_989 : vector<1x16xf32> to vector<16xf32>
        %swap3A_991 = vector.shape_cast %mul3A_986 : vector<16xf32> to vector<1x16xf32>
        tpu.vector_store %arg16[%swap3A_987, %swap3A_988], %swap3A_991 {strides = array<i32>} : memref<128x64xf32, #tpu.memory_space<vmem>>, vector<1x16xf32>,
        %get3A_992 = arith.index_cast %add3A_958 : i32 to index
        %get3A_993 = arith.constant 48 : index
        %get3A_994 = tpu.vector_load %arg14[%get3A_992, %get3A_993] {strides = array<i32>} : memref<128x64xf32, #tpu.memory_space<vmem>>, vector<1x16xf32>,
        %get3A_995 = vector.shape_cast %get3A_994 : vector<1x16xf32> to vector<16xf32>
        %mul3A_996 = arith.mulf %get3A_995, %broadcast_in_dim3A_961 : vector<16xf32>
        %swap3A_997 = arith.index_cast %add3A_958 : i32 to index
        %swap3A_998 = arith.constant 48 : index
        %swap3A_999 = tpu.vector_load %arg16[%swap3A_997, %swap3A_998] {strides = array<i32>} : memref<128x64xf32, #tpu.memory_space<vmem>>, vector<1x16xf32>,
        %swap3A_1000 = vector.shape_cast %swap3A_999 : vector<1x16xf32> to vector<16xf32>
        %swap3A_1001 = vector.shape_cast %mul3A_996 : vector<16xf32> to vector<1x16xf32>
        tpu.vector_store %arg16[%swap3A_997, %swap3A_998], %swap3A_1001 {strides = array<i32>} : memref<128x64xf32, #tpu.memory_space<vmem>>, vector<1x16xf32>,
        %swap3A_1002 = arith.index_cast %add3A_958 : i32 to index
        %swap3A_1003 = arith.constant 0 : index
        %swap3A_1004 = tpu.vector_load %arg17[%swap3A_1002, %swap3A_1003] {strides = array<i32>} : memref<128x16xf32, #tpu.memory_space<vmem>>, vector<1x16xf32>,
        %swap3A_1005 = vector.shape_cast %swap3A_1004 : vector<1x16xf32> to vector<16xf32>
        %swap3A_1006 = vector.shape_cast %broadcast_in_dim3A_961 : vector<16xf32> to vector<1x16xf32>
        tpu.vector_store %arg17[%swap3A_1002, %swap3A_1003], %swap3A_1006 {strides = array<i32>} : memref<128x16xf32, #tpu.memory_space<vmem>>, vector<1x16xf32>,
        %mul3A_1007 = arith.constant 16 : i32
        %mul3A_1008 = arith.muli %scan3A_326, %mul3A_1007 : i32
        %add3A_1009 = arith.constant 13 : i32
        %add3A_1010 = arith.addi %mul3A_1008, %add3A_1009 : i32
        %slice3A_1011 = vector.extract_strided_slice %get3A_332 {offsets = [13], sizes = [1], strides = [1]} : vector<16xf32> to vector<1xf32>
        %squeeze3A_1012 = vector.extract %slice3A_1011[0] : f32 from vector<1xf32>
        %broadcast_in_dim3A_1013 = vector.broadcast %squeeze3A_1012 : f32 to vector<16xf32>
        %get3A_1014 = arith.index_cast %add3A_1010 : i32 to index
        %get3A_1015 = arith.constant 0 : index
        %get3A_1016 = tpu.vector_load %arg14[%get3A_1014, %get3A_1015] {strides = array<i32>} : memref<128x64xf32, #tpu.memory_space<vmem>>, vector<1x16xf32>,
        %get3A_1017 = vector.shape_cast %get3A_1016 : vector<1x16xf32> to vector<16xf32>
        %mul3A_1018 = arith.mulf %get3A_1017, %broadcast_in_dim3A_1013 : vector<16xf32>
        %swap3A_1019 = arith.index_cast %add3A_1010 : i32 to index
        %swap3A_1020 = arith.constant 0 : index
        %swap3A_1021 = tpu.vector_load %arg16[%swap3A_1019, %swap3A_1020] {strides = array<i32>} : memref<128x64xf32, #tpu.memory_space<vmem>>, vector<1x16xf32>,
        %swap3A_1022 = vector.shape_cast %swap3A_1021 : vector<1x16xf32> to vector<16xf32>
        %swap3A_1023 = vector.shape_cast %mul3A_1018 : vector<16xf32> to vector<1x16xf32>
        tpu.vector_store %arg16[%swap3A_1019, %swap3A_1020], %swap3A_1023 {strides = array<i32>} : memref<128x64xf32, #tpu.memory_space<vmem>>, vector<1x16xf32>,
        %get3A_1024 = arith.index_cast %add3A_1010 : i32 to index
        %get3A_1025 = arith.constant 16 : index
        %get3A_1026 = tpu.vector_load %arg14[%get3A_1024, %get3A_1025] {strides = array<i32>} : memref<128x64xf32, #tpu.memory_space<vmem>>, vector<1x16xf32>,
        %get3A_1027 = vector.shape_cast %get3A_1026 : vector<1x16xf32> to vector<16xf32>
        %mul3A_1028 = arith.mulf %get3A_1027, %broadcast_in_dim3A_1013 : vector<16xf32>
        %swap3A_1029 = arith.index_cast %add3A_1010 : i32 to index
        %swap3A_1030 = arith.constant 16 : index
        %swap3A_1031 = tpu.vector_load %arg16[%swap3A_1029, %swap3A_1030] {strides = array<i32>} : memref<128x64xf32, #tpu.memory_space<vmem>>, vector<1x16xf32>,
        %swap3A_1032 = vector.shape_cast %swap3A_1031 : vector<1x16xf32> to vector<16xf32>
        %swap3A_1033 = vector.shape_cast %mul3A_1028 : vector<16xf32> to vector<1x16xf32>
        tpu.vector_store %arg16[%swap3A_1029, %swap3A_1030], %swap3A_1033 {strides = array<i32>} : memref<128x64xf32, #tpu.memory_space<vmem>>, vector<1x16xf32>,
        %get3A_1034 = arith.index_cast %add3A_1010 : i32 to index
        %get3A_1035 = arith.constant 32 : index
        %get3A_1036 = tpu.vector_load %arg14[%get3A_1034, %get3A_1035] {strides = array<i32>} : memref<128x64xf32, #tpu.memory_space<vmem>>, vector<1x16xf32>,
        %get3A_1037 = vector.shape_cast %get3A_1036 : vector<1x16xf32> to vector<16xf32>
        %mul3A_1038 = arith.mulf %get3A_1037, %broadcast_in_dim3A_1013 : vector<16xf32>
        %swap3A_1039 = arith.index_cast %add3A_1010 : i32 to index
        %swap3A_1040 = arith.constant 32 : index
        %swap3A_1041 = tpu.vector_load %arg16[%swap3A_1039, %swap3A_1040] {strides = array<i32>} : memref<128x64xf32, #tpu.memory_space<vmem>>, vector<1x16xf32>,
        %swap3A_1042 = vector.shape_cast %swap3A_1041 : vector<1x16xf32> to vector<16xf32>
        %swap3A_1043 = vector.shape_cast %mul3A_1038 : vector<16xf32> to vector<1x16xf32>
        tpu.vector_store %arg16[%swap3A_1039, %swap3A_1040], %swap3A_1043 {strides = array<i32>} : memref<128x64xf32, #tpu.memory_space<vmem>>, vector<1x16xf32>,
        %get3A_1044 = arith.index_cast %add3A_1010 : i32 to index
        %get3A_1045 = arith.constant 48 : index
        %get3A_1046 = tpu.vector_load %arg14[%get3A_1044, %get3A_1045] {strides = array<i32>} : memref<128x64xf32, #tpu.memory_space<vmem>>, vector<1x16xf32>,
        %get3A_1047 = vector.shape_cast %get3A_1046 : vector<1x16xf32> to vector<16xf32>
        %mul3A_1048 = arith.mulf %get3A_1047, %broadcast_in_dim3A_1013 : vector<16xf32>
        %swap3A_1049 = arith.index_cast %add3A_1010 : i32 to index
        %swap3A_1050 = arith.constant 48 : index
        %swap3A_1051 = tpu.vector_load %arg16[%swap3A_1049, %swap3A_1050] {strides = array<i32>} : memref<128x64xf32, #tpu.memory_space<vmem>>, vector<1x16xf32>,
        %swap3A_1052 = vector.shape_cast %swap3A_1051 : vector<1x16xf32> to vector<16xf32>
        %swap3A_1053 = vector.shape_cast %mul3A_1048 : vector<16xf32> to vector<1x16xf32>
        tpu.vector_store %arg16[%swap3A_1049, %swap3A_1050], %swap3A_1053 {strides = array<i32>} : memref<128x64xf32, #tpu.memory_space<vmem>>, vector<1x16xf32>,
        %swap3A_1054 = arith.index_cast %add3A_1010 : i32 to index
        %swap3A_1055 = arith.constant 0 : index
        %swap3A_1056 = tpu.vector_load %arg17[%swap3A_1054, %swap3A_1055] {strides = array<i32>} : memref<128x16xf32, #tpu.memory_space<vmem>>, vector<1x16xf32>,
        %swap3A_1057 = vector.shape_cast %swap3A_1056 : vector<1x16xf32> to vector<16xf32>
        %swap3A_1058 = vector.shape_cast %broadcast_in_dim3A_1013 : vector<16xf32> to vector<1x16xf32>
        tpu.vector_store %arg17[%swap3A_1054, %swap3A_1055], %swap3A_1058 {strides = array<i32>} : memref<128x16xf32, #tpu.memory_space<vmem>>, vector<1x16xf32>,
        %mul3A_1059 = arith.constant 16 : i32
        %mul3A_1060 = arith.muli %scan3A_326, %mul3A_1059 : i32
        %add3A_1061 = arith.constant 14 : i32
        %add3A_1062 = arith.addi %mul3A_1060, %add3A_1061 : i32
        %slice3A_1063 = vector.extract_strided_slice %get3A_332 {offsets = [14], sizes = [1], strides = [1]} : vector<16xf32> to vector<1xf32>
        %squeeze3A_1064 = vector.extract %slice3A_1063[0] : f32 from vector<1xf32>
        %broadcast_in_dim3A_1065 = vector.broadcast %squeeze3A_1064 : f32 to vector<16xf32>
        %get3A_1066 = arith.index_cast %add3A_1062 : i32 to index
        %get3A_1067 = arith.constant 0 : index
        %get3A_1068 = tpu.vector_load %arg14[%get3A_1066, %get3A_1067] {strides = array<i32>} : memref<128x64xf32, #tpu.memory_space<vmem>>, vector<1x16xf32>,
        %get3A_1069 = vector.shape_cast %get3A_1068 : vector<1x16xf32> to vector<16xf32>
        %mul3A_1070 = arith.mulf %get3A_1069, %broadcast_in_dim3A_1065 : vector<16xf32>
        %swap3A_1071 = arith.index_cast %add3A_1062 : i32 to index
        %swap3A_1072 = arith.constant 0 : index
        %swap3A_1073 = tpu.vector_load %arg16[%swap3A_1071, %swap3A_1072] {strides = array<i32>} : memref<128x64xf32, #tpu.memory_space<vmem>>, vector<1x16xf32>,
        %swap3A_1074 = vector.shape_cast %swap3A_1073 : vector<1x16xf32> to vector<16xf32>
        %swap3A_1075 = vector.shape_cast %mul3A_1070 : vector<16xf32> to vector<1x16xf32>
        tpu.vector_store %arg16[%swap3A_1071, %swap3A_1072], %swap3A_1075 {strides = array<i32>} : memref<128x64xf32, #tpu.memory_space<vmem>>, vector<1x16xf32>,
        %get3A_1076 = arith.index_cast %add3A_1062 : i32 to index
        %get3A_1077 = arith.constant 16 : index
        %get3A_1078 = tpu.vector_load %arg14[%get3A_1076, %get3A_1077] {strides = array<i32>} : memref<128x64xf32, #tpu.memory_space<vmem>>, vector<1x16xf32>,
        %get3A_1079 = vector.shape_cast %get3A_1078 : vector<1x16xf32> to vector<16xf32>
        %mul3A_1080 = arith.mulf %get3A_1079, %broadcast_in_dim3A_1065 : vector<16xf32>
        %swap3A_1081 = arith.index_cast %add3A_1062 : i32 to index
        %swap3A_1082 = arith.constant 16 : index
        %swap3A_1083 = tpu.vector_load %arg16[%swap3A_1081, %swap3A_1082] {strides = array<i32>} : memref<128x64xf32, #tpu.memory_space<vmem>>, vector<1x16xf32>,
        %swap3A_1084 = vector.shape_cast %swap3A_1083 : vector<1x16xf32> to vector<16xf32>
        %swap3A_1085 = vector.shape_cast %mul3A_1080 : vector<16xf32> to vector<1x16xf32>
        tpu.vector_store %arg16[%swap3A_1081, %swap3A_1082], %swap3A_1085 {strides = array<i32>} : memref<128x64xf32, #tpu.memory_space<vmem>>, vector<1x16xf32>,
        %get3A_1086 = arith.index_cast %add3A_1062 : i32 to index
        %get3A_1087 = arith.constant 32 : index
        %get3A_1088 = tpu.vector_load %arg14[%get3A_1086, %get3A_1087] {strides = array<i32>} : memref<128x64xf32, #tpu.memory_space<vmem>>, vector<1x16xf32>,
        %get3A_1089 = vector.shape_cast %get3A_1088 : vector<1x16xf32> to vector<16xf32>
        %mul3A_1090 = arith.mulf %get3A_1089, %broadcast_in_dim3A_1065 : vector<16xf32>
        %swap3A_1091 = arith.index_cast %add3A_1062 : i32 to index
        %swap3A_1092 = arith.constant 32 : index
        %swap3A_1093 = tpu.vector_load %arg16[%swap3A_1091, %swap3A_1092] {strides = array<i32>} : memref<128x64xf32, #tpu.memory_space<vmem>>, vector<1x16xf32>,
        %swap3A_1094 = vector.shape_cast %swap3A_1093 : vector<1x16xf32> to vector<16xf32>
        %swap3A_1095 = vector.shape_cast %mul3A_1090 : vector<16xf32> to vector<1x16xf32>
        tpu.vector_store %arg16[%swap3A_1091, %swap3A_1092], %swap3A_1095 {strides = array<i32>} : memref<128x64xf32, #tpu.memory_space<vmem>>, vector<1x16xf32>,
        %get3A_1096 = arith.index_cast %add3A_1062 : i32 to index
        %get3A_1097 = arith.constant 48 : index
        %get3A_1098 = tpu.vector_load %arg14[%get3A_1096, %get3A_1097] {strides = array<i32>} : memref<128x64xf32, #tpu.memory_space<vmem>>, vector<1x16xf32>,
        %get3A_1099 = vector.shape_cast %get3A_1098 : vector<1x16xf32> to vector<16xf32>
        %mul3A_1100 = arith.mulf %get3A_1099, %broadcast_in_dim3A_1065 : vector<16xf32>
        %swap3A_1101 = arith.index_cast %add3A_1062 : i32 to index
        %swap3A_1102 = arith.constant 48 : index
        %swap3A_1103 = tpu.vector_load %arg16[%swap3A_1101, %swap3A_1102] {strides = array<i32>} : memref<128x64xf32, #tpu.memory_space<vmem>>, vector<1x16xf32>,
        %swap3A_1104 = vector.shape_cast %swap3A_1103 : vector<1x16xf32> to vector<16xf32>
        %swap3A_1105 = vector.shape_cast %mul3A_1100 : vector<16xf32> to vector<1x16xf32>
        tpu.vector_store %arg16[%swap3A_1101, %swap3A_1102], %swap3A_1105 {strides = array<i32>} : memref<128x64xf32, #tpu.memory_space<vmem>>, vector<1x16xf32>,
        %swap3A_1106 = arith.index_cast %add3A_1062 : i32 to index
        %swap3A_1107 = arith.constant 0 : index
        %swap3A_1108 = tpu.vector_load %arg17[%swap3A_1106, %swap3A_1107] {strides = array<i32>} : memref<128x16xf32, #tpu.memory_space<vmem>>, vector<1x16xf32>,
        %swap3A_1109 = vector.shape_cast %swap3A_1108 : vector<1x16xf32> to vector<16xf32>
        %swap3A_1110 = vector.shape_cast %broadcast_in_dim3A_1065 : vector<16xf32> to vector<1x16xf32>
        tpu.vector_store %arg17[%swap3A_1106, %swap3A_1107], %swap3A_1110 {strides = array<i32>} : memref<128x16xf32, #tpu.memory_space<vmem>>, vector<1x16xf32>,
        %mul3A_1111 = arith.constant 16 : i32
        %mul3A_1112 = arith.muli %scan3A_326, %mul3A_1111 : i32
        %add3A_1113 = arith.constant 15 : i32
        %add3A_1114 = arith.addi %mul3A_1112, %add3A_1113 : i32
        %slice3A_1115 = vector.extract_strided_slice %get3A_332 {offsets = [15], sizes = [1], strides = [1]} : vector<16xf32> to vector<1xf32>
        %squeeze3A_1116 = vector.extract %slice3A_1115[0] : f32 from vector<1xf32>
        %broadcast_in_dim3A_1117 = vector.broadcast %squeeze3A_1116 : f32 to vector<16xf32>
        %get3A_1118 = arith.index_cast %add3A_1114 : i32 to index
        %get3A_1119 = arith.constant 0 : index
        %get3A_1120 = tpu.vector_load %arg14[%get3A_1118, %get3A_1119] {strides = array<i32>} : memref<128x64xf32, #tpu.memory_space<vmem>>, vector<1x16xf32>,
        %get3A_1121 = vector.shape_cast %get3A_1120 : vector<1x16xf32> to vector<16xf32>
        %mul3A_1122 = arith.mulf %get3A_1121, %broadcast_in_dim3A_1117 : vector<16xf32>
        %swap3A_1123 = arith.index_cast %add3A_1114 : i32 to index
        %swap3A_1124 = arith.constant 0 : index
        %swap3A_1125 = tpu.vector_load %arg16[%swap3A_1123, %swap3A_1124] {strides = array<i32>} : memref<128x64xf32, #tpu.memory_space<vmem>>, vector<1x16xf32>,
        %swap3A_1126 = vector.shape_cast %swap3A_1125 : vector<1x16xf32> to vector<16xf32>
        %swap3A_1127 = vector.shape_cast %mul3A_1122 : vector<16xf32> to vector<1x16xf32>
        tpu.vector_store %arg16[%swap3A_1123, %swap3A_1124], %swap3A_1127 {strides = array<i32>} : memref<128x64xf32, #tpu.memory_space<vmem>>, vector<1x16xf32>,
        %get3A_1128 = arith.index_cast %add3A_1114 : i32 to index
        %get3A_1129 = arith.constant 16 : index
        %get3A_1130 = tpu.vector_load %arg14[%get3A_1128, %get3A_1129] {strides = array<i32>} : memref<128x64xf32, #tpu.memory_space<vmem>>, vector<1x16xf32>,
        %get3A_1131 = vector.shape_cast %get3A_1130 : vector<1x16xf32> to vector<16xf32>
        %mul3A_1132 = arith.mulf %get3A_1131, %broadcast_in_dim3A_1117 : vector<16xf32>
        %swap3A_1133 = arith.index_cast %add3A_1114 : i32 to index
        %swap3A_1134 = arith.constant 16 : index
        %swap3A_1135 = tpu.vector_load %arg16[%swap3A_1133, %swap3A_1134] {strides = array<i32>} : memref<128x64xf32, #tpu.memory_space<vmem>>, vector<1x16xf32>,
        %swap3A_1136 = vector.shape_cast %swap3A_1135 : vector<1x16xf32> to vector<16xf32>
        %swap3A_1137 = vector.shape_cast %mul3A_1132 : vector<16xf32> to vector<1x16xf32>
        tpu.vector_store %arg16[%swap3A_1133, %swap3A_1134], %swap3A_1137 {strides = array<i32>} : memref<128x64xf32, #tpu.memory_space<vmem>>, vector<1x16xf32>,
        %get3A_1138 = arith.index_cast %add3A_1114 : i32 to index
        %get3A_1139 = arith.constant 32 : index
        %get3A_1140 = tpu.vector_load %arg14[%get3A_1138, %get3A_1139] {strides = array<i32>} : memref<128x64xf32, #tpu.memory_space<vmem>>, vector<1x16xf32>,
        %get3A_1141 = vector.shape_cast %get3A_1140 : vector<1x16xf32> to vector<16xf32>
        %mul3A_1142 = arith.mulf %get3A_1141, %broadcast_in_dim3A_1117 : vector<16xf32>
        %swap3A_1143 = arith.index_cast %add3A_1114 : i32 to index
        %swap3A_1144 = arith.constant 32 : index
        %swap3A_1145 = tpu.vector_load %arg16[%swap3A_1143, %swap3A_1144] {strides = array<i32>} : memref<128x64xf32, #tpu.memory_space<vmem>>, vector<1x16xf32>,
        %swap3A_1146 = vector.shape_cast %swap3A_1145 : vector<1x16xf32> to vector<16xf32>
        %swap3A_1147 = vector.shape_cast %mul3A_1142 : vector<16xf32> to vector<1x16xf32>
        tpu.vector_store %arg16[%swap3A_1143, %swap3A_1144], %swap3A_1147 {strides = array<i32>} : memref<128x64xf32, #tpu.memory_space<vmem>>, vector<1x16xf32>,
        %get3A_1148 = arith.index_cast %add3A_1114 : i32 to index
        %get3A_1149 = arith.constant 48 : index
        %get3A_1150 = tpu.vector_load %arg14[%get3A_1148, %get3A_1149] {strides = array<i32>} : memref<128x64xf32, #tpu.memory_space<vmem>>, vector<1x16xf32>,
        %get3A_1151 = vector.shape_cast %get3A_1150 : vector<1x16xf32> to vector<16xf32>
        %mul3A_1152 = arith.mulf %get3A_1151, %broadcast_in_dim3A_1117 : vector<16xf32>
        %swap3A_1153 = arith.index_cast %add3A_1114 : i32 to index
        %swap3A_1154 = arith.constant 48 : index
        %swap3A_1155 = tpu.vector_load %arg16[%swap3A_1153, %swap3A_1154] {strides = array<i32>} : memref<128x64xf32, #tpu.memory_space<vmem>>, vector<1x16xf32>,
        %swap3A_1156 = vector.shape_cast %swap3A_1155 : vector<1x16xf32> to vector<16xf32>
        %swap3A_1157 = vector.shape_cast %mul3A_1152 : vector<16xf32> to vector<1x16xf32>
        tpu.vector_store %arg16[%swap3A_1153, %swap3A_1154], %swap3A_1157 {strides = array<i32>} : memref<128x64xf32, #tpu.memory_space<vmem>>, vector<1x16xf32>,
        %swap3A_1158 = arith.index_cast %add3A_1114 : i32 to index
        %swap3A_1159 = arith.constant 0 : index
        %swap3A_1160 = tpu.vector_load %arg17[%swap3A_1158, %swap3A_1159] {strides = array<i32>} : memref<128x16xf32, #tpu.memory_space<vmem>>, vector<1x16xf32>,
        %swap3A_1161 = vector.shape_cast %swap3A_1160 : vector<1x16xf32> to vector<16xf32>
        %swap3A_1162 = vector.shape_cast %broadcast_in_dim3A_1117 : vector<16xf32> to vector<1x16xf32>
        tpu.vector_store %arg17[%swap3A_1158, %swap3A_1159], %swap3A_1162 {strides = array<i32>} : memref<128x16xf32, #tpu.memory_space<vmem>>, vector<1x16xf32>,
        %scan3A_1163 = arith.constant 0 : i32
        scf.yield %scan3A_1163 : i32
      }
      %scan3A_237 = arith.constant 8 : i32
      "tpu.region"() ({
        %run_scoped3A = tpu.sem_alloc : memref<!tpu.dma_semaphore, #tpu.memory_space<semaphore_mem>>
        %dma_start3A_326 = arith.constant 0 : i32
        %dma_start3A_327 = arith.constant 0 : i32
        %dma_start3A_328 = tpu.memref_slice %arg19[%dma_start3A_326, %dma_start3A_327] : memref<10240x64xf32, #tpu.memory_space<vmem_shared>> -> memref<10240x64xf32, #tpu.memory_space<vmem_shared>>
        tpu.enqueue_indirect_dma source(%arg16 : memref<128x64xf32, #tpu.memory_space<vmem>>) target(%dma_start3A_328 : memref<10240x64xf32, #tpu.memory_space<vmem_shared>>) offsets(%arg9 : memref<128xi32, #tpu.memory_space<vmem>>) semaphore(%run_scoped3A : memref<!tpu.dma_semaphore, #tpu.memory_space<semaphore_mem>>) {add = true}
        %dma_wait3A_329 = arith.constant 0 : i32
        %dma_wait3A_330 = arith.constant 0 : i32
        %dma_wait3A_331 = tpu.memref_slice %arg19[%dma_wait3A_329, %dma_wait3A_330] : memref<10240x64xf32, #tpu.memory_space<vmem_shared>> -> memref<10240x64xf32, #tpu.memory_space<vmem_shared>>
        tpu.wait_indirect_dma semaphore(%run_scoped3A : memref<!tpu.dma_semaphore, #tpu.memory_space<semaphore_mem>>) src(%arg16 : memref<128x64xf32, #tpu.memory_space<vmem>>) dst(%dma_wait3A_331 : memref<10240x64xf32, #tpu.memory_space<vmem_shared>>)
        tpu.yield
      }) : () -> ()
      "tpu.region"() ({
        %run_scoped3A = tpu.sem_alloc : memref<!tpu.dma_semaphore, #tpu.memory_space<semaphore_mem>>
        %dma_start3A_326 = arith.constant 0 : i32
        %dma_start3A_327 = arith.constant 0 : i32
        %dma_start3A_328 = tpu.memref_slice %arg20[%dma_start3A_326, %dma_start3A_327] : memref<10240x16xf32, #tpu.memory_space<vmem_shared>> -> memref<10240x16xf32, #tpu.memory_space<vmem_shared>>
        tpu.enqueue_indirect_dma source(%arg17 : memref<128x16xf32, #tpu.memory_space<vmem>>) target(%dma_start3A_328 : memref<10240x16xf32, #tpu.memory_space<vmem_shared>>) offsets(%arg9 : memref<128xi32, #tpu.memory_space<vmem>>) semaphore(%run_scoped3A : memref<!tpu.dma_semaphore, #tpu.memory_space<semaphore_mem>>) {add = true}
        %dma_wait3A_329 = arith.constant 0 : i32
        %dma_wait3A_330 = arith.constant 0 : i32
        %dma_wait3A_331 = tpu.memref_slice %arg20[%dma_wait3A_329, %dma_wait3A_330] : memref<10240x16xf32, #tpu.memory_space<vmem_shared>> -> memref<10240x16xf32, #tpu.memory_space<vmem_shared>>
        tpu.wait_indirect_dma semaphore(%run_scoped3A : memref<!tpu.dma_semaphore, #tpu.memory_space<semaphore_mem>>) src(%arg17 : memref<128x16xf32, #tpu.memory_space<vmem>>) dst(%dma_wait3A_331 : memref<10240x16xf32, #tpu.memory_space<vmem_shared>>)
        tpu.yield
      }) : () -> ()
      %add3A_238 = arith.constant 2 : i32
      %add3A_239 = arith.addi %mul3A_150, %add3A_238 : i32
      %mul3A_240 = arith.constant 20096 : i32
      %mul3A_241 = arith.muli %arg1, %mul3A_240 : i32
      %mul3A_242 = arith.constant 128 : i32
      %mul3A_243 = arith.muli %add3A_239, %mul3A_242 : i32
      %add3A_244 = arith.addi %mul3A_241, %mul3A_243 : i32
      "tpu.region"() ({
        %run_scoped3A = tpu.sem_alloc : memref<!tpu.dma_semaphore, #tpu.memory_space<semaphore_mem>>
        %dma_start3A_326 = tpu.memref_slice %arg3[%add3A_244] : memref<321536xi32, #tpu.memory_space<hbm>> -> memref<128xi32, #tpu.memory_space<hbm>>
        %dma_start3A_327 = tpu.memref_slice %arg3[%add3A_244] : memref<321536xi32, #tpu.memory_space<hbm>> -> memref<128xi32, #tpu.memory_space<hbm>>
        tpu.enqueue_dma source(%dma_start3A_327 : memref<128xi32, #tpu.memory_space<hbm>>) target(%arg8 : memref<128xi32, #tpu.memory_space<vmem>>) target_semaphore(%run_scoped3A : memref<!tpu.dma_semaphore, #tpu.memory_space<semaphore_mem>>)
        %dma_wait3A_328 = tpu.memref_slice %arg3[%add3A_244] : memref<321536xi32, #tpu.memory_space<hbm>> -> memref<128xi32, #tpu.memory_space<hbm>>
        %dma_wait3A_329 = tpu.memref_slice %arg3[%add3A_244] : memref<321536xi32, #tpu.memory_space<hbm>> -> memref<128xi32, #tpu.memory_space<hbm>>
        tpu.wait_dma2 semaphore(%run_scoped3A : memref<!tpu.dma_semaphore, #tpu.memory_space<semaphore_mem>>) src(%dma_wait3A_329 : memref<128xi32, #tpu.memory_space<hbm>>) dst(%arg8 : memref<128xi32, #tpu.memory_space<vmem>>)
        tpu.yield
      }) : () -> ()
      "tpu.region"() ({
        %run_scoped3A = tpu.sem_alloc : memref<!tpu.dma_semaphore, #tpu.memory_space<semaphore_mem>>
        %dma_start3A_326 = tpu.memref_slice %arg4[%add3A_244] : memref<321536xi32, #tpu.memory_space<hbm>> -> memref<128xi32, #tpu.memory_space<hbm>>
        %dma_start3A_327 = tpu.memref_slice %arg4[%add3A_244] : memref<321536xi32, #tpu.memory_space<hbm>> -> memref<128xi32, #tpu.memory_space<hbm>>
        tpu.enqueue_dma source(%dma_start3A_327 : memref<128xi32, #tpu.memory_space<hbm>>) target(%arg9 : memref<128xi32, #tpu.memory_space<vmem>>) target_semaphore(%run_scoped3A : memref<!tpu.dma_semaphore, #tpu.memory_space<semaphore_mem>>)
        %dma_wait3A_328 = tpu.memref_slice %arg4[%add3A_244] : memref<321536xi32, #tpu.memory_space<hbm>> -> memref<128xi32, #tpu.memory_space<hbm>>
        %dma_wait3A_329 = tpu.memref_slice %arg4[%add3A_244] : memref<321536xi32, #tpu.memory_space<hbm>> -> memref<128xi32, #tpu.memory_space<hbm>>
        tpu.wait_dma2 semaphore(%run_scoped3A : memref<!tpu.dma_semaphore, #tpu.memory_space<semaphore_mem>>) src(%dma_wait3A_329 : memref<128xi32, #tpu.memory_space<hbm>>) dst(%arg9 : memref<128xi32, #tpu.memory_space<vmem>>)
        tpu.yield
      }) : () -> ()
      "tpu.region"() ({
        %run_scoped3A = tpu.sem_alloc : memref<!tpu.dma_semaphore, #tpu.memory_space<semaphore_mem>>
        %dma_start3A_326 = tpu.memref_slice %arg5[%add3A_244] : memref<321536xf32, #tpu.memory_space<hbm>> -> memref<128xf32, #tpu.memory_space<hbm>>
        %dma_start3A_327 = tpu.memref_slice %arg5[%add3A_244] : memref<321536xf32, #tpu.memory_space<hbm>> -> memref<128xf32, #tpu.memory_space<hbm>>
        tpu.enqueue_dma source(%dma_start3A_327 : memref<128xf32, #tpu.memory_space<hbm>>) target(%arg10 : memref<128xf32, #tpu.memory_space<vmem>>) target_semaphore(%run_scoped3A : memref<!tpu.dma_semaphore, #tpu.memory_space<semaphore_mem>>)
        %dma_wait3A_328 = tpu.memref_slice %arg5[%add3A_244] : memref<321536xf32, #tpu.memory_space<hbm>> -> memref<128xf32, #tpu.memory_space<hbm>>
        %dma_wait3A_329 = tpu.memref_slice %arg5[%add3A_244] : memref<321536xf32, #tpu.memory_space<hbm>> -> memref<128xf32, #tpu.memory_space<hbm>>
        tpu.wait_dma2 semaphore(%run_scoped3A : memref<!tpu.dma_semaphore, #tpu.memory_space<semaphore_mem>>) src(%dma_wait3A_329 : memref<128xf32, #tpu.memory_space<hbm>>) dst(%arg10 : memref<128xf32, #tpu.memory_space<vmem>>)
        tpu.yield
      }) : () -> ()
      %get3A_245 = arith.constant 0 : index
      %get3A_246 = tpu.vector_load %arg8[%get3A_245] {strides = array<i32>} : memref<128xi32, #tpu.memory_space<vmem>>, vector<16xi32>,
      %get3A_247 = vector.shape_cast %get3A_246 : vector<16xi32> to vector<16xi32>
      %add3A_248 = arith.addi %get3A_247, %broadcast_in_dim3A : vector<16xi32>
      %swap3A_249 = arith.constant 0 : index
      %swap3A_250 = tpu.vector_load %arg8[%swap3A_249] {strides = array<i32>} : memref<128xi32, #tpu.memory_space<vmem>>, vector<16xi32>,
      %swap3A_251 = vector.shape_cast %swap3A_250 : vector<16xi32> to vector<16xi32>
      %swap3A_252 = vector.shape_cast %add3A_248 : vector<16xi32> to vector<16xi32>
      tpu.vector_store %arg8[%swap3A_249], %swap3A_252 {strides = array<i32>} : memref<128xi32, #tpu.memory_space<vmem>>, vector<16xi32>,
      %get3A_253 = arith.constant 16 : index
      %get3A_254 = tpu.vector_load %arg8[%get3A_253] {strides = array<i32>} : memref<128xi32, #tpu.memory_space<vmem>>, vector<16xi32>,
      %get3A_255 = vector.shape_cast %get3A_254 : vector<16xi32> to vector<16xi32>
      %add3A_256 = arith.addi %get3A_255, %broadcast_in_dim3A : vector<16xi32>
      %swap3A_257 = arith.constant 16 : index
      %swap3A_258 = tpu.vector_load %arg8[%swap3A_257] {strides = array<i32>} : memref<128xi32, #tpu.memory_space<vmem>>, vector<16xi32>,
      %swap3A_259 = vector.shape_cast %swap3A_258 : vector<16xi32> to vector<16xi32>
      %swap3A_260 = vector.shape_cast %add3A_256 : vector<16xi32> to vector<16xi32>
      tpu.vector_store %arg8[%swap3A_257], %swap3A_260 {strides = array<i32>} : memref<128xi32, #tpu.memory_space<vmem>>, vector<16xi32>,
      %get3A_261 = arith.constant 32 : index
      %get3A_262 = tpu.vector_load %arg8[%get3A_261] {strides = array<i32>} : memref<128xi32, #tpu.memory_space<vmem>>, vector<16xi32>,
      %get3A_263 = vector.shape_cast %get3A_262 : vector<16xi32> to vector<16xi32>
      %add3A_264 = arith.addi %get3A_263, %broadcast_in_dim3A : vector<16xi32>
      %swap3A_265 = arith.constant 32 : index
      %swap3A_266 = tpu.vector_load %arg8[%swap3A_265] {strides = array<i32>} : memref<128xi32, #tpu.memory_space<vmem>>, vector<16xi32>,
      %swap3A_267 = vector.shape_cast %swap3A_266 : vector<16xi32> to vector<16xi32>
      %swap3A_268 = vector.shape_cast %add3A_264 : vector<16xi32> to vector<16xi32>
      tpu.vector_store %arg8[%swap3A_265], %swap3A_268 {strides = array<i32>} : memref<128xi32, #tpu.memory_space<vmem>>, vector<16xi32>,
      %get3A_269 = arith.constant 48 : index
      %get3A_270 = tpu.vector_load %arg8[%get3A_269] {strides = array<i32>} : memref<128xi32, #tpu.memory_space<vmem>>, vector<16xi32>,
      %get3A_271 = vector.shape_cast %get3A_270 : vector<16xi32> to vector<16xi32>
      %add3A_272 = arith.addi %get3A_271, %broadcast_in_dim3A : vector<16xi32>
      %swap3A_273 = arith.constant 48 : index
      %swap3A_274 = tpu.vector_load %arg8[%swap3A_273] {strides = array<i32>} : memref<128xi32, #tpu.memory_space<vmem>>, vector<16xi32>,
      %swap3A_275 = vector.shape_cast %swap3A_274 : vector<16xi32> to vector<16xi32>
      %swap3A_276 = vector.shape_cast %add3A_272 : vector<16xi32> to vector<16xi32>
      tpu.vector_store %arg8[%swap3A_273], %swap3A_276 {strides = array<i32>} : memref<128xi32, #tpu.memory_space<vmem>>, vector<16xi32>,
      %get3A_277 = arith.constant 64 : index
      %get3A_278 = tpu.vector_load %arg8[%get3A_277] {strides = array<i32>} : memref<128xi32, #tpu.memory_space<vmem>>, vector<16xi32>,
      %get3A_279 = vector.shape_cast %get3A_278 : vector<16xi32> to vector<16xi32>
      %add3A_280 = arith.addi %get3A_279, %broadcast_in_dim3A : vector<16xi32>
      %swap3A_281 = arith.constant 64 : index
      %swap3A_282 = tpu.vector_load %arg8[%swap3A_281] {strides = array<i32>} : memref<128xi32, #tpu.memory_space<vmem>>, vector<16xi32>,
      %swap3A_283 = vector.shape_cast %swap3A_282 : vector<16xi32> to vector<16xi32>
      %swap3A_284 = vector.shape_cast %add3A_280 : vector<16xi32> to vector<16xi32>
      tpu.vector_store %arg8[%swap3A_281], %swap3A_284 {strides = array<i32>} : memref<128xi32, #tpu.memory_space<vmem>>, vector<16xi32>,
      %get3A_285 = arith.constant 80 : index
      %get3A_286 = tpu.vector_load %arg8[%get3A_285] {strides = array<i32>} : memref<128xi32, #tpu.memory_space<vmem>>, vector<16xi32>,
      %get3A_287 = vector.shape_cast %get3A_286 : vector<16xi32> to vector<16xi32>
      %add3A_288 = arith.addi %get3A_287, %broadcast_in_dim3A : vector<16xi32>
      %swap3A_289 = arith.constant 80 : index
      %swap3A_290 = tpu.vector_load %arg8[%swap3A_289] {strides = array<i32>} : memref<128xi32, #tpu.memory_space<vmem>>, vector<16xi32>,
      %swap3A_291 = vector.shape_cast %swap3A_290 : vector<16xi32> to vector<16xi32>
      %swap3A_292 = vector.shape_cast %add3A_288 : vector<16xi32> to vector<16xi32>
      tpu.vector_store %arg8[%swap3A_289], %swap3A_292 {strides = array<i32>} : memref<128xi32, #tpu.memory_space<vmem>>, vector<16xi32>,
      %get3A_293 = arith.constant 96 : index
      %get3A_294 = tpu.vector_load %arg8[%get3A_293] {strides = array<i32>} : memref<128xi32, #tpu.memory_space<vmem>>, vector<16xi32>,
      %get3A_295 = vector.shape_cast %get3A_294 : vector<16xi32> to vector<16xi32>
      %add3A_296 = arith.addi %get3A_295, %broadcast_in_dim3A : vector<16xi32>
      %swap3A_297 = arith.constant 96 : index
      %swap3A_298 = tpu.vector_load %arg8[%swap3A_297] {strides = array<i32>} : memref<128xi32, #tpu.memory_space<vmem>>, vector<16xi32>,
      %swap3A_299 = vector.shape_cast %swap3A_298 : vector<16xi32> to vector<16xi32>
      %swap3A_300 = vector.shape_cast %add3A_296 : vector<16xi32> to vector<16xi32>
      tpu.vector_store %arg8[%swap3A_297], %swap3A_300 {strides = array<i32>} : memref<128xi32, #tpu.memory_space<vmem>>, vector<16xi32>,
      %get3A_301 = arith.constant 112 : index
      %get3A_302 = tpu.vector_load %arg8[%get3A_301] {strides = array<i32>} : memref<128xi32, #tpu.memory_space<vmem>>, vector<16xi32>,
      %get3A_303 = vector.shape_cast %get3A_302 : vector<16xi32> to vector<16xi32>
      %add3A_304 = arith.addi %get3A_303, %broadcast_in_dim3A : vector<16xi32>
      %swap3A_305 = arith.constant 112 : index
      %swap3A_306 = tpu.vector_load %arg8[%swap3A_305] {strides = array<i32>} : memref<128xi32, #tpu.memory_space<vmem>>, vector<16xi32>,
      %swap3A_307 = vector.shape_cast %swap3A_306 : vector<16xi32> to vector<16xi32>
      %swap3A_308 = vector.shape_cast %add3A_304 : vector<16xi32> to vector<16xi32>
      tpu.vector_store %arg8[%swap3A_305], %swap3A_308 {strides = array<i32>} : memref<128xi32, #tpu.memory_space<vmem>>, vector<16xi32>,
      %dma_start3A_309 = arith.constant 0 : i32
      %dma_start3A_310 = arith.constant 0 : i32
      %dma_start3A_311 = tpu.memref_slice %arg2[%dma_start3A_309, %dma_start3A_310] : memref<20480x64xf32, #tpu.memory_space<hbm>> -> memref<20480x64xf32, #tpu.memory_space<hbm>>
      tpu.enqueue_indirect_dma source(%dma_start3A_311 : memref<20480x64xf32, #tpu.memory_space<hbm>>) target(%arg14 : memref<128x64xf32, #tpu.memory_space<vmem>>) offsets(%arg8 : memref<128xi32, #tpu.memory_space<vmem>>) semaphore(%arg21 : memref<!tpu.dma_semaphore, #tpu.memory_space<semaphore_mem>>)
      %dma_wait3A_312 = arith.constant 0 : i32
      %dma_wait3A_313 = arith.constant 0 : i32
      %dma_wait3A_314 = tpu.memref_slice %arg2[%dma_wait3A_312, %dma_wait3A_313] : memref<20480x64xf32, #tpu.memory_space<hbm>> -> memref<128x64xf32, #tpu.memory_space<hbm>>
      %dma_wait3A_315 = arith.constant 0 : i32
      %dma_wait3A_316 = arith.constant 0 : i32
      %dma_wait3A_317 = tpu.memref_slice %arg2[%dma_wait3A_315, %dma_wait3A_316] : memref<20480x64xf32, #tpu.memory_space<hbm>> -> memref<128x64xf32, #tpu.memory_space<hbm>>
      tpu.wait_dma2 semaphore(%arg22 : memref<!tpu.dma_semaphore, #tpu.memory_space<semaphore_mem>>) src(%dma_wait3A_317 : memref<128x64xf32, #tpu.memory_space<hbm>>) dst(%arg15 : memref<128x64xf32, #tpu.memory_space<vmem>>)
      %scan3A_318 = arith.constant 0 : i32
      %scan3A_319 = arith.constant 0 : i32
      %scan3A_320 = arith.constant 8 : i32
      %scan3A_321 = arith.addi %scan3A_319, %scan3A_320 : i32
      %scan3A_322 = arith.constant 1 : i32
      %scan3A_323 = scf.for %scan3A_326 = %scan3A_319 to %scan3A_321 step %scan3A_322 iter_args(%scan3A_327 = %scan3A_318) -> (i32)  : i32 {
        %mul3A_328 = arith.constant 16 : i32
        %mul3A_329 = arith.muli %scan3A_326, %mul3A_328 : i32
        %get3A_330 = arith.index_cast %mul3A_329 : i32 to index
        %get3A_331 = tpu.vector_load %arg13[%get3A_330] {strides = array<i32>} : memref<128xf32, #tpu.memory_space<vmem>>, vector<16xf32>,
        %get3A_332 = vector.shape_cast %get3A_331 : vector<16xf32> to vector<16xf32>
        %mul3A_333 = arith.constant 16 : i32
        %mul3A_334 = arith.muli %scan3A_326, %mul3A_333 : i32
        %add3A_335 = arith.constant 0 : i32
        %add3A_336 = arith.addi %mul3A_334, %add3A_335 : i32
        %slice3A = vector.extract_strided_slice %get3A_332 {offsets = [0], sizes = [1], strides = [1]} : vector<16xf32> to vector<1xf32>
        %squeeze3A = vector.extract %slice3A[0] : f32 from vector<1xf32>
        %broadcast_in_dim3A_337 = vector.broadcast %squeeze3A : f32 to vector<16xf32>
        %get3A_338 = arith.index_cast %add3A_336 : i32 to index
        %get3A_339 = arith.constant 0 : index
        %get3A_340 = tpu.vector_load %arg15[%get3A_338, %get3A_339] {strides = array<i32>} : memref<128x64xf32, #tpu.memory_space<vmem>>, vector<1x16xf32>,
        %get3A_341 = vector.shape_cast %get3A_340 : vector<1x16xf32> to vector<16xf32>
        %mul3A_342 = arith.mulf %get3A_341, %broadcast_in_dim3A_337 : vector<16xf32>
        %swap3A_343 = arith.index_cast %add3A_336 : i32 to index
        %swap3A_344 = arith.constant 0 : index
        %swap3A_345 = tpu.vector_load %arg16[%swap3A_343, %swap3A_344] {strides = array<i32>} : memref<128x64xf32, #tpu.memory_space<vmem>>, vector<1x16xf32>,
        %swap3A_346 = vector.shape_cast %swap3A_345 : vector<1x16xf32> to vector<16xf32>
        %swap3A_347 = vector.shape_cast %mul3A_342 : vector<16xf32> to vector<1x16xf32>
        tpu.vector_store %arg16[%swap3A_343, %swap3A_344], %swap3A_347 {strides = array<i32>} : memref<128x64xf32, #tpu.memory_space<vmem>>, vector<1x16xf32>,
        %get3A_348 = arith.index_cast %add3A_336 : i32 to index
        %get3A_349 = arith.constant 16 : index
        %get3A_350 = tpu.vector_load %arg15[%get3A_348, %get3A_349] {strides = array<i32>} : memref<128x64xf32, #tpu.memory_space<vmem>>, vector<1x16xf32>,
        %get3A_351 = vector.shape_cast %get3A_350 : vector<1x16xf32> to vector<16xf32>
        %mul3A_352 = arith.mulf %get3A_351, %broadcast_in_dim3A_337 : vector<16xf32>
        %swap3A_353 = arith.index_cast %add3A_336 : i32 to index
        %swap3A_354 = arith.constant 16 : index
        %swap3A_355 = tpu.vector_load %arg16[%swap3A_353, %swap3A_354] {strides = array<i32>} : memref<128x64xf32, #tpu.memory_space<vmem>>, vector<1x16xf32>,
        %swap3A_356 = vector.shape_cast %swap3A_355 : vector<1x16xf32> to vector<16xf32>
        %swap3A_357 = vector.shape_cast %mul3A_352 : vector<16xf32> to vector<1x16xf32>
        tpu.vector_store %arg16[%swap3A_353, %swap3A_354], %swap3A_357 {strides = array<i32>} : memref<128x64xf32, #tpu.memory_space<vmem>>, vector<1x16xf32>,
        %get3A_358 = arith.index_cast %add3A_336 : i32 to index
        %get3A_359 = arith.constant 32 : index
        %get3A_360 = tpu.vector_load %arg15[%get3A_358, %get3A_359] {strides = array<i32>} : memref<128x64xf32, #tpu.memory_space<vmem>>, vector<1x16xf32>,
        %get3A_361 = vector.shape_cast %get3A_360 : vector<1x16xf32> to vector<16xf32>
        %mul3A_362 = arith.mulf %get3A_361, %broadcast_in_dim3A_337 : vector<16xf32>
        %swap3A_363 = arith.index_cast %add3A_336 : i32 to index
        %swap3A_364 = arith.constant 32 : index
        %swap3A_365 = tpu.vector_load %arg16[%swap3A_363, %swap3A_364] {strides = array<i32>} : memref<128x64xf32, #tpu.memory_space<vmem>>, vector<1x16xf32>,
        %swap3A_366 = vector.shape_cast %swap3A_365 : vector<1x16xf32> to vector<16xf32>
        %swap3A_367 = vector.shape_cast %mul3A_362 : vector<16xf32> to vector<1x16xf32>
        tpu.vector_store %arg16[%swap3A_363, %swap3A_364], %swap3A_367 {strides = array<i32>} : memref<128x64xf32, #tpu.memory_space<vmem>>, vector<1x16xf32>,
        %get3A_368 = arith.index_cast %add3A_336 : i32 to index
        %get3A_369 = arith.constant 48 : index
        %get3A_370 = tpu.vector_load %arg15[%get3A_368, %get3A_369] {strides = array<i32>} : memref<128x64xf32, #tpu.memory_space<vmem>>, vector<1x16xf32>,
        %get3A_371 = vector.shape_cast %get3A_370 : vector<1x16xf32> to vector<16xf32>
        %mul3A_372 = arith.mulf %get3A_371, %broadcast_in_dim3A_337 : vector<16xf32>
        %swap3A_373 = arith.index_cast %add3A_336 : i32 to index
        %swap3A_374 = arith.constant 48 : index
        %swap3A_375 = tpu.vector_load %arg16[%swap3A_373, %swap3A_374] {strides = array<i32>} : memref<128x64xf32, #tpu.memory_space<vmem>>, vector<1x16xf32>,
        %swap3A_376 = vector.shape_cast %swap3A_375 : vector<1x16xf32> to vector<16xf32>
        %swap3A_377 = vector.shape_cast %mul3A_372 : vector<16xf32> to vector<1x16xf32>
        tpu.vector_store %arg16[%swap3A_373, %swap3A_374], %swap3A_377 {strides = array<i32>} : memref<128x64xf32, #tpu.memory_space<vmem>>, vector<1x16xf32>,
        %swap3A_378 = arith.index_cast %add3A_336 : i32 to index
        %swap3A_379 = arith.constant 0 : index
        %swap3A_380 = tpu.vector_load %arg17[%swap3A_378, %swap3A_379] {strides = array<i32>} : memref<128x16xf32, #tpu.memory_space<vmem>>, vector<1x16xf32>,
        %swap3A_381 = vector.shape_cast %swap3A_380 : vector<1x16xf32> to vector<16xf32>
        %swap3A_382 = vector.shape_cast %broadcast_in_dim3A_337 : vector<16xf32> to vector<1x16xf32>
        tpu.vector_store %arg17[%swap3A_378, %swap3A_379], %swap3A_382 {strides = array<i32>} : memref<128x16xf32, #tpu.memory_space<vmem>>, vector<1x16xf32>,
        %mul3A_383 = arith.constant 16 : i32
        %mul3A_384 = arith.muli %scan3A_326, %mul3A_383 : i32
        %add3A_385 = arith.constant 1 : i32
        %add3A_386 = arith.addi %mul3A_384, %add3A_385 : i32
        %slice3A_387 = vector.extract_strided_slice %get3A_332 {offsets = [1], sizes = [1], strides = [1]} : vector<16xf32> to vector<1xf32>
        %squeeze3A_388 = vector.extract %slice3A_387[0] : f32 from vector<1xf32>
        %broadcast_in_dim3A_389 = vector.broadcast %squeeze3A_388 : f32 to vector<16xf32>
        %get3A_390 = arith.index_cast %add3A_386 : i32 to index
        %get3A_391 = arith.constant 0 : index
        %get3A_392 = tpu.vector_load %arg15[%get3A_390, %get3A_391] {strides = array<i32>} : memref<128x64xf32, #tpu.memory_space<vmem>>, vector<1x16xf32>,
        %get3A_393 = vector.shape_cast %get3A_392 : vector<1x16xf32> to vector<16xf32>
        %mul3A_394 = arith.mulf %get3A_393, %broadcast_in_dim3A_389 : vector<16xf32>
        %swap3A_395 = arith.index_cast %add3A_386 : i32 to index
        %swap3A_396 = arith.constant 0 : index
        %swap3A_397 = tpu.vector_load %arg16[%swap3A_395, %swap3A_396] {strides = array<i32>} : memref<128x64xf32, #tpu.memory_space<vmem>>, vector<1x16xf32>,
        %swap3A_398 = vector.shape_cast %swap3A_397 : vector<1x16xf32> to vector<16xf32>
        %swap3A_399 = vector.shape_cast %mul3A_394 : vector<16xf32> to vector<1x16xf32>
        tpu.vector_store %arg16[%swap3A_395, %swap3A_396], %swap3A_399 {strides = array<i32>} : memref<128x64xf32, #tpu.memory_space<vmem>>, vector<1x16xf32>,
        %get3A_400 = arith.index_cast %add3A_386 : i32 to index
        %get3A_401 = arith.constant 16 : index
        %get3A_402 = tpu.vector_load %arg15[%get3A_400, %get3A_401] {strides = array<i32>} : memref<128x64xf32, #tpu.memory_space<vmem>>, vector<1x16xf32>,
        %get3A_403 = vector.shape_cast %get3A_402 : vector<1x16xf32> to vector<16xf32>
        %mul3A_404 = arith.mulf %get3A_403, %broadcast_in_dim3A_389 : vector<16xf32>
        %swap3A_405 = arith.index_cast %add3A_386 : i32 to index
        %swap3A_406 = arith.constant 16 : index
        %swap3A_407 = tpu.vector_load %arg16[%swap3A_405, %swap3A_406] {strides = array<i32>} : memref<128x64xf32, #tpu.memory_space<vmem>>, vector<1x16xf32>,
        %swap3A_408 = vector.shape_cast %swap3A_407 : vector<1x16xf32> to vector<16xf32>
        %swap3A_409 = vector.shape_cast %mul3A_404 : vector<16xf32> to vector<1x16xf32>
        tpu.vector_store %arg16[%swap3A_405, %swap3A_406], %swap3A_409 {strides = array<i32>} : memref<128x64xf32, #tpu.memory_space<vmem>>, vector<1x16xf32>,
        %get3A_410 = arith.index_cast %add3A_386 : i32 to index
        %get3A_411 = arith.constant 32 : index
        %get3A_412 = tpu.vector_load %arg15[%get3A_410, %get3A_411] {strides = array<i32>} : memref<128x64xf32, #tpu.memory_space<vmem>>, vector<1x16xf32>,
        %get3A_413 = vector.shape_cast %get3A_412 : vector<1x16xf32> to vector<16xf32>
        %mul3A_414 = arith.mulf %get3A_413, %broadcast_in_dim3A_389 : vector<16xf32>
        %swap3A_415 = arith.index_cast %add3A_386 : i32 to index
        %swap3A_416 = arith.constant 32 : index
        %swap3A_417 = tpu.vector_load %arg16[%swap3A_415, %swap3A_416] {strides = array<i32>} : memref<128x64xf32, #tpu.memory_space<vmem>>, vector<1x16xf32>,
        %swap3A_418 = vector.shape_cast %swap3A_417 : vector<1x16xf32> to vector<16xf32>
        %swap3A_419 = vector.shape_cast %mul3A_414 : vector<16xf32> to vector<1x16xf32>
        tpu.vector_store %arg16[%swap3A_415, %swap3A_416], %swap3A_419 {strides = array<i32>} : memref<128x64xf32, #tpu.memory_space<vmem>>, vector<1x16xf32>,
        %get3A_420 = arith.index_cast %add3A_386 : i32 to index
        %get3A_421 = arith.constant 48 : index
        %get3A_422 = tpu.vector_load %arg15[%get3A_420, %get3A_421] {strides = array<i32>} : memref<128x64xf32, #tpu.memory_space<vmem>>, vector<1x16xf32>,
        %get3A_423 = vector.shape_cast %get3A_422 : vector<1x16xf32> to vector<16xf32>
        %mul3A_424 = arith.mulf %get3A_423, %broadcast_in_dim3A_389 : vector<16xf32>
        %swap3A_425 = arith.index_cast %add3A_386 : i32 to index
        %swap3A_426 = arith.constant 48 : index
        %swap3A_427 = tpu.vector_load %arg16[%swap3A_425, %swap3A_426] {strides = array<i32>} : memref<128x64xf32, #tpu.memory_space<vmem>>, vector<1x16xf32>,
        %swap3A_428 = vector.shape_cast %swap3A_427 : vector<1x16xf32> to vector<16xf32>
        %swap3A_429 = vector.shape_cast %mul3A_424 : vector<16xf32> to vector<1x16xf32>
        tpu.vector_store %arg16[%swap3A_425, %swap3A_426], %swap3A_429 {strides = array<i32>} : memref<128x64xf32, #tpu.memory_space<vmem>>, vector<1x16xf32>,
        %swap3A_430 = arith.index_cast %add3A_386 : i32 to index
        %swap3A_431 = arith.constant 0 : index
        %swap3A_432 = tpu.vector_load %arg17[%swap3A_430, %swap3A_431] {strides = array<i32>} : memref<128x16xf32, #tpu.memory_space<vmem>>, vector<1x16xf32>,
        %swap3A_433 = vector.shape_cast %swap3A_432 : vector<1x16xf32> to vector<16xf32>
        %swap3A_434 = vector.shape_cast %broadcast_in_dim3A_389 : vector<16xf32> to vector<1x16xf32>
        tpu.vector_store %arg17[%swap3A_430, %swap3A_431], %swap3A_434 {strides = array<i32>} : memref<128x16xf32, #tpu.memory_space<vmem>>, vector<1x16xf32>,
        %mul3A_435 = arith.constant 16 : i32
        %mul3A_436 = arith.muli %scan3A_326, %mul3A_435 : i32
        %add3A_437 = arith.constant 2 : i32
        %add3A_438 = arith.addi %mul3A_436, %add3A_437 : i32
        %slice3A_439 = vector.extract_strided_slice %get3A_332 {offsets = [2], sizes = [1], strides = [1]} : vector<16xf32> to vector<1xf32>
        %squeeze3A_440 = vector.extract %slice3A_439[0] : f32 from vector<1xf32>
        %broadcast_in_dim3A_441 = vector.broadcast %squeeze3A_440 : f32 to vector<16xf32>
        %get3A_442 = arith.index_cast %add3A_438 : i32 to index
        %get3A_443 = arith.constant 0 : index
        %get3A_444 = tpu.vector_load %arg15[%get3A_442, %get3A_443] {strides = array<i32>} : memref<128x64xf32, #tpu.memory_space<vmem>>, vector<1x16xf32>,
        %get3A_445 = vector.shape_cast %get3A_444 : vector<1x16xf32> to vector<16xf32>
        %mul3A_446 = arith.mulf %get3A_445, %broadcast_in_dim3A_441 : vector<16xf32>
        %swap3A_447 = arith.index_cast %add3A_438 : i32 to index
        %swap3A_448 = arith.constant 0 : index
        %swap3A_449 = tpu.vector_load %arg16[%swap3A_447, %swap3A_448] {strides = array<i32>} : memref<128x64xf32, #tpu.memory_space<vmem>>, vector<1x16xf32>,
        %swap3A_450 = vector.shape_cast %swap3A_449 : vector<1x16xf32> to vector<16xf32>
        %swap3A_451 = vector.shape_cast %mul3A_446 : vector<16xf32> to vector<1x16xf32>
        tpu.vector_store %arg16[%swap3A_447, %swap3A_448], %swap3A_451 {strides = array<i32>} : memref<128x64xf32, #tpu.memory_space<vmem>>, vector<1x16xf32>,
        %get3A_452 = arith.index_cast %add3A_438 : i32 to index
        %get3A_453 = arith.constant 16 : index
        %get3A_454 = tpu.vector_load %arg15[%get3A_452, %get3A_453] {strides = array<i32>} : memref<128x64xf32, #tpu.memory_space<vmem>>, vector<1x16xf32>,
        %get3A_455 = vector.shape_cast %get3A_454 : vector<1x16xf32> to vector<16xf32>
        %mul3A_456 = arith.mulf %get3A_455, %broadcast_in_dim3A_441 : vector<16xf32>
        %swap3A_457 = arith.index_cast %add3A_438 : i32 to index
        %swap3A_458 = arith.constant 16 : index
        %swap3A_459 = tpu.vector_load %arg16[%swap3A_457, %swap3A_458] {strides = array<i32>} : memref<128x64xf32, #tpu.memory_space<vmem>>, vector<1x16xf32>,
        %swap3A_460 = vector.shape_cast %swap3A_459 : vector<1x16xf32> to vector<16xf32>
        %swap3A_461 = vector.shape_cast %mul3A_456 : vector<16xf32> to vector<1x16xf32>
        tpu.vector_store %arg16[%swap3A_457, %swap3A_458], %swap3A_461 {strides = array<i32>} : memref<128x64xf32, #tpu.memory_space<vmem>>, vector<1x16xf32>,
        %get3A_462 = arith.index_cast %add3A_438 : i32 to index
        %get3A_463 = arith.constant 32 : index
        %get3A_464 = tpu.vector_load %arg15[%get3A_462, %get3A_463] {strides = array<i32>} : memref<128x64xf32, #tpu.memory_space<vmem>>, vector<1x16xf32>,
        %get3A_465 = vector.shape_cast %get3A_464 : vector<1x16xf32> to vector<16xf32>
        %mul3A_466 = arith.mulf %get3A_465, %broadcast_in_dim3A_441 : vector<16xf32>
        %swap3A_467 = arith.index_cast %add3A_438 : i32 to index
        %swap3A_468 = arith.constant 32 : index
        %swap3A_469 = tpu.vector_load %arg16[%swap3A_467, %swap3A_468] {strides = array<i32>} : memref<128x64xf32, #tpu.memory_space<vmem>>, vector<1x16xf32>,
        %swap3A_470 = vector.shape_cast %swap3A_469 : vector<1x16xf32> to vector<16xf32>
        %swap3A_471 = vector.shape_cast %mul3A_466 : vector<16xf32> to vector<1x16xf32>
        tpu.vector_store %arg16[%swap3A_467, %swap3A_468], %swap3A_471 {strides = array<i32>} : memref<128x64xf32, #tpu.memory_space<vmem>>, vector<1x16xf32>,
        %get3A_472 = arith.index_cast %add3A_438 : i32 to index
        %get3A_473 = arith.constant 48 : index
        %get3A_474 = tpu.vector_load %arg15[%get3A_472, %get3A_473] {strides = array<i32>} : memref<128x64xf32, #tpu.memory_space<vmem>>, vector<1x16xf32>,
        %get3A_475 = vector.shape_cast %get3A_474 : vector<1x16xf32> to vector<16xf32>
        %mul3A_476 = arith.mulf %get3A_475, %broadcast_in_dim3A_441 : vector<16xf32>
        %swap3A_477 = arith.index_cast %add3A_438 : i32 to index
        %swap3A_478 = arith.constant 48 : index
        %swap3A_479 = tpu.vector_load %arg16[%swap3A_477, %swap3A_478] {strides = array<i32>} : memref<128x64xf32, #tpu.memory_space<vmem>>, vector<1x16xf32>,
        %swap3A_480 = vector.shape_cast %swap3A_479 : vector<1x16xf32> to vector<16xf32>
        %swap3A_481 = vector.shape_cast %mul3A_476 : vector<16xf32> to vector<1x16xf32>
        tpu.vector_store %arg16[%swap3A_477, %swap3A_478], %swap3A_481 {strides = array<i32>} : memref<128x64xf32, #tpu.memory_space<vmem>>, vector<1x16xf32>,
        %swap3A_482 = arith.index_cast %add3A_438 : i32 to index
        %swap3A_483 = arith.constant 0 : index
        %swap3A_484 = tpu.vector_load %arg17[%swap3A_482, %swap3A_483] {strides = array<i32>} : memref<128x16xf32, #tpu.memory_space<vmem>>, vector<1x16xf32>,
        %swap3A_485 = vector.shape_cast %swap3A_484 : vector<1x16xf32> to vector<16xf32>
        %swap3A_486 = vector.shape_cast %broadcast_in_dim3A_441 : vector<16xf32> to vector<1x16xf32>
        tpu.vector_store %arg17[%swap3A_482, %swap3A_483], %swap3A_486 {strides = array<i32>} : memref<128x16xf32, #tpu.memory_space<vmem>>, vector<1x16xf32>,
        %mul3A_487 = arith.constant 16 : i32
        %mul3A_488 = arith.muli %scan3A_326, %mul3A_487 : i32
        %add3A_489 = arith.constant 3 : i32
        %add3A_490 = arith.addi %mul3A_488, %add3A_489 : i32
        %slice3A_491 = vector.extract_strided_slice %get3A_332 {offsets = [3], sizes = [1], strides = [1]} : vector<16xf32> to vector<1xf32>
        %squeeze3A_492 = vector.extract %slice3A_491[0] : f32 from vector<1xf32>
        %broadcast_in_dim3A_493 = vector.broadcast %squeeze3A_492 : f32 to vector<16xf32>
        %get3A_494 = arith.index_cast %add3A_490 : i32 to index
        %get3A_495 = arith.constant 0 : index
        %get3A_496 = tpu.vector_load %arg15[%get3A_494, %get3A_495] {strides = array<i32>} : memref<128x64xf32, #tpu.memory_space<vmem>>, vector<1x16xf32>,
        %get3A_497 = vector.shape_cast %get3A_496 : vector<1x16xf32> to vector<16xf32>
        %mul3A_498 = arith.mulf %get3A_497, %broadcast_in_dim3A_493 : vector<16xf32>
        %swap3A_499 = arith.index_cast %add3A_490 : i32 to index
        %swap3A_500 = arith.constant 0 : index
        %swap3A_501 = tpu.vector_load %arg16[%swap3A_499, %swap3A_500] {strides = array<i32>} : memref<128x64xf32, #tpu.memory_space<vmem>>, vector<1x16xf32>,
        %swap3A_502 = vector.shape_cast %swap3A_501 : vector<1x16xf32> to vector<16xf32>
        %swap3A_503 = vector.shape_cast %mul3A_498 : vector<16xf32> to vector<1x16xf32>
        tpu.vector_store %arg16[%swap3A_499, %swap3A_500], %swap3A_503 {strides = array<i32>} : memref<128x64xf32, #tpu.memory_space<vmem>>, vector<1x16xf32>,
        %get3A_504 = arith.index_cast %add3A_490 : i32 to index
        %get3A_505 = arith.constant 16 : index
        %get3A_506 = tpu.vector_load %arg15[%get3A_504, %get3A_505] {strides = array<i32>} : memref<128x64xf32, #tpu.memory_space<vmem>>, vector<1x16xf32>,
        %get3A_507 = vector.shape_cast %get3A_506 : vector<1x16xf32> to vector<16xf32>
        %mul3A_508 = arith.mulf %get3A_507, %broadcast_in_dim3A_493 : vector<16xf32>
        %swap3A_509 = arith.index_cast %add3A_490 : i32 to index
        %swap3A_510 = arith.constant 16 : index
        %swap3A_511 = tpu.vector_load %arg16[%swap3A_509, %swap3A_510] {strides = array<i32>} : memref<128x64xf32, #tpu.memory_space<vmem>>, vector<1x16xf32>,
        %swap3A_512 = vector.shape_cast %swap3A_511 : vector<1x16xf32> to vector<16xf32>
        %swap3A_513 = vector.shape_cast %mul3A_508 : vector<16xf32> to vector<1x16xf32>
        tpu.vector_store %arg16[%swap3A_509, %swap3A_510], %swap3A_513 {strides = array<i32>} : memref<128x64xf32, #tpu.memory_space<vmem>>, vector<1x16xf32>,
        %get3A_514 = arith.index_cast %add3A_490 : i32 to index
        %get3A_515 = arith.constant 32 : index
        %get3A_516 = tpu.vector_load %arg15[%get3A_514, %get3A_515] {strides = array<i32>} : memref<128x64xf32, #tpu.memory_space<vmem>>, vector<1x16xf32>,
        %get3A_517 = vector.shape_cast %get3A_516 : vector<1x16xf32> to vector<16xf32>
        %mul3A_518 = arith.mulf %get3A_517, %broadcast_in_dim3A_493 : vector<16xf32>
        %swap3A_519 = arith.index_cast %add3A_490 : i32 to index
        %swap3A_520 = arith.constant 32 : index
        %swap3A_521 = tpu.vector_load %arg16[%swap3A_519, %swap3A_520] {strides = array<i32>} : memref<128x64xf32, #tpu.memory_space<vmem>>, vector<1x16xf32>,
        %swap3A_522 = vector.shape_cast %swap3A_521 : vector<1x16xf32> to vector<16xf32>
        %swap3A_523 = vector.shape_cast %mul3A_518 : vector<16xf32> to vector<1x16xf32>
        tpu.vector_store %arg16[%swap3A_519, %swap3A_520], %swap3A_523 {strides = array<i32>} : memref<128x64xf32, #tpu.memory_space<vmem>>, vector<1x16xf32>,
        %get3A_524 = arith.index_cast %add3A_490 : i32 to index
        %get3A_525 = arith.constant 48 : index
        %get3A_526 = tpu.vector_load %arg15[%get3A_524, %get3A_525] {strides = array<i32>} : memref<128x64xf32, #tpu.memory_space<vmem>>, vector<1x16xf32>,
        %get3A_527 = vector.shape_cast %get3A_526 : vector<1x16xf32> to vector<16xf32>
        %mul3A_528 = arith.mulf %get3A_527, %broadcast_in_dim3A_493 : vector<16xf32>
        %swap3A_529 = arith.index_cast %add3A_490 : i32 to index
        %swap3A_530 = arith.constant 48 : index
        %swap3A_531 = tpu.vector_load %arg16[%swap3A_529, %swap3A_530] {strides = array<i32>} : memref<128x64xf32, #tpu.memory_space<vmem>>, vector<1x16xf32>,
        %swap3A_532 = vector.shape_cast %swap3A_531 : vector<1x16xf32> to vector<16xf32>
        %swap3A_533 = vector.shape_cast %mul3A_528 : vector<16xf32> to vector<1x16xf32>
        tpu.vector_store %arg16[%swap3A_529, %swap3A_530], %swap3A_533 {strides = array<i32>} : memref<128x64xf32, #tpu.memory_space<vmem>>, vector<1x16xf32>,
        %swap3A_534 = arith.index_cast %add3A_490 : i32 to index
        %swap3A_535 = arith.constant 0 : index
        %swap3A_536 = tpu.vector_load %arg17[%swap3A_534, %swap3A_535] {strides = array<i32>} : memref<128x16xf32, #tpu.memory_space<vmem>>, vector<1x16xf32>,
        %swap3A_537 = vector.shape_cast %swap3A_536 : vector<1x16xf32> to vector<16xf32>
        %swap3A_538 = vector.shape_cast %broadcast_in_dim3A_493 : vector<16xf32> to vector<1x16xf32>
        tpu.vector_store %arg17[%swap3A_534, %swap3A_535], %swap3A_538 {strides = array<i32>} : memref<128x16xf32, #tpu.memory_space<vmem>>, vector<1x16xf32>,
        %mul3A_539 = arith.constant 16 : i32
        %mul3A_540 = arith.muli %scan3A_326, %mul3A_539 : i32
        %add3A_541 = arith.constant 4 : i32
        %add3A_542 = arith.addi %mul3A_540, %add3A_541 : i32
        %slice3A_543 = vector.extract_strided_slice %get3A_332 {offsets = [4], sizes = [1], strides = [1]} : vector<16xf32> to vector<1xf32>
        %squeeze3A_544 = vector.extract %slice3A_543[0] : f32 from vector<1xf32>
        %broadcast_in_dim3A_545 = vector.broadcast %squeeze3A_544 : f32 to vector<16xf32>
        %get3A_546 = arith.index_cast %add3A_542 : i32 to index
        %get3A_547 = arith.constant 0 : index
        %get3A_548 = tpu.vector_load %arg15[%get3A_546, %get3A_547] {strides = array<i32>} : memref<128x64xf32, #tpu.memory_space<vmem>>, vector<1x16xf32>,
        %get3A_549 = vector.shape_cast %get3A_548 : vector<1x16xf32> to vector<16xf32>
        %mul3A_550 = arith.mulf %get3A_549, %broadcast_in_dim3A_545 : vector<16xf32>
        %swap3A_551 = arith.index_cast %add3A_542 : i32 to index
        %swap3A_552 = arith.constant 0 : index
        %swap3A_553 = tpu.vector_load %arg16[%swap3A_551, %swap3A_552] {strides = array<i32>} : memref<128x64xf32, #tpu.memory_space<vmem>>, vector<1x16xf32>,
        %swap3A_554 = vector.shape_cast %swap3A_553 : vector<1x16xf32> to vector<16xf32>
        %swap3A_555 = vector.shape_cast %mul3A_550 : vector<16xf32> to vector<1x16xf32>
        tpu.vector_store %arg16[%swap3A_551, %swap3A_552], %swap3A_555 {strides = array<i32>} : memref<128x64xf32, #tpu.memory_space<vmem>>, vector<1x16xf32>,
        %get3A_556 = arith.index_cast %add3A_542 : i32 to index
        %get3A_557 = arith.constant 16 : index
        %get3A_558 = tpu.vector_load %arg15[%get3A_556, %get3A_557] {strides = array<i32>} : memref<128x64xf32, #tpu.memory_space<vmem>>, vector<1x16xf32>,
        %get3A_559 = vector.shape_cast %get3A_558 : vector<1x16xf32> to vector<16xf32>
        %mul3A_560 = arith.mulf %get3A_559, %broadcast_in_dim3A_545 : vector<16xf32>
        %swap3A_561 = arith.index_cast %add3A_542 : i32 to index
        %swap3A_562 = arith.constant 16 : index
        %swap3A_563 = tpu.vector_load %arg16[%swap3A_561, %swap3A_562] {strides = array<i32>} : memref<128x64xf32, #tpu.memory_space<vmem>>, vector<1x16xf32>,
        %swap3A_564 = vector.shape_cast %swap3A_563 : vector<1x16xf32> to vector<16xf32>
        %swap3A_565 = vector.shape_cast %mul3A_560 : vector<16xf32> to vector<1x16xf32>
        tpu.vector_store %arg16[%swap3A_561, %swap3A_562], %swap3A_565 {strides = array<i32>} : memref<128x64xf32, #tpu.memory_space<vmem>>, vector<1x16xf32>,
        %get3A_566 = arith.index_cast %add3A_542 : i32 to index
        %get3A_567 = arith.constant 32 : index
        %get3A_568 = tpu.vector_load %arg15[%get3A_566, %get3A_567] {strides = array<i32>} : memref<128x64xf32, #tpu.memory_space<vmem>>, vector<1x16xf32>,
        %get3A_569 = vector.shape_cast %get3A_568 : vector<1x16xf32> to vector<16xf32>
        %mul3A_570 = arith.mulf %get3A_569, %broadcast_in_dim3A_545 : vector<16xf32>
        %swap3A_571 = arith.index_cast %add3A_542 : i32 to index
        %swap3A_572 = arith.constant 32 : index
        %swap3A_573 = tpu.vector_load %arg16[%swap3A_571, %swap3A_572] {strides = array<i32>} : memref<128x64xf32, #tpu.memory_space<vmem>>, vector<1x16xf32>,
        %swap3A_574 = vector.shape_cast %swap3A_573 : vector<1x16xf32> to vector<16xf32>
        %swap3A_575 = vector.shape_cast %mul3A_570 : vector<16xf32> to vector<1x16xf32>
        tpu.vector_store %arg16[%swap3A_571, %swap3A_572], %swap3A_575 {strides = array<i32>} : memref<128x64xf32, #tpu.memory_space<vmem>>, vector<1x16xf32>,
        %get3A_576 = arith.index_cast %add3A_542 : i32 to index
        %get3A_577 = arith.constant 48 : index
        %get3A_578 = tpu.vector_load %arg15[%get3A_576, %get3A_577] {strides = array<i32>} : memref<128x64xf32, #tpu.memory_space<vmem>>, vector<1x16xf32>,
        %get3A_579 = vector.shape_cast %get3A_578 : vector<1x16xf32> to vector<16xf32>
        %mul3A_580 = arith.mulf %get3A_579, %broadcast_in_dim3A_545 : vector<16xf32>
        %swap3A_581 = arith.index_cast %add3A_542 : i32 to index
        %swap3A_582 = arith.constant 48 : index
        %swap3A_583 = tpu.vector_load %arg16[%swap3A_581, %swap3A_582] {strides = array<i32>} : memref<128x64xf32, #tpu.memory_space<vmem>>, vector<1x16xf32>,
        %swap3A_584 = vector.shape_cast %swap3A_583 : vector<1x16xf32> to vector<16xf32>
        %swap3A_585 = vector.shape_cast %mul3A_580 : vector<16xf32> to vector<1x16xf32>
        tpu.vector_store %arg16[%swap3A_581, %swap3A_582], %swap3A_585 {strides = array<i32>} : memref<128x64xf32, #tpu.memory_space<vmem>>, vector<1x16xf32>,
        %swap3A_586 = arith.index_cast %add3A_542 : i32 to index
        %swap3A_587 = arith.constant 0 : index
        %swap3A_588 = tpu.vector_load %arg17[%swap3A_586, %swap3A_587] {strides = array<i32>} : memref<128x16xf32, #tpu.memory_space<vmem>>, vector<1x16xf32>,
        %swap3A_589 = vector.shape_cast %swap3A_588 : vector<1x16xf32> to vector<16xf32>
        %swap3A_590 = vector.shape_cast %broadcast_in_dim3A_545 : vector<16xf32> to vector<1x16xf32>
        tpu.vector_store %arg17[%swap3A_586, %swap3A_587], %swap3A_590 {strides = array<i32>} : memref<128x16xf32, #tpu.memory_space<vmem>>, vector<1x16xf32>,
        %mul3A_591 = arith.constant 16 : i32
        %mul3A_592 = arith.muli %scan3A_326, %mul3A_591 : i32
        %add3A_593 = arith.constant 5 : i32
        %add3A_594 = arith.addi %mul3A_592, %add3A_593 : i32
        %slice3A_595 = vector.extract_strided_slice %get3A_332 {offsets = [5], sizes = [1], strides = [1]} : vector<16xf32> to vector<1xf32>
        %squeeze3A_596 = vector.extract %slice3A_595[0] : f32 from vector<1xf32>
        %broadcast_in_dim3A_597 = vector.broadcast %squeeze3A_596 : f32 to vector<16xf32>
        %get3A_598 = arith.index_cast %add3A_594 : i32 to index
        %get3A_599 = arith.constant 0 : index
        %get3A_600 = tpu.vector_load %arg15[%get3A_598, %get3A_599] {strides = array<i32>} : memref<128x64xf32, #tpu.memory_space<vmem>>, vector<1x16xf32>,
        %get3A_601 = vector.shape_cast %get3A_600 : vector<1x16xf32> to vector<16xf32>
        %mul3A_602 = arith.mulf %get3A_601, %broadcast_in_dim3A_597 : vector<16xf32>
        %swap3A_603 = arith.index_cast %add3A_594 : i32 to index
        %swap3A_604 = arith.constant 0 : index
        %swap3A_605 = tpu.vector_load %arg16[%swap3A_603, %swap3A_604] {strides = array<i32>} : memref<128x64xf32, #tpu.memory_space<vmem>>, vector<1x16xf32>,
        %swap3A_606 = vector.shape_cast %swap3A_605 : vector<1x16xf32> to vector<16xf32>
        %swap3A_607 = vector.shape_cast %mul3A_602 : vector<16xf32> to vector<1x16xf32>
        tpu.vector_store %arg16[%swap3A_603, %swap3A_604], %swap3A_607 {strides = array<i32>} : memref<128x64xf32, #tpu.memory_space<vmem>>, vector<1x16xf32>,
        %get3A_608 = arith.index_cast %add3A_594 : i32 to index
        %get3A_609 = arith.constant 16 : index
        %get3A_610 = tpu.vector_load %arg15[%get3A_608, %get3A_609] {strides = array<i32>} : memref<128x64xf32, #tpu.memory_space<vmem>>, vector<1x16xf32>,
        %get3A_611 = vector.shape_cast %get3A_610 : vector<1x16xf32> to vector<16xf32>
        %mul3A_612 = arith.mulf %get3A_611, %broadcast_in_dim3A_597 : vector<16xf32>
        %swap3A_613 = arith.index_cast %add3A_594 : i32 to index
        %swap3A_614 = arith.constant 16 : index
        %swap3A_615 = tpu.vector_load %arg16[%swap3A_613, %swap3A_614] {strides = array<i32>} : memref<128x64xf32, #tpu.memory_space<vmem>>, vector<1x16xf32>,
        %swap3A_616 = vector.shape_cast %swap3A_615 : vector<1x16xf32> to vector<16xf32>
        %swap3A_617 = vector.shape_cast %mul3A_612 : vector<16xf32> to vector<1x16xf32>
        tpu.vector_store %arg16[%swap3A_613, %swap3A_614], %swap3A_617 {strides = array<i32>} : memref<128x64xf32, #tpu.memory_space<vmem>>, vector<1x16xf32>,
        %get3A_618 = arith.index_cast %add3A_594 : i32 to index
        %get3A_619 = arith.constant 32 : index
        %get3A_620 = tpu.vector_load %arg15[%get3A_618, %get3A_619] {strides = array<i32>} : memref<128x64xf32, #tpu.memory_space<vmem>>, vector<1x16xf32>,
        %get3A_621 = vector.shape_cast %get3A_620 : vector<1x16xf32> to vector<16xf32>
        %mul3A_622 = arith.mulf %get3A_621, %broadcast_in_dim3A_597 : vector<16xf32>
        %swap3A_623 = arith.index_cast %add3A_594 : i32 to index
        %swap3A_624 = arith.constant 32 : index
        %swap3A_625 = tpu.vector_load %arg16[%swap3A_623, %swap3A_624] {strides = array<i32>} : memref<128x64xf32, #tpu.memory_space<vmem>>, vector<1x16xf32>,
        %swap3A_626 = vector.shape_cast %swap3A_625 : vector<1x16xf32> to vector<16xf32>
        %swap3A_627 = vector.shape_cast %mul3A_622 : vector<16xf32> to vector<1x16xf32>
        tpu.vector_store %arg16[%swap3A_623, %swap3A_624], %swap3A_627 {strides = array<i32>} : memref<128x64xf32, #tpu.memory_space<vmem>>, vector<1x16xf32>,
        %get3A_628 = arith.index_cast %add3A_594 : i32 to index
        %get3A_629 = arith.constant 48 : index
        %get3A_630 = tpu.vector_load %arg15[%get3A_628, %get3A_629] {strides = array<i32>} : memref<128x64xf32, #tpu.memory_space<vmem>>, vector<1x16xf32>,
        %get3A_631 = vector.shape_cast %get3A_630 : vector<1x16xf32> to vector<16xf32>
        %mul3A_632 = arith.mulf %get3A_631, %broadcast_in_dim3A_597 : vector<16xf32>
        %swap3A_633 = arith.index_cast %add3A_594 : i32 to index
        %swap3A_634 = arith.constant 48 : index
        %swap3A_635 = tpu.vector_load %arg16[%swap3A_633, %swap3A_634] {strides = array<i32>} : memref<128x64xf32, #tpu.memory_space<vmem>>, vector<1x16xf32>,
        %swap3A_636 = vector.shape_cast %swap3A_635 : vector<1x16xf32> to vector<16xf32>
        %swap3A_637 = vector.shape_cast %mul3A_632 : vector<16xf32> to vector<1x16xf32>
        tpu.vector_store %arg16[%swap3A_633, %swap3A_634], %swap3A_637 {strides = array<i32>} : memref<128x64xf32, #tpu.memory_space<vmem>>, vector<1x16xf32>,
        %swap3A_638 = arith.index_cast %add3A_594 : i32 to index
        %swap3A_639 = arith.constant 0 : index
        %swap3A_640 = tpu.vector_load %arg17[%swap3A_638, %swap3A_639] {strides = array<i32>} : memref<128x16xf32, #tpu.memory_space<vmem>>, vector<1x16xf32>,
        %swap3A_641 = vector.shape_cast %swap3A_640 : vector<1x16xf32> to vector<16xf32>
        %swap3A_642 = vector.shape_cast %broadcast_in_dim3A_597 : vector<16xf32> to vector<1x16xf32>
        tpu.vector_store %arg17[%swap3A_638, %swap3A_639], %swap3A_642 {strides = array<i32>} : memref<128x16xf32, #tpu.memory_space<vmem>>, vector<1x16xf32>,
        %mul3A_643 = arith.constant 16 : i32
        %mul3A_644 = arith.muli %scan3A_326, %mul3A_643 : i32
        %add3A_645 = arith.constant 6 : i32
        %add3A_646 = arith.addi %mul3A_644, %add3A_645 : i32
        %slice3A_647 = vector.extract_strided_slice %get3A_332 {offsets = [6], sizes = [1], strides = [1]} : vector<16xf32> to vector<1xf32>
        %squeeze3A_648 = vector.extract %slice3A_647[0] : f32 from vector<1xf32>
        %broadcast_in_dim3A_649 = vector.broadcast %squeeze3A_648 : f32 to vector<16xf32>
        %get3A_650 = arith.index_cast %add3A_646 : i32 to index
        %get3A_651 = arith.constant 0 : index
        %get3A_652 = tpu.vector_load %arg15[%get3A_650, %get3A_651] {strides = array<i32>} : memref<128x64xf32, #tpu.memory_space<vmem>>, vector<1x16xf32>,
        %get3A_653 = vector.shape_cast %get3A_652 : vector<1x16xf32> to vector<16xf32>
        %mul3A_654 = arith.mulf %get3A_653, %broadcast_in_dim3A_649 : vector<16xf32>
        %swap3A_655 = arith.index_cast %add3A_646 : i32 to index
        %swap3A_656 = arith.constant 0 : index
        %swap3A_657 = tpu.vector_load %arg16[%swap3A_655, %swap3A_656] {strides = array<i32>} : memref<128x64xf32, #tpu.memory_space<vmem>>, vector<1x16xf32>,
        %swap3A_658 = vector.shape_cast %swap3A_657 : vector<1x16xf32> to vector<16xf32>
        %swap3A_659 = vector.shape_cast %mul3A_654 : vector<16xf32> to vector<1x16xf32>
        tpu.vector_store %arg16[%swap3A_655, %swap3A_656], %swap3A_659 {strides = array<i32>} : memref<128x64xf32, #tpu.memory_space<vmem>>, vector<1x16xf32>,
        %get3A_660 = arith.index_cast %add3A_646 : i32 to index
        %get3A_661 = arith.constant 16 : index
        %get3A_662 = tpu.vector_load %arg15[%get3A_660, %get3A_661] {strides = array<i32>} : memref<128x64xf32, #tpu.memory_space<vmem>>, vector<1x16xf32>,
        %get3A_663 = vector.shape_cast %get3A_662 : vector<1x16xf32> to vector<16xf32>
        %mul3A_664 = arith.mulf %get3A_663, %broadcast_in_dim3A_649 : vector<16xf32>
        %swap3A_665 = arith.index_cast %add3A_646 : i32 to index
        %swap3A_666 = arith.constant 16 : index
        %swap3A_667 = tpu.vector_load %arg16[%swap3A_665, %swap3A_666] {strides = array<i32>} : memref<128x64xf32, #tpu.memory_space<vmem>>, vector<1x16xf32>,
        %swap3A_668 = vector.shape_cast %swap3A_667 : vector<1x16xf32> to vector<16xf32>
        %swap3A_669 = vector.shape_cast %mul3A_664 : vector<16xf32> to vector<1x16xf32>
        tpu.vector_store %arg16[%swap3A_665, %swap3A_666], %swap3A_669 {strides = array<i32>} : memref<128x64xf32, #tpu.memory_space<vmem>>, vector<1x16xf32>,
        %get3A_670 = arith.index_cast %add3A_646 : i32 to index
        %get3A_671 = arith.constant 32 : index
        %get3A_672 = tpu.vector_load %arg15[%get3A_670, %get3A_671] {strides = array<i32>} : memref<128x64xf32, #tpu.memory_space<vmem>>, vector<1x16xf32>,
        %get3A_673 = vector.shape_cast %get3A_672 : vector<1x16xf32> to vector<16xf32>
        %mul3A_674 = arith.mulf %get3A_673, %broadcast_in_dim3A_649 : vector<16xf32>
        %swap3A_675 = arith.index_cast %add3A_646 : i32 to index
        %swap3A_676 = arith.constant 32 : index
        %swap3A_677 = tpu.vector_load %arg16[%swap3A_675, %swap3A_676] {strides = array<i32>} : memref<128x64xf32, #tpu.memory_space<vmem>>, vector<1x16xf32>,
        %swap3A_678 = vector.shape_cast %swap3A_677 : vector<1x16xf32> to vector<16xf32>
        %swap3A_679 = vector.shape_cast %mul3A_674 : vector<16xf32> to vector<1x16xf32>
        tpu.vector_store %arg16[%swap3A_675, %swap3A_676], %swap3A_679 {strides = array<i32>} : memref<128x64xf32, #tpu.memory_space<vmem>>, vector<1x16xf32>,
        %get3A_680 = arith.index_cast %add3A_646 : i32 to index
        %get3A_681 = arith.constant 48 : index
        %get3A_682 = tpu.vector_load %arg15[%get3A_680, %get3A_681] {strides = array<i32>} : memref<128x64xf32, #tpu.memory_space<vmem>>, vector<1x16xf32>,
        %get3A_683 = vector.shape_cast %get3A_682 : vector<1x16xf32> to vector<16xf32>
        %mul3A_684 = arith.mulf %get3A_683, %broadcast_in_dim3A_649 : vector<16xf32>
        %swap3A_685 = arith.index_cast %add3A_646 : i32 to index
        %swap3A_686 = arith.constant 48 : index
        %swap3A_687 = tpu.vector_load %arg16[%swap3A_685, %swap3A_686] {strides = array<i32>} : memref<128x64xf32, #tpu.memory_space<vmem>>, vector<1x16xf32>,
        %swap3A_688 = vector.shape_cast %swap3A_687 : vector<1x16xf32> to vector<16xf32>
        %swap3A_689 = vector.shape_cast %mul3A_684 : vector<16xf32> to vector<1x16xf32>
        tpu.vector_store %arg16[%swap3A_685, %swap3A_686], %swap3A_689 {strides = array<i32>} : memref<128x64xf32, #tpu.memory_space<vmem>>, vector<1x16xf32>,
        %swap3A_690 = arith.index_cast %add3A_646 : i32 to index
        %swap3A_691 = arith.constant 0 : index
        %swap3A_692 = tpu.vector_load %arg17[%swap3A_690, %swap3A_691] {strides = array<i32>} : memref<128x16xf32, #tpu.memory_space<vmem>>, vector<1x16xf32>,
        %swap3A_693 = vector.shape_cast %swap3A_692 : vector<1x16xf32> to vector<16xf32>
        %swap3A_694 = vector.shape_cast %broadcast_in_dim3A_649 : vector<16xf32> to vector<1x16xf32>
        tpu.vector_store %arg17[%swap3A_690, %swap3A_691], %swap3A_694 {strides = array<i32>} : memref<128x16xf32, #tpu.memory_space<vmem>>, vector<1x16xf32>,
        %mul3A_695 = arith.constant 16 : i32
        %mul3A_696 = arith.muli %scan3A_326, %mul3A_695 : i32
        %add3A_697 = arith.constant 7 : i32
        %add3A_698 = arith.addi %mul3A_696, %add3A_697 : i32
        %slice3A_699 = vector.extract_strided_slice %get3A_332 {offsets = [7], sizes = [1], strides = [1]} : vector<16xf32> to vector<1xf32>
        %squeeze3A_700 = vector.extract %slice3A_699[0] : f32 from vector<1xf32>
        %broadcast_in_dim3A_701 = vector.broadcast %squeeze3A_700 : f32 to vector<16xf32>
        %get3A_702 = arith.index_cast %add3A_698 : i32 to index
        %get3A_703 = arith.constant 0 : index
        %get3A_704 = tpu.vector_load %arg15[%get3A_702, %get3A_703] {strides = array<i32>} : memref<128x64xf32, #tpu.memory_space<vmem>>, vector<1x16xf32>,
        %get3A_705 = vector.shape_cast %get3A_704 : vector<1x16xf32> to vector<16xf32>
        %mul3A_706 = arith.mulf %get3A_705, %broadcast_in_dim3A_701 : vector<16xf32>
        %swap3A_707 = arith.index_cast %add3A_698 : i32 to index
        %swap3A_708 = arith.constant 0 : index
        %swap3A_709 = tpu.vector_load %arg16[%swap3A_707, %swap3A_708] {strides = array<i32>} : memref<128x64xf32, #tpu.memory_space<vmem>>, vector<1x16xf32>,
        %swap3A_710 = vector.shape_cast %swap3A_709 : vector<1x16xf32> to vector<16xf32>
        %swap3A_711 = vector.shape_cast %mul3A_706 : vector<16xf32> to vector<1x16xf32>
        tpu.vector_store %arg16[%swap3A_707, %swap3A_708], %swap3A_711 {strides = array<i32>} : memref<128x64xf32, #tpu.memory_space<vmem>>, vector<1x16xf32>,
        %get3A_712 = arith.index_cast %add3A_698 : i32 to index
        %get3A_713 = arith.constant 16 : index
        %get3A_714 = tpu.vector_load %arg15[%get3A_712, %get3A_713] {strides = array<i32>} : memref<128x64xf32, #tpu.memory_space<vmem>>, vector<1x16xf32>,
        %get3A_715 = vector.shape_cast %get3A_714 : vector<1x16xf32> to vector<16xf32>
        %mul3A_716 = arith.mulf %get3A_715, %broadcast_in_dim3A_701 : vector<16xf32>
        %swap3A_717 = arith.index_cast %add3A_698 : i32 to index
        %swap3A_718 = arith.constant 16 : index
        %swap3A_719 = tpu.vector_load %arg16[%swap3A_717, %swap3A_718] {strides = array<i32>} : memref<128x64xf32, #tpu.memory_space<vmem>>, vector<1x16xf32>,
        %swap3A_720 = vector.shape_cast %swap3A_719 : vector<1x16xf32> to vector<16xf32>
        %swap3A_721 = vector.shape_cast %mul3A_716 : vector<16xf32> to vector<1x16xf32>
        tpu.vector_store %arg16[%swap3A_717, %swap3A_718], %swap3A_721 {strides = array<i32>} : memref<128x64xf32, #tpu.memory_space<vmem>>, vector<1x16xf32>,
        %get3A_722 = arith.index_cast %add3A_698 : i32 to index
        %get3A_723 = arith.constant 32 : index
        %get3A_724 = tpu.vector_load %arg15[%get3A_722, %get3A_723] {strides = array<i32>} : memref<128x64xf32, #tpu.memory_space<vmem>>, vector<1x16xf32>,
        %get3A_725 = vector.shape_cast %get3A_724 : vector<1x16xf32> to vector<16xf32>
        %mul3A_726 = arith.mulf %get3A_725, %broadcast_in_dim3A_701 : vector<16xf32>
        %swap3A_727 = arith.index_cast %add3A_698 : i32 to index
        %swap3A_728 = arith.constant 32 : index
        %swap3A_729 = tpu.vector_load %arg16[%swap3A_727, %swap3A_728] {strides = array<i32>} : memref<128x64xf32, #tpu.memory_space<vmem>>, vector<1x16xf32>,
        %swap3A_730 = vector.shape_cast %swap3A_729 : vector<1x16xf32> to vector<16xf32>
        %swap3A_731 = vector.shape_cast %mul3A_726 : vector<16xf32> to vector<1x16xf32>
        tpu.vector_store %arg16[%swap3A_727, %swap3A_728], %swap3A_731 {strides = array<i32>} : memref<128x64xf32, #tpu.memory_space<vmem>>, vector<1x16xf32>,
        %get3A_732 = arith.index_cast %add3A_698 : i32 to index
        %get3A_733 = arith.constant 48 : index
        %get3A_734 = tpu.vector_load %arg15[%get3A_732, %get3A_733] {strides = array<i32>} : memref<128x64xf32, #tpu.memory_space<vmem>>, vector<1x16xf32>,
        %get3A_735 = vector.shape_cast %get3A_734 : vector<1x16xf32> to vector<16xf32>
        %mul3A_736 = arith.mulf %get3A_735, %broadcast_in_dim3A_701 : vector<16xf32>
        %swap3A_737 = arith.index_cast %add3A_698 : i32 to index
        %swap3A_738 = arith.constant 48 : index
        %swap3A_739 = tpu.vector_load %arg16[%swap3A_737, %swap3A_738] {strides = array<i32>} : memref<128x64xf32, #tpu.memory_space<vmem>>, vector<1x16xf32>,
        %swap3A_740 = vector.shape_cast %swap3A_739 : vector<1x16xf32> to vector<16xf32>
        %swap3A_741 = vector.shape_cast %mul3A_736 : vector<16xf32> to vector<1x16xf32>
        tpu.vector_store %arg16[%swap3A_737, %swap3A_738], %swap3A_741 {strides = array<i32>} : memref<128x64xf32, #tpu.memory_space<vmem>>, vector<1x16xf32>,
        %swap3A_742 = arith.index_cast %add3A_698 : i32 to index
        %swap3A_743 = arith.constant 0 : index
        %swap3A_744 = tpu.vector_load %arg17[%swap3A_742, %swap3A_743] {strides = array<i32>} : memref<128x16xf32, #tpu.memory_space<vmem>>, vector<1x16xf32>,
        %swap3A_745 = vector.shape_cast %swap3A_744 : vector<1x16xf32> to vector<16xf32>
        %swap3A_746 = vector.shape_cast %broadcast_in_dim3A_701 : vector<16xf32> to vector<1x16xf32>
        tpu.vector_store %arg17[%swap3A_742, %swap3A_743], %swap3A_746 {strides = array<i32>} : memref<128x16xf32, #tpu.memory_space<vmem>>, vector<1x16xf32>,
        %mul3A_747 = arith.constant 16 : i32
        %mul3A_748 = arith.muli %scan3A_326, %mul3A_747 : i32
        %add3A_749 = arith.constant 8 : i32
        %add3A_750 = arith.addi %mul3A_748, %add3A_749 : i32
        %slice3A_751 = vector.extract_strided_slice %get3A_332 {offsets = [8], sizes = [1], strides = [1]} : vector<16xf32> to vector<1xf32>
        %squeeze3A_752 = vector.extract %slice3A_751[0] : f32 from vector<1xf32>
        %broadcast_in_dim3A_753 = vector.broadcast %squeeze3A_752 : f32 to vector<16xf32>
        %get3A_754 = arith.index_cast %add3A_750 : i32 to index
        %get3A_755 = arith.constant 0 : index
        %get3A_756 = tpu.vector_load %arg15[%get3A_754, %get3A_755] {strides = array<i32>} : memref<128x64xf32, #tpu.memory_space<vmem>>, vector<1x16xf32>,
        %get3A_757 = vector.shape_cast %get3A_756 : vector<1x16xf32> to vector<16xf32>
        %mul3A_758 = arith.mulf %get3A_757, %broadcast_in_dim3A_753 : vector<16xf32>
        %swap3A_759 = arith.index_cast %add3A_750 : i32 to index
        %swap3A_760 = arith.constant 0 : index
        %swap3A_761 = tpu.vector_load %arg16[%swap3A_759, %swap3A_760] {strides = array<i32>} : memref<128x64xf32, #tpu.memory_space<vmem>>, vector<1x16xf32>,
        %swap3A_762 = vector.shape_cast %swap3A_761 : vector<1x16xf32> to vector<16xf32>
        %swap3A_763 = vector.shape_cast %mul3A_758 : vector<16xf32> to vector<1x16xf32>
        tpu.vector_store %arg16[%swap3A_759, %swap3A_760], %swap3A_763 {strides = array<i32>} : memref<128x64xf32, #tpu.memory_space<vmem>>, vector<1x16xf32>,
        %get3A_764 = arith.index_cast %add3A_750 : i32 to index
        %get3A_765 = arith.constant 16 : index
        %get3A_766 = tpu.vector_load %arg15[%get3A_764, %get3A_765] {strides = array<i32>} : memref<128x64xf32, #tpu.memory_space<vmem>>, vector<1x16xf32>,
        %get3A_767 = vector.shape_cast %get3A_766 : vector<1x16xf32> to vector<16xf32>
        %mul3A_768 = arith.mulf %get3A_767, %broadcast_in_dim3A_753 : vector<16xf32>
        %swap3A_769 = arith.index_cast %add3A_750 : i32 to index
        %swap3A_770 = arith.constant 16 : index
        %swap3A_771 = tpu.vector_load %arg16[%swap3A_769, %swap3A_770] {strides = array<i32>} : memref<128x64xf32, #tpu.memory_space<vmem>>, vector<1x16xf32>,
        %swap3A_772 = vector.shape_cast %swap3A_771 : vector<1x16xf32> to vector<16xf32>
        %swap3A_773 = vector.shape_cast %mul3A_768 : vector<16xf32> to vector<1x16xf32>
        tpu.vector_store %arg16[%swap3A_769, %swap3A_770], %swap3A_773 {strides = array<i32>} : memref<128x64xf32, #tpu.memory_space<vmem>>, vector<1x16xf32>,
        %get3A_774 = arith.index_cast %add3A_750 : i32 to index
        %get3A_775 = arith.constant 32 : index
        %get3A_776 = tpu.vector_load %arg15[%get3A_774, %get3A_775] {strides = array<i32>} : memref<128x64xf32, #tpu.memory_space<vmem>>, vector<1x16xf32>,
        %get3A_777 = vector.shape_cast %get3A_776 : vector<1x16xf32> to vector<16xf32>
        %mul3A_778 = arith.mulf %get3A_777, %broadcast_in_dim3A_753 : vector<16xf32>
        %swap3A_779 = arith.index_cast %add3A_750 : i32 to index
        %swap3A_780 = arith.constant 32 : index
        %swap3A_781 = tpu.vector_load %arg16[%swap3A_779, %swap3A_780] {strides = array<i32>} : memref<128x64xf32, #tpu.memory_space<vmem>>, vector<1x16xf32>,
        %swap3A_782 = vector.shape_cast %swap3A_781 : vector<1x16xf32> to vector<16xf32>
        %swap3A_783 = vector.shape_cast %mul3A_778 : vector<16xf32> to vector<1x16xf32>
        tpu.vector_store %arg16[%swap3A_779, %swap3A_780], %swap3A_783 {strides = array<i32>} : memref<128x64xf32, #tpu.memory_space<vmem>>, vector<1x16xf32>,
        %get3A_784 = arith.index_cast %add3A_750 : i32 to index
        %get3A_785 = arith.constant 48 : index
        %get3A_786 = tpu.vector_load %arg15[%get3A_784, %get3A_785] {strides = array<i32>} : memref<128x64xf32, #tpu.memory_space<vmem>>, vector<1x16xf32>,
        %get3A_787 = vector.shape_cast %get3A_786 : vector<1x16xf32> to vector<16xf32>
        %mul3A_788 = arith.mulf %get3A_787, %broadcast_in_dim3A_753 : vector<16xf32>
        %swap3A_789 = arith.index_cast %add3A_750 : i32 to index
        %swap3A_790 = arith.constant 48 : index
        %swap3A_791 = tpu.vector_load %arg16[%swap3A_789, %swap3A_790] {strides = array<i32>} : memref<128x64xf32, #tpu.memory_space<vmem>>, vector<1x16xf32>,
        %swap3A_792 = vector.shape_cast %swap3A_791 : vector<1x16xf32> to vector<16xf32>
        %swap3A_793 = vector.shape_cast %mul3A_788 : vector<16xf32> to vector<1x16xf32>
        tpu.vector_store %arg16[%swap3A_789, %swap3A_790], %swap3A_793 {strides = array<i32>} : memref<128x64xf32, #tpu.memory_space<vmem>>, vector<1x16xf32>,
        %swap3A_794 = arith.index_cast %add3A_750 : i32 to index
        %swap3A_795 = arith.constant 0 : index
        %swap3A_796 = tpu.vector_load %arg17[%swap3A_794, %swap3A_795] {strides = array<i32>} : memref<128x16xf32, #tpu.memory_space<vmem>>, vector<1x16xf32>,
        %swap3A_797 = vector.shape_cast %swap3A_796 : vector<1x16xf32> to vector<16xf32>
        %swap3A_798 = vector.shape_cast %broadcast_in_dim3A_753 : vector<16xf32> to vector<1x16xf32>
        tpu.vector_store %arg17[%swap3A_794, %swap3A_795], %swap3A_798 {strides = array<i32>} : memref<128x16xf32, #tpu.memory_space<vmem>>, vector<1x16xf32>,
        %mul3A_799 = arith.constant 16 : i32
        %mul3A_800 = arith.muli %scan3A_326, %mul3A_799 : i32
        %add3A_801 = arith.constant 9 : i32
        %add3A_802 = arith.addi %mul3A_800, %add3A_801 : i32
        %slice3A_803 = vector.extract_strided_slice %get3A_332 {offsets = [9], sizes = [1], strides = [1]} : vector<16xf32> to vector<1xf32>
        %squeeze3A_804 = vector.extract %slice3A_803[0] : f32 from vector<1xf32>
        %broadcast_in_dim3A_805 = vector.broadcast %squeeze3A_804 : f32 to vector<16xf32>
        %get3A_806 = arith.index_cast %add3A_802 : i32 to index
        %get3A_807 = arith.constant 0 : index
        %get3A_808 = tpu.vector_load %arg15[%get3A_806, %get3A_807] {strides = array<i32>} : memref<128x64xf32, #tpu.memory_space<vmem>>, vector<1x16xf32>,
        %get3A_809 = vector.shape_cast %get3A_808 : vector<1x16xf32> to vector<16xf32>
        %mul3A_810 = arith.mulf %get3A_809, %broadcast_in_dim3A_805 : vector<16xf32>
        %swap3A_811 = arith.index_cast %add3A_802 : i32 to index
        %swap3A_812 = arith.constant 0 : index
        %swap3A_813 = tpu.vector_load %arg16[%swap3A_811, %swap3A_812] {strides = array<i32>} : memref<128x64xf32, #tpu.memory_space<vmem>>, vector<1x16xf32>,
        %swap3A_814 = vector.shape_cast %swap3A_813 : vector<1x16xf32> to vector<16xf32>
        %swap3A_815 = vector.shape_cast %mul3A_810 : vector<16xf32> to vector<1x16xf32>
        tpu.vector_store %arg16[%swap3A_811, %swap3A_812], %swap3A_815 {strides = array<i32>} : memref<128x64xf32, #tpu.memory_space<vmem>>, vector<1x16xf32>,
        %get3A_816 = arith.index_cast %add3A_802 : i32 to index
        %get3A_817 = arith.constant 16 : index
        %get3A_818 = tpu.vector_load %arg15[%get3A_816, %get3A_817] {strides = array<i32>} : memref<128x64xf32, #tpu.memory_space<vmem>>, vector<1x16xf32>,
        %get3A_819 = vector.shape_cast %get3A_818 : vector<1x16xf32> to vector<16xf32>
        %mul3A_820 = arith.mulf %get3A_819, %broadcast_in_dim3A_805 : vector<16xf32>
        %swap3A_821 = arith.index_cast %add3A_802 : i32 to index
        %swap3A_822 = arith.constant 16 : index
        %swap3A_823 = tpu.vector_load %arg16[%swap3A_821, %swap3A_822] {strides = array<i32>} : memref<128x64xf32, #tpu.memory_space<vmem>>, vector<1x16xf32>,
        %swap3A_824 = vector.shape_cast %swap3A_823 : vector<1x16xf32> to vector<16xf32>
        %swap3A_825 = vector.shape_cast %mul3A_820 : vector<16xf32> to vector<1x16xf32>
        tpu.vector_store %arg16[%swap3A_821, %swap3A_822], %swap3A_825 {strides = array<i32>} : memref<128x64xf32, #tpu.memory_space<vmem>>, vector<1x16xf32>,
        %get3A_826 = arith.index_cast %add3A_802 : i32 to index
        %get3A_827 = arith.constant 32 : index
        %get3A_828 = tpu.vector_load %arg15[%get3A_826, %get3A_827] {strides = array<i32>} : memref<128x64xf32, #tpu.memory_space<vmem>>, vector<1x16xf32>,
        %get3A_829 = vector.shape_cast %get3A_828 : vector<1x16xf32> to vector<16xf32>
        %mul3A_830 = arith.mulf %get3A_829, %broadcast_in_dim3A_805 : vector<16xf32>
        %swap3A_831 = arith.index_cast %add3A_802 : i32 to index
        %swap3A_832 = arith.constant 32 : index
        %swap3A_833 = tpu.vector_load %arg16[%swap3A_831, %swap3A_832] {strides = array<i32>} : memref<128x64xf32, #tpu.memory_space<vmem>>, vector<1x16xf32>,
        %swap3A_834 = vector.shape_cast %swap3A_833 : vector<1x16xf32> to vector<16xf32>
        %swap3A_835 = vector.shape_cast %mul3A_830 : vector<16xf32> to vector<1x16xf32>
        tpu.vector_store %arg16[%swap3A_831, %swap3A_832], %swap3A_835 {strides = array<i32>} : memref<128x64xf32, #tpu.memory_space<vmem>>, vector<1x16xf32>,
        %get3A_836 = arith.index_cast %add3A_802 : i32 to index
        %get3A_837 = arith.constant 48 : index
        %get3A_838 = tpu.vector_load %arg15[%get3A_836, %get3A_837] {strides = array<i32>} : memref<128x64xf32, #tpu.memory_space<vmem>>, vector<1x16xf32>,
        %get3A_839 = vector.shape_cast %get3A_838 : vector<1x16xf32> to vector<16xf32>
        %mul3A_840 = arith.mulf %get3A_839, %broadcast_in_dim3A_805 : vector<16xf32>
        %swap3A_841 = arith.index_cast %add3A_802 : i32 to index
        %swap3A_842 = arith.constant 48 : index
        %swap3A_843 = tpu.vector_load %arg16[%swap3A_841, %swap3A_842] {strides = array<i32>} : memref<128x64xf32, #tpu.memory_space<vmem>>, vector<1x16xf32>,
        %swap3A_844 = vector.shape_cast %swap3A_843 : vector<1x16xf32> to vector<16xf32>
        %swap3A_845 = vector.shape_cast %mul3A_840 : vector<16xf32> to vector<1x16xf32>
        tpu.vector_store %arg16[%swap3A_841, %swap3A_842], %swap3A_845 {strides = array<i32>} : memref<128x64xf32, #tpu.memory_space<vmem>>, vector<1x16xf32>,
        %swap3A_846 = arith.index_cast %add3A_802 : i32 to index
        %swap3A_847 = arith.constant 0 : index
        %swap3A_848 = tpu.vector_load %arg17[%swap3A_846, %swap3A_847] {strides = array<i32>} : memref<128x16xf32, #tpu.memory_space<vmem>>, vector<1x16xf32>,
        %swap3A_849 = vector.shape_cast %swap3A_848 : vector<1x16xf32> to vector<16xf32>
        %swap3A_850 = vector.shape_cast %broadcast_in_dim3A_805 : vector<16xf32> to vector<1x16xf32>
        tpu.vector_store %arg17[%swap3A_846, %swap3A_847], %swap3A_850 {strides = array<i32>} : memref<128x16xf32, #tpu.memory_space<vmem>>, vector<1x16xf32>,
        %mul3A_851 = arith.constant 16 : i32
        %mul3A_852 = arith.muli %scan3A_326, %mul3A_851 : i32
        %add3A_853 = arith.constant 10 : i32
        %add3A_854 = arith.addi %mul3A_852, %add3A_853 : i32
        %slice3A_855 = vector.extract_strided_slice %get3A_332 {offsets = [10], sizes = [1], strides = [1]} : vector<16xf32> to vector<1xf32>
        %squeeze3A_856 = vector.extract %slice3A_855[0] : f32 from vector<1xf32>
        %broadcast_in_dim3A_857 = vector.broadcast %squeeze3A_856 : f32 to vector<16xf32>
        %get3A_858 = arith.index_cast %add3A_854 : i32 to index
        %get3A_859 = arith.constant 0 : index
        %get3A_860 = tpu.vector_load %arg15[%get3A_858, %get3A_859] {strides = array<i32>} : memref<128x64xf32, #tpu.memory_space<vmem>>, vector<1x16xf32>,
        %get3A_861 = vector.shape_cast %get3A_860 : vector<1x16xf32> to vector<16xf32>
        %mul3A_862 = arith.mulf %get3A_861, %broadcast_in_dim3A_857 : vector<16xf32>
        %swap3A_863 = arith.index_cast %add3A_854 : i32 to index
        %swap3A_864 = arith.constant 0 : index
        %swap3A_865 = tpu.vector_load %arg16[%swap3A_863, %swap3A_864] {strides = array<i32>} : memref<128x64xf32, #tpu.memory_space<vmem>>, vector<1x16xf32>,
        %swap3A_866 = vector.shape_cast %swap3A_865 : vector<1x16xf32> to vector<16xf32>
        %swap3A_867 = vector.shape_cast %mul3A_862 : vector<16xf32> to vector<1x16xf32>
        tpu.vector_store %arg16[%swap3A_863, %swap3A_864], %swap3A_867 {strides = array<i32>} : memref<128x64xf32, #tpu.memory_space<vmem>>, vector<1x16xf32>,
        %get3A_868 = arith.index_cast %add3A_854 : i32 to index
        %get3A_869 = arith.constant 16 : index
        %get3A_870 = tpu.vector_load %arg15[%get3A_868, %get3A_869] {strides = array<i32>} : memref<128x64xf32, #tpu.memory_space<vmem>>, vector<1x16xf32>,
        %get3A_871 = vector.shape_cast %get3A_870 : vector<1x16xf32> to vector<16xf32>
        %mul3A_872 = arith.mulf %get3A_871, %broadcast_in_dim3A_857 : vector<16xf32>
        %swap3A_873 = arith.index_cast %add3A_854 : i32 to index
        %swap3A_874 = arith.constant 16 : index
        %swap3A_875 = tpu.vector_load %arg16[%swap3A_873, %swap3A_874] {strides = array<i32>} : memref<128x64xf32, #tpu.memory_space<vmem>>, vector<1x16xf32>,
        %swap3A_876 = vector.shape_cast %swap3A_875 : vector<1x16xf32> to vector<16xf32>
        %swap3A_877 = vector.shape_cast %mul3A_872 : vector<16xf32> to vector<1x16xf32>
        tpu.vector_store %arg16[%swap3A_873, %swap3A_874], %swap3A_877 {strides = array<i32>} : memref<128x64xf32, #tpu.memory_space<vmem>>, vector<1x16xf32>,
        %get3A_878 = arith.index_cast %add3A_854 : i32 to index
        %get3A_879 = arith.constant 32 : index
        %get3A_880 = tpu.vector_load %arg15[%get3A_878, %get3A_879] {strides = array<i32>} : memref<128x64xf32, #tpu.memory_space<vmem>>, vector<1x16xf32>,
        %get3A_881 = vector.shape_cast %get3A_880 : vector<1x16xf32> to vector<16xf32>
        %mul3A_882 = arith.mulf %get3A_881, %broadcast_in_dim3A_857 : vector<16xf32>
        %swap3A_883 = arith.index_cast %add3A_854 : i32 to index
        %swap3A_884 = arith.constant 32 : index
        %swap3A_885 = tpu.vector_load %arg16[%swap3A_883, %swap3A_884] {strides = array<i32>} : memref<128x64xf32, #tpu.memory_space<vmem>>, vector<1x16xf32>,
        %swap3A_886 = vector.shape_cast %swap3A_885 : vector<1x16xf32> to vector<16xf32>
        %swap3A_887 = vector.shape_cast %mul3A_882 : vector<16xf32> to vector<1x16xf32>
        tpu.vector_store %arg16[%swap3A_883, %swap3A_884], %swap3A_887 {strides = array<i32>} : memref<128x64xf32, #tpu.memory_space<vmem>>, vector<1x16xf32>,
        %get3A_888 = arith.index_cast %add3A_854 : i32 to index
        %get3A_889 = arith.constant 48 : index
        %get3A_890 = tpu.vector_load %arg15[%get3A_888, %get3A_889] {strides = array<i32>} : memref<128x64xf32, #tpu.memory_space<vmem>>, vector<1x16xf32>,
        %get3A_891 = vector.shape_cast %get3A_890 : vector<1x16xf32> to vector<16xf32>
        %mul3A_892 = arith.mulf %get3A_891, %broadcast_in_dim3A_857 : vector<16xf32>
        %swap3A_893 = arith.index_cast %add3A_854 : i32 to index
        %swap3A_894 = arith.constant 48 : index
        %swap3A_895 = tpu.vector_load %arg16[%swap3A_893, %swap3A_894] {strides = array<i32>} : memref<128x64xf32, #tpu.memory_space<vmem>>, vector<1x16xf32>,
        %swap3A_896 = vector.shape_cast %swap3A_895 : vector<1x16xf32> to vector<16xf32>
        %swap3A_897 = vector.shape_cast %mul3A_892 : vector<16xf32> to vector<1x16xf32>
        tpu.vector_store %arg16[%swap3A_893, %swap3A_894], %swap3A_897 {strides = array<i32>} : memref<128x64xf32, #tpu.memory_space<vmem>>, vector<1x16xf32>,
        %swap3A_898 = arith.index_cast %add3A_854 : i32 to index
        %swap3A_899 = arith.constant 0 : index
        %swap3A_900 = tpu.vector_load %arg17[%swap3A_898, %swap3A_899] {strides = array<i32>} : memref<128x16xf32, #tpu.memory_space<vmem>>, vector<1x16xf32>,
        %swap3A_901 = vector.shape_cast %swap3A_900 : vector<1x16xf32> to vector<16xf32>
        %swap3A_902 = vector.shape_cast %broadcast_in_dim3A_857 : vector<16xf32> to vector<1x16xf32>
        tpu.vector_store %arg17[%swap3A_898, %swap3A_899], %swap3A_902 {strides = array<i32>} : memref<128x16xf32, #tpu.memory_space<vmem>>, vector<1x16xf32>,
        %mul3A_903 = arith.constant 16 : i32
        %mul3A_904 = arith.muli %scan3A_326, %mul3A_903 : i32
        %add3A_905 = arith.constant 11 : i32
        %add3A_906 = arith.addi %mul3A_904, %add3A_905 : i32
        %slice3A_907 = vector.extract_strided_slice %get3A_332 {offsets = [11], sizes = [1], strides = [1]} : vector<16xf32> to vector<1xf32>
        %squeeze3A_908 = vector.extract %slice3A_907[0] : f32 from vector<1xf32>
        %broadcast_in_dim3A_909 = vector.broadcast %squeeze3A_908 : f32 to vector<16xf32>
        %get3A_910 = arith.index_cast %add3A_906 : i32 to index
        %get3A_911 = arith.constant 0 : index
        %get3A_912 = tpu.vector_load %arg15[%get3A_910, %get3A_911] {strides = array<i32>} : memref<128x64xf32, #tpu.memory_space<vmem>>, vector<1x16xf32>,
        %get3A_913 = vector.shape_cast %get3A_912 : vector<1x16xf32> to vector<16xf32>
        %mul3A_914 = arith.mulf %get3A_913, %broadcast_in_dim3A_909 : vector<16xf32>
        %swap3A_915 = arith.index_cast %add3A_906 : i32 to index
        %swap3A_916 = arith.constant 0 : index
        %swap3A_917 = tpu.vector_load %arg16[%swap3A_915, %swap3A_916] {strides = array<i32>} : memref<128x64xf32, #tpu.memory_space<vmem>>, vector<1x16xf32>,
        %swap3A_918 = vector.shape_cast %swap3A_917 : vector<1x16xf32> to vector<16xf32>
        %swap3A_919 = vector.shape_cast %mul3A_914 : vector<16xf32> to vector<1x16xf32>
        tpu.vector_store %arg16[%swap3A_915, %swap3A_916], %swap3A_919 {strides = array<i32>} : memref<128x64xf32, #tpu.memory_space<vmem>>, vector<1x16xf32>,
        %get3A_920 = arith.index_cast %add3A_906 : i32 to index
        %get3A_921 = arith.constant 16 : index
        %get3A_922 = tpu.vector_load %arg15[%get3A_920, %get3A_921] {strides = array<i32>} : memref<128x64xf32, #tpu.memory_space<vmem>>, vector<1x16xf32>,
        %get3A_923 = vector.shape_cast %get3A_922 : vector<1x16xf32> to vector<16xf32>
        %mul3A_924 = arith.mulf %get3A_923, %broadcast_in_dim3A_909 : vector<16xf32>
        %swap3A_925 = arith.index_cast %add3A_906 : i32 to index
        %swap3A_926 = arith.constant 16 : index
        %swap3A_927 = tpu.vector_load %arg16[%swap3A_925, %swap3A_926] {strides = array<i32>} : memref<128x64xf32, #tpu.memory_space<vmem>>, vector<1x16xf32>,
        %swap3A_928 = vector.shape_cast %swap3A_927 : vector<1x16xf32> to vector<16xf32>
        %swap3A_929 = vector.shape_cast %mul3A_924 : vector<16xf32> to vector<1x16xf32>
        tpu.vector_store %arg16[%swap3A_925, %swap3A_926], %swap3A_929 {strides = array<i32>} : memref<128x64xf32, #tpu.memory_space<vmem>>, vector<1x16xf32>,
        %get3A_930 = arith.index_cast %add3A_906 : i32 to index
        %get3A_931 = arith.constant 32 : index
        %get3A_932 = tpu.vector_load %arg15[%get3A_930, %get3A_931] {strides = array<i32>} : memref<128x64xf32, #tpu.memory_space<vmem>>, vector<1x16xf32>,
        %get3A_933 = vector.shape_cast %get3A_932 : vector<1x16xf32> to vector<16xf32>
        %mul3A_934 = arith.mulf %get3A_933, %broadcast_in_dim3A_909 : vector<16xf32>
        %swap3A_935 = arith.index_cast %add3A_906 : i32 to index
        %swap3A_936 = arith.constant 32 : index
        %swap3A_937 = tpu.vector_load %arg16[%swap3A_935, %swap3A_936] {strides = array<i32>} : memref<128x64xf32, #tpu.memory_space<vmem>>, vector<1x16xf32>,
        %swap3A_938 = vector.shape_cast %swap3A_937 : vector<1x16xf32> to vector<16xf32>
        %swap3A_939 = vector.shape_cast %mul3A_934 : vector<16xf32> to vector<1x16xf32>
        tpu.vector_store %arg16[%swap3A_935, %swap3A_936], %swap3A_939 {strides = array<i32>} : memref<128x64xf32, #tpu.memory_space<vmem>>, vector<1x16xf32>,
        %get3A_940 = arith.index_cast %add3A_906 : i32 to index
        %get3A_941 = arith.constant 48 : index
        %get3A_942 = tpu.vector_load %arg15[%get3A_940, %get3A_941] {strides = array<i32>} : memref<128x64xf32, #tpu.memory_space<vmem>>, vector<1x16xf32>,
        %get3A_943 = vector.shape_cast %get3A_942 : vector<1x16xf32> to vector<16xf32>
        %mul3A_944 = arith.mulf %get3A_943, %broadcast_in_dim3A_909 : vector<16xf32>
        %swap3A_945 = arith.index_cast %add3A_906 : i32 to index
        %swap3A_946 = arith.constant 48 : index
        %swap3A_947 = tpu.vector_load %arg16[%swap3A_945, %swap3A_946] {strides = array<i32>} : memref<128x64xf32, #tpu.memory_space<vmem>>, vector<1x16xf32>,
        %swap3A_948 = vector.shape_cast %swap3A_947 : vector<1x16xf32> to vector<16xf32>
        %swap3A_949 = vector.shape_cast %mul3A_944 : vector<16xf32> to vector<1x16xf32>
        tpu.vector_store %arg16[%swap3A_945, %swap3A_946], %swap3A_949 {strides = array<i32>} : memref<128x64xf32, #tpu.memory_space<vmem>>, vector<1x16xf32>,
        %swap3A_950 = arith.index_cast %add3A_906 : i32 to index
        %swap3A_951 = arith.constant 0 : index
        %swap3A_952 = tpu.vector_load %arg17[%swap3A_950, %swap3A_951] {strides = array<i32>} : memref<128x16xf32, #tpu.memory_space<vmem>>, vector<1x16xf32>,
        %swap3A_953 = vector.shape_cast %swap3A_952 : vector<1x16xf32> to vector<16xf32>
        %swap3A_954 = vector.shape_cast %broadcast_in_dim3A_909 : vector<16xf32> to vector<1x16xf32>
        tpu.vector_store %arg17[%swap3A_950, %swap3A_951], %swap3A_954 {strides = array<i32>} : memref<128x16xf32, #tpu.memory_space<vmem>>, vector<1x16xf32>,
        %mul3A_955 = arith.constant 16 : i32
        %mul3A_956 = arith.muli %scan3A_326, %mul3A_955 : i32
        %add3A_957 = arith.constant 12 : i32
        %add3A_958 = arith.addi %mul3A_956, %add3A_957 : i32
        %slice3A_959 = vector.extract_strided_slice %get3A_332 {offsets = [12], sizes = [1], strides = [1]} : vector<16xf32> to vector<1xf32>
        %squeeze3A_960 = vector.extract %slice3A_959[0] : f32 from vector<1xf32>
        %broadcast_in_dim3A_961 = vector.broadcast %squeeze3A_960 : f32 to vector<16xf32>
        %get3A_962 = arith.index_cast %add3A_958 : i32 to index
        %get3A_963 = arith.constant 0 : index
        %get3A_964 = tpu.vector_load %arg15[%get3A_962, %get3A_963] {strides = array<i32>} : memref<128x64xf32, #tpu.memory_space<vmem>>, vector<1x16xf32>,
        %get3A_965 = vector.shape_cast %get3A_964 : vector<1x16xf32> to vector<16xf32>
        %mul3A_966 = arith.mulf %get3A_965, %broadcast_in_dim3A_961 : vector<16xf32>
        %swap3A_967 = arith.index_cast %add3A_958 : i32 to index
        %swap3A_968 = arith.constant 0 : index
        %swap3A_969 = tpu.vector_load %arg16[%swap3A_967, %swap3A_968] {strides = array<i32>} : memref<128x64xf32, #tpu.memory_space<vmem>>, vector<1x16xf32>,
        %swap3A_970 = vector.shape_cast %swap3A_969 : vector<1x16xf32> to vector<16xf32>
        %swap3A_971 = vector.shape_cast %mul3A_966 : vector<16xf32> to vector<1x16xf32>
        tpu.vector_store %arg16[%swap3A_967, %swap3A_968], %swap3A_971 {strides = array<i32>} : memref<128x64xf32, #tpu.memory_space<vmem>>, vector<1x16xf32>,
        %get3A_972 = arith.index_cast %add3A_958 : i32 to index
        %get3A_973 = arith.constant 16 : index
        %get3A_974 = tpu.vector_load %arg15[%get3A_972, %get3A_973] {strides = array<i32>} : memref<128x64xf32, #tpu.memory_space<vmem>>, vector<1x16xf32>,
        %get3A_975 = vector.shape_cast %get3A_974 : vector<1x16xf32> to vector<16xf32>
        %mul3A_976 = arith.mulf %get3A_975, %broadcast_in_dim3A_961 : vector<16xf32>
        %swap3A_977 = arith.index_cast %add3A_958 : i32 to index
        %swap3A_978 = arith.constant 16 : index
        %swap3A_979 = tpu.vector_load %arg16[%swap3A_977, %swap3A_978] {strides = array<i32>} : memref<128x64xf32, #tpu.memory_space<vmem>>, vector<1x16xf32>,
        %swap3A_980 = vector.shape_cast %swap3A_979 : vector<1x16xf32> to vector<16xf32>
        %swap3A_981 = vector.shape_cast %mul3A_976 : vector<16xf32> to vector<1x16xf32>
        tpu.vector_store %arg16[%swap3A_977, %swap3A_978], %swap3A_981 {strides = array<i32>} : memref<128x64xf32, #tpu.memory_space<vmem>>, vector<1x16xf32>,
        %get3A_982 = arith.index_cast %add3A_958 : i32 to index
        %get3A_983 = arith.constant 32 : index
        %get3A_984 = tpu.vector_load %arg15[%get3A_982, %get3A_983] {strides = array<i32>} : memref<128x64xf32, #tpu.memory_space<vmem>>, vector<1x16xf32>,
        %get3A_985 = vector.shape_cast %get3A_984 : vector<1x16xf32> to vector<16xf32>
        %mul3A_986 = arith.mulf %get3A_985, %broadcast_in_dim3A_961 : vector<16xf32>
        %swap3A_987 = arith.index_cast %add3A_958 : i32 to index
        %swap3A_988 = arith.constant 32 : index
        %swap3A_989 = tpu.vector_load %arg16[%swap3A_987, %swap3A_988] {strides = array<i32>} : memref<128x64xf32, #tpu.memory_space<vmem>>, vector<1x16xf32>,
        %swap3A_990 = vector.shape_cast %swap3A_989 : vector<1x16xf32> to vector<16xf32>
        %swap3A_991 = vector.shape_cast %mul3A_986 : vector<16xf32> to vector<1x16xf32>
        tpu.vector_store %arg16[%swap3A_987, %swap3A_988], %swap3A_991 {strides = array<i32>} : memref<128x64xf32, #tpu.memory_space<vmem>>, vector<1x16xf32>,
        %get3A_992 = arith.index_cast %add3A_958 : i32 to index
        %get3A_993 = arith.constant 48 : index
        %get3A_994 = tpu.vector_load %arg15[%get3A_992, %get3A_993] {strides = array<i32>} : memref<128x64xf32, #tpu.memory_space<vmem>>, vector<1x16xf32>,
        %get3A_995 = vector.shape_cast %get3A_994 : vector<1x16xf32> to vector<16xf32>
        %mul3A_996 = arith.mulf %get3A_995, %broadcast_in_dim3A_961 : vector<16xf32>
        %swap3A_997 = arith.index_cast %add3A_958 : i32 to index
        %swap3A_998 = arith.constant 48 : index
        %swap3A_999 = tpu.vector_load %arg16[%swap3A_997, %swap3A_998] {strides = array<i32>} : memref<128x64xf32, #tpu.memory_space<vmem>>, vector<1x16xf32>,
        %swap3A_1000 = vector.shape_cast %swap3A_999 : vector<1x16xf32> to vector<16xf32>
        %swap3A_1001 = vector.shape_cast %mul3A_996 : vector<16xf32> to vector<1x16xf32>
        tpu.vector_store %arg16[%swap3A_997, %swap3A_998], %swap3A_1001 {strides = array<i32>} : memref<128x64xf32, #tpu.memory_space<vmem>>, vector<1x16xf32>,
        %swap3A_1002 = arith.index_cast %add3A_958 : i32 to index
        %swap3A_1003 = arith.constant 0 : index
        %swap3A_1004 = tpu.vector_load %arg17[%swap3A_1002, %swap3A_1003] {strides = array<i32>} : memref<128x16xf32, #tpu.memory_space<vmem>>, vector<1x16xf32>,
        %swap3A_1005 = vector.shape_cast %swap3A_1004 : vector<1x16xf32> to vector<16xf32>
        %swap3A_1006 = vector.shape_cast %broadcast_in_dim3A_961 : vector<16xf32> to vector<1x16xf32>
        tpu.vector_store %arg17[%swap3A_1002, %swap3A_1003], %swap3A_1006 {strides = array<i32>} : memref<128x16xf32, #tpu.memory_space<vmem>>, vector<1x16xf32>,
        %mul3A_1007 = arith.constant 16 : i32
        %mul3A_1008 = arith.muli %scan3A_326, %mul3A_1007 : i32
        %add3A_1009 = arith.constant 13 : i32
        %add3A_1010 = arith.addi %mul3A_1008, %add3A_1009 : i32
        %slice3A_1011 = vector.extract_strided_slice %get3A_332 {offsets = [13], sizes = [1], strides = [1]} : vector<16xf32> to vector<1xf32>
        %squeeze3A_1012 = vector.extract %slice3A_1011[0] : f32 from vector<1xf32>
        %broadcast_in_dim3A_1013 = vector.broadcast %squeeze3A_1012 : f32 to vector<16xf32>
        %get3A_1014 = arith.index_cast %add3A_1010 : i32 to index
        %get3A_1015 = arith.constant 0 : index
        %get3A_1016 = tpu.vector_load %arg15[%get3A_1014, %get3A_1015] {strides = array<i32>} : memref<128x64xf32, #tpu.memory_space<vmem>>, vector<1x16xf32>,
        %get3A_1017 = vector.shape_cast %get3A_1016 : vector<1x16xf32> to vector<16xf32>
        %mul3A_1018 = arith.mulf %get3A_1017, %broadcast_in_dim3A_1013 : vector<16xf32>
        %swap3A_1019 = arith.index_cast %add3A_1010 : i32 to index
        %swap3A_1020 = arith.constant 0 : index
        %swap3A_1021 = tpu.vector_load %arg16[%swap3A_1019, %swap3A_1020] {strides = array<i32>} : memref<128x64xf32, #tpu.memory_space<vmem>>, vector<1x16xf32>,
        %swap3A_1022 = vector.shape_cast %swap3A_1021 : vector<1x16xf32> to vector<16xf32>
        %swap3A_1023 = vector.shape_cast %mul3A_1018 : vector<16xf32> to vector<1x16xf32>
        tpu.vector_store %arg16[%swap3A_1019, %swap3A_1020], %swap3A_1023 {strides = array<i32>} : memref<128x64xf32, #tpu.memory_space<vmem>>, vector<1x16xf32>,
        %get3A_1024 = arith.index_cast %add3A_1010 : i32 to index
        %get3A_1025 = arith.constant 16 : index
        %get3A_1026 = tpu.vector_load %arg15[%get3A_1024, %get3A_1025] {strides = array<i32>} : memref<128x64xf32, #tpu.memory_space<vmem>>, vector<1x16xf32>,
        %get3A_1027 = vector.shape_cast %get3A_1026 : vector<1x16xf32> to vector<16xf32>
        %mul3A_1028 = arith.mulf %get3A_1027, %broadcast_in_dim3A_1013 : vector<16xf32>
        %swap3A_1029 = arith.index_cast %add3A_1010 : i32 to index
        %swap3A_1030 = arith.constant 16 : index
        %swap3A_1031 = tpu.vector_load %arg16[%swap3A_1029, %swap3A_1030] {strides = array<i32>} : memref<128x64xf32, #tpu.memory_space<vmem>>, vector<1x16xf32>,
        %swap3A_1032 = vector.shape_cast %swap3A_1031 : vector<1x16xf32> to vector<16xf32>
        %swap3A_1033 = vector.shape_cast %mul3A_1028 : vector<16xf32> to vector<1x16xf32>
        tpu.vector_store %arg16[%swap3A_1029, %swap3A_1030], %swap3A_1033 {strides = array<i32>} : memref<128x64xf32, #tpu.memory_space<vmem>>, vector<1x16xf32>,
        %get3A_1034 = arith.index_cast %add3A_1010 : i32 to index
        %get3A_1035 = arith.constant 32 : index
        %get3A_1036 = tpu.vector_load %arg15[%get3A_1034, %get3A_1035] {strides = array<i32>} : memref<128x64xf32, #tpu.memory_space<vmem>>, vector<1x16xf32>,
        %get3A_1037 = vector.shape_cast %get3A_1036 : vector<1x16xf32> to vector<16xf32>
        %mul3A_1038 = arith.mulf %get3A_1037, %broadcast_in_dim3A_1013 : vector<16xf32>
        %swap3A_1039 = arith.index_cast %add3A_1010 : i32 to index
        %swap3A_1040 = arith.constant 32 : index
        %swap3A_1041 = tpu.vector_load %arg16[%swap3A_1039, %swap3A_1040] {strides = array<i32>} : memref<128x64xf32, #tpu.memory_space<vmem>>, vector<1x16xf32>,
        %swap3A_1042 = vector.shape_cast %swap3A_1041 : vector<1x16xf32> to vector<16xf32>
        %swap3A_1043 = vector.shape_cast %mul3A_1038 : vector<16xf32> to vector<1x16xf32>
        tpu.vector_store %arg16[%swap3A_1039, %swap3A_1040], %swap3A_1043 {strides = array<i32>} : memref<128x64xf32, #tpu.memory_space<vmem>>, vector<1x16xf32>,
        %get3A_1044 = arith.index_cast %add3A_1010 : i32 to index
        %get3A_1045 = arith.constant 48 : index
        %get3A_1046 = tpu.vector_load %arg15[%get3A_1044, %get3A_1045] {strides = array<i32>} : memref<128x64xf32, #tpu.memory_space<vmem>>, vector<1x16xf32>,
        %get3A_1047 = vector.shape_cast %get3A_1046 : vector<1x16xf32> to vector<16xf32>
        %mul3A_1048 = arith.mulf %get3A_1047, %broadcast_in_dim3A_1013 : vector<16xf32>
        %swap3A_1049 = arith.index_cast %add3A_1010 : i32 to index
        %swap3A_1050 = arith.constant 48 : index
        %swap3A_1051 = tpu.vector_load %arg16[%swap3A_1049, %swap3A_1050] {strides = array<i32>} : memref<128x64xf32, #tpu.memory_space<vmem>>, vector<1x16xf32>,
        %swap3A_1052 = vector.shape_cast %swap3A_1051 : vector<1x16xf32> to vector<16xf32>
        %swap3A_1053 = vector.shape_cast %mul3A_1048 : vector<16xf32> to vector<1x16xf32>
        tpu.vector_store %arg16[%swap3A_1049, %swap3A_1050], %swap3A_1053 {strides = array<i32>} : memref<128x64xf32, #tpu.memory_space<vmem>>, vector<1x16xf32>,
        %swap3A_1054 = arith.index_cast %add3A_1010 : i32 to index
        %swap3A_1055 = arith.constant 0 : index
        %swap3A_1056 = tpu.vector_load %arg17[%swap3A_1054, %swap3A_1055] {strides = array<i32>} : memref<128x16xf32, #tpu.memory_space<vmem>>, vector<1x16xf32>,
        %swap3A_1057 = vector.shape_cast %swap3A_1056 : vector<1x16xf32> to vector<16xf32>
        %swap3A_1058 = vector.shape_cast %broadcast_in_dim3A_1013 : vector<16xf32> to vector<1x16xf32>
        tpu.vector_store %arg17[%swap3A_1054, %swap3A_1055], %swap3A_1058 {strides = array<i32>} : memref<128x16xf32, #tpu.memory_space<vmem>>, vector<1x16xf32>,
        %mul3A_1059 = arith.constant 16 : i32
        %mul3A_1060 = arith.muli %scan3A_326, %mul3A_1059 : i32
        %add3A_1061 = arith.constant 14 : i32
        %add3A_1062 = arith.addi %mul3A_1060, %add3A_1061 : i32
        %slice3A_1063 = vector.extract_strided_slice %get3A_332 {offsets = [14], sizes = [1], strides = [1]} : vector<16xf32> to vector<1xf32>
        %squeeze3A_1064 = vector.extract %slice3A_1063[0] : f32 from vector<1xf32>
        %broadcast_in_dim3A_1065 = vector.broadcast %squeeze3A_1064 : f32 to vector<16xf32>
        %get3A_1066 = arith.index_cast %add3A_1062 : i32 to index
        %get3A_1067 = arith.constant 0 : index
        %get3A_1068 = tpu.vector_load %arg15[%get3A_1066, %get3A_1067] {strides = array<i32>} : memref<128x64xf32, #tpu.memory_space<vmem>>, vector<1x16xf32>,
        %get3A_1069 = vector.shape_cast %get3A_1068 : vector<1x16xf32> to vector<16xf32>
        %mul3A_1070 = arith.mulf %get3A_1069, %broadcast_in_dim3A_1065 : vector<16xf32>
        %swap3A_1071 = arith.index_cast %add3A_1062 : i32 to index
        %swap3A_1072 = arith.constant 0 : index
        %swap3A_1073 = tpu.vector_load %arg16[%swap3A_1071, %swap3A_1072] {strides = array<i32>} : memref<128x64xf32, #tpu.memory_space<vmem>>, vector<1x16xf32>,
        %swap3A_1074 = vector.shape_cast %swap3A_1073 : vector<1x16xf32> to vector<16xf32>
        %swap3A_1075 = vector.shape_cast %mul3A_1070 : vector<16xf32> to vector<1x16xf32>
        tpu.vector_store %arg16[%swap3A_1071, %swap3A_1072], %swap3A_1075 {strides = array<i32>} : memref<128x64xf32, #tpu.memory_space<vmem>>, vector<1x16xf32>,
        %get3A_1076 = arith.index_cast %add3A_1062 : i32 to index
        %get3A_1077 = arith.constant 16 : index
        %get3A_1078 = tpu.vector_load %arg15[%get3A_1076, %get3A_1077] {strides = array<i32>} : memref<128x64xf32, #tpu.memory_space<vmem>>, vector<1x16xf32>,
        %get3A_1079 = vector.shape_cast %get3A_1078 : vector<1x16xf32> to vector<16xf32>
        %mul3A_1080 = arith.mulf %get3A_1079, %broadcast_in_dim3A_1065 : vector<16xf32>
        %swap3A_1081 = arith.index_cast %add3A_1062 : i32 to index
        %swap3A_1082 = arith.constant 16 : index
        %swap3A_1083 = tpu.vector_load %arg16[%swap3A_1081, %swap3A_1082] {strides = array<i32>} : memref<128x64xf32, #tpu.memory_space<vmem>>, vector<1x16xf32>,
        %swap3A_1084 = vector.shape_cast %swap3A_1083 : vector<1x16xf32> to vector<16xf32>
        %swap3A_1085 = vector.shape_cast %mul3A_1080 : vector<16xf32> to vector<1x16xf32>
        tpu.vector_store %arg16[%swap3A_1081, %swap3A_1082], %swap3A_1085 {strides = array<i32>} : memref<128x64xf32, #tpu.memory_space<vmem>>, vector<1x16xf32>,
        %get3A_1086 = arith.index_cast %add3A_1062 : i32 to index
        %get3A_1087 = arith.constant 32 : index
        %get3A_1088 = tpu.vector_load %arg15[%get3A_1086, %get3A_1087] {strides = array<i32>} : memref<128x64xf32, #tpu.memory_space<vmem>>, vector<1x16xf32>,
        %get3A_1089 = vector.shape_cast %get3A_1088 : vector<1x16xf32> to vector<16xf32>
        %mul3A_1090 = arith.mulf %get3A_1089, %broadcast_in_dim3A_1065 : vector<16xf32>
        %swap3A_1091 = arith.index_cast %add3A_1062 : i32 to index
        %swap3A_1092 = arith.constant 32 : index
        %swap3A_1093 = tpu.vector_load %arg16[%swap3A_1091, %swap3A_1092] {strides = array<i32>} : memref<128x64xf32, #tpu.memory_space<vmem>>, vector<1x16xf32>,
        %swap3A_1094 = vector.shape_cast %swap3A_1093 : vector<1x16xf32> to vector<16xf32>
        %swap3A_1095 = vector.shape_cast %mul3A_1090 : vector<16xf32> to vector<1x16xf32>
        tpu.vector_store %arg16[%swap3A_1091, %swap3A_1092], %swap3A_1095 {strides = array<i32>} : memref<128x64xf32, #tpu.memory_space<vmem>>, vector<1x16xf32>,
        %get3A_1096 = arith.index_cast %add3A_1062 : i32 to index
        %get3A_1097 = arith.constant 48 : index
        %get3A_1098 = tpu.vector_load %arg15[%get3A_1096, %get3A_1097] {strides = array<i32>} : memref<128x64xf32, #tpu.memory_space<vmem>>, vector<1x16xf32>,
        %get3A_1099 = vector.shape_cast %get3A_1098 : vector<1x16xf32> to vector<16xf32>
        %mul3A_1100 = arith.mulf %get3A_1099, %broadcast_in_dim3A_1065 : vector<16xf32>
        %swap3A_1101 = arith.index_cast %add3A_1062 : i32 to index
        %swap3A_1102 = arith.constant 48 : index
        %swap3A_1103 = tpu.vector_load %arg16[%swap3A_1101, %swap3A_1102] {strides = array<i32>} : memref<128x64xf32, #tpu.memory_space<vmem>>, vector<1x16xf32>,
        %swap3A_1104 = vector.shape_cast %swap3A_1103 : vector<1x16xf32> to vector<16xf32>
        %swap3A_1105 = vector.shape_cast %mul3A_1100 : vector<16xf32> to vector<1x16xf32>
        tpu.vector_store %arg16[%swap3A_1101, %swap3A_1102], %swap3A_1105 {strides = array<i32>} : memref<128x64xf32, #tpu.memory_space<vmem>>, vector<1x16xf32>,
        %swap3A_1106 = arith.index_cast %add3A_1062 : i32 to index
        %swap3A_1107 = arith.constant 0 : index
        %swap3A_1108 = tpu.vector_load %arg17[%swap3A_1106, %swap3A_1107] {strides = array<i32>} : memref<128x16xf32, #tpu.memory_space<vmem>>, vector<1x16xf32>,
        %swap3A_1109 = vector.shape_cast %swap3A_1108 : vector<1x16xf32> to vector<16xf32>
        %swap3A_1110 = vector.shape_cast %broadcast_in_dim3A_1065 : vector<16xf32> to vector<1x16xf32>
        tpu.vector_store %arg17[%swap3A_1106, %swap3A_1107], %swap3A_1110 {strides = array<i32>} : memref<128x16xf32, #tpu.memory_space<vmem>>, vector<1x16xf32>,
        %mul3A_1111 = arith.constant 16 : i32
        %mul3A_1112 = arith.muli %scan3A_326, %mul3A_1111 : i32
        %add3A_1113 = arith.constant 15 : i32
        %add3A_1114 = arith.addi %mul3A_1112, %add3A_1113 : i32
        %slice3A_1115 = vector.extract_strided_slice %get3A_332 {offsets = [15], sizes = [1], strides = [1]} : vector<16xf32> to vector<1xf32>
        %squeeze3A_1116 = vector.extract %slice3A_1115[0] : f32 from vector<1xf32>
        %broadcast_in_dim3A_1117 = vector.broadcast %squeeze3A_1116 : f32 to vector<16xf32>
        %get3A_1118 = arith.index_cast %add3A_1114 : i32 to index
        %get3A_1119 = arith.constant 0 : index
        %get3A_1120 = tpu.vector_load %arg15[%get3A_1118, %get3A_1119] {strides = array<i32>} : memref<128x64xf32, #tpu.memory_space<vmem>>, vector<1x16xf32>,
        %get3A_1121 = vector.shape_cast %get3A_1120 : vector<1x16xf32> to vector<16xf32>
        %mul3A_1122 = arith.mulf %get3A_1121, %broadcast_in_dim3A_1117 : vector<16xf32>
        %swap3A_1123 = arith.index_cast %add3A_1114 : i32 to index
        %swap3A_1124 = arith.constant 0 : index
        %swap3A_1125 = tpu.vector_load %arg16[%swap3A_1123, %swap3A_1124] {strides = array<i32>} : memref<128x64xf32, #tpu.memory_space<vmem>>, vector<1x16xf32>,
        %swap3A_1126 = vector.shape_cast %swap3A_1125 : vector<1x16xf32> to vector<16xf32>
        %swap3A_1127 = vector.shape_cast %mul3A_1122 : vector<16xf32> to vector<1x16xf32>
        tpu.vector_store %arg16[%swap3A_1123, %swap3A_1124], %swap3A_1127 {strides = array<i32>} : memref<128x64xf32, #tpu.memory_space<vmem>>, vector<1x16xf32>,
        %get3A_1128 = arith.index_cast %add3A_1114 : i32 to index
        %get3A_1129 = arith.constant 16 : index
        %get3A_1130 = tpu.vector_load %arg15[%get3A_1128, %get3A_1129] {strides = array<i32>} : memref<128x64xf32, #tpu.memory_space<vmem>>, vector<1x16xf32>,
        %get3A_1131 = vector.shape_cast %get3A_1130 : vector<1x16xf32> to vector<16xf32>
        %mul3A_1132 = arith.mulf %get3A_1131, %broadcast_in_dim3A_1117 : vector<16xf32>
        %swap3A_1133 = arith.index_cast %add3A_1114 : i32 to index
        %swap3A_1134 = arith.constant 16 : index
        %swap3A_1135 = tpu.vector_load %arg16[%swap3A_1133, %swap3A_1134] {strides = array<i32>} : memref<128x64xf32, #tpu.memory_space<vmem>>, vector<1x16xf32>,
        %swap3A_1136 = vector.shape_cast %swap3A_1135 : vector<1x16xf32> to vector<16xf32>
        %swap3A_1137 = vector.shape_cast %mul3A_1132 : vector<16xf32> to vector<1x16xf32>
        tpu.vector_store %arg16[%swap3A_1133, %swap3A_1134], %swap3A_1137 {strides = array<i32>} : memref<128x64xf32, #tpu.memory_space<vmem>>, vector<1x16xf32>,
        %get3A_1138 = arith.index_cast %add3A_1114 : i32 to index
        %get3A_1139 = arith.constant 32 : index
        %get3A_1140 = tpu.vector_load %arg15[%get3A_1138, %get3A_1139] {strides = array<i32>} : memref<128x64xf32, #tpu.memory_space<vmem>>, vector<1x16xf32>,
        %get3A_1141 = vector.shape_cast %get3A_1140 : vector<1x16xf32> to vector<16xf32>
        %mul3A_1142 = arith.mulf %get3A_1141, %broadcast_in_dim3A_1117 : vector<16xf32>
        %swap3A_1143 = arith.index_cast %add3A_1114 : i32 to index
        %swap3A_1144 = arith.constant 32 : index
        %swap3A_1145 = tpu.vector_load %arg16[%swap3A_1143, %swap3A_1144] {strides = array<i32>} : memref<128x64xf32, #tpu.memory_space<vmem>>, vector<1x16xf32>,
        %swap3A_1146 = vector.shape_cast %swap3A_1145 : vector<1x16xf32> to vector<16xf32>
        %swap3A_1147 = vector.shape_cast %mul3A_1142 : vector<16xf32> to vector<1x16xf32>
        tpu.vector_store %arg16[%swap3A_1143, %swap3A_1144], %swap3A_1147 {strides = array<i32>} : memref<128x64xf32, #tpu.memory_space<vmem>>, vector<1x16xf32>,
        %get3A_1148 = arith.index_cast %add3A_1114 : i32 to index
        %get3A_1149 = arith.constant 48 : index
        %get3A_1150 = tpu.vector_load %arg15[%get3A_1148, %get3A_1149] {strides = array<i32>} : memref<128x64xf32, #tpu.memory_space<vmem>>, vector<1x16xf32>,
        %get3A_1151 = vector.shape_cast %get3A_1150 : vector<1x16xf32> to vector<16xf32>
        %mul3A_1152 = arith.mulf %get3A_1151, %broadcast_in_dim3A_1117 : vector<16xf32>
        %swap3A_1153 = arith.index_cast %add3A_1114 : i32 to index
        %swap3A_1154 = arith.constant 48 : index
        %swap3A_1155 = tpu.vector_load %arg16[%swap3A_1153, %swap3A_1154] {strides = array<i32>} : memref<128x64xf32, #tpu.memory_space<vmem>>, vector<1x16xf32>,
        %swap3A_1156 = vector.shape_cast %swap3A_1155 : vector<1x16xf32> to vector<16xf32>
        %swap3A_1157 = vector.shape_cast %mul3A_1152 : vector<16xf32> to vector<1x16xf32>
        tpu.vector_store %arg16[%swap3A_1153, %swap3A_1154], %swap3A_1157 {strides = array<i32>} : memref<128x64xf32, #tpu.memory_space<vmem>>, vector<1x16xf32>,
        %swap3A_1158 = arith.index_cast %add3A_1114 : i32 to index
        %swap3A_1159 = arith.constant 0 : index
        %swap3A_1160 = tpu.vector_load %arg17[%swap3A_1158, %swap3A_1159] {strides = array<i32>} : memref<128x16xf32, #tpu.memory_space<vmem>>, vector<1x16xf32>,
        %swap3A_1161 = vector.shape_cast %swap3A_1160 : vector<1x16xf32> to vector<16xf32>
        %swap3A_1162 = vector.shape_cast %broadcast_in_dim3A_1117 : vector<16xf32> to vector<1x16xf32>
        tpu.vector_store %arg17[%swap3A_1158, %swap3A_1159], %swap3A_1162 {strides = array<i32>} : memref<128x16xf32, #tpu.memory_space<vmem>>, vector<1x16xf32>,
        %scan3A_1163 = arith.constant 0 : i32
        scf.yield %scan3A_1163 : i32
      }
      %scan3A_324 = arith.constant 8 : i32
      "tpu.region"() ({
        %run_scoped3A = tpu.sem_alloc : memref<!tpu.dma_semaphore, #tpu.memory_space<semaphore_mem>>
        %dma_start3A_326 = arith.constant 0 : i32
        %dma_start3A_327 = arith.constant 0 : i32
        %dma_start3A_328 = tpu.memref_slice %arg19[%dma_start3A_326, %dma_start3A_327] : memref<10240x64xf32, #tpu.memory_space<vmem_shared>> -> memref<10240x64xf32, #tpu.memory_space<vmem_shared>>
        tpu.enqueue_indirect_dma source(%arg16 : memref<128x64xf32, #tpu.memory_space<vmem>>) target(%dma_start3A_328 : memref<10240x64xf32, #tpu.memory_space<vmem_shared>>) offsets(%arg12 : memref<128xi32, #tpu.memory_space<vmem>>) semaphore(%run_scoped3A : memref<!tpu.dma_semaphore, #tpu.memory_space<semaphore_mem>>) {add = true}
        %dma_wait3A_329 = arith.constant 0 : i32
        %dma_wait3A_330 = arith.constant 0 : i32
        %dma_wait3A_331 = tpu.memref_slice %arg19[%dma_wait3A_329, %dma_wait3A_330] : memref<10240x64xf32, #tpu.memory_space<vmem_shared>> -> memref<10240x64xf32, #tpu.memory_space<vmem_shared>>
        tpu.wait_indirect_dma semaphore(%run_scoped3A : memref<!tpu.dma_semaphore, #tpu.memory_space<semaphore_mem>>) src(%arg16 : memref<128x64xf32, #tpu.memory_space<vmem>>) dst(%dma_wait3A_331 : memref<10240x64xf32, #tpu.memory_space<vmem_shared>>)
        tpu.yield
      }) : () -> ()
      "tpu.region"() ({
        %run_scoped3A = tpu.sem_alloc : memref<!tpu.dma_semaphore, #tpu.memory_space<semaphore_mem>>
        %dma_start3A_326 = arith.constant 0 : i32
        %dma_start3A_327 = arith.constant 0 : i32
        %dma_start3A_328 = tpu.memref_slice %arg20[%dma_start3A_326, %dma_start3A_327] : memref<10240x16xf32, #tpu.memory_space<vmem_shared>> -> memref<10240x16xf32, #tpu.memory_space<vmem_shared>>
        tpu.enqueue_indirect_dma source(%arg17 : memref<128x16xf32, #tpu.memory_space<vmem>>) target(%dma_start3A_328 : memref<10240x16xf32, #tpu.memory_space<vmem_shared>>) offsets(%arg12 : memref<128xi32, #tpu.memory_space<vmem>>) semaphore(%run_scoped3A : memref<!tpu.dma_semaphore, #tpu.memory_space<semaphore_mem>>) {add = true}
        %dma_wait3A_329 = arith.constant 0 : i32
        %dma_wait3A_330 = arith.constant 0 : i32
        %dma_wait3A_331 = tpu.memref_slice %arg20[%dma_wait3A_329, %dma_wait3A_330] : memref<10240x16xf32, #tpu.memory_space<vmem_shared>> -> memref<10240x16xf32, #tpu.memory_space<vmem_shared>>
        tpu.wait_indirect_dma semaphore(%run_scoped3A : memref<!tpu.dma_semaphore, #tpu.memory_space<semaphore_mem>>) src(%arg17 : memref<128x16xf32, #tpu.memory_space<vmem>>) dst(%dma_wait3A_331 : memref<10240x16xf32, #tpu.memory_space<vmem_shared>>)
        tpu.yield
      }) : () -> ()
      %scan3A_325 = arith.constant 0 : i32
      scf.yield %scan3A_325 : i32
    }
    %scan3A_109 = arith.constant 78 : i32
    %dma_wait3A = arith.constant 0 : i32
    %dma_wait3A_110 = arith.constant 0 : i32
    %dma_wait3A_111 = tpu.memref_slice %arg2[%dma_wait3A, %dma_wait3A_110] : memref<20480x64xf32, #tpu.memory_space<hbm>> -> memref<128x64xf32, #tpu.memory_space<hbm>>
    %dma_wait3A_112 = arith.constant 0 : i32
    %dma_wait3A_113 = arith.constant 0 : i32
    %dma_wait3A_114 = tpu.memref_slice %arg2[%dma_wait3A_112, %dma_wait3A_113] : memref<20480x64xf32, #tpu.memory_space<hbm>> -> memref<128x64xf32, #tpu.memory_space<hbm>>
    tpu.wait_dma2 semaphore(%arg21 : memref<!tpu.dma_semaphore, #tpu.memory_space<semaphore_mem>>) src(%dma_wait3A_114 : memref<128x64xf32, #tpu.memory_space<hbm>>) dst(%arg14 : memref<128x64xf32, #tpu.memory_space<vmem>>)
    %scan3A_115 = arith.constant 0 : i32
    %scan3A_116 = arith.constant 0 : i32
    %scan3A_117 = arith.constant 8 : i32
    %scan3A_118 = arith.addi %scan3A_116, %scan3A_117 : i32
    %scan3A_119 = arith.constant 1 : i32
    %scan3A_120 = scf.for %scan3A_147 = %scan3A_116 to %scan3A_118 step %scan3A_119 iter_args(%scan3A_148 = %scan3A_115) -> (i32)  : i32 {
      %mul3A_149 = arith.constant 16 : i32
      %mul3A_150 = arith.muli %scan3A_147, %mul3A_149 : i32
      %get3A_151 = arith.index_cast %mul3A_150 : i32 to index
      %get3A_152 = tpu.vector_load %arg10[%get3A_151] {strides = array<i32>} : memref<128xf32, #tpu.memory_space<vmem>>, vector<16xf32>,
      %get3A_153 = vector.shape_cast %get3A_152 : vector<16xf32> to vector<16xf32>
      %mul3A_154 = arith.constant 16 : i32
      %mul3A_155 = arith.muli %scan3A_147, %mul3A_154 : i32
      %add3A_156 = arith.constant 0 : i32
      %add3A_157 = arith.addi %mul3A_155, %add3A_156 : i32
      %slice3A = vector.extract_strided_slice %get3A_153 {offsets = [0], sizes = [1], strides = [1]} : vector<16xf32> to vector<1xf32>
      %squeeze3A = vector.extract %slice3A[0] : f32 from vector<1xf32>
      %broadcast_in_dim3A_158 = vector.broadcast %squeeze3A : f32 to vector<16xf32>
      %get3A_159 = arith.index_cast %add3A_157 : i32 to index
      %get3A_160 = arith.constant 0 : index
      %get3A_161 = tpu.vector_load %arg14[%get3A_159, %get3A_160] {strides = array<i32>} : memref<128x64xf32, #tpu.memory_space<vmem>>, vector<1x16xf32>,
      %get3A_162 = vector.shape_cast %get3A_161 : vector<1x16xf32> to vector<16xf32>
      %mul3A_163 = arith.mulf %get3A_162, %broadcast_in_dim3A_158 : vector<16xf32>
      %swap3A_164 = arith.index_cast %add3A_157 : i32 to index
      %swap3A_165 = arith.constant 0 : index
      %swap3A_166 = tpu.vector_load %arg16[%swap3A_164, %swap3A_165] {strides = array<i32>} : memref<128x64xf32, #tpu.memory_space<vmem>>, vector<1x16xf32>,
      %swap3A_167 = vector.shape_cast %swap3A_166 : vector<1x16xf32> to vector<16xf32>
      %swap3A_168 = vector.shape_cast %mul3A_163 : vector<16xf32> to vector<1x16xf32>
      tpu.vector_store %arg16[%swap3A_164, %swap3A_165], %swap3A_168 {strides = array<i32>} : memref<128x64xf32, #tpu.memory_space<vmem>>, vector<1x16xf32>,
      %get3A_169 = arith.index_cast %add3A_157 : i32 to index
      %get3A_170 = arith.constant 16 : index
      %get3A_171 = tpu.vector_load %arg14[%get3A_169, %get3A_170] {strides = array<i32>} : memref<128x64xf32, #tpu.memory_space<vmem>>, vector<1x16xf32>,
      %get3A_172 = vector.shape_cast %get3A_171 : vector<1x16xf32> to vector<16xf32>
      %mul3A_173 = arith.mulf %get3A_172, %broadcast_in_dim3A_158 : vector<16xf32>
      %swap3A_174 = arith.index_cast %add3A_157 : i32 to index
      %swap3A_175 = arith.constant 16 : index
      %swap3A_176 = tpu.vector_load %arg16[%swap3A_174, %swap3A_175] {strides = array<i32>} : memref<128x64xf32, #tpu.memory_space<vmem>>, vector<1x16xf32>,
      %swap3A_177 = vector.shape_cast %swap3A_176 : vector<1x16xf32> to vector<16xf32>
      %swap3A_178 = vector.shape_cast %mul3A_173 : vector<16xf32> to vector<1x16xf32>
      tpu.vector_store %arg16[%swap3A_174, %swap3A_175], %swap3A_178 {strides = array<i32>} : memref<128x64xf32, #tpu.memory_space<vmem>>, vector<1x16xf32>,
      %get3A_179 = arith.index_cast %add3A_157 : i32 to index
      %get3A_180 = arith.constant 32 : index
      %get3A_181 = tpu.vector_load %arg14[%get3A_179, %get3A_180] {strides = array<i32>} : memref<128x64xf32, #tpu.memory_space<vmem>>, vector<1x16xf32>,
      %get3A_182 = vector.shape_cast %get3A_181 : vector<1x16xf32> to vector<16xf32>
      %mul3A_183 = arith.mulf %get3A_182, %broadcast_in_dim3A_158 : vector<16xf32>
      %swap3A_184 = arith.index_cast %add3A_157 : i32 to index
      %swap3A_185 = arith.constant 32 : index
      %swap3A_186 = tpu.vector_load %arg16[%swap3A_184, %swap3A_185] {strides = array<i32>} : memref<128x64xf32, #tpu.memory_space<vmem>>, vector<1x16xf32>,
      %swap3A_187 = vector.shape_cast %swap3A_186 : vector<1x16xf32> to vector<16xf32>
      %swap3A_188 = vector.shape_cast %mul3A_183 : vector<16xf32> to vector<1x16xf32>
      tpu.vector_store %arg16[%swap3A_184, %swap3A_185], %swap3A_188 {strides = array<i32>} : memref<128x64xf32, #tpu.memory_space<vmem>>, vector<1x16xf32>,
      %get3A_189 = arith.index_cast %add3A_157 : i32 to index
      %get3A_190 = arith.constant 48 : index
      %get3A_191 = tpu.vector_load %arg14[%get3A_189, %get3A_190] {strides = array<i32>} : memref<128x64xf32, #tpu.memory_space<vmem>>, vector<1x16xf32>,
      %get3A_192 = vector.shape_cast %get3A_191 : vector<1x16xf32> to vector<16xf32>
      %mul3A_193 = arith.mulf %get3A_192, %broadcast_in_dim3A_158 : vector<16xf32>
      %swap3A_194 = arith.index_cast %add3A_157 : i32 to index
      %swap3A_195 = arith.constant 48 : index
      %swap3A_196 = tpu.vector_load %arg16[%swap3A_194, %swap3A_195] {strides = array<i32>} : memref<128x64xf32, #tpu.memory_space<vmem>>, vector<1x16xf32>,
      %swap3A_197 = vector.shape_cast %swap3A_196 : vector<1x16xf32> to vector<16xf32>
      %swap3A_198 = vector.shape_cast %mul3A_193 : vector<16xf32> to vector<1x16xf32>
      tpu.vector_store %arg16[%swap3A_194, %swap3A_195], %swap3A_198 {strides = array<i32>} : memref<128x64xf32, #tpu.memory_space<vmem>>, vector<1x16xf32>,
      %swap3A_199 = arith.index_cast %add3A_157 : i32 to index
      %swap3A_200 = arith.constant 0 : index
      %swap3A_201 = tpu.vector_load %arg17[%swap3A_199, %swap3A_200] {strides = array<i32>} : memref<128x16xf32, #tpu.memory_space<vmem>>, vector<1x16xf32>,
      %swap3A_202 = vector.shape_cast %swap3A_201 : vector<1x16xf32> to vector<16xf32>
      %swap3A_203 = vector.shape_cast %broadcast_in_dim3A_158 : vector<16xf32> to vector<1x16xf32>
      tpu.vector_store %arg17[%swap3A_199, %swap3A_200], %swap3A_203 {strides = array<i32>} : memref<128x16xf32, #tpu.memory_space<vmem>>, vector<1x16xf32>,
      %mul3A_204 = arith.constant 16 : i32
      %mul3A_205 = arith.muli %scan3A_147, %mul3A_204 : i32
      %add3A_206 = arith.constant 1 : i32
      %add3A_207 = arith.addi %mul3A_205, %add3A_206 : i32
      %slice3A_208 = vector.extract_strided_slice %get3A_153 {offsets = [1], sizes = [1], strides = [1]} : vector<16xf32> to vector<1xf32>
      %squeeze3A_209 = vector.extract %slice3A_208[0] : f32 from vector<1xf32>
      %broadcast_in_dim3A_210 = vector.broadcast %squeeze3A_209 : f32 to vector<16xf32>
      %get3A_211 = arith.index_cast %add3A_207 : i32 to index
      %get3A_212 = arith.constant 0 : index
      %get3A_213 = tpu.vector_load %arg14[%get3A_211, %get3A_212] {strides = array<i32>} : memref<128x64xf32, #tpu.memory_space<vmem>>, vector<1x16xf32>,
      %get3A_214 = vector.shape_cast %get3A_213 : vector<1x16xf32> to vector<16xf32>
      %mul3A_215 = arith.mulf %get3A_214, %broadcast_in_dim3A_210 : vector<16xf32>
      %swap3A_216 = arith.index_cast %add3A_207 : i32 to index
      %swap3A_217 = arith.constant 0 : index
      %swap3A_218 = tpu.vector_load %arg16[%swap3A_216, %swap3A_217] {strides = array<i32>} : memref<128x64xf32, #tpu.memory_space<vmem>>, vector<1x16xf32>,
      %swap3A_219 = vector.shape_cast %swap3A_218 : vector<1x16xf32> to vector<16xf32>
      %swap3A_220 = vector.shape_cast %mul3A_215 : vector<16xf32> to vector<1x16xf32>
      tpu.vector_store %arg16[%swap3A_216, %swap3A_217], %swap3A_220 {strides = array<i32>} : memref<128x64xf32, #tpu.memory_space<vmem>>, vector<1x16xf32>,
      %get3A_221 = arith.index_cast %add3A_207 : i32 to index
      %get3A_222 = arith.constant 16 : index
      %get3A_223 = tpu.vector_load %arg14[%get3A_221, %get3A_222] {strides = array<i32>} : memref<128x64xf32, #tpu.memory_space<vmem>>, vector<1x16xf32>,
      %get3A_224 = vector.shape_cast %get3A_223 : vector<1x16xf32> to vector<16xf32>
      %mul3A_225 = arith.mulf %get3A_224, %broadcast_in_dim3A_210 : vector<16xf32>
      %swap3A_226 = arith.index_cast %add3A_207 : i32 to index
      %swap3A_227 = arith.constant 16 : index
      %swap3A_228 = tpu.vector_load %arg16[%swap3A_226, %swap3A_227] {strides = array<i32>} : memref<128x64xf32, #tpu.memory_space<vmem>>, vector<1x16xf32>,
      %swap3A_229 = vector.shape_cast %swap3A_228 : vector<1x16xf32> to vector<16xf32>
      %swap3A_230 = vector.shape_cast %mul3A_225 : vector<16xf32> to vector<1x16xf32>
      tpu.vector_store %arg16[%swap3A_226, %swap3A_227], %swap3A_230 {strides = array<i32>} : memref<128x64xf32, #tpu.memory_space<vmem>>, vector<1x16xf32>,
      %get3A_231 = arith.index_cast %add3A_207 : i32 to index
      %get3A_232 = arith.constant 32 : index
      %get3A_233 = tpu.vector_load %arg14[%get3A_231, %get3A_232] {strides = array<i32>} : memref<128x64xf32, #tpu.memory_space<vmem>>, vector<1x16xf32>,
      %get3A_234 = vector.shape_cast %get3A_233 : vector<1x16xf32> to vector<16xf32>
      %mul3A_235 = arith.mulf %get3A_234, %broadcast_in_dim3A_210 : vector<16xf32>
      %swap3A_236 = arith.index_cast %add3A_207 : i32 to index
      %swap3A_237 = arith.constant 32 : index
      %swap3A_238 = tpu.vector_load %arg16[%swap3A_236, %swap3A_237] {strides = array<i32>} : memref<128x64xf32, #tpu.memory_space<vmem>>, vector<1x16xf32>,
      %swap3A_239 = vector.shape_cast %swap3A_238 : vector<1x16xf32> to vector<16xf32>
      %swap3A_240 = vector.shape_cast %mul3A_235 : vector<16xf32> to vector<1x16xf32>
      tpu.vector_store %arg16[%swap3A_236, %swap3A_237], %swap3A_240 {strides = array<i32>} : memref<128x64xf32, #tpu.memory_space<vmem>>, vector<1x16xf32>,
      %get3A_241 = arith.index_cast %add3A_207 : i32 to index
      %get3A_242 = arith.constant 48 : index
      %get3A_243 = tpu.vector_load %arg14[%get3A_241, %get3A_242] {strides = array<i32>} : memref<128x64xf32, #tpu.memory_space<vmem>>, vector<1x16xf32>,
      %get3A_244 = vector.shape_cast %get3A_243 : vector<1x16xf32> to vector<16xf32>
      %mul3A_245 = arith.mulf %get3A_244, %broadcast_in_dim3A_210 : vector<16xf32>
      %swap3A_246 = arith.index_cast %add3A_207 : i32 to index
      %swap3A_247 = arith.constant 48 : index
      %swap3A_248 = tpu.vector_load %arg16[%swap3A_246, %swap3A_247] {strides = array<i32>} : memref<128x64xf32, #tpu.memory_space<vmem>>, vector<1x16xf32>,
      %swap3A_249 = vector.shape_cast %swap3A_248 : vector<1x16xf32> to vector<16xf32>
      %swap3A_250 = vector.shape_cast %mul3A_245 : vector<16xf32> to vector<1x16xf32>
      tpu.vector_store %arg16[%swap3A_246, %swap3A_247], %swap3A_250 {strides = array<i32>} : memref<128x64xf32, #tpu.memory_space<vmem>>, vector<1x16xf32>,
      %swap3A_251 = arith.index_cast %add3A_207 : i32 to index
      %swap3A_252 = arith.constant 0 : index
      %swap3A_253 = tpu.vector_load %arg17[%swap3A_251, %swap3A_252] {strides = array<i32>} : memref<128x16xf32, #tpu.memory_space<vmem>>, vector<1x16xf32>,
      %swap3A_254 = vector.shape_cast %swap3A_253 : vector<1x16xf32> to vector<16xf32>
      %swap3A_255 = vector.shape_cast %broadcast_in_dim3A_210 : vector<16xf32> to vector<1x16xf32>
      tpu.vector_store %arg17[%swap3A_251, %swap3A_252], %swap3A_255 {strides = array<i32>} : memref<128x16xf32, #tpu.memory_space<vmem>>, vector<1x16xf32>,
      %mul3A_256 = arith.constant 16 : i32
      %mul3A_257 = arith.muli %scan3A_147, %mul3A_256 : i32
      %add3A_258 = arith.constant 2 : i32
      %add3A_259 = arith.addi %mul3A_257, %add3A_258 : i32
      %slice3A_260 = vector.extract_strided_slice %get3A_153 {offsets = [2], sizes = [1], strides = [1]} : vector<16xf32> to vector<1xf32>
      %squeeze3A_261 = vector.extract %slice3A_260[0] : f32 from vector<1xf32>
      %broadcast_in_dim3A_262 = vector.broadcast %squeeze3A_261 : f32 to vector<16xf32>
      %get3A_263 = arith.index_cast %add3A_259 : i32 to index
      %get3A_264 = arith.constant 0 : index
      %get3A_265 = tpu.vector_load %arg14[%get3A_263, %get3A_264] {strides = array<i32>} : memref<128x64xf32, #tpu.memory_space<vmem>>, vector<1x16xf32>,
      %get3A_266 = vector.shape_cast %get3A_265 : vector<1x16xf32> to vector<16xf32>
      %mul3A_267 = arith.mulf %get3A_266, %broadcast_in_dim3A_262 : vector<16xf32>
      %swap3A_268 = arith.index_cast %add3A_259 : i32 to index
      %swap3A_269 = arith.constant 0 : index
      %swap3A_270 = tpu.vector_load %arg16[%swap3A_268, %swap3A_269] {strides = array<i32>} : memref<128x64xf32, #tpu.memory_space<vmem>>, vector<1x16xf32>,
      %swap3A_271 = vector.shape_cast %swap3A_270 : vector<1x16xf32> to vector<16xf32>
      %swap3A_272 = vector.shape_cast %mul3A_267 : vector<16xf32> to vector<1x16xf32>
      tpu.vector_store %arg16[%swap3A_268, %swap3A_269], %swap3A_272 {strides = array<i32>} : memref<128x64xf32, #tpu.memory_space<vmem>>, vector<1x16xf32>,
      %get3A_273 = arith.index_cast %add3A_259 : i32 to index
      %get3A_274 = arith.constant 16 : index
      %get3A_275 = tpu.vector_load %arg14[%get3A_273, %get3A_274] {strides = array<i32>} : memref<128x64xf32, #tpu.memory_space<vmem>>, vector<1x16xf32>,
      %get3A_276 = vector.shape_cast %get3A_275 : vector<1x16xf32> to vector<16xf32>
      %mul3A_277 = arith.mulf %get3A_276, %broadcast_in_dim3A_262 : vector<16xf32>
      %swap3A_278 = arith.index_cast %add3A_259 : i32 to index
      %swap3A_279 = arith.constant 16 : index
      %swap3A_280 = tpu.vector_load %arg16[%swap3A_278, %swap3A_279] {strides = array<i32>} : memref<128x64xf32, #tpu.memory_space<vmem>>, vector<1x16xf32>,
      %swap3A_281 = vector.shape_cast %swap3A_280 : vector<1x16xf32> to vector<16xf32>
      %swap3A_282 = vector.shape_cast %mul3A_277 : vector<16xf32> to vector<1x16xf32>
      tpu.vector_store %arg16[%swap3A_278, %swap3A_279], %swap3A_282 {strides = array<i32>} : memref<128x64xf32, #tpu.memory_space<vmem>>, vector<1x16xf32>,
      %get3A_283 = arith.index_cast %add3A_259 : i32 to index
      %get3A_284 = arith.constant 32 : index
      %get3A_285 = tpu.vector_load %arg14[%get3A_283, %get3A_284] {strides = array<i32>} : memref<128x64xf32, #tpu.memory_space<vmem>>, vector<1x16xf32>,
      %get3A_286 = vector.shape_cast %get3A_285 : vector<1x16xf32> to vector<16xf32>
      %mul3A_287 = arith.mulf %get3A_286, %broadcast_in_dim3A_262 : vector<16xf32>
      %swap3A_288 = arith.index_cast %add3A_259 : i32 to index
      %swap3A_289 = arith.constant 32 : index
      %swap3A_290 = tpu.vector_load %arg16[%swap3A_288, %swap3A_289] {strides = array<i32>} : memref<128x64xf32, #tpu.memory_space<vmem>>, vector<1x16xf32>,
      %swap3A_291 = vector.shape_cast %swap3A_290 : vector<1x16xf32> to vector<16xf32>
      %swap3A_292 = vector.shape_cast %mul3A_287 : vector<16xf32> to vector<1x16xf32>
      tpu.vector_store %arg16[%swap3A_288, %swap3A_289], %swap3A_292 {strides = array<i32>} : memref<128x64xf32, #tpu.memory_space<vmem>>, vector<1x16xf32>,
      %get3A_293 = arith.index_cast %add3A_259 : i32 to index
      %get3A_294 = arith.constant 48 : index
      %get3A_295 = tpu.vector_load %arg14[%get3A_293, %get3A_294] {strides = array<i32>} : memref<128x64xf32, #tpu.memory_space<vmem>>, vector<1x16xf32>,
      %get3A_296 = vector.shape_cast %get3A_295 : vector<1x16xf32> to vector<16xf32>
      %mul3A_297 = arith.mulf %get3A_296, %broadcast_in_dim3A_262 : vector<16xf32>
      %swap3A_298 = arith.index_cast %add3A_259 : i32 to index
      %swap3A_299 = arith.constant 48 : index
      %swap3A_300 = tpu.vector_load %arg16[%swap3A_298, %swap3A_299] {strides = array<i32>} : memref<128x64xf32, #tpu.memory_space<vmem>>, vector<1x16xf32>,
      %swap3A_301 = vector.shape_cast %swap3A_300 : vector<1x16xf32> to vector<16xf32>
      %swap3A_302 = vector.shape_cast %mul3A_297 : vector<16xf32> to vector<1x16xf32>
      tpu.vector_store %arg16[%swap3A_298, %swap3A_299], %swap3A_302 {strides = array<i32>} : memref<128x64xf32, #tpu.memory_space<vmem>>, vector<1x16xf32>,
      %swap3A_303 = arith.index_cast %add3A_259 : i32 to index
      %swap3A_304 = arith.constant 0 : index
      %swap3A_305 = tpu.vector_load %arg17[%swap3A_303, %swap3A_304] {strides = array<i32>} : memref<128x16xf32, #tpu.memory_space<vmem>>, vector<1x16xf32>,
      %swap3A_306 = vector.shape_cast %swap3A_305 : vector<1x16xf32> to vector<16xf32>
      %swap3A_307 = vector.shape_cast %broadcast_in_dim3A_262 : vector<16xf32> to vector<1x16xf32>
      tpu.vector_store %arg17[%swap3A_303, %swap3A_304], %swap3A_307 {strides = array<i32>} : memref<128x16xf32, #tpu.memory_space<vmem>>, vector<1x16xf32>,
      %mul3A_308 = arith.constant 16 : i32
      %mul3A_309 = arith.muli %scan3A_147, %mul3A_308 : i32
      %add3A_310 = arith.constant 3 : i32
      %add3A_311 = arith.addi %mul3A_309, %add3A_310 : i32
      %slice3A_312 = vector.extract_strided_slice %get3A_153 {offsets = [3], sizes = [1], strides = [1]} : vector<16xf32> to vector<1xf32>
      %squeeze3A_313 = vector.extract %slice3A_312[0] : f32 from vector<1xf32>
      %broadcast_in_dim3A_314 = vector.broadcast %squeeze3A_313 : f32 to vector<16xf32>
      %get3A_315 = arith.index_cast %add3A_311 : i32 to index
      %get3A_316 = arith.constant 0 : index
      %get3A_317 = tpu.vector_load %arg14[%get3A_315, %get3A_316] {strides = array<i32>} : memref<128x64xf32, #tpu.memory_space<vmem>>, vector<1x16xf32>,
      %get3A_318 = vector.shape_cast %get3A_317 : vector<1x16xf32> to vector<16xf32>
      %mul3A_319 = arith.mulf %get3A_318, %broadcast_in_dim3A_314 : vector<16xf32>
      %swap3A_320 = arith.index_cast %add3A_311 : i32 to index
      %swap3A_321 = arith.constant 0 : index
      %swap3A_322 = tpu.vector_load %arg16[%swap3A_320, %swap3A_321] {strides = array<i32>} : memref<128x64xf32, #tpu.memory_space<vmem>>, vector<1x16xf32>,
      %swap3A_323 = vector.shape_cast %swap3A_322 : vector<1x16xf32> to vector<16xf32>
      %swap3A_324 = vector.shape_cast %mul3A_319 : vector<16xf32> to vector<1x16xf32>
      tpu.vector_store %arg16[%swap3A_320, %swap3A_321], %swap3A_324 {strides = array<i32>} : memref<128x64xf32, #tpu.memory_space<vmem>>, vector<1x16xf32>,
      %get3A_325 = arith.index_cast %add3A_311 : i32 to index
      %get3A_326 = arith.constant 16 : index
      %get3A_327 = tpu.vector_load %arg14[%get3A_325, %get3A_326] {strides = array<i32>} : memref<128x64xf32, #tpu.memory_space<vmem>>, vector<1x16xf32>,
      %get3A_328 = vector.shape_cast %get3A_327 : vector<1x16xf32> to vector<16xf32>
      %mul3A_329 = arith.mulf %get3A_328, %broadcast_in_dim3A_314 : vector<16xf32>
      %swap3A_330 = arith.index_cast %add3A_311 : i32 to index
      %swap3A_331 = arith.constant 16 : index
      %swap3A_332 = tpu.vector_load %arg16[%swap3A_330, %swap3A_331] {strides = array<i32>} : memref<128x64xf32, #tpu.memory_space<vmem>>, vector<1x16xf32>,
      %swap3A_333 = vector.shape_cast %swap3A_332 : vector<1x16xf32> to vector<16xf32>
      %swap3A_334 = vector.shape_cast %mul3A_329 : vector<16xf32> to vector<1x16xf32>
      tpu.vector_store %arg16[%swap3A_330, %swap3A_331], %swap3A_334 {strides = array<i32>} : memref<128x64xf32, #tpu.memory_space<vmem>>, vector<1x16xf32>,
      %get3A_335 = arith.index_cast %add3A_311 : i32 to index
      %get3A_336 = arith.constant 32 : index
      %get3A_337 = tpu.vector_load %arg14[%get3A_335, %get3A_336] {strides = array<i32>} : memref<128x64xf32, #tpu.memory_space<vmem>>, vector<1x16xf32>,
      %get3A_338 = vector.shape_cast %get3A_337 : vector<1x16xf32> to vector<16xf32>
      %mul3A_339 = arith.mulf %get3A_338, %broadcast_in_dim3A_314 : vector<16xf32>
      %swap3A_340 = arith.index_cast %add3A_311 : i32 to index
      %swap3A_341 = arith.constant 32 : index
      %swap3A_342 = tpu.vector_load %arg16[%swap3A_340, %swap3A_341] {strides = array<i32>} : memref<128x64xf32, #tpu.memory_space<vmem>>, vector<1x16xf32>,
      %swap3A_343 = vector.shape_cast %swap3A_342 : vector<1x16xf32> to vector<16xf32>
      %swap3A_344 = vector.shape_cast %mul3A_339 : vector<16xf32> to vector<1x16xf32>
      tpu.vector_store %arg16[%swap3A_340, %swap3A_341], %swap3A_344 {strides = array<i32>} : memref<128x64xf32, #tpu.memory_space<vmem>>, vector<1x16xf32>,
      %get3A_345 = arith.index_cast %add3A_311 : i32 to index
      %get3A_346 = arith.constant 48 : index
      %get3A_347 = tpu.vector_load %arg14[%get3A_345, %get3A_346] {strides = array<i32>} : memref<128x64xf32, #tpu.memory_space<vmem>>, vector<1x16xf32>,
      %get3A_348 = vector.shape_cast %get3A_347 : vector<1x16xf32> to vector<16xf32>
      %mul3A_349 = arith.mulf %get3A_348, %broadcast_in_dim3A_314 : vector<16xf32>
      %swap3A_350 = arith.index_cast %add3A_311 : i32 to index
      %swap3A_351 = arith.constant 48 : index
      %swap3A_352 = tpu.vector_load %arg16[%swap3A_350, %swap3A_351] {strides = array<i32>} : memref<128x64xf32, #tpu.memory_space<vmem>>, vector<1x16xf32>,
      %swap3A_353 = vector.shape_cast %swap3A_352 : vector<1x16xf32> to vector<16xf32>
      %swap3A_354 = vector.shape_cast %mul3A_349 : vector<16xf32> to vector<1x16xf32>
      tpu.vector_store %arg16[%swap3A_350, %swap3A_351], %swap3A_354 {strides = array<i32>} : memref<128x64xf32, #tpu.memory_space<vmem>>, vector<1x16xf32>,
      %swap3A_355 = arith.index_cast %add3A_311 : i32 to index
      %swap3A_356 = arith.constant 0 : index
      %swap3A_357 = tpu.vector_load %arg17[%swap3A_355, %swap3A_356] {strides = array<i32>} : memref<128x16xf32, #tpu.memory_space<vmem>>, vector<1x16xf32>,
      %swap3A_358 = vector.shape_cast %swap3A_357 : vector<1x16xf32> to vector<16xf32>
      %swap3A_359 = vector.shape_cast %broadcast_in_dim3A_314 : vector<16xf32> to vector<1x16xf32>
      tpu.vector_store %arg17[%swap3A_355, %swap3A_356], %swap3A_359 {strides = array<i32>} : memref<128x16xf32, #tpu.memory_space<vmem>>, vector<1x16xf32>,
      %mul3A_360 = arith.constant 16 : i32
      %mul3A_361 = arith.muli %scan3A_147, %mul3A_360 : i32
      %add3A_362 = arith.constant 4 : i32
      %add3A_363 = arith.addi %mul3A_361, %add3A_362 : i32
      %slice3A_364 = vector.extract_strided_slice %get3A_153 {offsets = [4], sizes = [1], strides = [1]} : vector<16xf32> to vector<1xf32>
      %squeeze3A_365 = vector.extract %slice3A_364[0] : f32 from vector<1xf32>
      %broadcast_in_dim3A_366 = vector.broadcast %squeeze3A_365 : f32 to vector<16xf32>
      %get3A_367 = arith.index_cast %add3A_363 : i32 to index
      %get3A_368 = arith.constant 0 : index
      %get3A_369 = tpu.vector_load %arg14[%get3A_367, %get3A_368] {strides = array<i32>} : memref<128x64xf32, #tpu.memory_space<vmem>>, vector<1x16xf32>,
      %get3A_370 = vector.shape_cast %get3A_369 : vector<1x16xf32> to vector<16xf32>
      %mul3A_371 = arith.mulf %get3A_370, %broadcast_in_dim3A_366 : vector<16xf32>
      %swap3A_372 = arith.index_cast %add3A_363 : i32 to index
      %swap3A_373 = arith.constant 0 : index
      %swap3A_374 = tpu.vector_load %arg16[%swap3A_372, %swap3A_373] {strides = array<i32>} : memref<128x64xf32, #tpu.memory_space<vmem>>, vector<1x16xf32>,
      %swap3A_375 = vector.shape_cast %swap3A_374 : vector<1x16xf32> to vector<16xf32>
      %swap3A_376 = vector.shape_cast %mul3A_371 : vector<16xf32> to vector<1x16xf32>
      tpu.vector_store %arg16[%swap3A_372, %swap3A_373], %swap3A_376 {strides = array<i32>} : memref<128x64xf32, #tpu.memory_space<vmem>>, vector<1x16xf32>,
      %get3A_377 = arith.index_cast %add3A_363 : i32 to index
      %get3A_378 = arith.constant 16 : index
      %get3A_379 = tpu.vector_load %arg14[%get3A_377, %get3A_378] {strides = array<i32>} : memref<128x64xf32, #tpu.memory_space<vmem>>, vector<1x16xf32>,
      %get3A_380 = vector.shape_cast %get3A_379 : vector<1x16xf32> to vector<16xf32>
      %mul3A_381 = arith.mulf %get3A_380, %broadcast_in_dim3A_366 : vector<16xf32>
      %swap3A_382 = arith.index_cast %add3A_363 : i32 to index
      %swap3A_383 = arith.constant 16 : index
      %swap3A_384 = tpu.vector_load %arg16[%swap3A_382, %swap3A_383] {strides = array<i32>} : memref<128x64xf32, #tpu.memory_space<vmem>>, vector<1x16xf32>,
      %swap3A_385 = vector.shape_cast %swap3A_384 : vector<1x16xf32> to vector<16xf32>
      %swap3A_386 = vector.shape_cast %mul3A_381 : vector<16xf32> to vector<1x16xf32>
      tpu.vector_store %arg16[%swap3A_382, %swap3A_383], %swap3A_386 {strides = array<i32>} : memref<128x64xf32, #tpu.memory_space<vmem>>, vector<1x16xf32>,
      %get3A_387 = arith.index_cast %add3A_363 : i32 to index
      %get3A_388 = arith.constant 32 : index
      %get3A_389 = tpu.vector_load %arg14[%get3A_387, %get3A_388] {strides = array<i32>} : memref<128x64xf32, #tpu.memory_space<vmem>>, vector<1x16xf32>,
      %get3A_390 = vector.shape_cast %get3A_389 : vector<1x16xf32> to vector<16xf32>
      %mul3A_391 = arith.mulf %get3A_390, %broadcast_in_dim3A_366 : vector<16xf32>
      %swap3A_392 = arith.index_cast %add3A_363 : i32 to index
      %swap3A_393 = arith.constant 32 : index
      %swap3A_394 = tpu.vector_load %arg16[%swap3A_392, %swap3A_393] {strides = array<i32>} : memref<128x64xf32, #tpu.memory_space<vmem>>, vector<1x16xf32>,
      %swap3A_395 = vector.shape_cast %swap3A_394 : vector<1x16xf32> to vector<16xf32>
      %swap3A_396 = vector.shape_cast %mul3A_391 : vector<16xf32> to vector<1x16xf32>
      tpu.vector_store %arg16[%swap3A_392, %swap3A_393], %swap3A_396 {strides = array<i32>} : memref<128x64xf32, #tpu.memory_space<vmem>>, vector<1x16xf32>,
      %get3A_397 = arith.index_cast %add3A_363 : i32 to index
      %get3A_398 = arith.constant 48 : index
      %get3A_399 = tpu.vector_load %arg14[%get3A_397, %get3A_398] {strides = array<i32>} : memref<128x64xf32, #tpu.memory_space<vmem>>, vector<1x16xf32>,
      %get3A_400 = vector.shape_cast %get3A_399 : vector<1x16xf32> to vector<16xf32>
      %mul3A_401 = arith.mulf %get3A_400, %broadcast_in_dim3A_366 : vector<16xf32>
      %swap3A_402 = arith.index_cast %add3A_363 : i32 to index
      %swap3A_403 = arith.constant 48 : index
      %swap3A_404 = tpu.vector_load %arg16[%swap3A_402, %swap3A_403] {strides = array<i32>} : memref<128x64xf32, #tpu.memory_space<vmem>>, vector<1x16xf32>,
      %swap3A_405 = vector.shape_cast %swap3A_404 : vector<1x16xf32> to vector<16xf32>
      %swap3A_406 = vector.shape_cast %mul3A_401 : vector<16xf32> to vector<1x16xf32>
      tpu.vector_store %arg16[%swap3A_402, %swap3A_403], %swap3A_406 {strides = array<i32>} : memref<128x64xf32, #tpu.memory_space<vmem>>, vector<1x16xf32>,
      %swap3A_407 = arith.index_cast %add3A_363 : i32 to index
      %swap3A_408 = arith.constant 0 : index
      %swap3A_409 = tpu.vector_load %arg17[%swap3A_407, %swap3A_408] {strides = array<i32>} : memref<128x16xf32, #tpu.memory_space<vmem>>, vector<1x16xf32>,
      %swap3A_410 = vector.shape_cast %swap3A_409 : vector<1x16xf32> to vector<16xf32>
      %swap3A_411 = vector.shape_cast %broadcast_in_dim3A_366 : vector<16xf32> to vector<1x16xf32>
      tpu.vector_store %arg17[%swap3A_407, %swap3A_408], %swap3A_411 {strides = array<i32>} : memref<128x16xf32, #tpu.memory_space<vmem>>, vector<1x16xf32>,
      %mul3A_412 = arith.constant 16 : i32
      %mul3A_413 = arith.muli %scan3A_147, %mul3A_412 : i32
      %add3A_414 = arith.constant 5 : i32
      %add3A_415 = arith.addi %mul3A_413, %add3A_414 : i32
      %slice3A_416 = vector.extract_strided_slice %get3A_153 {offsets = [5], sizes = [1], strides = [1]} : vector<16xf32> to vector<1xf32>
      %squeeze3A_417 = vector.extract %slice3A_416[0] : f32 from vector<1xf32>
      %broadcast_in_dim3A_418 = vector.broadcast %squeeze3A_417 : f32 to vector<16xf32>
      %get3A_419 = arith.index_cast %add3A_415 : i32 to index
      %get3A_420 = arith.constant 0 : index
      %get3A_421 = tpu.vector_load %arg14[%get3A_419, %get3A_420] {strides = array<i32>} : memref<128x64xf32, #tpu.memory_space<vmem>>, vector<1x16xf32>,
      %get3A_422 = vector.shape_cast %get3A_421 : vector<1x16xf32> to vector<16xf32>
      %mul3A_423 = arith.mulf %get3A_422, %broadcast_in_dim3A_418 : vector<16xf32>
      %swap3A_424 = arith.index_cast %add3A_415 : i32 to index
      %swap3A_425 = arith.constant 0 : index
      %swap3A_426 = tpu.vector_load %arg16[%swap3A_424, %swap3A_425] {strides = array<i32>} : memref<128x64xf32, #tpu.memory_space<vmem>>, vector<1x16xf32>,
      %swap3A_427 = vector.shape_cast %swap3A_426 : vector<1x16xf32> to vector<16xf32>
      %swap3A_428 = vector.shape_cast %mul3A_423 : vector<16xf32> to vector<1x16xf32>
      tpu.vector_store %arg16[%swap3A_424, %swap3A_425], %swap3A_428 {strides = array<i32>} : memref<128x64xf32, #tpu.memory_space<vmem>>, vector<1x16xf32>,
      %get3A_429 = arith.index_cast %add3A_415 : i32 to index
      %get3A_430 = arith.constant 16 : index
      %get3A_431 = tpu.vector_load %arg14[%get3A_429, %get3A_430] {strides = array<i32>} : memref<128x64xf32, #tpu.memory_space<vmem>>, vector<1x16xf32>,
      %get3A_432 = vector.shape_cast %get3A_431 : vector<1x16xf32> to vector<16xf32>
      %mul3A_433 = arith.mulf %get3A_432, %broadcast_in_dim3A_418 : vector<16xf32>
      %swap3A_434 = arith.index_cast %add3A_415 : i32 to index
      %swap3A_435 = arith.constant 16 : index
      %swap3A_436 = tpu.vector_load %arg16[%swap3A_434, %swap3A_435] {strides = array<i32>} : memref<128x64xf32, #tpu.memory_space<vmem>>, vector<1x16xf32>,
      %swap3A_437 = vector.shape_cast %swap3A_436 : vector<1x16xf32> to vector<16xf32>
      %swap3A_438 = vector.shape_cast %mul3A_433 : vector<16xf32> to vector<1x16xf32>
      tpu.vector_store %arg16[%swap3A_434, %swap3A_435], %swap3A_438 {strides = array<i32>} : memref<128x64xf32, #tpu.memory_space<vmem>>, vector<1x16xf32>,
      %get3A_439 = arith.index_cast %add3A_415 : i32 to index
      %get3A_440 = arith.constant 32 : index
      %get3A_441 = tpu.vector_load %arg14[%get3A_439, %get3A_440] {strides = array<i32>} : memref<128x64xf32, #tpu.memory_space<vmem>>, vector<1x16xf32>,
      %get3A_442 = vector.shape_cast %get3A_441 : vector<1x16xf32> to vector<16xf32>
      %mul3A_443 = arith.mulf %get3A_442, %broadcast_in_dim3A_418 : vector<16xf32>
      %swap3A_444 = arith.index_cast %add3A_415 : i32 to index
      %swap3A_445 = arith.constant 32 : index
      %swap3A_446 = tpu.vector_load %arg16[%swap3A_444, %swap3A_445] {strides = array<i32>} : memref<128x64xf32, #tpu.memory_space<vmem>>, vector<1x16xf32>,
      %swap3A_447 = vector.shape_cast %swap3A_446 : vector<1x16xf32> to vector<16xf32>
      %swap3A_448 = vector.shape_cast %mul3A_443 : vector<16xf32> to vector<1x16xf32>
      tpu.vector_store %arg16[%swap3A_444, %swap3A_445], %swap3A_448 {strides = array<i32>} : memref<128x64xf32, #tpu.memory_space<vmem>>, vector<1x16xf32>,
      %get3A_449 = arith.index_cast %add3A_415 : i32 to index
      %get3A_450 = arith.constant 48 : index
      %get3A_451 = tpu.vector_load %arg14[%get3A_449, %get3A_450] {strides = array<i32>} : memref<128x64xf32, #tpu.memory_space<vmem>>, vector<1x16xf32>,
      %get3A_452 = vector.shape_cast %get3A_451 : vector<1x16xf32> to vector<16xf32>
      %mul3A_453 = arith.mulf %get3A_452, %broadcast_in_dim3A_418 : vector<16xf32>
      %swap3A_454 = arith.index_cast %add3A_415 : i32 to index
      %swap3A_455 = arith.constant 48 : index
      %swap3A_456 = tpu.vector_load %arg16[%swap3A_454, %swap3A_455] {strides = array<i32>} : memref<128x64xf32, #tpu.memory_space<vmem>>, vector<1x16xf32>,
      %swap3A_457 = vector.shape_cast %swap3A_456 : vector<1x16xf32> to vector<16xf32>
      %swap3A_458 = vector.shape_cast %mul3A_453 : vector<16xf32> to vector<1x16xf32>
      tpu.vector_store %arg16[%swap3A_454, %swap3A_455], %swap3A_458 {strides = array<i32>} : memref<128x64xf32, #tpu.memory_space<vmem>>, vector<1x16xf32>,
      %swap3A_459 = arith.index_cast %add3A_415 : i32 to index
      %swap3A_460 = arith.constant 0 : index
      %swap3A_461 = tpu.vector_load %arg17[%swap3A_459, %swap3A_460] {strides = array<i32>} : memref<128x16xf32, #tpu.memory_space<vmem>>, vector<1x16xf32>,
      %swap3A_462 = vector.shape_cast %swap3A_461 : vector<1x16xf32> to vector<16xf32>
      %swap3A_463 = vector.shape_cast %broadcast_in_dim3A_418 : vector<16xf32> to vector<1x16xf32>
      tpu.vector_store %arg17[%swap3A_459, %swap3A_460], %swap3A_463 {strides = array<i32>} : memref<128x16xf32, #tpu.memory_space<vmem>>, vector<1x16xf32>,
      %mul3A_464 = arith.constant 16 : i32
      %mul3A_465 = arith.muli %scan3A_147, %mul3A_464 : i32
      %add3A_466 = arith.constant 6 : i32
      %add3A_467 = arith.addi %mul3A_465, %add3A_466 : i32
      %slice3A_468 = vector.extract_strided_slice %get3A_153 {offsets = [6], sizes = [1], strides = [1]} : vector<16xf32> to vector<1xf32>
      %squeeze3A_469 = vector.extract %slice3A_468[0] : f32 from vector<1xf32>
      %broadcast_in_dim3A_470 = vector.broadcast %squeeze3A_469 : f32 to vector<16xf32>
      %get3A_471 = arith.index_cast %add3A_467 : i32 to index
      %get3A_472 = arith.constant 0 : index
      %get3A_473 = tpu.vector_load %arg14[%get3A_471, %get3A_472] {strides = array<i32>} : memref<128x64xf32, #tpu.memory_space<vmem>>, vector<1x16xf32>,
      %get3A_474 = vector.shape_cast %get3A_473 : vector<1x16xf32> to vector<16xf32>
      %mul3A_475 = arith.mulf %get3A_474, %broadcast_in_dim3A_470 : vector<16xf32>
      %swap3A_476 = arith.index_cast %add3A_467 : i32 to index
      %swap3A_477 = arith.constant 0 : index
      %swap3A_478 = tpu.vector_load %arg16[%swap3A_476, %swap3A_477] {strides = array<i32>} : memref<128x64xf32, #tpu.memory_space<vmem>>, vector<1x16xf32>,
      %swap3A_479 = vector.shape_cast %swap3A_478 : vector<1x16xf32> to vector<16xf32>
      %swap3A_480 = vector.shape_cast %mul3A_475 : vector<16xf32> to vector<1x16xf32>
      tpu.vector_store %arg16[%swap3A_476, %swap3A_477], %swap3A_480 {strides = array<i32>} : memref<128x64xf32, #tpu.memory_space<vmem>>, vector<1x16xf32>,
      %get3A_481 = arith.index_cast %add3A_467 : i32 to index
      %get3A_482 = arith.constant 16 : index
      %get3A_483 = tpu.vector_load %arg14[%get3A_481, %get3A_482] {strides = array<i32>} : memref<128x64xf32, #tpu.memory_space<vmem>>, vector<1x16xf32>,
      %get3A_484 = vector.shape_cast %get3A_483 : vector<1x16xf32> to vector<16xf32>
      %mul3A_485 = arith.mulf %get3A_484, %broadcast_in_dim3A_470 : vector<16xf32>
      %swap3A_486 = arith.index_cast %add3A_467 : i32 to index
      %swap3A_487 = arith.constant 16 : index
      %swap3A_488 = tpu.vector_load %arg16[%swap3A_486, %swap3A_487] {strides = array<i32>} : memref<128x64xf32, #tpu.memory_space<vmem>>, vector<1x16xf32>,
      %swap3A_489 = vector.shape_cast %swap3A_488 : vector<1x16xf32> to vector<16xf32>
      %swap3A_490 = vector.shape_cast %mul3A_485 : vector<16xf32> to vector<1x16xf32>
      tpu.vector_store %arg16[%swap3A_486, %swap3A_487], %swap3A_490 {strides = array<i32>} : memref<128x64xf32, #tpu.memory_space<vmem>>, vector<1x16xf32>,
      %get3A_491 = arith.index_cast %add3A_467 : i32 to index
      %get3A_492 = arith.constant 32 : index
      %get3A_493 = tpu.vector_load %arg14[%get3A_491, %get3A_492] {strides = array<i32>} : memref<128x64xf32, #tpu.memory_space<vmem>>, vector<1x16xf32>,
      %get3A_494 = vector.shape_cast %get3A_493 : vector<1x16xf32> to vector<16xf32>
      %mul3A_495 = arith.mulf %get3A_494, %broadcast_in_dim3A_470 : vector<16xf32>
      %swap3A_496 = arith.index_cast %add3A_467 : i32 to index
      %swap3A_497 = arith.constant 32 : index
      %swap3A_498 = tpu.vector_load %arg16[%swap3A_496, %swap3A_497] {strides = array<i32>} : memref<128x64xf32, #tpu.memory_space<vmem>>, vector<1x16xf32>,
      %swap3A_499 = vector.shape_cast %swap3A_498 : vector<1x16xf32> to vector<16xf32>
      %swap3A_500 = vector.shape_cast %mul3A_495 : vector<16xf32> to vector<1x16xf32>
      tpu.vector_store %arg16[%swap3A_496, %swap3A_497], %swap3A_500 {strides = array<i32>} : memref<128x64xf32, #tpu.memory_space<vmem>>, vector<1x16xf32>,
      %get3A_501 = arith.index_cast %add3A_467 : i32 to index
      %get3A_502 = arith.constant 48 : index
      %get3A_503 = tpu.vector_load %arg14[%get3A_501, %get3A_502] {strides = array<i32>} : memref<128x64xf32, #tpu.memory_space<vmem>>, vector<1x16xf32>,
      %get3A_504 = vector.shape_cast %get3A_503 : vector<1x16xf32> to vector<16xf32>
      %mul3A_505 = arith.mulf %get3A_504, %broadcast_in_dim3A_470 : vector<16xf32>
      %swap3A_506 = arith.index_cast %add3A_467 : i32 to index
      %swap3A_507 = arith.constant 48 : index
      %swap3A_508 = tpu.vector_load %arg16[%swap3A_506, %swap3A_507] {strides = array<i32>} : memref<128x64xf32, #tpu.memory_space<vmem>>, vector<1x16xf32>,
      %swap3A_509 = vector.shape_cast %swap3A_508 : vector<1x16xf32> to vector<16xf32>
      %swap3A_510 = vector.shape_cast %mul3A_505 : vector<16xf32> to vector<1x16xf32>
      tpu.vector_store %arg16[%swap3A_506, %swap3A_507], %swap3A_510 {strides = array<i32>} : memref<128x64xf32, #tpu.memory_space<vmem>>, vector<1x16xf32>,
      %swap3A_511 = arith.index_cast %add3A_467 : i32 to index
      %swap3A_512 = arith.constant 0 : index
      %swap3A_513 = tpu.vector_load %arg17[%swap3A_511, %swap3A_512] {strides = array<i32>} : memref<128x16xf32, #tpu.memory_space<vmem>>, vector<1x16xf32>,
      %swap3A_514 = vector.shape_cast %swap3A_513 : vector<1x16xf32> to vector<16xf32>
      %swap3A_515 = vector.shape_cast %broadcast_in_dim3A_470 : vector<16xf32> to vector<1x16xf32>
      tpu.vector_store %arg17[%swap3A_511, %swap3A_512], %swap3A_515 {strides = array<i32>} : memref<128x16xf32, #tpu.memory_space<vmem>>, vector<1x16xf32>,
      %mul3A_516 = arith.constant 16 : i32
      %mul3A_517 = arith.muli %scan3A_147, %mul3A_516 : i32
      %add3A_518 = arith.constant 7 : i32
      %add3A_519 = arith.addi %mul3A_517, %add3A_518 : i32
      %slice3A_520 = vector.extract_strided_slice %get3A_153 {offsets = [7], sizes = [1], strides = [1]} : vector<16xf32> to vector<1xf32>
      %squeeze3A_521 = vector.extract %slice3A_520[0] : f32 from vector<1xf32>
      %broadcast_in_dim3A_522 = vector.broadcast %squeeze3A_521 : f32 to vector<16xf32>
      %get3A_523 = arith.index_cast %add3A_519 : i32 to index
      %get3A_524 = arith.constant 0 : index
      %get3A_525 = tpu.vector_load %arg14[%get3A_523, %get3A_524] {strides = array<i32>} : memref<128x64xf32, #tpu.memory_space<vmem>>, vector<1x16xf32>,
      %get3A_526 = vector.shape_cast %get3A_525 : vector<1x16xf32> to vector<16xf32>
      %mul3A_527 = arith.mulf %get3A_526, %broadcast_in_dim3A_522 : vector<16xf32>
      %swap3A_528 = arith.index_cast %add3A_519 : i32 to index
      %swap3A_529 = arith.constant 0 : index
      %swap3A_530 = tpu.vector_load %arg16[%swap3A_528, %swap3A_529] {strides = array<i32>} : memref<128x64xf32, #tpu.memory_space<vmem>>, vector<1x16xf32>,
      %swap3A_531 = vector.shape_cast %swap3A_530 : vector<1x16xf32> to vector<16xf32>
      %swap3A_532 = vector.shape_cast %mul3A_527 : vector<16xf32> to vector<1x16xf32>
      tpu.vector_store %arg16[%swap3A_528, %swap3A_529], %swap3A_532 {strides = array<i32>} : memref<128x64xf32, #tpu.memory_space<vmem>>, vector<1x16xf32>,
      %get3A_533 = arith.index_cast %add3A_519 : i32 to index
      %get3A_534 = arith.constant 16 : index
      %get3A_535 = tpu.vector_load %arg14[%get3A_533, %get3A_534] {strides = array<i32>} : memref<128x64xf32, #tpu.memory_space<vmem>>, vector<1x16xf32>,
      %get3A_536 = vector.shape_cast %get3A_535 : vector<1x16xf32> to vector<16xf32>
      %mul3A_537 = arith.mulf %get3A_536, %broadcast_in_dim3A_522 : vector<16xf32>
      %swap3A_538 = arith.index_cast %add3A_519 : i32 to index
      %swap3A_539 = arith.constant 16 : index
      %swap3A_540 = tpu.vector_load %arg16[%swap3A_538, %swap3A_539] {strides = array<i32>} : memref<128x64xf32, #tpu.memory_space<vmem>>, vector<1x16xf32>,
      %swap3A_541 = vector.shape_cast %swap3A_540 : vector<1x16xf32> to vector<16xf32>
      %swap3A_542 = vector.shape_cast %mul3A_537 : vector<16xf32> to vector<1x16xf32>
      tpu.vector_store %arg16[%swap3A_538, %swap3A_539], %swap3A_542 {strides = array<i32>} : memref<128x64xf32, #tpu.memory_space<vmem>>, vector<1x16xf32>,
      %get3A_543 = arith.index_cast %add3A_519 : i32 to index
      %get3A_544 = arith.constant 32 : index
      %get3A_545 = tpu.vector_load %arg14[%get3A_543, %get3A_544] {strides = array<i32>} : memref<128x64xf32, #tpu.memory_space<vmem>>, vector<1x16xf32>,
      %get3A_546 = vector.shape_cast %get3A_545 : vector<1x16xf32> to vector<16xf32>
      %mul3A_547 = arith.mulf %get3A_546, %broadcast_in_dim3A_522 : vector<16xf32>
      %swap3A_548 = arith.index_cast %add3A_519 : i32 to index
      %swap3A_549 = arith.constant 32 : index
      %swap3A_550 = tpu.vector_load %arg16[%swap3A_548, %swap3A_549] {strides = array<i32>} : memref<128x64xf32, #tpu.memory_space<vmem>>, vector<1x16xf32>,
      %swap3A_551 = vector.shape_cast %swap3A_550 : vector<1x16xf32> to vector<16xf32>
      %swap3A_552 = vector.shape_cast %mul3A_547 : vector<16xf32> to vector<1x16xf32>
      tpu.vector_store %arg16[%swap3A_548, %swap3A_549], %swap3A_552 {strides = array<i32>} : memref<128x64xf32, #tpu.memory_space<vmem>>, vector<1x16xf32>,
      %get3A_553 = arith.index_cast %add3A_519 : i32 to index
      %get3A_554 = arith.constant 48 : index
      %get3A_555 = tpu.vector_load %arg14[%get3A_553, %get3A_554] {strides = array<i32>} : memref<128x64xf32, #tpu.memory_space<vmem>>, vector<1x16xf32>,
      %get3A_556 = vector.shape_cast %get3A_555 : vector<1x16xf32> to vector<16xf32>
      %mul3A_557 = arith.mulf %get3A_556, %broadcast_in_dim3A_522 : vector<16xf32>
      %swap3A_558 = arith.index_cast %add3A_519 : i32 to index
      %swap3A_559 = arith.constant 48 : index
      %swap3A_560 = tpu.vector_load %arg16[%swap3A_558, %swap3A_559] {strides = array<i32>} : memref<128x64xf32, #tpu.memory_space<vmem>>, vector<1x16xf32>,
      %swap3A_561 = vector.shape_cast %swap3A_560 : vector<1x16xf32> to vector<16xf32>
      %swap3A_562 = vector.shape_cast %mul3A_557 : vector<16xf32> to vector<1x16xf32>
      tpu.vector_store %arg16[%swap3A_558, %swap3A_559], %swap3A_562 {strides = array<i32>} : memref<128x64xf32, #tpu.memory_space<vmem>>, vector<1x16xf32>,
      %swap3A_563 = arith.index_cast %add3A_519 : i32 to index
      %swap3A_564 = arith.constant 0 : index
      %swap3A_565 = tpu.vector_load %arg17[%swap3A_563, %swap3A_564] {strides = array<i32>} : memref<128x16xf32, #tpu.memory_space<vmem>>, vector<1x16xf32>,
      %swap3A_566 = vector.shape_cast %swap3A_565 : vector<1x16xf32> to vector<16xf32>
      %swap3A_567 = vector.shape_cast %broadcast_in_dim3A_522 : vector<16xf32> to vector<1x16xf32>
      tpu.vector_store %arg17[%swap3A_563, %swap3A_564], %swap3A_567 {strides = array<i32>} : memref<128x16xf32, #tpu.memory_space<vmem>>, vector<1x16xf32>,
      %mul3A_568 = arith.constant 16 : i32
      %mul3A_569 = arith.muli %scan3A_147, %mul3A_568 : i32
      %add3A_570 = arith.constant 8 : i32
      %add3A_571 = arith.addi %mul3A_569, %add3A_570 : i32
      %slice3A_572 = vector.extract_strided_slice %get3A_153 {offsets = [8], sizes = [1], strides = [1]} : vector<16xf32> to vector<1xf32>
      %squeeze3A_573 = vector.extract %slice3A_572[0] : f32 from vector<1xf32>
      %broadcast_in_dim3A_574 = vector.broadcast %squeeze3A_573 : f32 to vector<16xf32>
      %get3A_575 = arith.index_cast %add3A_571 : i32 to index
      %get3A_576 = arith.constant 0 : index
      %get3A_577 = tpu.vector_load %arg14[%get3A_575, %get3A_576] {strides = array<i32>} : memref<128x64xf32, #tpu.memory_space<vmem>>, vector<1x16xf32>,
      %get3A_578 = vector.shape_cast %get3A_577 : vector<1x16xf32> to vector<16xf32>
      %mul3A_579 = arith.mulf %get3A_578, %broadcast_in_dim3A_574 : vector<16xf32>
      %swap3A_580 = arith.index_cast %add3A_571 : i32 to index
      %swap3A_581 = arith.constant 0 : index
      %swap3A_582 = tpu.vector_load %arg16[%swap3A_580, %swap3A_581] {strides = array<i32>} : memref<128x64xf32, #tpu.memory_space<vmem>>, vector<1x16xf32>,
      %swap3A_583 = vector.shape_cast %swap3A_582 : vector<1x16xf32> to vector<16xf32>
      %swap3A_584 = vector.shape_cast %mul3A_579 : vector<16xf32> to vector<1x16xf32>
      tpu.vector_store %arg16[%swap3A_580, %swap3A_581], %swap3A_584 {strides = array<i32>} : memref<128x64xf32, #tpu.memory_space<vmem>>, vector<1x16xf32>,
      %get3A_585 = arith.index_cast %add3A_571 : i32 to index
      %get3A_586 = arith.constant 16 : index
      %get3A_587 = tpu.vector_load %arg14[%get3A_585, %get3A_586] {strides = array<i32>} : memref<128x64xf32, #tpu.memory_space<vmem>>, vector<1x16xf32>,
      %get3A_588 = vector.shape_cast %get3A_587 : vector<1x16xf32> to vector<16xf32>
      %mul3A_589 = arith.mulf %get3A_588, %broadcast_in_dim3A_574 : vector<16xf32>
      %swap3A_590 = arith.index_cast %add3A_571 : i32 to index
      %swap3A_591 = arith.constant 16 : index
      %swap3A_592 = tpu.vector_load %arg16[%swap3A_590, %swap3A_591] {strides = array<i32>} : memref<128x64xf32, #tpu.memory_space<vmem>>, vector<1x16xf32>,
      %swap3A_593 = vector.shape_cast %swap3A_592 : vector<1x16xf32> to vector<16xf32>
      %swap3A_594 = vector.shape_cast %mul3A_589 : vector<16xf32> to vector<1x16xf32>
      tpu.vector_store %arg16[%swap3A_590, %swap3A_591], %swap3A_594 {strides = array<i32>} : memref<128x64xf32, #tpu.memory_space<vmem>>, vector<1x16xf32>,
      %get3A_595 = arith.index_cast %add3A_571 : i32 to index
      %get3A_596 = arith.constant 32 : index
      %get3A_597 = tpu.vector_load %arg14[%get3A_595, %get3A_596] {strides = array<i32>} : memref<128x64xf32, #tpu.memory_space<vmem>>, vector<1x16xf32>,
      %get3A_598 = vector.shape_cast %get3A_597 : vector<1x16xf32> to vector<16xf32>
      %mul3A_599 = arith.mulf %get3A_598, %broadcast_in_dim3A_574 : vector<16xf32>
      %swap3A_600 = arith.index_cast %add3A_571 : i32 to index
      %swap3A_601 = arith.constant 32 : index
      %swap3A_602 = tpu.vector_load %arg16[%swap3A_600, %swap3A_601] {strides = array<i32>} : memref<128x64xf32, #tpu.memory_space<vmem>>, vector<1x16xf32>,
      %swap3A_603 = vector.shape_cast %swap3A_602 : vector<1x16xf32> to vector<16xf32>
      %swap3A_604 = vector.shape_cast %mul3A_599 : vector<16xf32> to vector<1x16xf32>
      tpu.vector_store %arg16[%swap3A_600, %swap3A_601], %swap3A_604 {strides = array<i32>} : memref<128x64xf32, #tpu.memory_space<vmem>>, vector<1x16xf32>,
      %get3A_605 = arith.index_cast %add3A_571 : i32 to index
      %get3A_606 = arith.constant 48 : index
      %get3A_607 = tpu.vector_load %arg14[%get3A_605, %get3A_606] {strides = array<i32>} : memref<128x64xf32, #tpu.memory_space<vmem>>, vector<1x16xf32>,
      %get3A_608 = vector.shape_cast %get3A_607 : vector<1x16xf32> to vector<16xf32>
      %mul3A_609 = arith.mulf %get3A_608, %broadcast_in_dim3A_574 : vector<16xf32>
      %swap3A_610 = arith.index_cast %add3A_571 : i32 to index
      %swap3A_611 = arith.constant 48 : index
      %swap3A_612 = tpu.vector_load %arg16[%swap3A_610, %swap3A_611] {strides = array<i32>} : memref<128x64xf32, #tpu.memory_space<vmem>>, vector<1x16xf32>,
      %swap3A_613 = vector.shape_cast %swap3A_612 : vector<1x16xf32> to vector<16xf32>
      %swap3A_614 = vector.shape_cast %mul3A_609 : vector<16xf32> to vector<1x16xf32>
      tpu.vector_store %arg16[%swap3A_610, %swap3A_611], %swap3A_614 {strides = array<i32>} : memref<128x64xf32, #tpu.memory_space<vmem>>, vector<1x16xf32>,
      %swap3A_615 = arith.index_cast %add3A_571 : i32 to index
      %swap3A_616 = arith.constant 0 : index
      %swap3A_617 = tpu.vector_load %arg17[%swap3A_615, %swap3A_616] {strides = array<i32>} : memref<128x16xf32, #tpu.memory_space<vmem>>, vector<1x16xf32>,
      %swap3A_618 = vector.shape_cast %swap3A_617 : vector<1x16xf32> to vector<16xf32>
      %swap3A_619 = vector.shape_cast %broadcast_in_dim3A_574 : vector<16xf32> to vector<1x16xf32>
      tpu.vector_store %arg17[%swap3A_615, %swap3A_616], %swap3A_619 {strides = array<i32>} : memref<128x16xf32, #tpu.memory_space<vmem>>, vector<1x16xf32>,
      %mul3A_620 = arith.constant 16 : i32
      %mul3A_621 = arith.muli %scan3A_147, %mul3A_620 : i32
      %add3A_622 = arith.constant 9 : i32
      %add3A_623 = arith.addi %mul3A_621, %add3A_622 : i32
      %slice3A_624 = vector.extract_strided_slice %get3A_153 {offsets = [9], sizes = [1], strides = [1]} : vector<16xf32> to vector<1xf32>
      %squeeze3A_625 = vector.extract %slice3A_624[0] : f32 from vector<1xf32>
      %broadcast_in_dim3A_626 = vector.broadcast %squeeze3A_625 : f32 to vector<16xf32>
      %get3A_627 = arith.index_cast %add3A_623 : i32 to index
      %get3A_628 = arith.constant 0 : index
      %get3A_629 = tpu.vector_load %arg14[%get3A_627, %get3A_628] {strides = array<i32>} : memref<128x64xf32, #tpu.memory_space<vmem>>, vector<1x16xf32>,
      %get3A_630 = vector.shape_cast %get3A_629 : vector<1x16xf32> to vector<16xf32>
      %mul3A_631 = arith.mulf %get3A_630, %broadcast_in_dim3A_626 : vector<16xf32>
      %swap3A_632 = arith.index_cast %add3A_623 : i32 to index
      %swap3A_633 = arith.constant 0 : index
      %swap3A_634 = tpu.vector_load %arg16[%swap3A_632, %swap3A_633] {strides = array<i32>} : memref<128x64xf32, #tpu.memory_space<vmem>>, vector<1x16xf32>,
      %swap3A_635 = vector.shape_cast %swap3A_634 : vector<1x16xf32> to vector<16xf32>
      %swap3A_636 = vector.shape_cast %mul3A_631 : vector<16xf32> to vector<1x16xf32>
      tpu.vector_store %arg16[%swap3A_632, %swap3A_633], %swap3A_636 {strides = array<i32>} : memref<128x64xf32, #tpu.memory_space<vmem>>, vector<1x16xf32>,
      %get3A_637 = arith.index_cast %add3A_623 : i32 to index
      %get3A_638 = arith.constant 16 : index
      %get3A_639 = tpu.vector_load %arg14[%get3A_637, %get3A_638] {strides = array<i32>} : memref<128x64xf32, #tpu.memory_space<vmem>>, vector<1x16xf32>,
      %get3A_640 = vector.shape_cast %get3A_639 : vector<1x16xf32> to vector<16xf32>
      %mul3A_641 = arith.mulf %get3A_640, %broadcast_in_dim3A_626 : vector<16xf32>
      %swap3A_642 = arith.index_cast %add3A_623 : i32 to index
      %swap3A_643 = arith.constant 16 : index
      %swap3A_644 = tpu.vector_load %arg16[%swap3A_642, %swap3A_643] {strides = array<i32>} : memref<128x64xf32, #tpu.memory_space<vmem>>, vector<1x16xf32>,
      %swap3A_645 = vector.shape_cast %swap3A_644 : vector<1x16xf32> to vector<16xf32>
      %swap3A_646 = vector.shape_cast %mul3A_641 : vector<16xf32> to vector<1x16xf32>
      tpu.vector_store %arg16[%swap3A_642, %swap3A_643], %swap3A_646 {strides = array<i32>} : memref<128x64xf32, #tpu.memory_space<vmem>>, vector<1x16xf32>,
      %get3A_647 = arith.index_cast %add3A_623 : i32 to index
      %get3A_648 = arith.constant 32 : index
      %get3A_649 = tpu.vector_load %arg14[%get3A_647, %get3A_648] {strides = array<i32>} : memref<128x64xf32, #tpu.memory_space<vmem>>, vector<1x16xf32>,
      %get3A_650 = vector.shape_cast %get3A_649 : vector<1x16xf32> to vector<16xf32>
      %mul3A_651 = arith.mulf %get3A_650, %broadcast_in_dim3A_626 : vector<16xf32>
      %swap3A_652 = arith.index_cast %add3A_623 : i32 to index
      %swap3A_653 = arith.constant 32 : index
      %swap3A_654 = tpu.vector_load %arg16[%swap3A_652, %swap3A_653] {strides = array<i32>} : memref<128x64xf32, #tpu.memory_space<vmem>>, vector<1x16xf32>,
      %swap3A_655 = vector.shape_cast %swap3A_654 : vector<1x16xf32> to vector<16xf32>
      %swap3A_656 = vector.shape_cast %mul3A_651 : vector<16xf32> to vector<1x16xf32>
      tpu.vector_store %arg16[%swap3A_652, %swap3A_653], %swap3A_656 {strides = array<i32>} : memref<128x64xf32, #tpu.memory_space<vmem>>, vector<1x16xf32>,
      %get3A_657 = arith.index_cast %add3A_623 : i32 to index
      %get3A_658 = arith.constant 48 : index
      %get3A_659 = tpu.vector_load %arg14[%get3A_657, %get3A_658] {strides = array<i32>} : memref<128x64xf32, #tpu.memory_space<vmem>>, vector<1x16xf32>,
      %get3A_660 = vector.shape_cast %get3A_659 : vector<1x16xf32> to vector<16xf32>
      %mul3A_661 = arith.mulf %get3A_660, %broadcast_in_dim3A_626 : vector<16xf32>
      %swap3A_662 = arith.index_cast %add3A_623 : i32 to index
      %swap3A_663 = arith.constant 48 : index
      %swap3A_664 = tpu.vector_load %arg16[%swap3A_662, %swap3A_663] {strides = array<i32>} : memref<128x64xf32, #tpu.memory_space<vmem>>, vector<1x16xf32>,
      %swap3A_665 = vector.shape_cast %swap3A_664 : vector<1x16xf32> to vector<16xf32>
      %swap3A_666 = vector.shape_cast %mul3A_661 : vector<16xf32> to vector<1x16xf32>
      tpu.vector_store %arg16[%swap3A_662, %swap3A_663], %swap3A_666 {strides = array<i32>} : memref<128x64xf32, #tpu.memory_space<vmem>>, vector<1x16xf32>,
      %swap3A_667 = arith.index_cast %add3A_623 : i32 to index
      %swap3A_668 = arith.constant 0 : index
      %swap3A_669 = tpu.vector_load %arg17[%swap3A_667, %swap3A_668] {strides = array<i32>} : memref<128x16xf32, #tpu.memory_space<vmem>>, vector<1x16xf32>,
      %swap3A_670 = vector.shape_cast %swap3A_669 : vector<1x16xf32> to vector<16xf32>
      %swap3A_671 = vector.shape_cast %broadcast_in_dim3A_626 : vector<16xf32> to vector<1x16xf32>
      tpu.vector_store %arg17[%swap3A_667, %swap3A_668], %swap3A_671 {strides = array<i32>} : memref<128x16xf32, #tpu.memory_space<vmem>>, vector<1x16xf32>,
      %mul3A_672 = arith.constant 16 : i32
      %mul3A_673 = arith.muli %scan3A_147, %mul3A_672 : i32
      %add3A_674 = arith.constant 10 : i32
      %add3A_675 = arith.addi %mul3A_673, %add3A_674 : i32
      %slice3A_676 = vector.extract_strided_slice %get3A_153 {offsets = [10], sizes = [1], strides = [1]} : vector<16xf32> to vector<1xf32>
      %squeeze3A_677 = vector.extract %slice3A_676[0] : f32 from vector<1xf32>
      %broadcast_in_dim3A_678 = vector.broadcast %squeeze3A_677 : f32 to vector<16xf32>
      %get3A_679 = arith.index_cast %add3A_675 : i32 to index
      %get3A_680 = arith.constant 0 : index
      %get3A_681 = tpu.vector_load %arg14[%get3A_679, %get3A_680] {strides = array<i32>} : memref<128x64xf32, #tpu.memory_space<vmem>>, vector<1x16xf32>,
      %get3A_682 = vector.shape_cast %get3A_681 : vector<1x16xf32> to vector<16xf32>
      %mul3A_683 = arith.mulf %get3A_682, %broadcast_in_dim3A_678 : vector<16xf32>
      %swap3A_684 = arith.index_cast %add3A_675 : i32 to index
      %swap3A_685 = arith.constant 0 : index
      %swap3A_686 = tpu.vector_load %arg16[%swap3A_684, %swap3A_685] {strides = array<i32>} : memref<128x64xf32, #tpu.memory_space<vmem>>, vector<1x16xf32>,
      %swap3A_687 = vector.shape_cast %swap3A_686 : vector<1x16xf32> to vector<16xf32>
      %swap3A_688 = vector.shape_cast %mul3A_683 : vector<16xf32> to vector<1x16xf32>
      tpu.vector_store %arg16[%swap3A_684, %swap3A_685], %swap3A_688 {strides = array<i32>} : memref<128x64xf32, #tpu.memory_space<vmem>>, vector<1x16xf32>,
      %get3A_689 = arith.index_cast %add3A_675 : i32 to index
      %get3A_690 = arith.constant 16 : index
      %get3A_691 = tpu.vector_load %arg14[%get3A_689, %get3A_690] {strides = array<i32>} : memref<128x64xf32, #tpu.memory_space<vmem>>, vector<1x16xf32>,
      %get3A_692 = vector.shape_cast %get3A_691 : vector<1x16xf32> to vector<16xf32>
      %mul3A_693 = arith.mulf %get3A_692, %broadcast_in_dim3A_678 : vector<16xf32>
      %swap3A_694 = arith.index_cast %add3A_675 : i32 to index
      %swap3A_695 = arith.constant 16 : index
      %swap3A_696 = tpu.vector_load %arg16[%swap3A_694, %swap3A_695] {strides = array<i32>} : memref<128x64xf32, #tpu.memory_space<vmem>>, vector<1x16xf32>,
      %swap3A_697 = vector.shape_cast %swap3A_696 : vector<1x16xf32> to vector<16xf32>
      %swap3A_698 = vector.shape_cast %mul3A_693 : vector<16xf32> to vector<1x16xf32>
      tpu.vector_store %arg16[%swap3A_694, %swap3A_695], %swap3A_698 {strides = array<i32>} : memref<128x64xf32, #tpu.memory_space<vmem>>, vector<1x16xf32>,
      %get3A_699 = arith.index_cast %add3A_675 : i32 to index
      %get3A_700 = arith.constant 32 : index
      %get3A_701 = tpu.vector_load %arg14[%get3A_699, %get3A_700] {strides = array<i32>} : memref<128x64xf32, #tpu.memory_space<vmem>>, vector<1x16xf32>,
      %get3A_702 = vector.shape_cast %get3A_701 : vector<1x16xf32> to vector<16xf32>
      %mul3A_703 = arith.mulf %get3A_702, %broadcast_in_dim3A_678 : vector<16xf32>
      %swap3A_704 = arith.index_cast %add3A_675 : i32 to index
      %swap3A_705 = arith.constant 32 : index
      %swap3A_706 = tpu.vector_load %arg16[%swap3A_704, %swap3A_705] {strides = array<i32>} : memref<128x64xf32, #tpu.memory_space<vmem>>, vector<1x16xf32>,
      %swap3A_707 = vector.shape_cast %swap3A_706 : vector<1x16xf32> to vector<16xf32>
      %swap3A_708 = vector.shape_cast %mul3A_703 : vector<16xf32> to vector<1x16xf32>
      tpu.vector_store %arg16[%swap3A_704, %swap3A_705], %swap3A_708 {strides = array<i32>} : memref<128x64xf32, #tpu.memory_space<vmem>>, vector<1x16xf32>,
      %get3A_709 = arith.index_cast %add3A_675 : i32 to index
      %get3A_710 = arith.constant 48 : index
      %get3A_711 = tpu.vector_load %arg14[%get3A_709, %get3A_710] {strides = array<i32>} : memref<128x64xf32, #tpu.memory_space<vmem>>, vector<1x16xf32>,
      %get3A_712 = vector.shape_cast %get3A_711 : vector<1x16xf32> to vector<16xf32>
      %mul3A_713 = arith.mulf %get3A_712, %broadcast_in_dim3A_678 : vector<16xf32>
      %swap3A_714 = arith.index_cast %add3A_675 : i32 to index
      %swap3A_715 = arith.constant 48 : index
      %swap3A_716 = tpu.vector_load %arg16[%swap3A_714, %swap3A_715] {strides = array<i32>} : memref<128x64xf32, #tpu.memory_space<vmem>>, vector<1x16xf32>,
      %swap3A_717 = vector.shape_cast %swap3A_716 : vector<1x16xf32> to vector<16xf32>
      %swap3A_718 = vector.shape_cast %mul3A_713 : vector<16xf32> to vector<1x16xf32>
      tpu.vector_store %arg16[%swap3A_714, %swap3A_715], %swap3A_718 {strides = array<i32>} : memref<128x64xf32, #tpu.memory_space<vmem>>, vector<1x16xf32>,
      %swap3A_719 = arith.index_cast %add3A_675 : i32 to index
      %swap3A_720 = arith.constant 0 : index
      %swap3A_721 = tpu.vector_load %arg17[%swap3A_719, %swap3A_720] {strides = array<i32>} : memref<128x16xf32, #tpu.memory_space<vmem>>, vector<1x16xf32>,
      %swap3A_722 = vector.shape_cast %swap3A_721 : vector<1x16xf32> to vector<16xf32>
      %swap3A_723 = vector.shape_cast %broadcast_in_dim3A_678 : vector<16xf32> to vector<1x16xf32>
      tpu.vector_store %arg17[%swap3A_719, %swap3A_720], %swap3A_723 {strides = array<i32>} : memref<128x16xf32, #tpu.memory_space<vmem>>, vector<1x16xf32>,
      %mul3A_724 = arith.constant 16 : i32
      %mul3A_725 = arith.muli %scan3A_147, %mul3A_724 : i32
      %add3A_726 = arith.constant 11 : i32
      %add3A_727 = arith.addi %mul3A_725, %add3A_726 : i32
      %slice3A_728 = vector.extract_strided_slice %get3A_153 {offsets = [11], sizes = [1], strides = [1]} : vector<16xf32> to vector<1xf32>
      %squeeze3A_729 = vector.extract %slice3A_728[0] : f32 from vector<1xf32>
      %broadcast_in_dim3A_730 = vector.broadcast %squeeze3A_729 : f32 to vector<16xf32>
      %get3A_731 = arith.index_cast %add3A_727 : i32 to index
      %get3A_732 = arith.constant 0 : index
      %get3A_733 = tpu.vector_load %arg14[%get3A_731, %get3A_732] {strides = array<i32>} : memref<128x64xf32, #tpu.memory_space<vmem>>, vector<1x16xf32>,
      %get3A_734 = vector.shape_cast %get3A_733 : vector<1x16xf32> to vector<16xf32>
      %mul3A_735 = arith.mulf %get3A_734, %broadcast_in_dim3A_730 : vector<16xf32>
      %swap3A_736 = arith.index_cast %add3A_727 : i32 to index
      %swap3A_737 = arith.constant 0 : index
      %swap3A_738 = tpu.vector_load %arg16[%swap3A_736, %swap3A_737] {strides = array<i32>} : memref<128x64xf32, #tpu.memory_space<vmem>>, vector<1x16xf32>,
      %swap3A_739 = vector.shape_cast %swap3A_738 : vector<1x16xf32> to vector<16xf32>
      %swap3A_740 = vector.shape_cast %mul3A_735 : vector<16xf32> to vector<1x16xf32>
      tpu.vector_store %arg16[%swap3A_736, %swap3A_737], %swap3A_740 {strides = array<i32>} : memref<128x64xf32, #tpu.memory_space<vmem>>, vector<1x16xf32>,
      %get3A_741 = arith.index_cast %add3A_727 : i32 to index
      %get3A_742 = arith.constant 16 : index
      %get3A_743 = tpu.vector_load %arg14[%get3A_741, %get3A_742] {strides = array<i32>} : memref<128x64xf32, #tpu.memory_space<vmem>>, vector<1x16xf32>,
      %get3A_744 = vector.shape_cast %get3A_743 : vector<1x16xf32> to vector<16xf32>
      %mul3A_745 = arith.mulf %get3A_744, %broadcast_in_dim3A_730 : vector<16xf32>
      %swap3A_746 = arith.index_cast %add3A_727 : i32 to index
      %swap3A_747 = arith.constant 16 : index
      %swap3A_748 = tpu.vector_load %arg16[%swap3A_746, %swap3A_747] {strides = array<i32>} : memref<128x64xf32, #tpu.memory_space<vmem>>, vector<1x16xf32>,
      %swap3A_749 = vector.shape_cast %swap3A_748 : vector<1x16xf32> to vector<16xf32>
      %swap3A_750 = vector.shape_cast %mul3A_745 : vector<16xf32> to vector<1x16xf32>
      tpu.vector_store %arg16[%swap3A_746, %swap3A_747], %swap3A_750 {strides = array<i32>} : memref<128x64xf32, #tpu.memory_space<vmem>>, vector<1x16xf32>,
      %get3A_751 = arith.index_cast %add3A_727 : i32 to index
      %get3A_752 = arith.constant 32 : index
      %get3A_753 = tpu.vector_load %arg14[%get3A_751, %get3A_752] {strides = array<i32>} : memref<128x64xf32, #tpu.memory_space<vmem>>, vector<1x16xf32>,
      %get3A_754 = vector.shape_cast %get3A_753 : vector<1x16xf32> to vector<16xf32>
      %mul3A_755 = arith.mulf %get3A_754, %broadcast_in_dim3A_730 : vector<16xf32>
      %swap3A_756 = arith.index_cast %add3A_727 : i32 to index
      %swap3A_757 = arith.constant 32 : index
      %swap3A_758 = tpu.vector_load %arg16[%swap3A_756, %swap3A_757] {strides = array<i32>} : memref<128x64xf32, #tpu.memory_space<vmem>>, vector<1x16xf32>,
      %swap3A_759 = vector.shape_cast %swap3A_758 : vector<1x16xf32> to vector<16xf32>
      %swap3A_760 = vector.shape_cast %mul3A_755 : vector<16xf32> to vector<1x16xf32>
      tpu.vector_store %arg16[%swap3A_756, %swap3A_757], %swap3A_760 {strides = array<i32>} : memref<128x64xf32, #tpu.memory_space<vmem>>, vector<1x16xf32>,
      %get3A_761 = arith.index_cast %add3A_727 : i32 to index
      %get3A_762 = arith.constant 48 : index
      %get3A_763 = tpu.vector_load %arg14[%get3A_761, %get3A_762] {strides = array<i32>} : memref<128x64xf32, #tpu.memory_space<vmem>>, vector<1x16xf32>,
      %get3A_764 = vector.shape_cast %get3A_763 : vector<1x16xf32> to vector<16xf32>
      %mul3A_765 = arith.mulf %get3A_764, %broadcast_in_dim3A_730 : vector<16xf32>
      %swap3A_766 = arith.index_cast %add3A_727 : i32 to index
      %swap3A_767 = arith.constant 48 : index
      %swap3A_768 = tpu.vector_load %arg16[%swap3A_766, %swap3A_767] {strides = array<i32>} : memref<128x64xf32, #tpu.memory_space<vmem>>, vector<1x16xf32>,
      %swap3A_769 = vector.shape_cast %swap3A_768 : vector<1x16xf32> to vector<16xf32>
      %swap3A_770 = vector.shape_cast %mul3A_765 : vector<16xf32> to vector<1x16xf32>
      tpu.vector_store %arg16[%swap3A_766, %swap3A_767], %swap3A_770 {strides = array<i32>} : memref<128x64xf32, #tpu.memory_space<vmem>>, vector<1x16xf32>,
      %swap3A_771 = arith.index_cast %add3A_727 : i32 to index
      %swap3A_772 = arith.constant 0 : index
      %swap3A_773 = tpu.vector_load %arg17[%swap3A_771, %swap3A_772] {strides = array<i32>} : memref<128x16xf32, #tpu.memory_space<vmem>>, vector<1x16xf32>,
      %swap3A_774 = vector.shape_cast %swap3A_773 : vector<1x16xf32> to vector<16xf32>
      %swap3A_775 = vector.shape_cast %broadcast_in_dim3A_730 : vector<16xf32> to vector<1x16xf32>
      tpu.vector_store %arg17[%swap3A_771, %swap3A_772], %swap3A_775 {strides = array<i32>} : memref<128x16xf32, #tpu.memory_space<vmem>>, vector<1x16xf32>,
      %mul3A_776 = arith.constant 16 : i32
      %mul3A_777 = arith.muli %scan3A_147, %mul3A_776 : i32
      %add3A_778 = arith.constant 12 : i32
      %add3A_779 = arith.addi %mul3A_777, %add3A_778 : i32
      %slice3A_780 = vector.extract_strided_slice %get3A_153 {offsets = [12], sizes = [1], strides = [1]} : vector<16xf32> to vector<1xf32>
      %squeeze3A_781 = vector.extract %slice3A_780[0] : f32 from vector<1xf32>
      %broadcast_in_dim3A_782 = vector.broadcast %squeeze3A_781 : f32 to vector<16xf32>
      %get3A_783 = arith.index_cast %add3A_779 : i32 to index
      %get3A_784 = arith.constant 0 : index
      %get3A_785 = tpu.vector_load %arg14[%get3A_783, %get3A_784] {strides = array<i32>} : memref<128x64xf32, #tpu.memory_space<vmem>>, vector<1x16xf32>,
      %get3A_786 = vector.shape_cast %get3A_785 : vector<1x16xf32> to vector<16xf32>
      %mul3A_787 = arith.mulf %get3A_786, %broadcast_in_dim3A_782 : vector<16xf32>
      %swap3A_788 = arith.index_cast %add3A_779 : i32 to index
      %swap3A_789 = arith.constant 0 : index
      %swap3A_790 = tpu.vector_load %arg16[%swap3A_788, %swap3A_789] {strides = array<i32>} : memref<128x64xf32, #tpu.memory_space<vmem>>, vector<1x16xf32>,
      %swap3A_791 = vector.shape_cast %swap3A_790 : vector<1x16xf32> to vector<16xf32>
      %swap3A_792 = vector.shape_cast %mul3A_787 : vector<16xf32> to vector<1x16xf32>
      tpu.vector_store %arg16[%swap3A_788, %swap3A_789], %swap3A_792 {strides = array<i32>} : memref<128x64xf32, #tpu.memory_space<vmem>>, vector<1x16xf32>,
      %get3A_793 = arith.index_cast %add3A_779 : i32 to index
      %get3A_794 = arith.constant 16 : index
      %get3A_795 = tpu.vector_load %arg14[%get3A_793, %get3A_794] {strides = array<i32>} : memref<128x64xf32, #tpu.memory_space<vmem>>, vector<1x16xf32>,
      %get3A_796 = vector.shape_cast %get3A_795 : vector<1x16xf32> to vector<16xf32>
      %mul3A_797 = arith.mulf %get3A_796, %broadcast_in_dim3A_782 : vector<16xf32>
      %swap3A_798 = arith.index_cast %add3A_779 : i32 to index
      %swap3A_799 = arith.constant 16 : index
      %swap3A_800 = tpu.vector_load %arg16[%swap3A_798, %swap3A_799] {strides = array<i32>} : memref<128x64xf32, #tpu.memory_space<vmem>>, vector<1x16xf32>,
      %swap3A_801 = vector.shape_cast %swap3A_800 : vector<1x16xf32> to vector<16xf32>
      %swap3A_802 = vector.shape_cast %mul3A_797 : vector<16xf32> to vector<1x16xf32>
      tpu.vector_store %arg16[%swap3A_798, %swap3A_799], %swap3A_802 {strides = array<i32>} : memref<128x64xf32, #tpu.memory_space<vmem>>, vector<1x16xf32>,
      %get3A_803 = arith.index_cast %add3A_779 : i32 to index
      %get3A_804 = arith.constant 32 : index
      %get3A_805 = tpu.vector_load %arg14[%get3A_803, %get3A_804] {strides = array<i32>} : memref<128x64xf32, #tpu.memory_space<vmem>>, vector<1x16xf32>,
      %get3A_806 = vector.shape_cast %get3A_805 : vector<1x16xf32> to vector<16xf32>
      %mul3A_807 = arith.mulf %get3A_806, %broadcast_in_dim3A_782 : vector<16xf32>
      %swap3A_808 = arith.index_cast %add3A_779 : i32 to index
      %swap3A_809 = arith.constant 32 : index
      %swap3A_810 = tpu.vector_load %arg16[%swap3A_808, %swap3A_809] {strides = array<i32>} : memref<128x64xf32, #tpu.memory_space<vmem>>, vector<1x16xf32>,
      %swap3A_811 = vector.shape_cast %swap3A_810 : vector<1x16xf32> to vector<16xf32>
      %swap3A_812 = vector.shape_cast %mul3A_807 : vector<16xf32> to vector<1x16xf32>
      tpu.vector_store %arg16[%swap3A_808, %swap3A_809], %swap3A_812 {strides = array<i32>} : memref<128x64xf32, #tpu.memory_space<vmem>>, vector<1x16xf32>,
      %get3A_813 = arith.index_cast %add3A_779 : i32 to index
      %get3A_814 = arith.constant 48 : index
      %get3A_815 = tpu.vector_load %arg14[%get3A_813, %get3A_814] {strides = array<i32>} : memref<128x64xf32, #tpu.memory_space<vmem>>, vector<1x16xf32>,
      %get3A_816 = vector.shape_cast %get3A_815 : vector<1x16xf32> to vector<16xf32>
      %mul3A_817 = arith.mulf %get3A_816, %broadcast_in_dim3A_782 : vector<16xf32>
      %swap3A_818 = arith.index_cast %add3A_779 : i32 to index
      %swap3A_819 = arith.constant 48 : index
      %swap3A_820 = tpu.vector_load %arg16[%swap3A_818, %swap3A_819] {strides = array<i32>} : memref<128x64xf32, #tpu.memory_space<vmem>>, vector<1x16xf32>,
      %swap3A_821 = vector.shape_cast %swap3A_820 : vector<1x16xf32> to vector<16xf32>
      %swap3A_822 = vector.shape_cast %mul3A_817 : vector<16xf32> to vector<1x16xf32>
      tpu.vector_store %arg16[%swap3A_818, %swap3A_819], %swap3A_822 {strides = array<i32>} : memref<128x64xf32, #tpu.memory_space<vmem>>, vector<1x16xf32>,
      %swap3A_823 = arith.index_cast %add3A_779 : i32 to index
      %swap3A_824 = arith.constant 0 : index
      %swap3A_825 = tpu.vector_load %arg17[%swap3A_823, %swap3A_824] {strides = array<i32>} : memref<128x16xf32, #tpu.memory_space<vmem>>, vector<1x16xf32>,
      %swap3A_826 = vector.shape_cast %swap3A_825 : vector<1x16xf32> to vector<16xf32>
      %swap3A_827 = vector.shape_cast %broadcast_in_dim3A_782 : vector<16xf32> to vector<1x16xf32>
      tpu.vector_store %arg17[%swap3A_823, %swap3A_824], %swap3A_827 {strides = array<i32>} : memref<128x16xf32, #tpu.memory_space<vmem>>, vector<1x16xf32>,
      %mul3A_828 = arith.constant 16 : i32
      %mul3A_829 = arith.muli %scan3A_147, %mul3A_828 : i32
      %add3A_830 = arith.constant 13 : i32
      %add3A_831 = arith.addi %mul3A_829, %add3A_830 : i32
      %slice3A_832 = vector.extract_strided_slice %get3A_153 {offsets = [13], sizes = [1], strides = [1]} : vector<16xf32> to vector<1xf32>
      %squeeze3A_833 = vector.extract %slice3A_832[0] : f32 from vector<1xf32>
      %broadcast_in_dim3A_834 = vector.broadcast %squeeze3A_833 : f32 to vector<16xf32>
      %get3A_835 = arith.index_cast %add3A_831 : i32 to index
      %get3A_836 = arith.constant 0 : index
      %get3A_837 = tpu.vector_load %arg14[%get3A_835, %get3A_836] {strides = array<i32>} : memref<128x64xf32, #tpu.memory_space<vmem>>, vector<1x16xf32>,
      %get3A_838 = vector.shape_cast %get3A_837 : vector<1x16xf32> to vector<16xf32>
      %mul3A_839 = arith.mulf %get3A_838, %broadcast_in_dim3A_834 : vector<16xf32>
      %swap3A_840 = arith.index_cast %add3A_831 : i32 to index
      %swap3A_841 = arith.constant 0 : index
      %swap3A_842 = tpu.vector_load %arg16[%swap3A_840, %swap3A_841] {strides = array<i32>} : memref<128x64xf32, #tpu.memory_space<vmem>>, vector<1x16xf32>,
      %swap3A_843 = vector.shape_cast %swap3A_842 : vector<1x16xf32> to vector<16xf32>
      %swap3A_844 = vector.shape_cast %mul3A_839 : vector<16xf32> to vector<1x16xf32>
      tpu.vector_store %arg16[%swap3A_840, %swap3A_841], %swap3A_844 {strides = array<i32>} : memref<128x64xf32, #tpu.memory_space<vmem>>, vector<1x16xf32>,
      %get3A_845 = arith.index_cast %add3A_831 : i32 to index
      %get3A_846 = arith.constant 16 : index
      %get3A_847 = tpu.vector_load %arg14[%get3A_845, %get3A_846] {strides = array<i32>} : memref<128x64xf32, #tpu.memory_space<vmem>>, vector<1x16xf32>,
      %get3A_848 = vector.shape_cast %get3A_847 : vector<1x16xf32> to vector<16xf32>
      %mul3A_849 = arith.mulf %get3A_848, %broadcast_in_dim3A_834 : vector<16xf32>
      %swap3A_850 = arith.index_cast %add3A_831 : i32 to index
      %swap3A_851 = arith.constant 16 : index
      %swap3A_852 = tpu.vector_load %arg16[%swap3A_850, %swap3A_851] {strides = array<i32>} : memref<128x64xf32, #tpu.memory_space<vmem>>, vector<1x16xf32>,
      %swap3A_853 = vector.shape_cast %swap3A_852 : vector<1x16xf32> to vector<16xf32>
      %swap3A_854 = vector.shape_cast %mul3A_849 : vector<16xf32> to vector<1x16xf32>
      tpu.vector_store %arg16[%swap3A_850, %swap3A_851], %swap3A_854 {strides = array<i32>} : memref<128x64xf32, #tpu.memory_space<vmem>>, vector<1x16xf32>,
      %get3A_855 = arith.index_cast %add3A_831 : i32 to index
      %get3A_856 = arith.constant 32 : index
      %get3A_857 = tpu.vector_load %arg14[%get3A_855, %get3A_856] {strides = array<i32>} : memref<128x64xf32, #tpu.memory_space<vmem>>, vector<1x16xf32>,
      %get3A_858 = vector.shape_cast %get3A_857 : vector<1x16xf32> to vector<16xf32>
      %mul3A_859 = arith.mulf %get3A_858, %broadcast_in_dim3A_834 : vector<16xf32>
      %swap3A_860 = arith.index_cast %add3A_831 : i32 to index
      %swap3A_861 = arith.constant 32 : index
      %swap3A_862 = tpu.vector_load %arg16[%swap3A_860, %swap3A_861] {strides = array<i32>} : memref<128x64xf32, #tpu.memory_space<vmem>>, vector<1x16xf32>,
      %swap3A_863 = vector.shape_cast %swap3A_862 : vector<1x16xf32> to vector<16xf32>
      %swap3A_864 = vector.shape_cast %mul3A_859 : vector<16xf32> to vector<1x16xf32>
      tpu.vector_store %arg16[%swap3A_860, %swap3A_861], %swap3A_864 {strides = array<i32>} : memref<128x64xf32, #tpu.memory_space<vmem>>, vector<1x16xf32>,
      %get3A_865 = arith.index_cast %add3A_831 : i32 to index
      %get3A_866 = arith.constant 48 : index
      %get3A_867 = tpu.vector_load %arg14[%get3A_865, %get3A_866] {strides = array<i32>} : memref<128x64xf32, #tpu.memory_space<vmem>>, vector<1x16xf32>,
      %get3A_868 = vector.shape_cast %get3A_867 : vector<1x16xf32> to vector<16xf32>
      %mul3A_869 = arith.mulf %get3A_868, %broadcast_in_dim3A_834 : vector<16xf32>
      %swap3A_870 = arith.index_cast %add3A_831 : i32 to index
      %swap3A_871 = arith.constant 48 : index
      %swap3A_872 = tpu.vector_load %arg16[%swap3A_870, %swap3A_871] {strides = array<i32>} : memref<128x64xf32, #tpu.memory_space<vmem>>, vector<1x16xf32>,
      %swap3A_873 = vector.shape_cast %swap3A_872 : vector<1x16xf32> to vector<16xf32>
      %swap3A_874 = vector.shape_cast %mul3A_869 : vector<16xf32> to vector<1x16xf32>
      tpu.vector_store %arg16[%swap3A_870, %swap3A_871], %swap3A_874 {strides = array<i32>} : memref<128x64xf32, #tpu.memory_space<vmem>>, vector<1x16xf32>,
      %swap3A_875 = arith.index_cast %add3A_831 : i32 to index
      %swap3A_876 = arith.constant 0 : index
      %swap3A_877 = tpu.vector_load %arg17[%swap3A_875, %swap3A_876] {strides = array<i32>} : memref<128x16xf32, #tpu.memory_space<vmem>>, vector<1x16xf32>,
      %swap3A_878 = vector.shape_cast %swap3A_877 : vector<1x16xf32> to vector<16xf32>
      %swap3A_879 = vector.shape_cast %broadcast_in_dim3A_834 : vector<16xf32> to vector<1x16xf32>
      tpu.vector_store %arg17[%swap3A_875, %swap3A_876], %swap3A_879 {strides = array<i32>} : memref<128x16xf32, #tpu.memory_space<vmem>>, vector<1x16xf32>,
      %mul3A_880 = arith.constant 16 : i32
      %mul3A_881 = arith.muli %scan3A_147, %mul3A_880 : i32
      %add3A_882 = arith.constant 14 : i32
      %add3A_883 = arith.addi %mul3A_881, %add3A_882 : i32
      %slice3A_884 = vector.extract_strided_slice %get3A_153 {offsets = [14], sizes = [1], strides = [1]} : vector<16xf32> to vector<1xf32>
      %squeeze3A_885 = vector.extract %slice3A_884[0] : f32 from vector<1xf32>
      %broadcast_in_dim3A_886 = vector.broadcast %squeeze3A_885 : f32 to vector<16xf32>
      %get3A_887 = arith.index_cast %add3A_883 : i32 to index
      %get3A_888 = arith.constant 0 : index
      %get3A_889 = tpu.vector_load %arg14[%get3A_887, %get3A_888] {strides = array<i32>} : memref<128x64xf32, #tpu.memory_space<vmem>>, vector<1x16xf32>,
      %get3A_890 = vector.shape_cast %get3A_889 : vector<1x16xf32> to vector<16xf32>
      %mul3A_891 = arith.mulf %get3A_890, %broadcast_in_dim3A_886 : vector<16xf32>
      %swap3A_892 = arith.index_cast %add3A_883 : i32 to index
      %swap3A_893 = arith.constant 0 : index
      %swap3A_894 = tpu.vector_load %arg16[%swap3A_892, %swap3A_893] {strides = array<i32>} : memref<128x64xf32, #tpu.memory_space<vmem>>, vector<1x16xf32>,
      %swap3A_895 = vector.shape_cast %swap3A_894 : vector<1x16xf32> to vector<16xf32>
      %swap3A_896 = vector.shape_cast %mul3A_891 : vector<16xf32> to vector<1x16xf32>
      tpu.vector_store %arg16[%swap3A_892, %swap3A_893], %swap3A_896 {strides = array<i32>} : memref<128x64xf32, #tpu.memory_space<vmem>>, vector<1x16xf32>,
      %get3A_897 = arith.index_cast %add3A_883 : i32 to index
      %get3A_898 = arith.constant 16 : index
      %get3A_899 = tpu.vector_load %arg14[%get3A_897, %get3A_898] {strides = array<i32>} : memref<128x64xf32, #tpu.memory_space<vmem>>, vector<1x16xf32>,
      %get3A_900 = vector.shape_cast %get3A_899 : vector<1x16xf32> to vector<16xf32>
      %mul3A_901 = arith.mulf %get3A_900, %broadcast_in_dim3A_886 : vector<16xf32>
      %swap3A_902 = arith.index_cast %add3A_883 : i32 to index
      %swap3A_903 = arith.constant 16 : index
      %swap3A_904 = tpu.vector_load %arg16[%swap3A_902, %swap3A_903] {strides = array<i32>} : memref<128x64xf32, #tpu.memory_space<vmem>>, vector<1x16xf32>,
      %swap3A_905 = vector.shape_cast %swap3A_904 : vector<1x16xf32> to vector<16xf32>
      %swap3A_906 = vector.shape_cast %mul3A_901 : vector<16xf32> to vector<1x16xf32>
      tpu.vector_store %arg16[%swap3A_902, %swap3A_903], %swap3A_906 {strides = array<i32>} : memref<128x64xf32, #tpu.memory_space<vmem>>, vector<1x16xf32>,
      %get3A_907 = arith.index_cast %add3A_883 : i32 to index
      %get3A_908 = arith.constant 32 : index
      %get3A_909 = tpu.vector_load %arg14[%get3A_907, %get3A_908] {strides = array<i32>} : memref<128x64xf32, #tpu.memory_space<vmem>>, vector<1x16xf32>,
      %get3A_910 = vector.shape_cast %get3A_909 : vector<1x16xf32> to vector<16xf32>
      %mul3A_911 = arith.mulf %get3A_910, %broadcast_in_dim3A_886 : vector<16xf32>
      %swap3A_912 = arith.index_cast %add3A_883 : i32 to index
      %swap3A_913 = arith.constant 32 : index
      %swap3A_914 = tpu.vector_load %arg16[%swap3A_912, %swap3A_913] {strides = array<i32>} : memref<128x64xf32, #tpu.memory_space<vmem>>, vector<1x16xf32>,
      %swap3A_915 = vector.shape_cast %swap3A_914 : vector<1x16xf32> to vector<16xf32>
      %swap3A_916 = vector.shape_cast %mul3A_911 : vector<16xf32> to vector<1x16xf32>
      tpu.vector_store %arg16[%swap3A_912, %swap3A_913], %swap3A_916 {strides = array<i32>} : memref<128x64xf32, #tpu.memory_space<vmem>>, vector<1x16xf32>,
      %get3A_917 = arith.index_cast %add3A_883 : i32 to index
      %get3A_918 = arith.constant 48 : index
      %get3A_919 = tpu.vector_load %arg14[%get3A_917, %get3A_918] {strides = array<i32>} : memref<128x64xf32, #tpu.memory_space<vmem>>, vector<1x16xf32>,
      %get3A_920 = vector.shape_cast %get3A_919 : vector<1x16xf32> to vector<16xf32>
      %mul3A_921 = arith.mulf %get3A_920, %broadcast_in_dim3A_886 : vector<16xf32>
      %swap3A_922 = arith.index_cast %add3A_883 : i32 to index
      %swap3A_923 = arith.constant 48 : index
      %swap3A_924 = tpu.vector_load %arg16[%swap3A_922, %swap3A_923] {strides = array<i32>} : memref<128x64xf32, #tpu.memory_space<vmem>>, vector<1x16xf32>,
      %swap3A_925 = vector.shape_cast %swap3A_924 : vector<1x16xf32> to vector<16xf32>
      %swap3A_926 = vector.shape_cast %mul3A_921 : vector<16xf32> to vector<1x16xf32>
      tpu.vector_store %arg16[%swap3A_922, %swap3A_923], %swap3A_926 {strides = array<i32>} : memref<128x64xf32, #tpu.memory_space<vmem>>, vector<1x16xf32>,
      %swap3A_927 = arith.index_cast %add3A_883 : i32 to index
      %swap3A_928 = arith.constant 0 : index
      %swap3A_929 = tpu.vector_load %arg17[%swap3A_927, %swap3A_928] {strides = array<i32>} : memref<128x16xf32, #tpu.memory_space<vmem>>, vector<1x16xf32>,
      %swap3A_930 = vector.shape_cast %swap3A_929 : vector<1x16xf32> to vector<16xf32>
      %swap3A_931 = vector.shape_cast %broadcast_in_dim3A_886 : vector<16xf32> to vector<1x16xf32>
      tpu.vector_store %arg17[%swap3A_927, %swap3A_928], %swap3A_931 {strides = array<i32>} : memref<128x16xf32, #tpu.memory_space<vmem>>, vector<1x16xf32>,
      %mul3A_932 = arith.constant 16 : i32
      %mul3A_933 = arith.muli %scan3A_147, %mul3A_932 : i32
      %add3A_934 = arith.constant 15 : i32
      %add3A_935 = arith.addi %mul3A_933, %add3A_934 : i32
      %slice3A_936 = vector.extract_strided_slice %get3A_153 {offsets = [15], sizes = [1], strides = [1]} : vector<16xf32> to vector<1xf32>
      %squeeze3A_937 = vector.extract %slice3A_936[0] : f32 from vector<1xf32>
      %broadcast_in_dim3A_938 = vector.broadcast %squeeze3A_937 : f32 to vector<16xf32>
      %get3A_939 = arith.index_cast %add3A_935 : i32 to index
      %get3A_940 = arith.constant 0 : index
      %get3A_941 = tpu.vector_load %arg14[%get3A_939, %get3A_940] {strides = array<i32>} : memref<128x64xf32, #tpu.memory_space<vmem>>, vector<1x16xf32>,
      %get3A_942 = vector.shape_cast %get3A_941 : vector<1x16xf32> to vector<16xf32>
      %mul3A_943 = arith.mulf %get3A_942, %broadcast_in_dim3A_938 : vector<16xf32>
      %swap3A_944 = arith.index_cast %add3A_935 : i32 to index
      %swap3A_945 = arith.constant 0 : index
      %swap3A_946 = tpu.vector_load %arg16[%swap3A_944, %swap3A_945] {strides = array<i32>} : memref<128x64xf32, #tpu.memory_space<vmem>>, vector<1x16xf32>,
      %swap3A_947 = vector.shape_cast %swap3A_946 : vector<1x16xf32> to vector<16xf32>
      %swap3A_948 = vector.shape_cast %mul3A_943 : vector<16xf32> to vector<1x16xf32>
      tpu.vector_store %arg16[%swap3A_944, %swap3A_945], %swap3A_948 {strides = array<i32>} : memref<128x64xf32, #tpu.memory_space<vmem>>, vector<1x16xf32>,
      %get3A_949 = arith.index_cast %add3A_935 : i32 to index
      %get3A_950 = arith.constant 16 : index
      %get3A_951 = tpu.vector_load %arg14[%get3A_949, %get3A_950] {strides = array<i32>} : memref<128x64xf32, #tpu.memory_space<vmem>>, vector<1x16xf32>,
      %get3A_952 = vector.shape_cast %get3A_951 : vector<1x16xf32> to vector<16xf32>
      %mul3A_953 = arith.mulf %get3A_952, %broadcast_in_dim3A_938 : vector<16xf32>
      %swap3A_954 = arith.index_cast %add3A_935 : i32 to index
      %swap3A_955 = arith.constant 16 : index
      %swap3A_956 = tpu.vector_load %arg16[%swap3A_954, %swap3A_955] {strides = array<i32>} : memref<128x64xf32, #tpu.memory_space<vmem>>, vector<1x16xf32>,
      %swap3A_957 = vector.shape_cast %swap3A_956 : vector<1x16xf32> to vector<16xf32>
      %swap3A_958 = vector.shape_cast %mul3A_953 : vector<16xf32> to vector<1x16xf32>
      tpu.vector_store %arg16[%swap3A_954, %swap3A_955], %swap3A_958 {strides = array<i32>} : memref<128x64xf32, #tpu.memory_space<vmem>>, vector<1x16xf32>,
      %get3A_959 = arith.index_cast %add3A_935 : i32 to index
      %get3A_960 = arith.constant 32 : index
      %get3A_961 = tpu.vector_load %arg14[%get3A_959, %get3A_960] {strides = array<i32>} : memref<128x64xf32, #tpu.memory_space<vmem>>, vector<1x16xf32>,
      %get3A_962 = vector.shape_cast %get3A_961 : vector<1x16xf32> to vector<16xf32>
      %mul3A_963 = arith.mulf %get3A_962, %broadcast_in_dim3A_938 : vector<16xf32>
      %swap3A_964 = arith.index_cast %add3A_935 : i32 to index
      %swap3A_965 = arith.constant 32 : index
      %swap3A_966 = tpu.vector_load %arg16[%swap3A_964, %swap3A_965] {strides = array<i32>} : memref<128x64xf32, #tpu.memory_space<vmem>>, vector<1x16xf32>,
      %swap3A_967 = vector.shape_cast %swap3A_966 : vector<1x16xf32> to vector<16xf32>
      %swap3A_968 = vector.shape_cast %mul3A_963 : vector<16xf32> to vector<1x16xf32>
      tpu.vector_store %arg16[%swap3A_964, %swap3A_965], %swap3A_968 {strides = array<i32>} : memref<128x64xf32, #tpu.memory_space<vmem>>, vector<1x16xf32>,
      %get3A_969 = arith.index_cast %add3A_935 : i32 to index
      %get3A_970 = arith.constant 48 : index
      %get3A_971 = tpu.vector_load %arg14[%get3A_969, %get3A_970] {strides = array<i32>} : memref<128x64xf32, #tpu.memory_space<vmem>>, vector<1x16xf32>,
      %get3A_972 = vector.shape_cast %get3A_971 : vector<1x16xf32> to vector<16xf32>
      %mul3A_973 = arith.mulf %get3A_972, %broadcast_in_dim3A_938 : vector<16xf32>
      %swap3A_974 = arith.index_cast %add3A_935 : i32 to index
      %swap3A_975 = arith.constant 48 : index
      %swap3A_976 = tpu.vector_load %arg16[%swap3A_974, %swap3A_975] {strides = array<i32>} : memref<128x64xf32, #tpu.memory_space<vmem>>, vector<1x16xf32>,
      %swap3A_977 = vector.shape_cast %swap3A_976 : vector<1x16xf32> to vector<16xf32>
      %swap3A_978 = vector.shape_cast %mul3A_973 : vector<16xf32> to vector<1x16xf32>
      tpu.vector_store %arg16[%swap3A_974, %swap3A_975], %swap3A_978 {strides = array<i32>} : memref<128x64xf32, #tpu.memory_space<vmem>>, vector<1x16xf32>,
      %swap3A_979 = arith.index_cast %add3A_935 : i32 to index
      %swap3A_980 = arith.constant 0 : index
      %swap3A_981 = tpu.vector_load %arg17[%swap3A_979, %swap3A_980] {strides = array<i32>} : memref<128x16xf32, #tpu.memory_space<vmem>>, vector<1x16xf32>,
      %swap3A_982 = vector.shape_cast %swap3A_981 : vector<1x16xf32> to vector<16xf32>
      %swap3A_983 = vector.shape_cast %broadcast_in_dim3A_938 : vector<16xf32> to vector<1x16xf32>
      tpu.vector_store %arg17[%swap3A_979, %swap3A_980], %swap3A_983 {strides = array<i32>} : memref<128x16xf32, #tpu.memory_space<vmem>>, vector<1x16xf32>,
      %scan3A_984 = arith.constant 0 : i32
      scf.yield %scan3A_984 : i32
    }
    %scan3A_121 = arith.constant 8 : i32
    "tpu.region"() ({
      %run_scoped3A = tpu.sem_alloc : memref<!tpu.dma_semaphore, #tpu.memory_space<semaphore_mem>>
      %dma_start3A_147 = arith.constant 0 : i32
      %dma_start3A_148 = arith.constant 0 : i32
      %dma_start3A_149 = tpu.memref_slice %arg19[%dma_start3A_147, %dma_start3A_148] : memref<10240x64xf32, #tpu.memory_space<vmem_shared>> -> memref<10240x64xf32, #tpu.memory_space<vmem_shared>>
      tpu.enqueue_indirect_dma source(%arg16 : memref<128x64xf32, #tpu.memory_space<vmem>>) target(%dma_start3A_149 : memref<10240x64xf32, #tpu.memory_space<vmem_shared>>) offsets(%arg9 : memref<128xi32, #tpu.memory_space<vmem>>) semaphore(%run_scoped3A : memref<!tpu.dma_semaphore, #tpu.memory_space<semaphore_mem>>) {add = true}
      %dma_wait3A_150 = arith.constant 0 : i32
      %dma_wait3A_151 = arith.constant 0 : i32
      %dma_wait3A_152 = tpu.memref_slice %arg19[%dma_wait3A_150, %dma_wait3A_151] : memref<10240x64xf32, #tpu.memory_space<vmem_shared>> -> memref<10240x64xf32, #tpu.memory_space<vmem_shared>>
      tpu.wait_indirect_dma semaphore(%run_scoped3A : memref<!tpu.dma_semaphore, #tpu.memory_space<semaphore_mem>>) src(%arg16 : memref<128x64xf32, #tpu.memory_space<vmem>>) dst(%dma_wait3A_152 : memref<10240x64xf32, #tpu.memory_space<vmem_shared>>)
      tpu.yield
    }) : () -> ()
    "tpu.region"() ({
      %run_scoped3A = tpu.sem_alloc : memref<!tpu.dma_semaphore, #tpu.memory_space<semaphore_mem>>
      %dma_start3A_147 = arith.constant 0 : i32
      %dma_start3A_148 = arith.constant 0 : i32
      %dma_start3A_149 = tpu.memref_slice %arg20[%dma_start3A_147, %dma_start3A_148] : memref<10240x16xf32, #tpu.memory_space<vmem_shared>> -> memref<10240x16xf32, #tpu.memory_space<vmem_shared>>
      tpu.enqueue_indirect_dma source(%arg17 : memref<128x16xf32, #tpu.memory_space<vmem>>) target(%dma_start3A_149 : memref<10240x16xf32, #tpu.memory_space<vmem_shared>>) offsets(%arg9 : memref<128xi32, #tpu.memory_space<vmem>>) semaphore(%run_scoped3A : memref<!tpu.dma_semaphore, #tpu.memory_space<semaphore_mem>>) {add = true}
      %dma_wait3A_150 = arith.constant 0 : i32
      %dma_wait3A_151 = arith.constant 0 : i32
      %dma_wait3A_152 = tpu.memref_slice %arg20[%dma_wait3A_150, %dma_wait3A_151] : memref<10240x16xf32, #tpu.memory_space<vmem_shared>> -> memref<10240x16xf32, #tpu.memory_space<vmem_shared>>
      tpu.wait_indirect_dma semaphore(%run_scoped3A : memref<!tpu.dma_semaphore, #tpu.memory_space<semaphore_mem>>) src(%arg17 : memref<128x16xf32, #tpu.memory_space<vmem>>) dst(%dma_wait3A_152 : memref<10240x16xf32, #tpu.memory_space<vmem_shared>>)
      tpu.yield
    }) : () -> ()
    %barrier3A_122 = arith.constant 0 : index
    tpu.barrier barrier_id(%barrier3A_122)
    %mul3A_123 = arith.constant 640 : i32
    %mul3A_124 = arith.muli %arg1, %mul3A_123 : i32
    %add3A_125 = arith.constant 0 : i32
    %add3A_126 = arith.addi %mul3A_124, %add3A_125 : i32
    "tpu.region"() ({
      %run_scoped3A = tpu.sem_alloc : memref<!tpu.dma_semaphore, #tpu.memory_space<semaphore_mem>>
      %dma_start3A_147 = arith.constant 0 : i32
      %dma_start3A_148 = tpu.memref_slice %arg19[%add3A_126, %dma_start3A_147] : memref<10240x64xf32, #tpu.memory_space<vmem_shared>> -> memref<128x64xf32, #tpu.memory_space<vmem_shared>>
      %dma_start3A_149 = arith.constant 0 : i32
      %dma_start3A_150 = tpu.memref_slice %arg19[%add3A_126, %dma_start3A_149] : memref<10240x64xf32, #tpu.memory_space<vmem_shared>> -> memref<128x64xf32, #tpu.memory_space<vmem_shared>>
      tpu.enqueue_dma source(%dma_start3A_150 : memref<128x64xf32, #tpu.memory_space<vmem_shared>>) target(%arg16 : memref<128x64xf32, #tpu.memory_space<vmem>>) target_semaphore(%run_scoped3A : memref<!tpu.dma_semaphore, #tpu.memory_space<semaphore_mem>>)
      %dma_wait3A_151 = arith.constant 0 : i32
      %dma_wait3A_152 = tpu.memref_slice %arg19[%add3A_126, %dma_wait3A_151] : memref<10240x64xf32, #tpu.memory_space<vmem_shared>> -> memref<128x64xf32, #tpu.memory_space<vmem_shared>>
      %dma_wait3A_153 = arith.constant 0 : i32
      %dma_wait3A_154 = tpu.memref_slice %arg19[%add3A_126, %dma_wait3A_153] : memref<10240x64xf32, #tpu.memory_space<vmem_shared>> -> memref<128x64xf32, #tpu.memory_space<vmem_shared>>
      tpu.wait_dma2 semaphore(%run_scoped3A : memref<!tpu.dma_semaphore, #tpu.memory_space<semaphore_mem>>) src(%dma_wait3A_154 : memref<128x64xf32, #tpu.memory_space<vmem_shared>>) dst(%arg16 : memref<128x64xf32, #tpu.memory_space<vmem>>)
      tpu.yield
    }) : () -> ()
    "tpu.region"() ({
      %run_scoped3A = tpu.sem_alloc : memref<!tpu.dma_semaphore, #tpu.memory_space<semaphore_mem>>
      %dma_start3A_147 = arith.constant 0 : i32
      %dma_start3A_148 = tpu.memref_slice %arg6[%arg0, %add3A_126, %dma_start3A_147] : memref<2x10240x64xf32, #tpu.memory_space<hbm>> -> memref<1x128x64xf32, #tpu.memory_space<hbm>>
      %dma_start3A_149 = tpu.memref_squeeze %dma_start3A_148 : memref<1x128x64xf32, #tpu.memory_space<hbm>> -> memref<128x64xf32, #tpu.memory_space<hbm>>
      %dma_start3A_150 = arith.constant 0 : i32
      %dma_start3A_151 = tpu.memref_slice %arg6[%arg0, %add3A_126, %dma_start3A_150] : memref<2x10240x64xf32, #tpu.memory_space<hbm>> -> memref<1x128x64xf32, #tpu.memory_space<hbm>>
      %dma_start3A_152 = tpu.memref_squeeze %dma_start3A_151 : memref<1x128x64xf32, #tpu.memory_space<hbm>> -> memref<128x64xf32, #tpu.memory_space<hbm>>
      tpu.enqueue_dma source(%arg16 : memref<128x64xf32, #tpu.memory_space<vmem>>) target(%dma_start3A_152 : memref<128x64xf32, #tpu.memory_space<hbm>>) target_semaphore(%run_scoped3A : memref<!tpu.dma_semaphore, #tpu.memory_space<semaphore_mem>>)
      %dma_wait3A_153 = arith.constant 0 : i32
      %dma_wait3A_154 = tpu.memref_slice %arg6[%arg0, %add3A_126, %dma_wait3A_153] : memref<2x10240x64xf32, #tpu.memory_space<hbm>> -> memref<1x128x64xf32, #tpu.memory_space<hbm>>
      %dma_wait3A_155 = tpu.memref_squeeze %dma_wait3A_154 : memref<1x128x64xf32, #tpu.memory_space<hbm>> -> memref<128x64xf32, #tpu.memory_space<hbm>>
      %dma_wait3A_156 = arith.constant 0 : i32
      %dma_wait3A_157 = tpu.memref_slice %arg6[%arg0, %add3A_126, %dma_wait3A_156] : memref<2x10240x64xf32, #tpu.memory_space<hbm>> -> memref<1x128x64xf32, #tpu.memory_space<hbm>>
      %dma_wait3A_158 = tpu.memref_squeeze %dma_wait3A_157 : memref<1x128x64xf32, #tpu.memory_space<hbm>> -> memref<128x64xf32, #tpu.memory_space<hbm>>
      tpu.wait_dma2 semaphore(%run_scoped3A : memref<!tpu.dma_semaphore, #tpu.memory_space<semaphore_mem>>) src(%arg16 : memref<128x64xf32, #tpu.memory_space<vmem>>) dst(%dma_wait3A_158 : memref<128x64xf32, #tpu.memory_space<hbm>>)
      tpu.yield
    }) : () -> ()
    %mul3A_127 = arith.constant 640 : i32
    %mul3A_128 = arith.muli %arg1, %mul3A_127 : i32
    %add3A_129 = arith.constant 128 : i32
    %add3A_130 = arith.addi %mul3A_128, %add3A_129 : i32
    "tpu.region"() ({
      %run_scoped3A = tpu.sem_alloc : memref<!tpu.dma_semaphore, #tpu.memory_space<semaphore_mem>>
      %dma_start3A_147 = arith.constant 0 : i32
      %dma_start3A_148 = tpu.memref_slice %arg19[%add3A_130, %dma_start3A_147] : memref<10240x64xf32, #tpu.memory_space<vmem_shared>> -> memref<128x64xf32, #tpu.memory_space<vmem_shared>>
      %dma_start3A_149 = arith.constant 0 : i32
      %dma_start3A_150 = tpu.memref_slice %arg19[%add3A_130, %dma_start3A_149] : memref<10240x64xf32, #tpu.memory_space<vmem_shared>> -> memref<128x64xf32, #tpu.memory_space<vmem_shared>>
      tpu.enqueue_dma source(%dma_start3A_150 : memref<128x64xf32, #tpu.memory_space<vmem_shared>>) target(%arg16 : memref<128x64xf32, #tpu.memory_space<vmem>>) target_semaphore(%run_scoped3A : memref<!tpu.dma_semaphore, #tpu.memory_space<semaphore_mem>>)
      %dma_wait3A_151 = arith.constant 0 : i32
      %dma_wait3A_152 = tpu.memref_slice %arg19[%add3A_130, %dma_wait3A_151] : memref<10240x64xf32, #tpu.memory_space<vmem_shared>> -> memref<128x64xf32, #tpu.memory_space<vmem_shared>>
      %dma_wait3A_153 = arith.constant 0 : i32
      %dma_wait3A_154 = tpu.memref_slice %arg19[%add3A_130, %dma_wait3A_153] : memref<10240x64xf32, #tpu.memory_space<vmem_shared>> -> memref<128x64xf32, #tpu.memory_space<vmem_shared>>
      tpu.wait_dma2 semaphore(%run_scoped3A : memref<!tpu.dma_semaphore, #tpu.memory_space<semaphore_mem>>) src(%dma_wait3A_154 : memref<128x64xf32, #tpu.memory_space<vmem_shared>>) dst(%arg16 : memref<128x64xf32, #tpu.memory_space<vmem>>)
      tpu.yield
    }) : () -> ()
    "tpu.region"() ({
      %run_scoped3A = tpu.sem_alloc : memref<!tpu.dma_semaphore, #tpu.memory_space<semaphore_mem>>
      %dma_start3A_147 = arith.constant 0 : i32
      %dma_start3A_148 = tpu.memref_slice %arg6[%arg0, %add3A_130, %dma_start3A_147] : memref<2x10240x64xf32, #tpu.memory_space<hbm>> -> memref<1x128x64xf32, #tpu.memory_space<hbm>>
      %dma_start3A_149 = tpu.memref_squeeze %dma_start3A_148 : memref<1x128x64xf32, #tpu.memory_space<hbm>> -> memref<128x64xf32, #tpu.memory_space<hbm>>
      %dma_start3A_150 = arith.constant 0 : i32
      %dma_start3A_151 = tpu.memref_slice %arg6[%arg0, %add3A_130, %dma_start3A_150] : memref<2x10240x64xf32, #tpu.memory_space<hbm>> -> memref<1x128x64xf32, #tpu.memory_space<hbm>>
      %dma_start3A_152 = tpu.memref_squeeze %dma_start3A_151 : memref<1x128x64xf32, #tpu.memory_space<hbm>> -> memref<128x64xf32, #tpu.memory_space<hbm>>
      tpu.enqueue_dma source(%arg16 : memref<128x64xf32, #tpu.memory_space<vmem>>) target(%dma_start3A_152 : memref<128x64xf32, #tpu.memory_space<hbm>>) target_semaphore(%run_scoped3A : memref<!tpu.dma_semaphore, #tpu.memory_space<semaphore_mem>>)
      %dma_wait3A_153 = arith.constant 0 : i32
      %dma_wait3A_154 = tpu.memref_slice %arg6[%arg0, %add3A_130, %dma_wait3A_153] : memref<2x10240x64xf32, #tpu.memory_space<hbm>> -> memref<1x128x64xf32, #tpu.memory_space<hbm>>
      %dma_wait3A_155 = tpu.memref_squeeze %dma_wait3A_154 : memref<1x128x64xf32, #tpu.memory_space<hbm>> -> memref<128x64xf32, #tpu.memory_space<hbm>>
      %dma_wait3A_156 = arith.constant 0 : i32
      %dma_wait3A_157 = tpu.memref_slice %arg6[%arg0, %add3A_130, %dma_wait3A_156] : memref<2x10240x64xf32, #tpu.memory_space<hbm>> -> memref<1x128x64xf32, #tpu.memory_space<hbm>>
      %dma_wait3A_158 = tpu.memref_squeeze %dma_wait3A_157 : memref<1x128x64xf32, #tpu.memory_space<hbm>> -> memref<128x64xf32, #tpu.memory_space<hbm>>
      tpu.wait_dma2 semaphore(%run_scoped3A : memref<!tpu.dma_semaphore, #tpu.memory_space<semaphore_mem>>) src(%arg16 : memref<128x64xf32, #tpu.memory_space<vmem>>) dst(%dma_wait3A_158 : memref<128x64xf32, #tpu.memory_space<hbm>>)
      tpu.yield
    }) : () -> ()
    %mul3A_131 = arith.constant 640 : i32
    %mul3A_132 = arith.muli %arg1, %mul3A_131 : i32
    %add3A_133 = arith.constant 256 : i32
    %add3A_134 = arith.addi %mul3A_132, %add3A_133 : i32
    "tpu.region"() ({
      %run_scoped3A = tpu.sem_alloc : memref<!tpu.dma_semaphore, #tpu.memory_space<semaphore_mem>>
      %dma_start3A_147 = arith.constant 0 : i32
      %dma_start3A_148 = tpu.memref_slice %arg19[%add3A_134, %dma_start3A_147] : memref<10240x64xf32, #tpu.memory_space<vmem_shared>> -> memref<128x64xf32, #tpu.memory_space<vmem_shared>>
      %dma_start3A_149 = arith.constant 0 : i32
      %dma_start3A_150 = tpu.memref_slice %arg19[%add3A_134, %dma_start3A_149] : memref<10240x64xf32, #tpu.memory_space<vmem_shared>> -> memref<128x64xf32, #tpu.memory_space<vmem_shared>>
      tpu.enqueue_dma source(%dma_start3A_150 : memref<128x64xf32, #tpu.memory_space<vmem_shared>>) target(%arg16 : memref<128x64xf32, #tpu.memory_space<vmem>>) target_semaphore(%run_scoped3A : memref<!tpu.dma_semaphore, #tpu.memory_space<semaphore_mem>>)
      %dma_wait3A_151 = arith.constant 0 : i32
      %dma_wait3A_152 = tpu.memref_slice %arg19[%add3A_134, %dma_wait3A_151] : memref<10240x64xf32, #tpu.memory_space<vmem_shared>> -> memref<128x64xf32, #tpu.memory_space<vmem_shared>>
      %dma_wait3A_153 = arith.constant 0 : i32
      %dma_wait3A_154 = tpu.memref_slice %arg19[%add3A_134, %dma_wait3A_153] : memref<10240x64xf32, #tpu.memory_space<vmem_shared>> -> memref<128x64xf32, #tpu.memory_space<vmem_shared>>
      tpu.wait_dma2 semaphore(%run_scoped3A : memref<!tpu.dma_semaphore, #tpu.memory_space<semaphore_mem>>) src(%dma_wait3A_154 : memref<128x64xf32, #tpu.memory_space<vmem_shared>>) dst(%arg16 : memref<128x64xf32, #tpu.memory_space<vmem>>)
      tpu.yield
    }) : () -> ()
    "tpu.region"() ({
      %run_scoped3A = tpu.sem_alloc : memref<!tpu.dma_semaphore, #tpu.memory_space<semaphore_mem>>
      %dma_start3A_147 = arith.constant 0 : i32
      %dma_start3A_148 = tpu.memref_slice %arg6[%arg0, %add3A_134, %dma_start3A_147] : memref<2x10240x64xf32, #tpu.memory_space<hbm>> -> memref<1x128x64xf32, #tpu.memory_space<hbm>>
      %dma_start3A_149 = tpu.memref_squeeze %dma_start3A_148 : memref<1x128x64xf32, #tpu.memory_space<hbm>> -> memref<128x64xf32, #tpu.memory_space<hbm>>
      %dma_start3A_150 = arith.constant 0 : i32
      %dma_start3A_151 = tpu.memref_slice %arg6[%arg0, %add3A_134, %dma_start3A_150] : memref<2x10240x64xf32, #tpu.memory_space<hbm>> -> memref<1x128x64xf32, #tpu.memory_space<hbm>>
      %dma_start3A_152 = tpu.memref_squeeze %dma_start3A_151 : memref<1x128x64xf32, #tpu.memory_space<hbm>> -> memref<128x64xf32, #tpu.memory_space<hbm>>
      tpu.enqueue_dma source(%arg16 : memref<128x64xf32, #tpu.memory_space<vmem>>) target(%dma_start3A_152 : memref<128x64xf32, #tpu.memory_space<hbm>>) target_semaphore(%run_scoped3A : memref<!tpu.dma_semaphore, #tpu.memory_space<semaphore_mem>>)
      %dma_wait3A_153 = arith.constant 0 : i32
      %dma_wait3A_154 = tpu.memref_slice %arg6[%arg0, %add3A_134, %dma_wait3A_153] : memref<2x10240x64xf32, #tpu.memory_space<hbm>> -> memref<1x128x64xf32, #tpu.memory_space<hbm>>
      %dma_wait3A_155 = tpu.memref_squeeze %dma_wait3A_154 : memref<1x128x64xf32, #tpu.memory_space<hbm>> -> memref<128x64xf32, #tpu.memory_space<hbm>>
      %dma_wait3A_156 = arith.constant 0 : i32
      %dma_wait3A_157 = tpu.memref_slice %arg6[%arg0, %add3A_134, %dma_wait3A_156] : memref<2x10240x64xf32, #tpu.memory_space<hbm>> -> memref<1x128x64xf32, #tpu.memory_space<hbm>>
      %dma_wait3A_158 = tpu.memref_squeeze %dma_wait3A_157 : memref<1x128x64xf32, #tpu.memory_space<hbm>> -> memref<128x64xf32, #tpu.memory_space<hbm>>
      tpu.wait_dma2 semaphore(%run_scoped3A : memref<!tpu.dma_semaphore, #tpu.memory_space<semaphore_mem>>) src(%arg16 : memref<128x64xf32, #tpu.memory_space<vmem>>) dst(%dma_wait3A_158 : memref<128x64xf32, #tpu.memory_space<hbm>>)
      tpu.yield
    }) : () -> ()
    %mul3A_135 = arith.constant 640 : i32
    %mul3A_136 = arith.muli %arg1, %mul3A_135 : i32
    %add3A_137 = arith.constant 384 : i32
    %add3A_138 = arith.addi %mul3A_136, %add3A_137 : i32
    "tpu.region"() ({
      %run_scoped3A = tpu.sem_alloc : memref<!tpu.dma_semaphore, #tpu.memory_space<semaphore_mem>>
      %dma_start3A_147 = arith.constant 0 : i32
      %dma_start3A_148 = tpu.memref_slice %arg19[%add3A_138, %dma_start3A_147] : memref<10240x64xf32, #tpu.memory_space<vmem_shared>> -> memref<128x64xf32, #tpu.memory_space<vmem_shared>>
      %dma_start3A_149 = arith.constant 0 : i32
      %dma_start3A_150 = tpu.memref_slice %arg19[%add3A_138, %dma_start3A_149] : memref<10240x64xf32, #tpu.memory_space<vmem_shared>> -> memref<128x64xf32, #tpu.memory_space<vmem_shared>>
      tpu.enqueue_dma source(%dma_start3A_150 : memref<128x64xf32, #tpu.memory_space<vmem_shared>>) target(%arg16 : memref<128x64xf32, #tpu.memory_space<vmem>>) target_semaphore(%run_scoped3A : memref<!tpu.dma_semaphore, #tpu.memory_space<semaphore_mem>>)
      %dma_wait3A_151 = arith.constant 0 : i32
      %dma_wait3A_152 = tpu.memref_slice %arg19[%add3A_138, %dma_wait3A_151] : memref<10240x64xf32, #tpu.memory_space<vmem_shared>> -> memref<128x64xf32, #tpu.memory_space<vmem_shared>>
      %dma_wait3A_153 = arith.constant 0 : i32
      %dma_wait3A_154 = tpu.memref_slice %arg19[%add3A_138, %dma_wait3A_153] : memref<10240x64xf32, #tpu.memory_space<vmem_shared>> -> memref<128x64xf32, #tpu.memory_space<vmem_shared>>
      tpu.wait_dma2 semaphore(%run_scoped3A : memref<!tpu.dma_semaphore, #tpu.memory_space<semaphore_mem>>) src(%dma_wait3A_154 : memref<128x64xf32, #tpu.memory_space<vmem_shared>>) dst(%arg16 : memref<128x64xf32, #tpu.memory_space<vmem>>)
      tpu.yield
    }) : () -> ()
    "tpu.region"() ({
      %run_scoped3A = tpu.sem_alloc : memref<!tpu.dma_semaphore, #tpu.memory_space<semaphore_mem>>
      %dma_start3A_147 = arith.constant 0 : i32
      %dma_start3A_148 = tpu.memref_slice %arg6[%arg0, %add3A_138, %dma_start3A_147] : memref<2x10240x64xf32, #tpu.memory_space<hbm>> -> memref<1x128x64xf32, #tpu.memory_space<hbm>>
      %dma_start3A_149 = tpu.memref_squeeze %dma_start3A_148 : memref<1x128x64xf32, #tpu.memory_space<hbm>> -> memref<128x64xf32, #tpu.memory_space<hbm>>
      %dma_start3A_150 = arith.constant 0 : i32
      %dma_start3A_151 = tpu.memref_slice %arg6[%arg0, %add3A_138, %dma_start3A_150] : memref<2x10240x64xf32, #tpu.memory_space<hbm>> -> memref<1x128x64xf32, #tpu.memory_space<hbm>>
      %dma_start3A_152 = tpu.memref_squeeze %dma_start3A_151 : memref<1x128x64xf32, #tpu.memory_space<hbm>> -> memref<128x64xf32, #tpu.memory_space<hbm>>
      tpu.enqueue_dma source(%arg16 : memref<128x64xf32, #tpu.memory_space<vmem>>) target(%dma_start3A_152 : memref<128x64xf32, #tpu.memory_space<hbm>>) target_semaphore(%run_scoped3A : memref<!tpu.dma_semaphore, #tpu.memory_space<semaphore_mem>>)
      %dma_wait3A_153 = arith.constant 0 : i32
      %dma_wait3A_154 = tpu.memref_slice %arg6[%arg0, %add3A_138, %dma_wait3A_153] : memref<2x10240x64xf32, #tpu.memory_space<hbm>> -> memref<1x128x64xf32, #tpu.memory_space<hbm>>
      %dma_wait3A_155 = tpu.memref_squeeze %dma_wait3A_154 : memref<1x128x64xf32, #tpu.memory_space<hbm>> -> memref<128x64xf32, #tpu.memory_space<hbm>>
      %dma_wait3A_156 = arith.constant 0 : i32
      %dma_wait3A_157 = tpu.memref_slice %arg6[%arg0, %add3A_138, %dma_wait3A_156] : memref<2x10240x64xf32, #tpu.memory_space<hbm>> -> memref<1x128x64xf32, #tpu.memory_space<hbm>>
      %dma_wait3A_158 = tpu.memref_squeeze %dma_wait3A_157 : memref<1x128x64xf32, #tpu.memory_space<hbm>> -> memref<128x64xf32, #tpu.memory_space<hbm>>
      tpu.wait_dma2 semaphore(%run_scoped3A : memref<!tpu.dma_semaphore, #tpu.memory_space<semaphore_mem>>) src(%arg16 : memref<128x64xf32, #tpu.memory_space<vmem>>) dst(%dma_wait3A_158 : memref<128x64xf32, #tpu.memory_space<hbm>>)
      tpu.yield
    }) : () -> ()
    %mul3A_139 = arith.constant 640 : i32
    %mul3A_140 = arith.muli %arg1, %mul3A_139 : i32
    %add3A_141 = arith.constant 512 : i32
    %add3A_142 = arith.addi %mul3A_140, %add3A_141 : i32
    "tpu.region"() ({
      %run_scoped3A = tpu.sem_alloc : memref<!tpu.dma_semaphore, #tpu.memory_space<semaphore_mem>>
      %dma_start3A_147 = arith.constant 0 : i32
      %dma_start3A_148 = tpu.memref_slice %arg19[%add3A_142, %dma_start3A_147] : memref<10240x64xf32, #tpu.memory_space<vmem_shared>> -> memref<128x64xf32, #tpu.memory_space<vmem_shared>>
      %dma_start3A_149 = arith.constant 0 : i32
      %dma_start3A_150 = tpu.memref_slice %arg19[%add3A_142, %dma_start3A_149] : memref<10240x64xf32, #tpu.memory_space<vmem_shared>> -> memref<128x64xf32, #tpu.memory_space<vmem_shared>>
      tpu.enqueue_dma source(%dma_start3A_150 : memref<128x64xf32, #tpu.memory_space<vmem_shared>>) target(%arg16 : memref<128x64xf32, #tpu.memory_space<vmem>>) target_semaphore(%run_scoped3A : memref<!tpu.dma_semaphore, #tpu.memory_space<semaphore_mem>>)
      %dma_wait3A_151 = arith.constant 0 : i32
      %dma_wait3A_152 = tpu.memref_slice %arg19[%add3A_142, %dma_wait3A_151] : memref<10240x64xf32, #tpu.memory_space<vmem_shared>> -> memref<128x64xf32, #tpu.memory_space<vmem_shared>>
      %dma_wait3A_153 = arith.constant 0 : i32
      %dma_wait3A_154 = tpu.memref_slice %arg19[%add3A_142, %dma_wait3A_153] : memref<10240x64xf32, #tpu.memory_space<vmem_shared>> -> memref<128x64xf32, #tpu.memory_space<vmem_shared>>
      tpu.wait_dma2 semaphore(%run_scoped3A : memref<!tpu.dma_semaphore, #tpu.memory_space<semaphore_mem>>) src(%dma_wait3A_154 : memref<128x64xf32, #tpu.memory_space<vmem_shared>>) dst(%arg16 : memref<128x64xf32, #tpu.memory_space<vmem>>)
      tpu.yield
    }) : () -> ()
    "tpu.region"() ({
      %run_scoped3A = tpu.sem_alloc : memref<!tpu.dma_semaphore, #tpu.memory_space<semaphore_mem>>
      %dma_start3A_147 = arith.constant 0 : i32
      %dma_start3A_148 = tpu.memref_slice %arg6[%arg0, %add3A_142, %dma_start3A_147] : memref<2x10240x64xf32, #tpu.memory_space<hbm>> -> memref<1x128x64xf32, #tpu.memory_space<hbm>>
      %dma_start3A_149 = tpu.memref_squeeze %dma_start3A_148 : memref<1x128x64xf32, #tpu.memory_space<hbm>> -> memref<128x64xf32, #tpu.memory_space<hbm>>
      %dma_start3A_150 = arith.constant 0 : i32
      %dma_start3A_151 = tpu.memref_slice %arg6[%arg0, %add3A_142, %dma_start3A_150] : memref<2x10240x64xf32, #tpu.memory_space<hbm>> -> memref<1x128x64xf32, #tpu.memory_space<hbm>>
      %dma_start3A_152 = tpu.memref_squeeze %dma_start3A_151 : memref<1x128x64xf32, #tpu.memory_space<hbm>> -> memref<128x64xf32, #tpu.memory_space<hbm>>
      tpu.enqueue_dma source(%arg16 : memref<128x64xf32, #tpu.memory_space<vmem>>) target(%dma_start3A_152 : memref<128x64xf32, #tpu.memory_space<hbm>>) target_semaphore(%run_scoped3A : memref<!tpu.dma_semaphore, #tpu.memory_space<semaphore_mem>>)
      %dma_wait3A_153 = arith.constant 0 : i32
      %dma_wait3A_154 = tpu.memref_slice %arg6[%arg0, %add3A_142, %dma_wait3A_153] : memref<2x10240x64xf32, #tpu.memory_space<hbm>> -> memref<1x128x64xf32, #tpu.memory_space<hbm>>
      %dma_wait3A_155 = tpu.memref_squeeze %dma_wait3A_154 : memref<1x128x64xf32, #tpu.memory_space<hbm>> -> memref<128x64xf32, #tpu.memory_space<hbm>>
      %dma_wait3A_156 = arith.constant 0 : i32
      %dma_wait3A_157 = tpu.memref_slice %arg6[%arg0, %add3A_142, %dma_wait3A_156] : memref<2x10240x64xf32, #tpu.memory_space<hbm>> -> memref<1x128x64xf32, #tpu.memory_space<hbm>>
      %dma_wait3A_158 = tpu.memref_squeeze %dma_wait3A_157 : memref<1x128x64xf32, #tpu.memory_space<hbm>> -> memref<128x64xf32, #tpu.memory_space<hbm>>
      tpu.wait_dma2 semaphore(%run_scoped3A : memref<!tpu.dma_semaphore, #tpu.memory_space<semaphore_mem>>) src(%arg16 : memref<128x64xf32, #tpu.memory_space<vmem>>) dst(%dma_wait3A_158 : memref<128x64xf32, #tpu.memory_space<hbm>>)
      tpu.yield
    }) : () -> ()
    %mul3A_143 = arith.constant 640 : i32
    %mul3A_144 = arith.muli %arg1, %mul3A_143 : i32
    "tpu.region"() ({
      %run_scoped3A = tpu.sem_alloc : memref<!tpu.dma_semaphore, #tpu.memory_space<semaphore_mem>>
      %dma_start3A_147 = arith.constant 0 : i32
      %dma_start3A_148 = tpu.memref_slice %arg20[%mul3A_144, %dma_start3A_147] : memref<10240x16xf32, #tpu.memory_space<vmem_shared>> -> memref<640x16xf32, #tpu.memory_space<vmem_shared>>
      %dma_start3A_149 = arith.constant 0 : i32
      %dma_start3A_150 = tpu.memref_slice %arg20[%mul3A_144, %dma_start3A_149] : memref<10240x16xf32, #tpu.memory_space<vmem_shared>> -> memref<640x16xf32, #tpu.memory_space<vmem_shared>>
      tpu.enqueue_dma source(%dma_start3A_150 : memref<640x16xf32, #tpu.memory_space<vmem_shared>>) target(%arg18 : memref<640x16xf32, #tpu.memory_space<vmem>>) target_semaphore(%run_scoped3A : memref<!tpu.dma_semaphore, #tpu.memory_space<semaphore_mem>>)
      %dma_wait3A_151 = arith.constant 0 : i32
      %dma_wait3A_152 = tpu.memref_slice %arg20[%mul3A_144, %dma_wait3A_151] : memref<10240x16xf32, #tpu.memory_space<vmem_shared>> -> memref<640x16xf32, #tpu.memory_space<vmem_shared>>
      %dma_wait3A_153 = arith.constant 0 : i32
      %dma_wait3A_154 = tpu.memref_slice %arg20[%mul3A_144, %dma_wait3A_153] : memref<10240x16xf32, #tpu.memory_space<vmem_shared>> -> memref<640x16xf32, #tpu.memory_space<vmem_shared>>
      tpu.wait_dma2 semaphore(%run_scoped3A : memref<!tpu.dma_semaphore, #tpu.memory_space<semaphore_mem>>) src(%dma_wait3A_154 : memref<640x16xf32, #tpu.memory_space<vmem_shared>>) dst(%arg18 : memref<640x16xf32, #tpu.memory_space<vmem>>)
      tpu.yield
    }) : () -> ()
    %mul3A_145 = arith.constant 640 : i32
    %mul3A_146 = arith.muli %arg1, %mul3A_145 : i32
    "tpu.region"() ({
      %run_scoped3A = tpu.sem_alloc : memref<!tpu.dma_semaphore, #tpu.memory_space<semaphore_mem>>
      %dma_start3A_147 = arith.constant 0 : i32
      %dma_start3A_148 = tpu.memref_slice %arg7[%arg0, %mul3A_146, %dma_start3A_147] : memref<2x10240x16xf32, #tpu.memory_space<hbm>> -> memref<1x640x16xf32, #tpu.memory_space<hbm>>
      %dma_start3A_149 = tpu.memref_squeeze %dma_start3A_148 : memref<1x640x16xf32, #tpu.memory_space<hbm>> -> memref<640x16xf32, #tpu.memory_space<hbm>>
      %dma_start3A_150 = arith.constant 0 : i32
      %dma_start3A_151 = tpu.memref_slice %arg7[%arg0, %mul3A_146, %dma_start3A_150] : memref<2x10240x16xf32, #tpu.memory_space<hbm>> -> memref<1x640x16xf32, #tpu.memory_space<hbm>>
      %dma_start3A_152 = tpu.memref_squeeze %dma_start3A_151 : memref<1x640x16xf32, #tpu.memory_space<hbm>> -> memref<640x16xf32, #tpu.memory_space<hbm>>
      tpu.enqueue_dma source(%arg18 : memref<640x16xf32, #tpu.memory_space<vmem>>) target(%dma_start3A_152 : memref<640x16xf32, #tpu.memory_space<hbm>>) target_semaphore(%run_scoped3A : memref<!tpu.dma_semaphore, #tpu.memory_space<semaphore_mem>>)
      %dma_wait3A_153 = arith.constant 0 : i32
      %dma_wait3A_154 = tpu.memref_slice %arg7[%arg0, %mul3A_146, %dma_wait3A_153] : memref<2x10240x16xf32, #tpu.memory_space<hbm>> -> memref<1x640x16xf32, #tpu.memory_space<hbm>>
      %dma_wait3A_155 = tpu.memref_squeeze %dma_wait3A_154 : memref<1x640x16xf32, #tpu.memory_space<hbm>> -> memref<640x16xf32, #tpu.memory_space<hbm>>
      %dma_wait3A_156 = arith.constant 0 : i32
      %dma_wait3A_157 = tpu.memref_slice %arg7[%arg0, %mul3A_146, %dma_wait3A_156] : memref<2x10240x16xf32, #tpu.memory_space<hbm>> -> memref<1x640x16xf32, #tpu.memory_space<hbm>>
      %dma_wait3A_158 = tpu.memref_squeeze %dma_wait3A_157 : memref<1x640x16xf32, #tpu.memory_space<hbm>> -> memref<640x16xf32, #tpu.memory_space<hbm>>
      tpu.wait_dma2 semaphore(%run_scoped3A : memref<!tpu.dma_semaphore, #tpu.memory_space<semaphore_mem>>) src(%arg18 : memref<640x16xf32, #tpu.memory_space<vmem>>) dst(%dma_wait3A_158 : memref<640x16xf32, #tpu.memory_space<hbm>>)
      tpu.yield
    }) : () -> ()
    return
  }
}

module attributes {stable_mosaic.version = 14 : i64} {
  func.func @_fc1_body(%arg0: i32, %arg1: i32, %arg2: memref<512x128xf32, #tpu.memory_space<vmem>>, %arg3: memref<1x128x64xf32, #tpu.memory_space<vmem>>, %arg4: memref<1x1x64xf32, #tpu.memory_space<vmem>>, %arg5: memref<1x512x64xf32, #tpu.memory_space<vmem>>) attributes {dimension_semantics = [#tpu.dimension_semantics<arbitrary>, #tpu.dimension_semantics<arbitrary>], iteration_bounds = array<i64: 2, 20>, scalar_prefetch = 0 : i64, scratch_operands = 0 : i64, tpu.core_type = #tpu.core_type<tc>, window_params = [{transform_indices = @transform_0, window_bounds = array<i64: 512, 128>}, {transform_indices = @transform_1, window_bounds = array<i64: 1, 128, 64>}, {transform_indices = @transform_2, window_bounds = array<i64: 1, 1, 64>}, {transform_indices = @transform_3, window_bounds = array<i64: 1, 512, 64>}]} {
    %get3A = arith.constant 0 : index
    %get3A_0 = arith.constant 0 : index
    %get3A_1 = vector.load %arg2[%get3A, %get3A_0] : memref<512x128xf32, #tpu.memory_space<vmem>>, vector<512x128xf32>
    %get3A_2 = arith.constant 0 : index
    %get3A_3 = arith.constant 0 : index
    %get3A_4 = arith.constant 0 : index
    %get3A_5 = vector.load %arg3[%get3A_2, %get3A_3, %get3A_4] : memref<1x128x64xf32, #tpu.memory_space<vmem>>, vector<1x128x64xf32>
    %get3A_6 = vector.shape_cast %get3A_5 : vector<1x128x64xf32> to vector<128x64xf32>
    %dot_general3A = arith.constant dense<0.000000e+00> : vector<512x64xf32>
    %dot_general3A_7 = tpu.matmul %get3A_1, %get3A_6, %dot_general3A {dimension_numbers = #tpu.dot_dimension_numbers<[1], [0], [0], [1], [0, 0, 1, 1], [], []>, transpose_lhs_hint = false} : vector<512x128xf32>, vector<128x64xf32>, vector<512x64xf32> -> vector<512x64xf32>
    %get3A_8 = arith.constant 0 : index
    %get3A_9 = arith.constant 0 : index
    %get3A_10 = arith.constant 0 : index
    %get3A_11 = vector.load %arg4[%get3A_8, %get3A_9, %get3A_10] : memref<1x1x64xf32, #tpu.memory_space<vmem>>, vector<1x1x64xf32>
    %get3A_12 = vector.shape_cast %get3A_11 : vector<1x1x64xf32> to vector<1x64xf32>
    %add3A = vector.broadcast %get3A_12 : vector<1x64xf32> to vector<512x64xf32>
    %add3A_13 = arith.addf %dot_general3A_7, %add3A : vector<512x64xf32>
    %max3A = arith.constant 0.000000e+00 : f32
    %max3A_14 = vector.broadcast %max3A : f32 to vector<512x64xf32>
    %max3A_15 = arith.maximumf %add3A_13, %max3A_14 : vector<512x64xf32>
    %swap3A = arith.constant 0 : index
    %swap3A_16 = arith.constant 0 : index
    %swap3A_17 = arith.constant 0 : index
    %swap3A_18 = vector.load %arg5[%swap3A, %swap3A_16, %swap3A_17] : memref<1x512x64xf32, #tpu.memory_space<vmem>>, vector<1x512x64xf32>
    %swap3A_19 = vector.shape_cast %swap3A_18 : vector<1x512x64xf32> to vector<512x64xf32>
    %swap3A_20 = vector.shape_cast %max3A_15 : vector<512x64xf32> to vector<1x512x64xf32>
    tpu.vector_store %arg5[%swap3A, %swap3A_16, %swap3A_17], %swap3A_20 {strides = array<i32>} : memref<1x512x64xf32, #tpu.memory_space<vmem>>, vector<1x512x64xf32>,
    return
  }
  func.func @transform_0(%arg0: i32, %arg1: i32) -> (i32, i32) {
    %c0_i32 = arith.constant 0 : i32
    %c0_i32_0 = arith.constant 0 : i32
    return %arg1, %c0_i32 : i32, i32
  }
  func.func @transform_1(%arg0: i32, %arg1: i32) -> (i32, i32, i32) {
    %c0_i32 = arith.constant 0 : i32
    %c0_i32_0 = arith.constant 0 : i32
    %c0_i32_1 = arith.constant 0 : i32
    return %arg0, %c0_i32, %c0_i32_0 : i32, i32, i32
  }
  func.func @transform_2(%arg0: i32, %arg1: i32) -> (i32, i32, i32) {
    %c0_i32 = arith.constant 0 : i32
    %c0_i32_0 = arith.constant 0 : i32
    %c0_i32_1 = arith.constant 0 : i32
    return %arg0, %c0_i32, %c0_i32_0 : i32, i32, i32
  }
  func.func @transform_3(%arg0: i32, %arg1: i32) -> (i32, i32, i32) {
    %c0_i32 = arith.constant 0 : i32
    %c0_i32_0 = arith.constant 0 : i32
    return %arg0, %arg1, %c0_i32 : i32, i32, i32
  }
}

module attributes {stable_mosaic.version = 14 : i64} {
  func.func @_fc2_body(%arg0: i32, %arg1: memref<2x256x64xf32, #tpu.memory_space<vmem>>, %arg2: memref<1x256x16xf32, #tpu.memory_space<vmem>>, %arg3: memref<256x128xf32, #tpu.memory_space<vmem>>, %arg4: memref<256x128xf32, #tpu.memory_space<vmem>>, %arg5: memref<1x128xf32, #tpu.memory_space<vmem>>, %arg6: memref<256x128xf32, #tpu.memory_space<vmem>>, %arg7: memref<1x1xf32, #tpu.memory_space<vmem>>) attributes {dimension_semantics = [#tpu.dimension_semantics<arbitrary>], iteration_bounds = array<i64: 40>, scalar_prefetch = 0 : i64, scratch_operands = 0 : i64, tpu.core_type = #tpu.core_type<tc>, window_params = [{transform_indices = @transform_0, window_bounds = array<i64: 2, 256, 64>}, {transform_indices = @transform_1, window_bounds = array<i64: 1, 256, 16>}, {transform_indices = @transform_2, window_bounds = array<i64: 256, 128>}, {pipeline_mode = #tpu.pipeline_mode<synchronous>, transform_indices = @transform_3, window_bounds = array<i64: 256, 128>}, {pipeline_mode = #tpu.pipeline_mode<synchronous>, transform_indices = @transform_4, window_bounds = array<i64: 1, 128>}, {transform_indices = @transform_5, window_bounds = array<i64: 256, 128>}, {pipeline_mode = #tpu.pipeline_mode<synchronous>, transform_indices = @transform_6, window_bounds = array<i64: 1, 1>}]} {
    %get3A = arith.constant 0 : index
    %get3A_0 = arith.constant 0 : index
    %get3A_1 = arith.constant 0 : index
    %get3A_2 = vector.load %arg1[%get3A, %get3A_0, %get3A_1] : memref<2x256x64xf32, #tpu.memory_space<vmem>>, vector<1x256x64xf32>
    %get3A_3 = vector.shape_cast %get3A_2 : vector<1x256x64xf32> to vector<256x64xf32>
    %get3A_4 = arith.constant 1 : index
    %get3A_5 = arith.constant 0 : index
    %get3A_6 = arith.constant 0 : index
    %get3A_7 = vector.load %arg1[%get3A_4, %get3A_5, %get3A_6] : memref<2x256x64xf32, #tpu.memory_space<vmem>>, vector<1x256x64xf32>
    %get3A_8 = vector.shape_cast %get3A_7 : vector<1x256x64xf32> to vector<256x64xf32>
    %concatenate3A = tpu.concatenate %get3A_3, %get3A_8 in 1 : vector<256x64xf32>, vector<256x64xf32> -> vector<256x128xf32>
    %get3A_9 = arith.constant 0 : index
    %get3A_10 = arith.constant 0 : index
    %get3A_11 = arith.constant 0 : index
    %get3A_12 = vector.load %arg2[%get3A_9, %get3A_10, %get3A_11] : memref<1x256x16xf32, #tpu.memory_space<vmem>>, vector<1x256x1xf32>
    %get3A_13 = vector.shape_cast %get3A_12 : vector<1x256x1xf32> to vector<256x1xf32>
    %max3A = arith.constant 1.000000e+00 : f32
    %max3A_14 = vector.broadcast %max3A : f32 to vector<256x1xf32>
    %max3A_15 = arith.maximumf %get3A_13, %max3A_14 : vector<256x1xf32>
    %div3A = vector.broadcast %max3A_15 : vector<256x1xf32> to vector<256x128xf32>
    %div3A_16 = arith.divf %concatenate3A, %div3A : vector<256x128xf32>
    %get3A_17 = arith.constant 0 : index
    %get3A_18 = arith.constant 0 : index
    %get3A_19 = vector.load %arg4[%get3A_17, %get3A_18] : memref<256x128xf32, #tpu.memory_space<vmem>>, vector<128x128xf32>
    %dot_general3A = arith.constant dense<0.000000e+00> : vector<256x128xf32>
    %dot_general3A_20 = tpu.matmul %div3A_16, %get3A_19, %dot_general3A {dimension_numbers = #tpu.dot_dimension_numbers<[1], [0], [0], [1], [0, 0, 1, 1], [], []>, transpose_lhs_hint = false} : vector<256x128xf32>, vector<128x128xf32>, vector<256x128xf32> -> vector<256x128xf32>
    %get3A_21 = arith.constant 0 : index
    %get3A_22 = arith.constant 0 : index
    %get3A_23 = vector.load %arg3[%get3A_21, %get3A_22] : memref<256x128xf32, #tpu.memory_space<vmem>>, vector<256x128xf32>
    %get3A_24 = arith.constant 128 : index
    %get3A_25 = arith.constant 0 : index
    %get3A_26 = vector.load %arg4[%get3A_24, %get3A_25] : memref<256x128xf32, #tpu.memory_space<vmem>>, vector<128x128xf32>
    %dot_general3A_27 = arith.constant dense<0.000000e+00> : vector<256x128xf32>
    %dot_general3A_28 = tpu.matmul %get3A_23, %get3A_26, %dot_general3A_27 {dimension_numbers = #tpu.dot_dimension_numbers<[1], [0], [0], [1], [0, 0, 1, 1], [], []>, transpose_lhs_hint = false} : vector<256x128xf32>, vector<128x128xf32>, vector<256x128xf32> -> vector<256x128xf32>
    %add3A = arith.addf %dot_general3A_20, %dot_general3A_28 : vector<256x128xf32>
    %get3A_29 = arith.constant 0 : index
    %get3A_30 = arith.constant 0 : index
    %get3A_31 = vector.load %arg5[%get3A_29, %get3A_30] : memref<1x128xf32, #tpu.memory_space<vmem>>, vector<1x128xf32>
    %add3A_32 = vector.broadcast %get3A_31 : vector<1x128xf32> to vector<256x128xf32>
    %add3A_33 = arith.addf %add3A, %add3A_32 : vector<256x128xf32>
    %max3A_34 = arith.constant 0.000000e+00 : f32
    %max3A_35 = vector.broadcast %max3A_34 : f32 to vector<256x128xf32>
    %max3A_36 = arith.maximumf %add3A_33, %max3A_35 : vector<256x128xf32>
    %swap3A = arith.constant 0 : index
    %swap3A_37 = arith.constant 0 : index
    %swap3A_38 = vector.load %arg6[%swap3A, %swap3A_37] : memref<256x128xf32, #tpu.memory_space<vmem>>, vector<256x128xf32>
    tpu.vector_store %arg6[%swap3A, %swap3A_37], %max3A_36 {strides = array<i32>} : memref<256x128xf32, #tpu.memory_space<vmem>>, vector<256x128xf32>,
    %mul3A = arith.constant 256 : i32
    %mul3A_39 = arith.muli %arg0, %mul3A : i32
    %iota3A = tpu.iota {dimensions = array<i32: 0>} : vector<256x1xi32>
    %add3A_40 = vector.broadcast %mul3A_39 : i32 to vector<256x1xi32>
    %add3A_41 = arith.addi %add3A_40, %iota3A : vector<256x1xi32>
    %lt3A = arith.constant 10000 : i32
    %lt3A_42 = vector.broadcast %lt3A : i32 to vector<256x1xi32>
    %lt3A_43 = arith.cmpi slt, %add3A_41, %lt3A_42 : vector<256x1xi32>
    %mul3A_44 = arith.mulf %max3A_36, %max3A_36 : vector<256x128xf32>
    %jit3A = arith.constant 0.000000e+00 : f32
    %broadcast_in_dim3A = vector.shape_cast %lt3A_43 : vector<256x1xi1> to vector<256x1xi1>
    %broadcast_in_dim3A_45 = vector.broadcast %broadcast_in_dim3A : vector<256x1xi1> to vector<256x128xi1>
    %broadcast_in_dim3A_46 = vector.broadcast %jit3A : f32 to vector<256x128xf32>
    %select_n3A = arith.select %broadcast_in_dim3A_45, %mul3A_44, %broadcast_in_dim3A_46 : vector<256x128xi1>, vector<256x128xf32>
    %eq3A = arith.constant 0 : i32
    %eq3A_47 = arith.cmpi eq, %arg0, %eq3A : i32
    %convert_element_type3A = arith.extui %eq3A_47 : i1 to i32
    %cond3A = arith.constant 0 : i32
    %cond3A_48 = arith.cmpi ne, %convert_element_type3A, %cond3A : i32
    scf.if %cond3A_48 {
      %broadcast_in_dim3A_60 = arith.constant 0.000000e+00 : f32
      %broadcast_in_dim3A_61 = vector.broadcast %broadcast_in_dim3A_60 : f32 to vector<1x1xf32>
      %swap3A_62 = arith.constant 0 : index
      %swap3A_63 = arith.constant 0 : index
      %swap3A_64 = vector.load %arg7[%swap3A_62, %swap3A_63] : memref<1x1xf32, #tpu.memory_space<vmem>>, vector<1x1xf32>
      tpu.vector_store %arg7[%swap3A_62, %swap3A_63], %broadcast_in_dim3A_61 {strides = array<i32>} : memref<1x1xf32, #tpu.memory_space<vmem>>, vector<1x1xf32>,
    } else {
    }
    %get3A_49 = arith.constant 0 : index
    %get3A_50 = arith.constant 0 : index
    %get3A_51 = vector.load %arg7[%get3A_49, %get3A_50] : memref<1x1xf32, #tpu.memory_space<vmem>>, vector<1x1xf32>
    %reduce_sum3A = vector.shape_cast %select_n3A : vector<256x128xf32> to vector<1x256x128xf32>
    %reduce_sum3A_52 = arith.constant dense<0.000000e+00> : vector<1xf32>
    %reduce_sum3A_53 = vector.multi_reduction <add>, %reduce_sum3A, %reduce_sum3A_52 [1, 2] : vector<1x256x128xf32> to vector<1xf32>
    %reduce_sum3A_54 = vector.shape_cast %reduce_sum3A_53 : vector<1xf32> to vector<1x1x1xf32>
    %reduce_sum3A_55 = vector.extract %reduce_sum3A_54[0, 0, 0] : f32 from vector<1x1x1xf32>
    %reshape3A = vector.broadcast %reduce_sum3A_55 : f32 to vector<1x1xf32>
    %add3A_56 = arith.addf %get3A_51, %reshape3A : vector<1x1xf32>
    %swap3A_57 = arith.constant 0 : index
    %swap3A_58 = arith.constant 0 : index
    %swap3A_59 = vector.load %arg7[%swap3A_57, %swap3A_58] : memref<1x1xf32, #tpu.memory_space<vmem>>, vector<1x1xf32>
    tpu.vector_store %arg7[%swap3A_57, %swap3A_58], %add3A_56 {strides = array<i32>} : memref<1x1xf32, #tpu.memory_space<vmem>>, vector<1x1xf32>,
    return
  }
  func.func @transform_0(%arg0: i32) -> (i32, i32, i32) {
    %c0_i32 = arith.constant 0 : i32
    %c0_i32_0 = arith.constant 0 : i32
    %c0_i32_1 = arith.constant 0 : i32
    return %c0_i32, %arg0, %c0_i32_0 : i32, i32, i32
  }
  func.func @transform_1(%arg0: i32) -> (i32, i32, i32) {
    %c0_i32 = arith.constant 0 : i32
    %c0_i32_0 = arith.constant 0 : i32
    %c0_i32_1 = arith.constant 0 : i32
    return %c0_i32, %arg0, %c0_i32_0 : i32, i32, i32
  }
  func.func @transform_2(%arg0: i32) -> (i32, i32) {
    %c0_i32 = arith.constant 0 : i32
    %c0_i32_0 = arith.constant 0 : i32
    return %arg0, %c0_i32 : i32, i32
  }
  func.func @transform_3(%arg0: i32) -> (i32, i32) {
    %c0_i32 = arith.constant 0 : i32
    %c0_i32_0 = arith.constant 0 : i32
    %c0_i32_1 = arith.constant 0 : i32
    return %c0_i32, %c0_i32_0 : i32, i32
  }
  func.func @transform_4(%arg0: i32) -> (i32, i32) {
    %c0_i32 = arith.constant 0 : i32
    %c0_i32_0 = arith.constant 0 : i32
    %c0_i32_1 = arith.constant 0 : i32
    return %c0_i32, %c0_i32_0 : i32, i32
  }
  func.func @transform_5(%arg0: i32) -> (i32, i32) {
    %c0_i32 = arith.constant 0 : i32
    %c0_i32_0 = arith.constant 0 : i32
    return %arg0, %c0_i32 : i32, i32
  }
  func.func @transform_6(%arg0: i32) -> (i32, i32) {
    %c0_i32 = arith.constant 0 : i32
    %c0_i32_0 = arith.constant 0 : i32
    %c0_i32_1 = arith.constant 0 : i32
    return %c0_i32, %c0_i32_0 : i32, i32
  }
}

module attributes {stable_mosaic.version = 14 : i64} {
  func.func @_norm_body(%arg0: i32, %arg1: memref<512x128xf32, #tpu.memory_space<vmem>>, %arg2: memref<1x1xf32, #tpu.memory_space<vmem>>, %arg3: memref<512x128xf32, #tpu.memory_space<vmem>>) attributes {dimension_semantics = [#tpu.dimension_semantics<arbitrary>], iteration_bounds = array<i64: 20>, scalar_prefetch = 0 : i64, scratch_operands = 0 : i64, tpu.core_type = #tpu.core_type<tc>, window_params = [{transform_indices = @transform_0, window_bounds = array<i64: 512, 128>}, {pipeline_mode = #tpu.pipeline_mode<synchronous>, transform_indices = @transform_1, window_bounds = array<i64: 1, 1>}, {transform_indices = @transform_2, window_bounds = array<i64: 512, 128>}]} {
    %get3A = arith.constant 0 : index
    %get3A_0 = arith.constant 0 : index
    %get3A_1 = vector.load %arg1[%get3A, %get3A_0] : memref<512x128xf32, #tpu.memory_space<vmem>>, vector<512x128xf32>
    %get3A_2 = arith.constant 0 : index
    %get3A_3 = arith.constant 0 : index
    %get3A_4 = vector.load %arg2[%get3A_2, %get3A_3] : memref<1x1xf32, #tpu.memory_space<vmem>>, vector<1x1xf32>
    %get3A_5 = vector.extract %get3A_4[0, 0] : f32 from vector<1x1xf32>
    %rsqrt3A = math.rsqrt %get3A_5 : f32
    %mul3A = vector.broadcast %rsqrt3A : f32 to vector<512x128xf32>
    %mul3A_6 = arith.mulf %get3A_1, %mul3A : vector<512x128xf32>
    %swap3A = arith.constant 0 : index
    %swap3A_7 = arith.constant 0 : index
    %swap3A_8 = vector.load %arg3[%swap3A, %swap3A_7] : memref<512x128xf32, #tpu.memory_space<vmem>>, vector<512x128xf32>
    tpu.vector_store %arg3[%swap3A, %swap3A_7], %mul3A_6 {strides = array<i32>} : memref<512x128xf32, #tpu.memory_space<vmem>>, vector<512x128xf32>,
    return
  }
  func.func @transform_0(%arg0: i32) -> (i32, i32) {
    %c0_i32 = arith.constant 0 : i32
    %c0_i32_0 = arith.constant 0 : i32
    return %arg0, %c0_i32 : i32, i32
  }
  func.func @transform_1(%arg0: i32) -> (i32, i32) {
    %c0_i32 = arith.constant 0 : i32
    %c0_i32_0 = arith.constant 0 : i32
    %c0_i32_1 = arith.constant 0 : i32
    return %c0_i32, %c0_i32_0 : i32, i32
  }
  func.func @transform_2(%arg0: i32) -> (i32, i32) {
    %c0_i32 = arith.constant 0 : i32
    %c0_i32_0 = arith.constant 0 : i32
    return %arg0, %c0_i32 : i32, i32
  }
}

</mosaic_0001>

<sc_bundles>
// kernel: kernel.6.cloned.1.call-start
scs
__scs_entry_jumppad:
0x0: {  	(pc) =	sbr.rel $0x88, $3  }
0x1: {  	(tag) =	ssettag $0x0;
	lr =	simm.s32 $0x1  }
0x2: {  	[smem:$0x3F99] =	sst lr;
	_ =	strace $0xD0000000  }
0x3: {  	_ = 	snop  }
0x4: {  	_ = 	snop  }
0x5: {  	_ = 	snop  }
0x6: {  	_ = 	snop  }
0x7: {  	_ = 	snop  }
__scs_overlays_trampoline_lowered:
0x8: {  	[smem:$0x3FA8] =	sst s0  }
0x9: {  	[smem:$0x3FA9] =	sst s1  }
0xa: {  	[smem:$0x3FAA] =	sst s2  }
0xb: {  	[smem:$0x3FAB] =	sst s3  }
0xc: {  	[smem:$0x3FAC] =	sst s4  }
0xd: {  	[smem:$0x3FAD] =	sst s5  }
0xe: {  	[smem:$0x3FAE] =	sst s6  }
0xf: {  	[smem:$0x3FAF] =	sst s7  }
0x10: {  	[smem:$0x3FB0] =	sst s8  }
0x11: {  	[smem:$0x3FB1] =	sst s9;
	s0 =	simm.s32 @!p0 $0x0  }
0x12: {  	s1 =	sld [smem:$0x3F97];
	s0 =	simm.s32 @p0 $0x1  }
0x13: {  	[smem:$0x3FB2] =	sst s0;
	s0 =	simm.s32 @!p1 $0x0  }
0x14: {  	s2 =	sld [smem:$0x3F96];
	s0 =	simm.s32 @p1 $0x1  }
0x15: {  	[smem:$0x3FB3] =	sst s0;
	s0 =	simm.s32 @!p2 $0x0  }
0x16: {  	s3 =	sld [smem:$0x3FDB];
	s0 =	simm.s32 @p2 $0x1  }
0x17: {  	s4 =	simm.s32 $0x1BF5;
	[smem:$0x3FB5] =	sst s0  }
0x18: {  	s0 =	sld [smem:$0x3F98];
	_ =	swait.ge [sflag:s4], $0x0  }
0x19: {  	s7 =	sld [smem:$0x3F99]  }
0x1a: {  	s8 =	sadd.s32 $0xFFFFE003, lr  }
0x1b: {  	s9 =	sadd.s32 $0xFFFFFEF7, lr;
	s5 =	simm.s32 $0xFFFFFFFF;
	p2 =	slt.u32 s8, $0xFFFFF086  }
0x1c: {  	p1 =	slt.u32 s9, $0xF7A;
	s5 =	simm.s32 @!p2 $0x0  }
0x1d: {  	s5 =	simm.s32 @p1 $0x1;
	p0 =	seq.s32 s7, s2  }
0x1e: {  	s7 =	smul.u32 @!p0 $0xF7A, s2;
	p2 =	seq.s32 @!p0 s5, $0x0  }
0x1f: {  	s9 =	smul.u32 $0xF7A, s1;
	s8 =	simm.s32 @!p0 $0x1BF5;
	p2 =	por !p2, p0  }
0x20: {  	[sflag:s8] =	ssyncset.s32 @!p0 $0xFFFFF086;
	s6 =	sadd.s32 @!p0 s3, s7;
	s7 =	simm.s32 @!p0 $0x108  }
0x21: {  	s3 =	sadd.s32 s3, s9;
	s6 =	sadd.s32 @!p0 $0x88, s6;
	s7 =	simm.s32 @p2 $0x1082  }
0x22: {  	[simem:s7], [sflag:s8] =	dma.local @!p0 [hbm:s6], $0xF7A  }
0x23: {  	s9 =	sor.u32 $0xD0000000, s2;
	s6 =	simm.s32 $0x108;
	_ =	swait.ge @!p0 [sflag:s8], $0x0  }
0x24: {  	s3 =	sadd.s32 $0x88, s3;
	s6 =	simm.s32 @!p1 $0x1082;
	[sflag:s4] =	ssyncset.s32 $0xFFFFF086  }
0x25: {  	[simem:s6], [sflag:s4] =	dma.local [hbm:s3], $0xF7A  }
0x26: {  	[smem:$0x3F99] =	sst s1;
	(tag) =	ssettag s2;
	_ =	strace s9  }
0x27: {  	s1 =	sld [smem:$0x3FA9]  }
0x28: {  	s2 =	sld [smem:$0x3FAA]  }
0x29: {  	s4 =	sld [smem:$0x3FAC]  }
0x2a: {  	p0 =	seq.s32 s5, $0x0;
	s5 =	sld [smem:$0x3FAD]  }
0x2b: {  	s6 =	sld [smem:$0x3FAE]  }
0x2c: {  	s7 =	sld [smem:$0x3FAF]  }
0x2d: {  	s3 =	simm.s32 $0x108;
	s8 =	sld [smem:$0x3FB0]  }
0x2e: {  	s3 =	simm.s32 @!p0 $0x1082;
	s9 =	sld [smem:$0x3FB1]  }
0x2f: {  	lr =	sadd.s32 s0, s3;
	s0 =	sld [smem:$0x3FA8]  }
0x30: {  	s3 =	sld [smem:$0x3FAB]  }
0x31: {  	[smem:$0x3FB4] =	sst s10  }
0x32: {  	s10 =	sld [smem:$0x3FB2];
	_ =	sdelay $0x3  }
0x33: {  	p0 =	seq.s32 s10, $0x1;
	s10 =	sld [smem:$0x3FB4];
	_ =	sdelay $0x3  }
0x34: {  	[smem:$0x3FB4] =	sst s10  }
0x35: {  	s10 =	sld [smem:$0x3FB3];
	_ =	sdelay $0x3  }
0x36: {  	p1 =	seq.s32 s10, $0x1;
	s10 =	sld [smem:$0x3FB4];
	_ =	sdelay $0x3  }
0x37: {  	[smem:$0x3FB4] =	sst s10  }
0x38: {  	s10 =	sld [smem:$0x3FB5]  }
0x39: {  	_ = 	snop;
	(pc) =	sbr.ind lr, $3  }
0x3a: {  	_ = 	snop  }
0x3b: {  	_ = 	snop  }
0x3c: {  	p2 =	seq.s32 s10, $0x1;
	s10 =	sld [smem:$0x3FB4]  }
0x3d: {  	_ =	shalt  }
0x3e: {  	_ =	shalt  }
0x3f: {  	_ =	shalt  }
0x40: {  	_ =	shalt  }
0x41: {  	_ =	shalt  }
0x42: {  	_ =	shalt  }
0x43: {  	_ =	shalt  }
0x44: {  	_ =	shalt  }
0x45: {  	_ =	shalt  }
0x46: {  	_ =	shalt  }
0x47: {  	_ =	shalt  }
0x48: {  	_ =	shalt  }
0x49: {  	_ =	shalt  }
0x4a: {  	_ =	shalt  }
0x4b: {  	_ =	shalt  }
0x4c: {  	_ =	shalt  }
0x4d: {  	_ =	shalt  }
0x4e: {  	_ =	shalt  }
0x4f: {  	_ =	shalt  }
0x50: {  	_ =	shalt  }
0x51: {  	_ =	shalt  }
0x52: {  	_ =	shalt  }
0x53: {  	_ =	shalt  }
0x54: {  	_ =	shalt  }
0x55: {  	_ =	shalt  }
0x56: {  	_ =	shalt  }
0x57: {  	_ =	shalt  }
0x58: {  	_ =	shalt  }
0x59: {  	_ =	shalt  }
0x5a: {  	_ =	shalt  }
0x5b: {  	_ =	shalt  }
0x5c: {  	_ =	shalt  }
0x5d: {  	_ =	shalt  }
0x5e: {  	_ =	shalt  }
0x5f: {  	_ =	shalt  }
0x60: {  	_ =	shalt  }
0x61: {  	_ =	shalt  }
0x62: {  	_ =	shalt  }
0x63: {  	_ =	shalt  }
0x64: {  	_ =	shalt  }
0x65: {  	_ =	shalt  }
0x66: {  	_ =	shalt  }
0x67: {  	_ =	shalt  }
0x68: {  	_ =	shalt  }
0x69: {  	_ =	shalt  }
0x6a: {  	_ =	shalt  }
0x6b: {  	_ =	shalt  }
0x6c: {  	_ =	shalt  }
0x6d: {  	_ =	shalt  }
0x6e: {  	_ =	shalt  }
0x6f: {  	_ =	shalt  }
0x70: {  	_ =	shalt  }
0x71: {  	_ =	shalt  }
0x72: {  	_ =	shalt  }
0x73: {  	_ =	shalt  }
0x74: {  	_ =	shalt  }
0x75: {  	_ =	shalt  }
0x76: {  	_ =	shalt  }
0x77: {  	_ =	shalt  }
0x78: {  	_ =	shalt  }
0x79: {  	_ =	shalt  }
0x7a: {  	_ =	shalt  }
0x7b: {  	_ =	shalt  }
0x7c: {  	_ =	shalt  }
0x7d: {  	_ =	shalt  }
0x7e: {  	_ =	shalt  }
0x7f: {  	_ =	shalt  }
0x80: {  	_ =	shalt  }
0x81: {  	_ =	shalt  }
0x82: {  	_ =	shalt  }
0x83: {  	_ =	shalt  }
0x84: {  	_ =	shalt  }
0x85: {  	_ =	shalt  }
0x86: {  	_ =	shalt  }
0x87: {  	_ =	shalt  }
.Lfunc_end0:
.L_simem_size_0:
called_computation_lowered:
.L_overlay_start_0:
0x88: {  	s2 =	sld [smem:$0x3FD9]  }
0x89: {  	s3 =	sld [smem:$0x3FFE];
	_ =	sdelay $0x1  }
0x8a: {  	s1 =	srdreg.scid  }
0x8b: {  	s0 =	sand.u32 $0x1, s1  }
0x8c: {  	s17 =	sshll.u32 s0, $0xA;
	s2 =	sadd.s32 s3, s2  }
0x8d: {  	s2 =	sadd.s32 s2, s17  }
0x8e: {  	[smem:$0x3FC0] =	sst s2  }
0x8f: {  	_ = 	snop  }
0x90: {  	s2 =	sld [smem:$0x3FD0];
	(tm) =	ssettm $0x1  }
0x91: {  	s18 =	sld [smem:$0x3FFB];
	_ =	sdelay $0x3  }
0x92: {  	_ =	strace s18  }
0x93: {  	s3 =	sld [smem:$0x3FFC];
	_ =	sdelay $0x3  }
0x94: {  	_ =	strace s3  }
0x95: {  	s3 =	sld [smem:$0x3FFD];
	_ =	sdelay $0x3  }
0x96: {  	_ =	strace s3  }
0x97: {  	_ =	strace $0x8FFFFFFF  }
0x98: {  	s19 =	sld [smem:$0x3FDB];
	_ =	sdelay $0x1  }
0x99: {  	s4 =	simm.s32 $_scs_section_size  }
0x9a: {  	s5 =	simm.s32 $_size__tile_overlayer_lowered;
	s6 =	simm.s32 $_tile_overlayer_lowered  }
0x9b: {  	s22 =	simm.s32 $0x1BFF;
	s21 =	sshll.u32 s6, $0x1;
	s3 =	sadd.s32 s4, s19  }
0x9c: {  	s7 =	simm.s32 $0x0;
	s20 =	sshll.u32 s5, $0x1;
	s5 =	sadd.s32 s21, s3  }
0x9d: {  	[timem:s7], [sflag:s22] =	dma.local [hbm:s5], s20  }
0x9e: {  	_ =	swait.ge [sflag:s22], s20  }
0x9f: {  	s4 =	ssub.s32 $0x0, s20;
	[sflag:s22] =	ssyncset.done $0x0  }
0xa0: {  	[sflag:s22] =	ssyncadd.s32 s4;
	_ =	sdelay $0x1  }
0xa1: {  	s23 =	simm.s32 $0x1B8B  }
0xa2: {  	_ =	swait.ge [sflag:s23], $0x1  }
0xa3: {  	[sflag:s23] =	ssyncset.done $0x0  }
0xa4: {  	s25 =	simm.s32 $0x1B8E;
	s24 =	sld [smem:$0x3FFE];
	[sflag:s23] =	ssyncadd.s32 $0xFFFFFFFF  }
0xa5: {  	s26 =	simm.s32 $execute0_lowered;
	[smem:$0x3FD2] =	sst s25  }
0xa6: {  	s5 =	sshll.u32 s26, $0x1;
	_ =	strace $0x80000046;
	[dreg:$0x1] =	wrdreg $0xFFFFFFFF  }
0xa7: {  	s28 =	simm.s32 $_size_execute0_lowered;
	s3 =	sadd.s32 s3, s5;
	[dreg:$0x0] =	wrdreg $0x0  }
0xa8: {  	s5 =	sshll.u32 s28, $0x1;
	[dreg:$0x2] =	wrdreg s3  }
0xa9: {  	[dreg:$0x3] =	wrdreg s5  }
0xaa: {  	[dreg:$0x4] =	wrdreg $0xC0  }
0xab: {  	_ =	task [dreg:s7], $0x5FFFF  }
0xac: {  	[dreg:$0x1] =	wrdreg $0xFFFFFFFF  }
0xad: {  	[dreg:$0x0] =	wrdreg $0x60  }
0xae: {  	[dreg:$0x2] =	wrdreg s24  }
0xaf: {  	[dreg:$0x3] =	wrdreg s2  }
0xb0: {  	[dreg:$0x4] =	wrdreg $0x93000  }
0xb1: {  	[dreg:$0x5] =	wrdreg $0x133000  }
0xb2: {  	[dreg:$0x6] =	wrdreg $0x9  }
0xb3: {  	_ =	task.clear_ibuf [dreg:s7], $0x7FFFF;
	_ =	strace $0x90000046  }
0xb4: {  	s29 =	simm.s32 $0x9;
	_ =	strace $0x80000048  }
0xb5: {  	_ =	swait.ge [sflag:s29], $0x1  }
0xb6: {  	[sflag:s29] =	ssyncadd.s32 $0xFFFFFFFF  }
0xb7: {  	_ =	strace $0x90000048  }
0xb8: {  	_ =	sfence  }
0xb9: {  	s30 =	sld [smem:$0x0];
	_ =	sdelay $0x2  }
0xba: {  	s31 =	sshll.u32 s1, $0xD;
	s1 =	sshrl.u32 s1, $0x2  }
0xbb: {  	s3 =	sand.u32 $0x4000, s31;
	s1 =	sadd.s32 s1, s30  }
0xbc: {  	s0 =	sor.u32 s3, s0;
	s1 =	sshll.u32 s1, $0x11  }
0xbd: {  	s0 =	sor.u32 s1, s0  }
0xbe: {  	s0 =	sadd.s32 $0x8F2B, s0  }
0xbf: {  	[sflag:s0] =	ssyncadd.remote.s32 $0x1  }
0xc0: {  	_ =	sfence.sel $0xFFFF  }
0xc1: {  	[dreg:$0x0] =	wrdreg $0xFFFFFFFF;
	(pc) =	sbr.abs _section_cstart, $3  }
0xc2: {  	[dreg:$0x1] =	wrdreg $0xFFFFFFFF  }
0xc3: {  	_ =	task.clear_ibuf [dreg:s7], $0x2FFFF;
	_ =	strace $0x9FFFFFFF  }
0xc4: {  	(tm) =	ssettm $0x7FFFFFFF  }
0xc5: {  	_ =	shalt  }
tec
execute0_lowered:
.L_overlay_start_1:
0x0: {  	(tag) =	ssettag $0x1  }
0x1: {  	s0 =	rddreg [dreg:$0x0]  }
0x2: {  	s4 =	rddreg [dreg:$0x1]  }
0x3: {  	s1 =	rddreg [dreg:$0x2]  }
0x4: {  	s2 =	rddreg [dreg:$0x3];
	s3 =	simm.s32 $0x0;
	s7 =	srdreg.scid  }
0x5: {  	s21 =	stileid.u32;
	s28 =	simm.s32 $0x4300;
	s29 =	simm.s32 $0x3  }
0x6: {  	s31 =	simm.s32 $0x80;
	[smem:$0x7FF] =	sst s3;
	s10 =	smul.u32 $0xA000, s21  }
0x7: {  	s5 =	sadd.s32 $0x1F400, s0;
	s6 =	sadd.s32 $0xB800, s0;
	s18 =	smul.u32 $0x2800, s21  }
0x8: {  	s9 =	sand.u32 $0x1, s7;
	s7 =	sadd.s32 $0x1A00, s0;
	s22 =	smul.u32 $0x4E80, s21  }
0x9: {  	s8 =	sadd.s32 $0x15600, s0;
	s0 =	sadd.s32 $0x47400, s0;
	s16 =	smul.u32 $0xA0000, s9  }
0xa: {  	_ =	strace $0x80000047;
	s11 =	ssub.s32 $0x2, s9;
	s20 =	smul.u32 $0x28000, s9  }
0xb: {  	s9 =	smul.u32 $0x2800, s9;
	s12 =	sshrl.u32 s11, $0x1;
	s14 =	sadd.s32 $0x2000, s10  }
0xc: {  	s23 =	sadd.s32 s10, s1;
	s24 =	sadd.s32 $0x4000, s10;
	s15 =	sadd.s32 $0x6000, s10  }
0xd: {  	s17 =	sadd.s32 $0x8000, s10;
	s11 =	ssub.s32 s11, s12;
	s26 =	sadd.s32 s14, s1  }
0xe: {  	s30 =	sadd.s32 s24, s1;
	s13 =	sadd.s32 s15, s1;
	s25 =	sadd.s32 s17, s1  }
0xf: {  	s10 =	sadd.s32 s10, s16;
	s19 =	sadd.s32 s16, s14;
	s12 =	sadd.s32 s16, s24  }
0x10: {  	s15 =	sadd.s32 s16, s15;
	s16 =	sadd.s32 s16, s17;
	[dreg:$0x6] =	wrdreg s13  }
0x11: {  	s17 =	sadd.s32 s18, s2;
	s20 =	sadd.s32 s18, s20;
	[dreg:$0x7] =	wrdreg s25  }
0x12: {  	s24 =	sadd.s32 $0x80, s22;
	s18 =	simm.s32 $0x2300;
	[dreg:$0x8] =	wrdreg s17  }
0x13: {  	s10 =	sshrl.u32 s10, $0x3;
	s25 =	sshrl.u32 s19, $0x3;
	s13 =	sshrl.u32 s15, $0x3  }
0x14: {  	s15 =	sshrl.u32 s16, $0x3;
	[dreg:$0x5] =	wrdreg s30;
	s10 =	sadd.s32 s0, s10  }
0x15: {  	s19 =	sshrl.u32 s20, $0x3;
	s14 =	sadd.s32 s0, s13;
	[dreg:$0x9] =	wrdreg s10  }
0x16: {  	s16 =	sshrl.u32 s22, $0x3;
	s4 =	sadd.s32 s4, s19;
	[dreg:$0xc] =	wrdreg s14  }
0x17: {  	s12 =	sshrl.u32 s12, $0x3;
	s20 =	sadd.s32 s6, s16;
	[dreg:$0xe] =	wrdreg s4  }
0x18: {  	s17 =	simm.s32 $0x280;
	s21 =	sadd.s32 s7, s16;
	[dreg:$0xf] =	wrdreg s20  }
0x19: {  	s19 =	simm.s32 $0x1;
	s10 =	sadd.s32 s0, s25;
	[dreg:$0x10] =	wrdreg s21  }
0x1a: {  	s25 =	sadd.s32 $0x100, s22;
	s22 =	smax.u32 s11, $0x1;
	s11 =	simm.s32 $0x6B00  }
0x1b: {  	s4 =	simm.s32 $0x300;
	s20 =	simm.s32 $0x6300;
	[dreg:$0xa] =	wrdreg s10  }
0x1c: {  	s21 =	simm.s32 $0x2;
	s10 =	sadd.s32 s0, s12;
	[dreg:$0x12] =	wrdreg s22  }
0x1d: {  	s0 =	sadd.s32 s0, s15;
	s15 =	simm.s32 $0x180;
	[dreg:$0xb] =	wrdreg s10  }
0x1e: {  	s22 =	simm.s32 $0x0;
	[dreg:$0xd] =	wrdreg s0;
	s0 =	sadd.s32 s8, s16  }
0x1f: {  	v1 =	vimm.f32 $0.0e+00;
	v0 =	vmov s9;
	s16 =	simm.s32 $0x200;
	[dreg:$0x11] =	wrdreg s0;
	s0 =	simm.s32 $0x100  }
.LBB2_1:
0x20: {  	s9 =	simm.s32 $0x0  }
.LBB2_2:
0x21: {  	p0 =	sne.s32 s9, $0x7F00  }
.Ltmp0:
0x22: {  	s10 =	sshra.s32 s9, $0x2;
	(pc) =	sbr.rel @p0 .LBB2_2-.Ltmp0, $4  }
0x23: {  	[tilespmem:s10+$0x4300] =	vst v1  }
0x24: {  	[tilespmem:s10+$0x4310] =	vst v1  }
0x25: {  	[tilespmem:s10+$0x4320] =	vst v1  }
0x26: {  	s9 =	sadd.s32 $0x100, s9;
	[tilespmem:s10+$0x4330] =	vst v1  }
0x27: {  	s9 =	simm.s32 $0x40;
	s10 =	simm.s32 $0x0  }
.LBB2_4:
0x28: {  	p0 =	sne.s32 s9, $0x9FC0;
	[tilespmem:s10+$0x6B00] =	vst v1;
	s10 =	smov.u32 s9;
	s9 =	sadd.s32 $0x40, s9  }
.Ltmp1:
0x29: {  	(pc) =	sbr.rel @p0 .LBB2_4-.Ltmp1, $2  }
0x2a: {  	_ =	sdelay $0x2  }
0x2b: {  	s10 =	sshra.s32 s10, $0x2  }
0x2c: {  	[tilespmem:s10+$0x6B00] =	vst v1  }
0x2d: {  	[spmem:s23] =	stream.linear.scatter [tilespmem:s28], [sflag:$0x3], $0x2000, $0x38;
	[tilespmem:$0x15B00] =	vst v63  }
0x2e: {  	_ =	swait.ge [sflag:s29], $0x2000  }
0x2f: {  	[sflag:s29] =	ssyncset.done $0x0  }
0x30: {  	[sflag:s29] =	ssyncadd.s32 $0xFFFFE000  }
0x31: {  	[spmem:s26] =	stream.linear.scatter [tilespmem:s28], [sflag:$0x3], $0x2000, $0x38;
	[tilespmem:$0x15B00] =	vst v63  }
0x32: {  	_ =	swait.ge [sflag:s29], $0x2000  }
0x33: {  	[sflag:s29] =	ssyncset.done $0x0  }
0x34: {  	[sflag:s29] =	ssyncadd.s32 $0xFFFFE000  }
0x35: {  	[spmem:s30] =	stream.linear.scatter [tilespmem:s28], [sflag:$0x3], $0x2000, $0x38;
	[tilespmem:$0x15B00] =	vst v63  }
0x36: {  	_ =	swait.ge [sflag:s29], $0x2000  }
0x37: {  	[sflag:s29] =	ssyncset.done $0x0  }
0x38: {  	s9 =	rddreg [dreg:$0x6];
	[sflag:s29] =	ssyncadd.s32 $0xFFFFE000  }
0x39: {  	[spmem:s9] =	stream.linear.scatter [tilespmem:s28], [sflag:$0x3], $0x2000, $0x38;
	[tilespmem:$0x15B00] =	vst v63  }
0x3a: {  	_ =	swait.ge [sflag:s29], $0x2000  }
0x3b: {  	[sflag:s29] =	ssyncset.done $0x0  }
0x3c: {  	s30 =	rddreg [dreg:$0x7];
	[sflag:s29] =	ssyncadd.s32 $0xFFFFE000  }
0x3d: {  	[spmem:s30] =	stream.linear.scatter [tilespmem:s28], [sflag:$0x3], $0x2000, $0x38;
	[tilespmem:$0x15B00] =	vst v63  }
0x3e: {  	_ =	swait.ge [sflag:s29], $0x2000  }
0x3f: {  	[sflag:s29] =	ssyncset.done $0x0  }
0x40: {  	s10 =	rddreg [dreg:$0x8];
	[sflag:s29] =	ssyncadd.s32 $0xFFFFE000  }
0x41: {  	[spmem:s10] =	stream.linear.scatter [tilespmem:s11], [sflag:$0x3], $0x2800, $0x38;
	[tilespmem:$0x15B00] =	vst v63  }
0x42: {  	_ =	swait.ge [sflag:s29], $0x2800  }
0x43: {  	[sflag:s29] =	ssyncset.done $0x0  }
0x44: {  	[sflag:s29] =	ssyncadd.s32 $0xFFFFD800  }
0x45: {  	[bflag:$0x0] =	sbarrier.arrive $0xFFFF  }
0x46: {  	s13 =	smov.u32 s23;
	s23 =	simm.s32 $0x0;
	s12 =	rddreg [dreg:$0xf]  }
0x47: {  	[tilespmem:s23], [sflag:$0x3] =	stream.linear.gather [hbm4b:s12+s23], $0x80, $0x38;
	[tilespmem:$0x15B00] =	vst v63  }
0x48: {  	_ =	swait.ge [sflag:s29], $0x80  }
0x49: {  	[sflag:s29] =	ssyncset.done $0x0  }
0x4a: {  	s14 =	smov.u32 s26;
	s26 =	rddreg [dreg:$0x10];
	[sflag:s29] =	ssyncadd.s32 $0xFFFFFF80  }
0x4b: {  	[tilespmem:s31], [sflag:$0x3] =	stream.linear.gather [hbm4b:s26+s23], $0x80, $0x38;
	[tilespmem:$0x15B00] =	vst v63  }
0x4c: {  	_ =	swait.ge [sflag:s29], $0x80  }
0x4d: {  	[sflag:s29] =	ssyncset.done $0x0  }
0x4e: {  	s30 =	rddreg [dreg:$0x11];
	[sflag:s29] =	ssyncadd.s32 $0xFFFFFF80  }
0x4f: {  	[tilespmem:s0], [sflag:$0x3] =	stream.linear.gather [hbm4b:s30+s23], $0x80, $0x38;
	[tilespmem:$0x15B00] =	vst v63  }
0x50: {  	_ =	swait.ge [sflag:s29], $0x80  }
0x51: {  	[sflag:s29] =	ssyncset.done $0x0  }
0x52: {  	[sflag:s29] =	ssyncadd.s32 $0xFFFFFF80  }
0x53: {  	v2 =	vld [tilespmem:$0x0]  }
0x54: {  	v3 =	vld [tilespmem:$0x10]  }
0x55: {  	v4 =	vld [tilespmem:$0x20]  }
0x56: {  	v5 =	vld [tilespmem:$0x30]  }
0x57: {  	v6 =	vld [tilespmem:$0x40]  }
0x58: {  	v7 =	vld [tilespmem:$0x50];
	v2 =	vadd.s32 v0, v2  }
0x59: {  	[tilespmem:$0x0] =	vst v2;
	v2 =	vadd.s32 v0, v3;
	v3 =	vld [tilespmem:$0x60]  }
0x5a: {  	v63 =	vld [tilespmem:$0x70];
	[tilespmem:$0x10] =	vst v2;
	v2 =	vadd.s32 v0, v4  }
0x5b: {  	[tilespmem:$0x20] =	vst v2;
	v2 =	vadd.s32 v0, v5  }
0x5c: {  	[tilespmem:$0x30] =	vst v2;
	v2 =	vadd.s32 v0, v6  }
0x5d: {  	[tilespmem:$0x40] =	vst v2;
	v2 =	vadd.s32 v0, v7  }
0x5e: {  	[tilespmem:$0x50] =	vst v2;
	v2 =	vadd.s32 v0, v3  }
0x5f: {  	[tilespmem:$0x60] =	vst v2;
	v2 =	vadd.s32 v0, v63  }
0x60: {  	s26 =	simm.s32 $0x0;
	[tilespmem:$0x70] =	vst v2  }
0x61: {  	[tilespmem:s4], [sflag:$0x1] =	stream.indirect.gather [hbm4b:s5+s31], $0x40, s23, s31, $0xb8;
	[tilespmem:$0x15B00] =	vst v63  }
.LBB2_6:
0x62: {  	s30 =	sshll.u32 s26, $0x8  }
0x63: {  	s9 =	sadd.s32 s30, s24  }
0x64: {  	s9 =	sshrl.u32 s9, $0x3  }
0x65: {  	s10 =	sadd.s32 s6, s9  }
0x66: {  	[tilespmem:s15], [sflag:$0x3] =	stream.linear.gather [hbm4b:s10+s23], $0x80, $0x38;
	[tilespmem:$0x15B00] =	vst v63  }
0x67: {  	_ =	swait.ge [sflag:s29], $0x80  }
0x68: {  	[sflag:s29] =	ssyncset.done $0x0  }
0x69: {  	s12 =	sadd.s32 s7, s9;
	[sflag:s29] =	ssyncadd.s32 $0xFFFFFF80  }
0x6a: {  	[tilespmem:s16], [sflag:$0x3] =	stream.linear.gather [hbm4b:s12+s23], $0x80, $0x38;
	[tilespmem:$0x15B00] =	vst v63  }
0x6b: {  	_ =	swait.ge [sflag:s29], $0x80  }
0x6c: {  	[sflag:s29] =	ssyncset.done $0x0  }
0x6d: {  	s9 =	sadd.s32 s8, s9;
	[sflag:s29] =	ssyncadd.s32 $0xFFFFFF80  }
0x6e: {  	[tilespmem:s17], [sflag:$0x3] =	stream.linear.gather [hbm4b:s9+s23], $0x80, $0x38;
	[tilespmem:$0x15B00] =	vst v63  }
0x6f: {  	_ =	swait.ge [sflag:s29], $0x80  }
0x70: {  	[sflag:s29] =	ssyncset.done $0x0  }
0x71: {  	[sflag:s29] =	ssyncadd.s32 $0xFFFFFF80  }
0x72: {  	v2 =	vld [tilespmem:$0x180]  }
0x73: {  	v3 =	vld [tilespmem:$0x190]  }
0x74: {  	v4 =	vld [tilespmem:$0x1A0]  }
0x75: {  	v5 =	vld [tilespmem:$0x1B0]  }
0x76: {  	v6 =	vld [tilespmem:$0x1C0]  }
0x77: {  	v7 =	vld [tilespmem:$0x1D0];
	v2 =	vadd.s32 v0, v2  }
0x78: {  	[tilespmem:$0x180] =	vst v2;
	v2 =	vadd.s32 v0, v3;
	v3 =	vld [tilespmem:$0x1E0]  }
0x79: {  	v63 =	vld [tilespmem:$0x1F0];
	[tilespmem:$0x190] =	vst v2;
	v2 =	vadd.s32 v0, v4  }
0x7a: {  	[tilespmem:$0x1A0] =	vst v2;
	v2 =	vadd.s32 v0, v5  }
0x7b: {  	[tilespmem:$0x1B0] =	vst v2;
	v2 =	vadd.s32 v0, v6  }
0x7c: {  	[tilespmem:$0x1C0] =	vst v2;
	v2 =	vadd.s32 v0, v7  }
0x7d: {  	[tilespmem:$0x1D0] =	vst v2;
	v2 =	vadd.s32 v0, v3  }
0x7e: {  	[tilespmem:$0x1E0] =	vst v2;
	v2 =	vadd.s32 v0, v63  }
0x7f: {  	[tilespmem:$0x1F0] =	vst v2  }
0x80: {  	[tilespmem:s18], [sflag:$0x2] =	stream.indirect.gather [hbm4b:s5+s31], $0x40, s15, s31, $0xb8;
	[tilespmem:$0x15B00] =	vst v63  }
0x81: {  	_ =	swait.ge [sflag:s19], $0x2000  }
0x82: {  	s11 =	simm.s32 $0x0;
	[sflag:s19] =	ssyncset.done $0x0  }
0x83: {  	s10 =	simm.s32 $0x6380;
	s9 =	simm.s32 $0x100;
	[sflag:s19] =	ssyncadd.s32 $0xFFFFE000  }
.LBB2_7:
0x84: {  	v2 =	vld [tilespmem:s9+$0x0]  }
0x85: {  	s12 =	sshra.s32 s11, $0x2  }
0x86: {  	v3 =	vld [tilespmem:s12+$0x300]  }
0x87: {  	v4 =	vld [tilespmem:s12+$0x310]  }
0x88: {  	v7 =	vld [tilespmem:s12+$0x330]  }
0x89: {  	v5 =	vld [tilespmem:s12+$0x320];
	v6 =	vbroadcast v2, $0x0;
	_ =	sdelay $0x1  }
0x8a: {  	v3 =	vmul.f32 v6, v3  }
0x8b: {  	v4 =	vmul.f32 v4, v6  }
0x8c: {  	v45 =	vmul.f32 v7, v6;
	[tilespmem:s12+$0x4300] =	vst v3  }
0x8d: {  	v3 =	vmul.f32 v5, v6;
	[tilespmem:s12+$0x4310] =	vst v4  }
0x8e: {  	[tilespmem:s12+$0x4330] =	vst v45  }
0x8f: {  	[tilespmem:s12+$0x4320] =	vst v3  }
0x90: {  	[tilespmem:s10+$0xFFFFFF80] =	vst v6  }
0x91: {  	v3 =	vld [tilespmem:s12+$0x340]  }
0x92: {  	v46 =	vld [tilespmem:s12+$0x350]  }
0x93: {  	v49 =	vld [tilespmem:s12+$0x370]  }
0x94: {  	v48 =	vbroadcast v2, $0x1;
	v47 =	vld [tilespmem:s12+$0x360];
	_ =	sdelay $0x1  }
0x95: {  	v3 =	vmul.f32 v3, v48  }
0x96: {  	v4 =	vmul.f32 v46, v48  }
0x97: {  	v50 =	vmul.f32 v49, v48;
	[tilespmem:s12+$0x4340] =	vst v3  }
0x98: {  	v3 =	vmul.f32 v47, v48;
	[tilespmem:s12+$0x4350] =	vst v4  }
0x99: {  	[tilespmem:s12+$0x4370] =	vst v50  }
0x9a: {  	[tilespmem:s12+$0x4360] =	vst v3  }
0x9b: {  	[tilespmem:s10+$0xFFFFFF90] =	vst v48  }
0x9c: {  	v3 =	vld [tilespmem:s12+$0x380]  }
0x9d: {  	v51 =	vld [tilespmem:s12+$0x390]  }
0x9e: {  	v54 =	vld [tilespmem:s12+$0x3B0]  }
0x9f: {  	v53 =	vbroadcast v2, $0x2;
	v52 =	vld [tilespmem:s12+$0x3A0];
	_ =	sdelay $0x1  }
0xa0: {  	v3 =	vmul.f32 v3, v53  }
0xa1: {  	v4 =	vmul.f32 v51, v53  }
0xa2: {  	v55 =	vmul.f32 v54, v53;
	[tilespmem:s12+$0x4380] =	vst v3  }
0xa3: {  	v3 =	vmul.f32 v52, v53;
	[tilespmem:s12+$0x4390] =	vst v4  }
0xa4: {  	[tilespmem:s12+$0x43B0] =	vst v55  }
0xa5: {  	[tilespmem:s12+$0x43A0] =	vst v3  }
0xa6: {  	[tilespmem:s10+$0xFFFFFFA0] =	vst v53  }
0xa7: {  	v3 =	vld [tilespmem:s12+$0x3C0]  }
0xa8: {  	v56 =	vld [tilespmem:s12+$0x3D0]  }
0xa9: {  	v59 =	vld [tilespmem:s12+$0x3F0]  }
0xaa: {  	v58 =	vbroadcast v2, $0x3;
	v57 =	vld [tilespmem:s12+$0x3E0];
	_ =	sdelay $0x1  }
0xab: {  	v3 =	vmul.f32 v3, v58  }
0xac: {  	v4 =	vmul.f32 v56, v58  }
0xad: {  	v60 =	vmul.f32 v59, v58;
	[tilespmem:s12+$0x43C0] =	vst v3  }
0xae: {  	v3 =	vmul.f32 v57, v58;
	[tilespmem:s12+$0x43D0] =	vst v4  }
0xaf: {  	[tilespmem:s12+$0x43F0] =	vst v60  }
0xb0: {  	[tilespmem:s12+$0x43E0] =	vst v3  }
0xb1: {  	[tilespmem:s10+$0xFFFFFFB0] =	vst v58  }
0xb2: {  	v3 =	vld [tilespmem:s12+$0x400]  }
0xb3: {  	v61 =	vld [tilespmem:s12+$0x410]  }
0xb4: {  	v9 =	vld [tilespmem:s12+$0x430]  }
0xb5: {  	v63 =	vbroadcast v2, $0x4;
	v62 =	vld [tilespmem:s12+$0x420];
	_ =	sdelay $0x1  }
0xb6: {  	v3 =	vmul.f32 v3, v63  }
0xb7: {  	v4 =	vmul.f32 v61, v63  }
0xb8: {  	v10 =	vmul.f32 v9, v63;
	[tilespmem:s12+$0x4400] =	vst v3  }
0xb9: {  	v3 =	vmul.f32 v62, v63;
	[tilespmem:s12+$0x4410] =	vst v4  }
0xba: {  	[tilespmem:s12+$0x4430] =	vst v10  }
0xbb: {  	[tilespmem:s12+$0x4420] =	vst v3  }
0xbc: {  	[tilespmem:s10+$0xFFFFFFC0] =	vst v63  }
0xbd: {  	v3 =	vld [tilespmem:s12+$0x440]  }
0xbe: {  	v11 =	vld [tilespmem:s12+$0x450]  }
0xbf: {  	v14 =	vld [tilespmem:s12+$0x470]  }
0xc0: {  	v13 =	vbroadcast v2, $0x5;
	v12 =	vld [tilespmem:s12+$0x460];
	_ =	sdelay $0x1  }
0xc1: {  	v3 =	vmul.f32 v3, v13  }
0xc2: {  	v4 =	vmul.f32 v11, v13  }
0xc3: {  	v15 =	vmul.f32 v14, v13;
	[tilespmem:s12+$0x4440] =	vst v3  }
0xc4: {  	v3 =	vmul.f32 v12, v13;
	[tilespmem:s12+$0x4450] =	vst v4  }
0xc5: {  	[tilespmem:s12+$0x4470] =	vst v15  }
0xc6: {  	[tilespmem:s12+$0x4460] =	vst v3  }
0xc7: {  	[tilespmem:s10+$0xFFFFFFD0] =	vst v13  }
0xc8: {  	v3 =	vld [tilespmem:s12+$0x480]  }
0xc9: {  	v16 =	vld [tilespmem:s12+$0x490]  }
0xca: {  	v19 =	vld [tilespmem:s12+$0x4B0]  }
0xcb: {  	v18 =	vbroadcast v2, $0x6;
	v17 =	vld [tilespmem:s12+$0x4A0];
	_ =	sdelay $0x1  }
0xcc: {  	v3 =	vmul.f32 v3, v18  }
0xcd: {  	v4 =	vmul.f32 v16, v18  }
0xce: {  	v20 =	vmul.f32 v19, v18;
	[tilespmem:s12+$0x4480] =	vst v3  }
0xcf: {  	v3 =	vmul.f32 v17, v18;
	[tilespmem:s12+$0x4490] =	vst v4  }
0xd0: {  	[tilespmem:s12+$0x44B0] =	vst v20  }
0xd1: {  	[tilespmem:s12+$0x44A0] =	vst v3  }
0xd2: {  	[tilespmem:s10+$0xFFFFFFE0] =	vst v18  }
0xd3: {  	v3 =	vld [tilespmem:s12+$0x4C0]  }
0xd4: {  	v21 =	vld [tilespmem:s12+$0x4D0]  }
0xd5: {  	v24 =	vld [tilespmem:s12+$0x4F0]  }
0xd6: {  	v23 =	vbroadcast v2, $0x7;
	v22 =	vld [tilespmem:s12+$0x4E0];
	_ =	sdelay $0x1  }
0xd7: {  	v3 =	vmul.f32 v3, v23  }
0xd8: {  	v4 =	vmul.f32 v21, v23  }
0xd9: {  	v25 =	vmul.f32 v24, v23;
	[tilespmem:s12+$0x44C0] =	vst v3  }
0xda: {  	v3 =	vmul.f32 v22, v23;
	[tilespmem:s12+$0x44D0] =	vst v4  }
0xdb: {  	[tilespmem:s12+$0x44F0] =	vst v25  }
0xdc: {  	[tilespmem:s12+$0x44E0] =	vst v3  }
0xdd: {  	[tilespmem:s10+$0xFFFFFFF0] =	vst v23  }
0xde: {  	v3 =	vld [tilespmem:s12+$0x500]  }
0xdf: {  	v26 =	vld [tilespmem:s12+$0x510]  }
0xe0: {  	v29 =	vld [tilespmem:s12+$0x530]  }
0xe1: {  	v28 =	vbroadcast v2, $0x8;
	v27 =	vld [tilespmem:s12+$0x520];
	_ =	sdelay $0x1  }
0xe2: {  	v3 =	vmul.f32 v3, v28  }
0xe3: {  	v4 =	vmul.f32 v26, v28  }
0xe4: {  	v30 =	vmul.f32 v29, v28;
	[tilespmem:s12+$0x4500] =	vst v3  }
0xe5: {  	v3 =	vmul.f32 v27, v28;
	[tilespmem:s12+$0x4510] =	vst v4  }
0xe6: {  	[tilespmem:s12+$0x4530] =	vst v30  }
0xe7: {  	[tilespmem:s12+$0x4520] =	vst v3  }
0xe8: {  	[tilespmem:s10+$0x0] =	vst v28  }
0xe9: {  	v3 =	vld [tilespmem:s12+$0x540]  }
0xea: {  	v31 =	vld [tilespmem:s12+$0x550]  }
0xeb: {  	v34 =	vld [tilespmem:s12+$0x570]  }
0xec: {  	v33 =	vbroadcast v2, $0x9;
	v32 =	vld [tilespmem:s12+$0x560];
	_ =	sdelay $0x1  }
0xed: {  	v3 =	vmul.f32 v3, v33  }
0xee: {  	v4 =	vmul.f32 v31, v33  }
0xef: {  	v35 =	vmul.f32 v34, v33;
	[tilespmem:s12+$0x4540] =	vst v3  }
0xf0: {  	v3 =	vmul.f32 v32, v33;
	[tilespmem:s12+$0x4550] =	vst v4  }
0xf1: {  	[tilespmem:s12+$0x4570] =	vst v35  }
0xf2: {  	[tilespmem:s12+$0x4560] =	vst v3  }
0xf3: {  	[tilespmem:s10+$0x10] =	vst v33  }
0xf4: {  	v3 =	vld [tilespmem:s12+$0x580]  }
0xf5: {  	v36 =	vld [tilespmem:s12+$0x590]  }
0xf6: {  	v39 =	vld [tilespmem:s12+$0x5B0]  }
0xf7: {  	v38 =	vbroadcast v2, $0xA;
	v37 =	vld [tilespmem:s12+$0x5A0];
	_ =	sdelay $0x1  }
0xf8: {  	v3 =	vmul.f32 v3, v38  }
0xf9: {  	v4 =	vmul.f32 v36, v38  }
0xfa: {  	v40 =	vmul.f32 v39, v38;
	[tilespmem:s12+$0x4580] =	vst v3  }
0xfb: {  	v3 =	vmul.f32 v37, v38;
	[tilespmem:s12+$0x4590] =	vst v4  }
0xfc: {  	[tilespmem:s12+$0x45B0] =	vst v40  }
0xfd: {  	[tilespmem:s12+$0x45A0] =	vst v3  }
0xfe: {  	[tilespmem:s10+$0x20] =	vst v38  }
0xff: {  	v3 =	vld [tilespmem:s12+$0x5C0]  }
0x100: {  	v41 =	vld [tilespmem:s12+$0x5D0]  }
0x101: {  	v44 =	vld [tilespmem:s12+$0x5F0]  }
0x102: {  	v43 =	vbroadcast v2, $0xB;
	v42 =	vld [tilespmem:s12+$0x5E0];
	_ =	sdelay $0x1  }
0x103: {  	v3 =	vmul.f32 v3, v43  }
0x104: {  	v4 =	vmul.f32 v41, v43  }
0x105: {  	v45 =	vmul.f32 v44, v43;
	[tilespmem:s12+$0x45C0] =	vst v3  }
0x106: {  	v3 =	vmul.f32 v42, v43;
	[tilespmem:s12+$0x45D0] =	vst v4  }
0x107: {  	[tilespmem:s12+$0x45F0] =	vst v45  }
0x108: {  	[tilespmem:s12+$0x45E0] =	vst v3  }
0x109: {  	[tilespmem:s10+$0x30] =	vst v43  }
0x10a: {  	v3 =	vld [tilespmem:s12+$0x600]  }
0x10b: {  	v46 =	vld [tilespmem:s12+$0x610]  }
0x10c: {  	v49 =	vld [tilespmem:s12+$0x630]  }
0x10d: {  	v48 =	vbroadcast v2, $0xC;
	v47 =	vld [tilespmem:s12+$0x620];
	_ =	sdelay $0x1  }
0x10e: {  	v3 =	vmul.f32 v3, v48  }
0x10f: {  	v4 =	vmul.f32 v46, v48  }
0x110: {  	v50 =	vmul.f32 v49, v48;
	[tilespmem:s12+$0x4600] =	vst v3  }
0x111: {  	v3 =	vmul.f32 v47, v48;
	[tilespmem:s12+$0x4610] =	vst v4  }
0x112: {  	[tilespmem:s12+$0x4630] =	vst v50  }
0x113: {  	[tilespmem:s12+$0x4620] =	vst v3  }
0x114: {  	[tilespmem:s10+$0x40] =	vst v48  }
0x115: {  	v3 =	vld [tilespmem:s12+$0x640]  }
0x116: {  	v51 =	vld [tilespmem:s12+$0x650]  }
0x117: {  	v54 =	vld [tilespmem:s12+$0x670]  }
0x118: {  	v53 =	vbroadcast v2, $0xD;
	v52 =	vld [tilespmem:s12+$0x660];
	_ =	sdelay $0x1  }
0x119: {  	v3 =	vmul.f32 v3, v53  }
0x11a: {  	v4 =	vmul.f32 v51, v53  }
0x11b: {  	v55 =	vmul.f32 v54, v53;
	[tilespmem:s12+$0x4640] =	vst v3  }
0x11c: {  	v3 =	vmul.f32 v52, v53;
	[tilespmem:s12+$0x4650] =	vst v4  }
0x11d: {  	[tilespmem:s12+$0x4670] =	vst v55  }
0x11e: {  	[tilespmem:s12+$0x4660] =	vst v3  }
0x11f: {  	[tilespmem:s10+$0x50] =	vst v53  }
0x120: {  	v3 =	vld [tilespmem:s12+$0x680]  }
0x121: {  	v56 =	vld [tilespmem:s12+$0x690]  }
0x122: {  	v59 =	vld [tilespmem:s12+$0x6B0]  }
0x123: {  	v58 =	vbroadcast v2, $0xE;
	v57 =	vld [tilespmem:s12+$0x6A0];
	_ =	sdelay $0x1  }
0x124: {  	v3 =	vmul.f32 v3, v58  }
0x125: {  	v4 =	vmul.f32 v56, v58  }
0x126: {  	v60 =	vmul.f32 v59, v58;
	[tilespmem:s12+$0x4680] =	vst v3  }
0x127: {  	v3 =	vmul.f32 v57, v58;
	[tilespmem:s12+$0x4690] =	vst v4  }
0x128: {  	[tilespmem:s12+$0x46B0] =	vst v60  }
0x129: {  	[tilespmem:s12+$0x46A0] =	vst v3  }
0x12a: {  	[tilespmem:s10+$0x60] =	vst v58  }
0x12b: {  	v3 =	vld [tilespmem:s12+$0x6C0]  }
0x12c: {  	v61 =	vld [tilespmem:s12+$0x6D0]  }
0x12d: {  	v6 =	vld [tilespmem:s12+$0x6F0]  }
0x12e: {  	v2 =	vbroadcast v2, $0xF;
	v62 =	vld [tilespmem:s12+$0x6E0];
	_ =	sdelay $0x1  }
0x12f: {  	v3 =	vmul.f32 v3, v2  }
0x130: {  	p0 =	sne.s32 s11, $0x7000;
	v4 =	vmul.f32 v61, v2  }
.Ltmp2:
0x131: {  	v63 =	vmul.f32 v6, v2;
	[tilespmem:s12+$0x46C0] =	vst v3;
	(pc) =	sbr.rel @p0 .LBB2_7-.Ltmp2, $4  }
0x132: {  	v3 =	vmul.f32 v62, v2;
	[tilespmem:s12+$0x46D0] =	vst v4  }
0x133: {  	[tilespmem:s12+$0x46F0] =	vst v63  }
0x134: {  	[tilespmem:s12+$0x46E0] =	vst v3  }
0x135: {  	s9 =	sadd.s32 $0x10, s9;
	s11 =	sadd.s32 $0x1000, s11;
	[tilespmem:s10+$0x70] =	vst v2;
	s10 =	sadd.s32 $0x100, s10  }
0x136: {  	[spmem:s1] =	stream.indirect.scatter.add.f32 [tilespmem:s28], [sflag:$0x3], $0x40, s31, s31, $0xb8;
	[tilespmem:$0x15B00] =	vst v63  }
0x137: {  	_ =	swait.ge [sflag:s29], $0x2000  }
0x138: {  	[sflag:s29] =	ssyncset.done $0x0  }
0x139: {  	[sflag:s29] =	ssyncadd.s32 $0xFFFFE000  }
0x13a: {  	[spmem:s2] =	stream.indirect.scatter.add.f32 [tilespmem:s20], [sflag:$0x3], $0x10, s31, s31, $0xb8;
	[tilespmem:$0x15B00] =	vst v63  }
0x13b: {  	s9 =	sadd.s32 s30, s25;
	_ =	swait.ge [sflag:s29], $0x800  }
0x13c: {  	s9 =	sshrl.u32 s9, $0x3;
	[sflag:s29] =	ssyncset.done $0x0  }
0x13d: {  	s30 =	simm.s32 $0x0;
	s10 =	sadd.s32 s6, s9;
	[sflag:s29] =	ssyncadd.s32 $0xFFFFF800  }
0x13e: {  	[tilespmem:s30], [sflag:$0x3] =	stream.linear.gather [hbm4b:s10+s30], $0x80, $0x38;
	[tilespmem:$0x15B00] =	vst v63  }
0x13f: {  	_ =	swait.ge [sflag:s29], $0x80  }
0x140: {  	[sflag:s29] =	ssyncset.done $0x0  }
0x141: {  	s12 =	sadd.s32 s7, s9;
	[sflag:s29] =	ssyncadd.s32 $0xFFFFFF80  }
0x142: {  	[tilespmem:s31], [sflag:$0x3] =	stream.linear.gather [hbm4b:s12+s30], $0x80, $0x38;
	[tilespmem:$0x15B00] =	vst v63  }
0x143: {  	_ =	swait.ge [sflag:s29], $0x80  }
0x144: {  	[sflag:s29] =	ssyncset.done $0x0  }
0x145: {  	s9 =	sadd.s32 s8, s9;
	[sflag:s29] =	ssyncadd.s32 $0xFFFFFF80  }
0x146: {  	[tilespmem:s0], [sflag:$0x3] =	stream.linear.gather [hbm4b:s9+s30], $0x80, $0x38;
	[tilespmem:$0x15B00] =	vst v63  }
0x147: {  	_ =	swait.ge [sflag:s29], $0x80  }
0x148: {  	[sflag:s29] =	ssyncset.done $0x0  }
0x149: {  	[sflag:s29] =	ssyncadd.s32 $0xFFFFFF80  }
0x14a: {  	v2 =	vld [tilespmem:$0x0]  }
0x14b: {  	v3 =	vld [tilespmem:$0x10]  }
0x14c: {  	v4 =	vld [tilespmem:$0x20]  }
0x14d: {  	v5 =	vld [tilespmem:$0x30]  }
0x14e: {  	v6 =	vld [tilespmem:$0x40]  }
0x14f: {  	v7 =	vld [tilespmem:$0x50];
	v2 =	vadd.s32 v0, v2  }
0x150: {  	[tilespmem:$0x0] =	vst v2;
	v2 =	vadd.s32 v0, v3;
	v3 =	vld [tilespmem:$0x60]  }
0x151: {  	v63 =	vld [tilespmem:$0x70];
	[tilespmem:$0x10] =	vst v2;
	v2 =	vadd.s32 v0, v4  }
0x152: {  	[tilespmem:$0x20] =	vst v2;
	v2 =	vadd.s32 v0, v5  }
0x153: {  	[tilespmem:$0x30] =	vst v2;
	v2 =	vadd.s32 v0, v6  }
0x154: {  	[tilespmem:$0x40] =	vst v2;
	v2 =	vadd.s32 v0, v7  }
0x155: {  	[tilespmem:$0x50] =	vst v2;
	v2 =	vadd.s32 v0, v3  }
0x156: {  	[tilespmem:$0x60] =	vst v2;
	v2 =	vadd.s32 v0, v63  }
0x157: {  	[tilespmem:$0x70] =	vst v2  }
0x158: {  	[tilespmem:s4], [sflag:$0x1] =	stream.indirect.gather [hbm4b:s5+s31], $0x40, s30, s31, $0xb8;
	[tilespmem:$0x15B00] =	vst v63  }
0x159: {  	_ =	swait.ge [sflag:s21], $0x2000  }
0x15a: {  	[sflag:s21] =	ssyncset.done $0x0  }
0x15b: {  	s10 =	simm.s32 $0x6380;
	s9 =	simm.s32 $0x280;
	[sflag:s21] =	ssyncadd.s32 $0xFFFFE000  }
.LBB2_9:
0x15c: {  	v2 =	vld [tilespmem:s9+$0x0]  }
0x15d: {  	s11 =	sshra.s32 s30, $0x2  }
0x15e: {  	v3 =	vld [tilespmem:s11+$0x2300]  }
0x15f: {  	v4 =	vld [tilespmem:s11+$0x2310]  }
0x160: {  	v7 =	vld [tilespmem:s11+$0x2330]  }
0x161: {  	v5 =	vld [tilespmem:s11+$0x2320];
	v6 =	vbroadcast v2, $0x0;
	_ =	sdelay $0x1  }
0x162: {  	v3 =	vmul.f32 v6, v3  }
0x163: {  	v4 =	vmul.f32 v4, v6  }
0x164: {  	v45 =	vmul.f32 v7, v6;
	[tilespmem:s11+$0x4300] =	vst v3  }
0x165: {  	v3 =	vmul.f32 v5, v6;
	[tilespmem:s11+$0x4310] =	vst v4  }
0x166: {  	[tilespmem:s11+$0x4330] =	vst v45  }
0x167: {  	[tilespmem:s11+$0x4320] =	vst v3  }
0x168: {  	[tilespmem:s10+$0xFFFFFF80] =	vst v6  }
0x169: {  	v3 =	vld [tilespmem:s11+$0x2340]  }
0x16a: {  	v46 =	vld [tilespmem:s11+$0x2350]  }
0x16b: {  	v49 =	vld [tilespmem:s11+$0x2370]  }
0x16c: {  	v48 =	vbroadcast v2, $0x1;
	v47 =	vld [tilespmem:s11+$0x2360];
	_ =	sdelay $0x1  }
0x16d: {  	v3 =	vmul.f32 v3, v48  }
0x16e: {  	v4 =	vmul.f32 v46, v48  }
0x16f: {  	v50 =	vmul.f32 v49, v48;
	[tilespmem:s11+$0x4340] =	vst v3  }
0x170: {  	v3 =	vmul.f32 v47, v48;
	[tilespmem:s11+$0x4350] =	vst v4  }
0x171: {  	[tilespmem:s11+$0x4370] =	vst v50  }
0x172: {  	[tilespmem:s11+$0x4360] =	vst v3  }
0x173: {  	[tilespmem:s10+$0xFFFFFF90] =	vst v48  }
0x174: {  	v3 =	vld [tilespmem:s11+$0x2380]  }
0x175: {  	v51 =	vld [tilespmem:s11+$0x2390]  }
0x176: {  	v54 =	vld [tilespmem:s11+$0x23B0]  }
0x177: {  	v53 =	vbroadcast v2, $0x2;
	v52 =	vld [tilespmem:s11+$0x23A0];
	_ =	sdelay $0x1  }
0x178: {  	v3 =	vmul.f32 v3, v53  }
0x179: {  	v4 =	vmul.f32 v51, v53  }
0x17a: {  	v55 =	vmul.f32 v54, v53;
	[tilespmem:s11+$0x4380] =	vst v3  }
0x17b: {  	v3 =	vmul.f32 v52, v53;
	[tilespmem:s11+$0x4390] =	vst v4  }
0x17c: {  	[tilespmem:s11+$0x43B0] =	vst v55  }
0x17d: {  	[tilespmem:s11+$0x43A0] =	vst v3  }
0x17e: {  	[tilespmem:s10+$0xFFFFFFA0] =	vst v53  }
0x17f: {  	v3 =	vld [tilespmem:s11+$0x23C0]  }
0x180: {  	v56 =	vld [tilespmem:s11+$0x23D0]  }
0x181: {  	v59 =	vld [tilespmem:s11+$0x23F0]  }
0x182: {  	v58 =	vbroadcast v2, $0x3;
	v57 =	vld [tilespmem:s11+$0x23E0];
	_ =	sdelay $0x1  }
0x183: {  	v3 =	vmul.f32 v3, v58  }
0x184: {  	v4 =	vmul.f32 v56, v58  }
0x185: {  	v60 =	vmul.f32 v59, v58;
	[tilespmem:s11+$0x43C0] =	vst v3  }
0x186: {  	v3 =	vmul.f32 v57, v58;
	[tilespmem:s11+$0x43D0] =	vst v4  }
0x187: {  	[tilespmem:s11+$0x43F0] =	vst v60  }
0x188: {  	[tilespmem:s11+$0x43E0] =	vst v3  }
0x189: {  	[tilespmem:s10+$0xFFFFFFB0] =	vst v58  }
0x18a: {  	v3 =	vld [tilespmem:s11+$0x2400]  }
0x18b: {  	v61 =	vld [tilespmem:s11+$0x2410]  }
0x18c: {  	v9 =	vld [tilespmem:s11+$0x2430]  }
0x18d: {  	v63 =	vbroadcast v2, $0x4;
	v62 =	vld [tilespmem:s11+$0x2420];
	_ =	sdelay $0x1  }
0x18e: {  	v3 =	vmul.f32 v3, v63  }
0x18f: {  	v4 =	vmul.f32 v61, v63  }
0x190: {  	v10 =	vmul.f32 v9, v63;
	[tilespmem:s11+$0x4400] =	vst v3  }
0x191: {  	v3 =	vmul.f32 v62, v63;
	[tilespmem:s11+$0x4410] =	vst v4  }
0x192: {  	[tilespmem:s11+$0x4430] =	vst v10  }
0x193: {  	[tilespmem:s11+$0x4420] =	vst v3  }
0x194: {  	[tilespmem:s10+$0xFFFFFFC0] =	vst v63  }
0x195: {  	v3 =	vld [tilespmem:s11+$0x2440]  }
0x196: {  	v11 =	vld [tilespmem:s11+$0x2450]  }
0x197: {  	v14 =	vld [tilespmem:s11+$0x2470]  }
0x198: {  	v13 =	vbroadcast v2, $0x5;
	v12 =	vld [tilespmem:s11+$0x2460];
	_ =	sdelay $0x1  }
0x199: {  	v3 =	vmul.f32 v3, v13  }
0x19a: {  	v4 =	vmul.f32 v11, v13  }
0x19b: {  	v15 =	vmul.f32 v14, v13;
	[tilespmem:s11+$0x4440] =	vst v3  }
0x19c: {  	v3 =	vmul.f32 v12, v13;
	[tilespmem:s11+$0x4450] =	vst v4  }
0x19d: {  	[tilespmem:s11+$0x4470] =	vst v15  }
0x19e: {  	[tilespmem:s11+$0x4460] =	vst v3  }
0x19f: {  	[tilespmem:s10+$0xFFFFFFD0] =	vst v13  }
0x1a0: {  	v3 =	vld [tilespmem:s11+$0x2480]  }
0x1a1: {  	v16 =	vld [tilespmem:s11+$0x2490]  }
0x1a2: {  	v19 =	vld [tilespmem:s11+$0x24B0]  }
0x1a3: {  	v18 =	vbroadcast v2, $0x6;
	v17 =	vld [tilespmem:s11+$0x24A0];
	_ =	sdelay $0x1  }
0x1a4: {  	v3 =	vmul.f32 v3, v18  }
0x1a5: {  	v4 =	vmul.f32 v16, v18  }
0x1a6: {  	v20 =	vmul.f32 v19, v18;
	[tilespmem:s11+$0x4480] =	vst v3  }
0x1a7: {  	v3 =	vmul.f32 v17, v18;
	[tilespmem:s11+$0x4490] =	vst v4  }
0x1a8: {  	[tilespmem:s11+$0x44B0] =	vst v20  }
0x1a9: {  	[tilespmem:s11+$0x44A0] =	vst v3  }
0x1aa: {  	[tilespmem:s10+$0xFFFFFFE0] =	vst v18  }
0x1ab: {  	v3 =	vld [tilespmem:s11+$0x24C0]  }
0x1ac: {  	v21 =	vld [tilespmem:s11+$0x24D0]  }
0x1ad: {  	v24 =	vld [tilespmem:s11+$0x24F0]  }
0x1ae: {  	v23 =	vbroadcast v2, $0x7;
	v22 =	vld [tilespmem:s11+$0x24E0];
	_ =	sdelay $0x1  }
0x1af: {  	v3 =	vmul.f32 v3, v23  }
0x1b0: {  	v4 =	vmul.f32 v21, v23  }
0x1b1: {  	v25 =	vmul.f32 v24, v23;
	[tilespmem:s11+$0x44C0] =	vst v3  }
0x1b2: {  	v3 =	vmul.f32 v22, v23;
	[tilespmem:s11+$0x44D0] =	vst v4  }
0x1b3: {  	[tilespmem:s11+$0x44F0] =	vst v25  }
0x1b4: {  	[tilespmem:s11+$0x44E0] =	vst v3  }
0x1b5: {  	[tilespmem:s10+$0xFFFFFFF0] =	vst v23  }
0x1b6: {  	v3 =	vld [tilespmem:s11+$0x2500]  }
0x1b7: {  	v26 =	vld [tilespmem:s11+$0x2510]  }
0x1b8: {  	v29 =	vld [tilespmem:s11+$0x2530]  }
0x1b9: {  	v28 =	vbroadcast v2, $0x8;
	v27 =	vld [tilespmem:s11+$0x2520];
	_ =	sdelay $0x1  }
0x1ba: {  	v3 =	vmul.f32 v3, v28  }
0x1bb: {  	v4 =	vmul.f32 v26, v28  }
0x1bc: {  	v30 =	vmul.f32 v29, v28;
	[tilespmem:s11+$0x4500] =	vst v3  }
0x1bd: {  	v3 =	vmul.f32 v27, v28;
	[tilespmem:s11+$0x4510] =	vst v4  }
0x1be: {  	[tilespmem:s11+$0x4530] =	vst v30  }
0x1bf: {  	[tilespmem:s11+$0x4520] =	vst v3  }
0x1c0: {  	[tilespmem:s10+$0x0] =	vst v28  }
0x1c1: {  	v3 =	vld [tilespmem:s11+$0x2540]  }
0x1c2: {  	v31 =	vld [tilespmem:s11+$0x2550]  }
0x1c3: {  	v34 =	vld [tilespmem:s11+$0x2570]  }
0x1c4: {  	v33 =	vbroadcast v2, $0x9;
	v32 =	vld [tilespmem:s11+$0x2560];
	_ =	sdelay $0x1  }
0x1c5: {  	v3 =	vmul.f32 v3, v33  }
0x1c6: {  	v4 =	vmul.f32 v31, v33  }
0x1c7: {  	v35 =	vmul.f32 v34, v33;
	[tilespmem:s11+$0x4540] =	vst v3  }
0x1c8: {  	v3 =	vmul.f32 v32, v33;
	[tilespmem:s11+$0x4550] =	vst v4  }
0x1c9: {  	[tilespmem:s11+$0x4570] =	vst v35  }
0x1ca: {  	[tilespmem:s11+$0x4560] =	vst v3  }
0x1cb: {  	[tilespmem:s10+$0x10] =	vst v33  }
0x1cc: {  	v3 =	vld [tilespmem:s11+$0x2580]  }
0x1cd: {  	v36 =	vld [tilespmem:s11+$0x2590]  }
0x1ce: {  	v39 =	vld [tilespmem:s11+$0x25B0]  }
0x1cf: {  	v38 =	vbroadcast v2, $0xA;
	v37 =	vld [tilespmem:s11+$0x25A0];
	_ =	sdelay $0x1  }
0x1d0: {  	v3 =	vmul.f32 v3, v38  }
0x1d1: {  	v4 =	vmul.f32 v36, v38  }
0x1d2: {  	v40 =	vmul.f32 v39, v38;
	[tilespmem:s11+$0x4580] =	vst v3  }
0x1d3: {  	v3 =	vmul.f32 v37, v38;
	[tilespmem:s11+$0x4590] =	vst v4  }
0x1d4: {  	[tilespmem:s11+$0x45B0] =	vst v40  }
0x1d5: {  	[tilespmem:s11+$0x45A0] =	vst v3  }
0x1d6: {  	[tilespmem:s10+$0x20] =	vst v38  }
0x1d7: {  	v3 =	vld [tilespmem:s11+$0x25C0]  }
0x1d8: {  	v41 =	vld [tilespmem:s11+$0x25D0]  }
0x1d9: {  	v44 =	vld [tilespmem:s11+$0x25F0]  }
0x1da: {  	v43 =	vbroadcast v2, $0xB;
	v42 =	vld [tilespmem:s11+$0x25E0];
	_ =	sdelay $0x1  }
0x1db: {  	v3 =	vmul.f32 v3, v43  }
0x1dc: {  	v4 =	vmul.f32 v41, v43  }
0x1dd: {  	v45 =	vmul.f32 v44, v43;
	[tilespmem:s11+$0x45C0] =	vst v3  }
0x1de: {  	v3 =	vmul.f32 v42, v43;
	[tilespmem:s11+$0x45D0] =	vst v4  }
0x1df: {  	[tilespmem:s11+$0x45F0] =	vst v45  }
0x1e0: {  	[tilespmem:s11+$0x45E0] =	vst v3  }
0x1e1: {  	[tilespmem:s10+$0x30] =	vst v43  }
0x1e2: {  	v3 =	vld [tilespmem:s11+$0x2600]  }
0x1e3: {  	v46 =	vld [tilespmem:s11+$0x2610]  }
0x1e4: {  	v49 =	vld [tilespmem:s11+$0x2630]  }
0x1e5: {  	v48 =	vbroadcast v2, $0xC;
	v47 =	vld [tilespmem:s11+$0x2620];
	_ =	sdelay $0x1  }
0x1e6: {  	v3 =	vmul.f32 v3, v48  }
0x1e7: {  	v4 =	vmul.f32 v46, v48  }
0x1e8: {  	v50 =	vmul.f32 v49, v48;
	[tilespmem:s11+$0x4600] =	vst v3  }
0x1e9: {  	v3 =	vmul.f32 v47, v48;
	[tilespmem:s11+$0x4610] =	vst v4  }
0x1ea: {  	[tilespmem:s11+$0x4630] =	vst v50  }
0x1eb: {  	[tilespmem:s11+$0x4620] =	vst v3  }
0x1ec: {  	[tilespmem:s10+$0x40] =	vst v48  }
0x1ed: {  	v3 =	vld [tilespmem:s11+$0x2640]  }
0x1ee: {  	v51 =	vld [tilespmem:s11+$0x2650]  }
0x1ef: {  	v54 =	vld [tilespmem:s11+$0x2670]  }
0x1f0: {  	v53 =	vbroadcast v2, $0xD;
	v52 =	vld [tilespmem:s11+$0x2660];
	_ =	sdelay $0x1  }
0x1f1: {  	v3 =	vmul.f32 v3, v53  }
0x1f2: {  	v4 =	vmul.f32 v51, v53  }
0x1f3: {  	v55 =	vmul.f32 v54, v53;
	[tilespmem:s11+$0x4640] =	vst v3  }
0x1f4: {  	v3 =	vmul.f32 v52, v53;
	[tilespmem:s11+$0x4650] =	vst v4  }
0x1f5: {  	[tilespmem:s11+$0x4670] =	vst v55  }
0x1f6: {  	[tilespmem:s11+$0x4660] =	vst v3  }
0x1f7: {  	[tilespmem:s10+$0x50] =	vst v53  }
0x1f8: {  	v3 =	vld [tilespmem:s11+$0x2680]  }
0x1f9: {  	v56 =	vld [tilespmem:s11+$0x2690]  }
0x1fa: {  	v59 =	vld [tilespmem:s11+$0x26B0]  }
0x1fb: {  	v58 =	vbroadcast v2, $0xE;
	v57 =	vld [tilespmem:s11+$0x26A0];
	_ =	sdelay $0x1  }
0x1fc: {  	v3 =	vmul.f32 v3, v58  }
0x1fd: {  	v4 =	vmul.f32 v56, v58  }
0x1fe: {  	v60 =	vmul.f32 v59, v58;
	[tilespmem:s11+$0x4680] =	vst v3  }
0x1ff: {  	v3 =	vmul.f32 v57, v58;
	[tilespmem:s11+$0x4690] =	vst v4  }
0x200: {  	[tilespmem:s11+$0x46B0] =	vst v60  }
0x201: {  	[tilespmem:s11+$0x46A0] =	vst v3  }
0x202: {  	[tilespmem:s10+$0x60] =	vst v58  }
0x203: {  	v3 =	vld [tilespmem:s11+$0x26C0]  }
0x204: {  	v61 =	vld [tilespmem:s11+$0x26D0]  }
0x205: {  	v6 =	vld [tilespmem:s11+$0x26F0]  }
0x206: {  	v2 =	vbroadcast v2, $0xF;
	v62 =	vld [tilespmem:s11+$0x26E0];
	_ =	sdelay $0x1  }
0x207: {  	v3 =	vmul.f32 v3, v2  }
0x208: {  	p0 =	sne.s32 s30, $0x7000;
	v4 =	vmul.f32 v61, v2  }
.Ltmp3:
0x209: {  	v63 =	vmul.f32 v6, v2;
	[tilespmem:s11+$0x46C0] =	vst v3;
	(pc) =	sbr.rel @p0 .LBB2_9-.Ltmp3, $4  }
0x20a: {  	v3 =	vmul.f32 v62, v2;
	[tilespmem:s11+$0x46D0] =	vst v4  }
0x20b: {  	[tilespmem:s11+$0x46F0] =	vst v63  }
0x20c: {  	[tilespmem:s11+$0x46E0] =	vst v3  }
0x20d: {  	s9 =	sadd.s32 $0x10, s9;
	s30 =	sadd.s32 $0x1000, s30;
	[tilespmem:s10+$0x70] =	vst v2;
	s10 =	sadd.s32 $0x100, s10  }
0x20e: {  	[spmem:s1] =	stream.indirect.scatter.add.f32 [tilespmem:s28], [sflag:$0x3], $0x40, s16, s31, $0xb8;
	[tilespmem:$0x15B00] =	vst v63  }
0x20f: {  	s26 =	sadd.s32 $0x1, s26;
	_ =	swait.ge [sflag:s29], $0x2000  }
0x210: {  	p0 =	sne.s32 s26, $0x4E;
	[sflag:s29] =	ssyncset.done $0x0  }
.Ltmp4:
0x211: {  	[sflag:s29] =	ssyncadd.s32 $0xFFFFE000;
	(pc) =	sbr.rel @p0 .LBB2_6-.Ltmp4, $4  }
0x212: {  	[spmem:s2] =	stream.indirect.scatter.add.f32 [tilespmem:s20], [sflag:$0x3], $0x10, s16, s31, $0xb8;
	[tilespmem:$0x15B00] =	vst v63  }
0x213: {  	_ =	swait.ge [sflag:s29], $0x800  }
0x214: {  	[sflag:s29] =	ssyncset.done $0x0  }
0x215: {  	[sflag:s29] =	ssyncadd.s32 $0xFFFFF800  }
0x216: {  	_ =	swait.ge [sflag:s19], $0x2000  }
0x217: {  	s9 =	simm.s32 $0x0;
	[sflag:s19] =	ssyncset.done $0x0  }
0x218: {  	s10 =	simm.s32 $0x100;
	s11 =	simm.s32 $0x6380;
	[sflag:s19] =	ssyncadd.s32 $0xFFFFE000  }
.LBB2_12:
0x219: {  	v2 =	vld [tilespmem:s10+$0x0]  }
0x21a: {  	s12 =	sshra.s32 s9, $0x2  }
0x21b: {  	v3 =	vld [tilespmem:s12+$0x300]  }
0x21c: {  	v4 =	vld [tilespmem:s12+$0x310]  }
0x21d: {  	v7 =	vld [tilespmem:s12+$0x330]  }
0x21e: {  	v5 =	vld [tilespmem:s12+$0x320];
	v6 =	vbroadcast v2, $0x0;
	_ =	sdelay $0x1  }
0x21f: {  	v3 =	vmul.f32 v6, v3  }
0x220: {  	v4 =	vmul.f32 v4, v6  }
0x221: {  	v45 =	vmul.f32 v7, v6;
	[tilespmem:s12+$0x4300] =	vst v3  }
0x222: {  	v3 =	vmul.f32 v5, v6;
	[tilespmem:s12+$0x4310] =	vst v4  }
0x223: {  	[tilespmem:s12+$0x4330] =	vst v45  }
0x224: {  	[tilespmem:s12+$0x4320] =	vst v3  }
0x225: {  	[tilespmem:s11+$0xFFFFFF80] =	vst v6  }
0x226: {  	v3 =	vld [tilespmem:s12+$0x340]  }
0x227: {  	v46 =	vld [tilespmem:s12+$0x350]  }
0x228: {  	v49 =	vld [tilespmem:s12+$0x370]  }
0x229: {  	v48 =	vbroadcast v2, $0x1;
	v47 =	vld [tilespmem:s12+$0x360];
	_ =	sdelay $0x1  }
0x22a: {  	v3 =	vmul.f32 v3, v48  }
0x22b: {  	v4 =	vmul.f32 v46, v48  }
0x22c: {  	v50 =	vmul.f32 v49, v48;
	[tilespmem:s12+$0x4340] =	vst v3  }
0x22d: {  	v3 =	vmul.f32 v47, v48;
	[tilespmem:s12+$0x4350] =	vst v4  }
0x22e: {  	[tilespmem:s12+$0x4370] =	vst v50  }
0x22f: {  	[tilespmem:s12+$0x4360] =	vst v3  }
0x230: {  	[tilespmem:s11+$0xFFFFFF90] =	vst v48  }
0x231: {  	v3 =	vld [tilespmem:s12+$0x380]  }
0x232: {  	v51 =	vld [tilespmem:s12+$0x390]  }
0x233: {  	v54 =	vld [tilespmem:s12+$0x3B0]  }
0x234: {  	v53 =	vbroadcast v2, $0x2;
	v52 =	vld [tilespmem:s12+$0x3A0];
	_ =	sdelay $0x1  }
0x235: {  	v3 =	vmul.f32 v3, v53  }
0x236: {  	v4 =	vmul.f32 v51, v53  }
0x237: {  	v55 =	vmul.f32 v54, v53;
	[tilespmem:s12+$0x4380] =	vst v3  }
0x238: {  	v3 =	vmul.f32 v52, v53;
	[tilespmem:s12+$0x4390] =	vst v4  }
0x239: {  	[tilespmem:s12+$0x43B0] =	vst v55  }
0x23a: {  	[tilespmem:s12+$0x43A0] =	vst v3  }
0x23b: {  	[tilespmem:s11+$0xFFFFFFA0] =	vst v53  }
0x23c: {  	v3 =	vld [tilespmem:s12+$0x3C0]  }
0x23d: {  	v56 =	vld [tilespmem:s12+$0x3D0]  }
0x23e: {  	v59 =	vld [tilespmem:s12+$0x3F0]  }
0x23f: {  	v58 =	vbroadcast v2, $0x3;
	v57 =	vld [tilespmem:s12+$0x3E0];
	_ =	sdelay $0x1  }
0x240: {  	v3 =	vmul.f32 v3, v58  }
0x241: {  	v4 =	vmul.f32 v56, v58  }
0x242: {  	v60 =	vmul.f32 v59, v58;
	[tilespmem:s12+$0x43C0] =	vst v3  }
0x243: {  	v3 =	vmul.f32 v57, v58;
	[tilespmem:s12+$0x43D0] =	vst v4  }
0x244: {  	[tilespmem:s12+$0x43F0] =	vst v60  }
0x245: {  	[tilespmem:s12+$0x43E0] =	vst v3  }
0x246: {  	[tilespmem:s11+$0xFFFFFFB0] =	vst v58  }
0x247: {  	v3 =	vld [tilespmem:s12+$0x400]  }
0x248: {  	v61 =	vld [tilespmem:s12+$0x410]  }
0x249: {  	v9 =	vld [tilespmem:s12+$0x430]  }
0x24a: {  	v63 =	vbroadcast v2, $0x4;
	v62 =	vld [tilespmem:s12+$0x420];
	_ =	sdelay $0x1  }
0x24b: {  	v3 =	vmul.f32 v3, v63  }
0x24c: {  	v4 =	vmul.f32 v61, v63  }
0x24d: {  	v10 =	vmul.f32 v9, v63;
	[tilespmem:s12+$0x4400] =	vst v3  }
0x24e: {  	v3 =	vmul.f32 v62, v63;
	[tilespmem:s12+$0x4410] =	vst v4  }
0x24f: {  	[tilespmem:s12+$0x4430] =	vst v10  }
0x250: {  	[tilespmem:s12+$0x4420] =	vst v3  }
0x251: {  	[tilespmem:s11+$0xFFFFFFC0] =	vst v63  }
0x252: {  	v3 =	vld [tilespmem:s12+$0x440]  }
0x253: {  	v11 =	vld [tilespmem:s12+$0x450]  }
0x254: {  	v14 =	vld [tilespmem:s12+$0x470]  }
0x255: {  	v13 =	vbroadcast v2, $0x5;
	v12 =	vld [tilespmem:s12+$0x460];
	_ =	sdelay $0x1  }
0x256: {  	v3 =	vmul.f32 v3, v13  }
0x257: {  	v4 =	vmul.f32 v11, v13  }
0x258: {  	v15 =	vmul.f32 v14, v13;
	[tilespmem:s12+$0x4440] =	vst v3  }
0x259: {  	v3 =	vmul.f32 v12, v13;
	[tilespmem:s12+$0x4450] =	vst v4  }
0x25a: {  	[tilespmem:s12+$0x4470] =	vst v15  }
0x25b: {  	[tilespmem:s12+$0x4460] =	vst v3  }
0x25c: {  	[tilespmem:s11+$0xFFFFFFD0] =	vst v13  }
0x25d: {  	v3 =	vld [tilespmem:s12+$0x480]  }
0x25e: {  	v16 =	vld [tilespmem:s12+$0x490]  }
0x25f: {  	v19 =	vld [tilespmem:s12+$0x4B0]  }
0x260: {  	v18 =	vbroadcast v2, $0x6;
	v17 =	vld [tilespmem:s12+$0x4A0];
	_ =	sdelay $0x1  }
0x261: {  	v3 =	vmul.f32 v3, v18  }
0x262: {  	v4 =	vmul.f32 v16, v18  }
0x263: {  	v20 =	vmul.f32 v19, v18;
	[tilespmem:s12+$0x4480] =	vst v3  }
0x264: {  	v3 =	vmul.f32 v17, v18;
	[tilespmem:s12+$0x4490] =	vst v4  }
0x265: {  	[tilespmem:s12+$0x44B0] =	vst v20  }
0x266: {  	[tilespmem:s12+$0x44A0] =	vst v3  }
0x267: {  	[tilespmem:s11+$0xFFFFFFE0] =	vst v18  }
0x268: {  	v3 =	vld [tilespmem:s12+$0x4C0]  }
0x269: {  	v21 =	vld [tilespmem:s12+$0x4D0]  }
0x26a: {  	v24 =	vld [tilespmem:s12+$0x4F0]  }
0x26b: {  	v23 =	vbroadcast v2, $0x7;
	v22 =	vld [tilespmem:s12+$0x4E0];
	_ =	sdelay $0x1  }
0x26c: {  	v3 =	vmul.f32 v3, v23  }
0x26d: {  	v4 =	vmul.f32 v21, v23  }
0x26e: {  	v25 =	vmul.f32 v24, v23;
	[tilespmem:s12+$0x44C0] =	vst v3  }
0x26f: {  	v3 =	vmul.f32 v22, v23;
	[tilespmem:s12+$0x44D0] =	vst v4  }
0x270: {  	[tilespmem:s12+$0x44F0] =	vst v25  }
0x271: {  	[tilespmem:s12+$0x44E0] =	vst v3  }
0x272: {  	[tilespmem:s11+$0xFFFFFFF0] =	vst v23  }
0x273: {  	v3 =	vld [tilespmem:s12+$0x500]  }
0x274: {  	v26 =	vld [tilespmem:s12+$0x510]  }
0x275: {  	v29 =	vld [tilespmem:s12+$0x530]  }
0x276: {  	v28 =	vbroadcast v2, $0x8;
	v27 =	vld [tilespmem:s12+$0x520];
	_ =	sdelay $0x1  }
0x277: {  	v3 =	vmul.f32 v3, v28  }
0x278: {  	v4 =	vmul.f32 v26, v28  }
0x279: {  	v30 =	vmul.f32 v29, v28;
	[tilespmem:s12+$0x4500] =	vst v3  }
0x27a: {  	v3 =	vmul.f32 v27, v28;
	[tilespmem:s12+$0x4510] =	vst v4  }
0x27b: {  	[tilespmem:s12+$0x4530] =	vst v30  }
0x27c: {  	[tilespmem:s12+$0x4520] =	vst v3  }
0x27d: {  	[tilespmem:s11+$0x0] =	vst v28  }
0x27e: {  	v3 =	vld [tilespmem:s12+$0x540]  }
0x27f: {  	v31 =	vld [tilespmem:s12+$0x550]  }
0x280: {  	v34 =	vld [tilespmem:s12+$0x570]  }
0x281: {  	v33 =	vbroadcast v2, $0x9;
	v32 =	vld [tilespmem:s12+$0x560];
	_ =	sdelay $0x1  }
0x282: {  	v3 =	vmul.f32 v3, v33  }
0x283: {  	v4 =	vmul.f32 v31, v33  }
0x284: {  	v35 =	vmul.f32 v34, v33;
	[tilespmem:s12+$0x4540] =	vst v3  }
0x285: {  	v3 =	vmul.f32 v32, v33;
	[tilespmem:s12+$0x4550] =	vst v4  }
0x286: {  	[tilespmem:s12+$0x4570] =	vst v35  }
0x287: {  	[tilespmem:s12+$0x4560] =	vst v3  }
0x288: {  	[tilespmem:s11+$0x10] =	vst v33  }
0x289: {  	v3 =	vld [tilespmem:s12+$0x580]  }
0x28a: {  	v36 =	vld [tilespmem:s12+$0x590]  }
0x28b: {  	v39 =	vld [tilespmem:s12+$0x5B0]  }
0x28c: {  	v38 =	vbroadcast v2, $0xA;
	v37 =	vld [tilespmem:s12+$0x5A0];
	_ =	sdelay $0x1  }
0x28d: {  	v3 =	vmul.f32 v3, v38  }
0x28e: {  	v4 =	vmul.f32 v36, v38  }
0x28f: {  	v40 =	vmul.f32 v39, v38;
	[tilespmem:s12+$0x4580] =	vst v3  }
0x290: {  	v3 =	vmul.f32 v37, v38;
	[tilespmem:s12+$0x4590] =	vst v4  }
0x291: {  	[tilespmem:s12+$0x45B0] =	vst v40  }
0x292: {  	[tilespmem:s12+$0x45A0] =	vst v3  }
0x293: {  	[tilespmem:s11+$0x20] =	vst v38  }
0x294: {  	v3 =	vld [tilespmem:s12+$0x5C0]  }
0x295: {  	v41 =	vld [tilespmem:s12+$0x5D0]  }
0x296: {  	v44 =	vld [tilespmem:s12+$0x5F0]  }
0x297: {  	v43 =	vbroadcast v2, $0xB;
	v42 =	vld [tilespmem:s12+$0x5E0];
	_ =	sdelay $0x1  }
0x298: {  	v3 =	vmul.f32 v3, v43  }
0x299: {  	v4 =	vmul.f32 v41, v43  }
0x29a: {  	v45 =	vmul.f32 v44, v43;
	[tilespmem:s12+$0x45C0] =	vst v3  }
0x29b: {  	v3 =	vmul.f32 v42, v43;
	[tilespmem:s12+$0x45D0] =	vst v4  }
0x29c: {  	[tilespmem:s12+$0x45F0] =	vst v45  }
0x29d: {  	[tilespmem:s12+$0x45E0] =	vst v3  }
0x29e: {  	[tilespmem:s11+$0x30] =	vst v43  }
0x29f: {  	v3 =	vld [tilespmem:s12+$0x600]  }
0x2a0: {  	v46 =	vld [tilespmem:s12+$0x610]  }
0x2a1: {  	v49 =	vld [tilespmem:s12+$0x630]  }
0x2a2: {  	v48 =	vbroadcast v2, $0xC;
	v47 =	vld [tilespmem:s12+$0x620];
	_ =	sdelay $0x1  }
0x2a3: {  	v3 =	vmul.f32 v3, v48  }
0x2a4: {  	v4 =	vmul.f32 v46, v48  }
0x2a5: {  	v50 =	vmul.f32 v49, v48;
	[tilespmem:s12+$0x4600] =	vst v3  }
0x2a6: {  	v3 =	vmul.f32 v47, v48;
	[tilespmem:s12+$0x4610] =	vst v4  }
0x2a7: {  	[tilespmem:s12+$0x4630] =	vst v50  }
0x2a8: {  	[tilespmem:s12+$0x4620] =	vst v3  }
0x2a9: {  	[tilespmem:s11+$0x40] =	vst v48  }
0x2aa: {  	v3 =	vld [tilespmem:s12+$0x640]  }
0x2ab: {  	v51 =	vld [tilespmem:s12+$0x650]  }
0x2ac: {  	v54 =	vld [tilespmem:s12+$0x670]  }
0x2ad: {  	v53 =	vbroadcast v2, $0xD;
	v52 =	vld [tilespmem:s12+$0x660];
	_ =	sdelay $0x1  }
0x2ae: {  	v3 =	vmul.f32 v3, v53  }
0x2af: {  	v4 =	vmul.f32 v51, v53  }
0x2b0: {  	v55 =	vmul.f32 v54, v53;
	[tilespmem:s12+$0x4640] =	vst v3  }
0x2b1: {  	v3 =	vmul.f32 v52, v53;
	[tilespmem:s12+$0x4650] =	vst v4  }
0x2b2: {  	[tilespmem:s12+$0x4670] =	vst v55  }
0x2b3: {  	[tilespmem:s12+$0x4660] =	vst v3  }
0x2b4: {  	[tilespmem:s11+$0x50] =	vst v53  }
0x2b5: {  	v3 =	vld [tilespmem:s12+$0x680]  }
0x2b6: {  	v56 =	vld [tilespmem:s12+$0x690]  }
0x2b7: {  	v59 =	vld [tilespmem:s12+$0x6B0]  }
0x2b8: {  	v58 =	vbroadcast v2, $0xE;
	v57 =	vld [tilespmem:s12+$0x6A0];
	_ =	sdelay $0x1  }
0x2b9: {  	v3 =	vmul.f32 v3, v58  }
0x2ba: {  	v4 =	vmul.f32 v56, v58  }
0x2bb: {  	v60 =	vmul.f32 v59, v58;
	[tilespmem:s12+$0x4680] =	vst v3  }
0x2bc: {  	v3 =	vmul.f32 v57, v58;
	[tilespmem:s12+$0x4690] =	vst v4  }
0x2bd: {  	[tilespmem:s12+$0x46B0] =	vst v60  }
0x2be: {  	[tilespmem:s12+$0x46A0] =	vst v3  }
0x2bf: {  	[tilespmem:s11+$0x60] =	vst v58  }
0x2c0: {  	v3 =	vld [tilespmem:s12+$0x6C0]  }
0x2c1: {  	v61 =	vld [tilespmem:s12+$0x6D0]  }
0x2c2: {  	v6 =	vld [tilespmem:s12+$0x6F0]  }
0x2c3: {  	v2 =	vbroadcast v2, $0xF;
	v62 =	vld [tilespmem:s12+$0x6E0];
	_ =	sdelay $0x1  }
0x2c4: {  	v3 =	vmul.f32 v3, v2  }
0x2c5: {  	p0 =	sne.s32 s9, $0x7000;
	v4 =	vmul.f32 v61, v2  }
.Ltmp5:
0x2c6: {  	v63 =	vmul.f32 v6, v2;
	[tilespmem:s12+$0x46C0] =	vst v3;
	(pc) =	sbr.rel @p0 .LBB2_12-.Ltmp5, $4  }
0x2c7: {  	v3 =	vmul.f32 v62, v2;
	[tilespmem:s12+$0x46D0] =	vst v4  }
0x2c8: {  	[tilespmem:s12+$0x46F0] =	vst v63  }
0x2c9: {  	[tilespmem:s12+$0x46E0] =	vst v3  }
0x2ca: {  	s10 =	sadd.s32 $0x10, s10;
	s9 =	sadd.s32 $0x1000, s9;
	[tilespmem:s11+$0x70] =	vst v2;
	s11 =	sadd.s32 $0x100, s11  }
0x2cb: {  	[spmem:s1] =	stream.indirect.scatter.add.f32 [tilespmem:s28], [sflag:$0x3], $0x40, s31, s31, $0xb8;
	[tilespmem:$0x15B00] =	vst v63  }
0x2cc: {  	_ =	swait.ge [sflag:s29], $0x2000  }
0x2cd: {  	[sflag:s29] =	ssyncset.done $0x0  }
0x2ce: {  	[sflag:s29] =	ssyncadd.s32 $0xFFFFE000  }
0x2cf: {  	[spmem:s2] =	stream.indirect.scatter.add.f32 [tilespmem:s20], [sflag:$0x3], $0x10, s31, s31, $0xb8;
	[tilespmem:$0x15B00] =	vst v63  }
0x2d0: {  	_ =	swait.ge [sflag:s29], $0x800  }
0x2d1: {  	[sflag:s29] =	ssyncset.done $0x0  }
0x2d2: {  	[sflag:s29] =	ssyncadd.s32 $0xFFFFF800  }
0x2d3: {  	[bflag:$0x0] =	sbarrier.arrive $0xFFFF  }
0x2d4: {  	[tilespmem:s28], [sflag:$0x3] =	stream.linear.gather [spmem:s13], $0x2000, $0x38;
	[tilespmem:$0x15B00] =	vst v63  }
0x2d5: {  	_ =	swait.ge [sflag:s29], $0x2000  }
0x2d6: {  	[sflag:s29] =	ssyncset.done $0x0  }
0x2d7: {  	s9 =	rddreg [dreg:$0x9];
	[sflag:s29] =	ssyncadd.s32 $0xFFFFE000  }
0x2d8: {  	[hbm4b:s9+s3] =	stream.linear.scatter [tilespmem:s28], [sflag:$0x3], $0x2000, $0x38;
	[tilespmem:$0x15B00] =	vst v63  }
0x2d9: {  	_ =	swait.ge [sflag:s29], $0x2000  }
0x2da: {  	[sflag:s29] =	ssyncset.done $0x0  }
0x2db: {  	[sflag:s29] =	ssyncadd.s32 $0xFFFFE000  }
0x2dc: {  	[tilespmem:s28], [sflag:$0x3] =	stream.linear.gather [spmem:s14], $0x2000, $0x38;
	[tilespmem:$0x15B00] =	vst v63  }
0x2dd: {  	_ =	swait.ge [sflag:s29], $0x2000  }
0x2de: {  	[sflag:s29] =	ssyncset.done $0x0  }
0x2df: {  	s11 =	rddreg [dreg:$0xa];
	[sflag:s29] =	ssyncadd.s32 $0xFFFFE000  }
0x2e0: {  	[hbm4b:s11+s3] =	stream.linear.scatter [tilespmem:s28], [sflag:$0x3], $0x2000, $0x38;
	[tilespmem:$0x15B00] =	vst v63  }
0x2e1: {  	_ =	swait.ge [sflag:s29], $0x2000  }
0x2e2: {  	[sflag:s29] =	ssyncset.done $0x0  }
0x2e3: {  	s30 =	rddreg [dreg:$0x5];
	[sflag:s29] =	ssyncadd.s32 $0xFFFFE000  }
0x2e4: {  	[tilespmem:s28], [sflag:$0x3] =	stream.linear.gather [spmem:s30], $0x2000, $0x38;
	[tilespmem:$0x15B00] =	vst v63  }
0x2e5: {  	_ =	swait.ge [sflag:s29], $0x2000  }
0x2e6: {  	[sflag:s29] =	ssyncset.done $0x0  }
0x2e7: {  	s12 =	rddreg [dreg:$0xb];
	[sflag:s29] =	ssyncadd.s32 $0xFFFFE000  }
0x2e8: {  	[hbm4b:s12+s3] =	stream.linear.scatter [tilespmem:s28], [sflag:$0x3], $0x2000, $0x38;
	[tilespmem:$0x15B00] =	vst v63  }
0x2e9: {  	_ =	swait.ge [sflag:s29], $0x2000  }
0x2ea: {  	[sflag:s29] =	ssyncset.done $0x0  }
0x2eb: {  	s23 =	smov.u32 s13;
	s13 =	rddreg [dreg:$0x6];
	[sflag:s29] =	ssyncadd.s32 $0xFFFFE000  }
0x2ec: {  	[tilespmem:s28], [sflag:$0x3] =	stream.linear.gather [spmem:s13], $0x2000, $0x38;
	[tilespmem:$0x15B00] =	vst v63  }
0x2ed: {  	_ =	swait.ge [sflag:s29], $0x2000  }
0x2ee: {  	[sflag:s29] =	ssyncset.done $0x0  }
0x2ef: {  	s26 =	smov.u32 s14;
	s14 =	rddreg [dreg:$0xc];
	[sflag:s29] =	ssyncadd.s32 $0xFFFFE000  }
0x2f0: {  	[hbm4b:s14+s3] =	stream.linear.scatter [tilespmem:s28], [sflag:$0x3], $0x2000, $0x38;
	[tilespmem:$0x15B00] =	vst v63  }
0x2f1: {  	_ =	swait.ge [sflag:s29], $0x2000  }
0x2f2: {  	[sflag:s29] =	ssyncset.done $0x0  }
0x2f3: {  	s10 =	rddreg [dreg:$0x7];
	[sflag:s29] =	ssyncadd.s32 $0xFFFFE000  }
0x2f4: {  	[tilespmem:s28], [sflag:$0x3] =	stream.linear.gather [spmem:s10], $0x2000, $0x38;
	[tilespmem:$0x15B00] =	vst v63  }
0x2f5: {  	_ =	swait.ge [sflag:s29], $0x2000  }
0x2f6: {  	[sflag:s29] =	ssyncset.done $0x0  }
0x2f7: {  	s11 =	rddreg [dreg:$0xd];
	[sflag:s29] =	ssyncadd.s32 $0xFFFFE000  }
0x2f8: {  	[hbm4b:s11+s3] =	stream.linear.scatter [tilespmem:s28], [sflag:$0x3], $0x2000, $0x38;
	[tilespmem:$0x15B00] =	vst v63  }
0x2f9: {  	_ =	swait.ge [sflag:s29], $0x2000  }
0x2fa: {  	[sflag:s29] =	ssyncset.done $0x0  }
0x2fb: {  	s11 =	simm.s32 $0x6B00;
	s12 =	rddreg [dreg:$0x8];
	[sflag:s29] =	ssyncadd.s32 $0xFFFFE000  }
0x2fc: {  	[tilespmem:s11], [sflag:$0x3] =	stream.linear.gather [spmem:s12], $0x2800, $0x38;
	[tilespmem:$0x15B00] =	vst v63  }
0x2fd: {  	_ =	swait.ge [sflag:s29], $0x2800  }
0x2fe: {  	[sflag:s29] =	ssyncset.done $0x0  }
0x2ff: {  	s13 =	rddreg [dreg:$0xe];
	[sflag:s29] =	ssyncadd.s32 $0xFFFFD800  }
0x300: {  	[hbm4b:s13+s3] =	stream.linear.scatter [tilespmem:s11], [sflag:$0x3], $0x2800, $0x38;
	[tilespmem:$0x15B00] =	vst v63  }
0x301: {  	_ =	swait.ge [sflag:s29], $0x2800  }
0x302: {  	s22 =	sadd.s32 $0x1, s22;
	s14 =	rddreg [dreg:$0x12]  }
0x303: {  	p0 =	sne.s32 s22, s14  }
.Ltmp6:
0x304: {  	_ = 	snop;
	(pc) =	sbr.rel @p0 .LBB2_1-.Ltmp6, $3  }
0x305: {  	_ =	sdelay $0x1  }
0x306: {  	[sflag:s29] =	ssyncset.done $0x0  }
0x307: {  	[sflag:s29] =	ssyncadd.s32 $0xFFFFD800  }
0x308: {  	_ =	sfence.sel $0x180000  }
0x309: {  	[bflag:$0x0] =	sbarrier.arrive $0xFFFF  }
0x30a: {  	_ =	strace $0x90000047  }
0x30b: {  	s0 =	stileid.u32;
	[bflag:$0x2] =	sbarrier.arrive $0xFFFF  }
0x30c: {  	p0 =	sne.s32 s0, $0x0;
	s0 =	rddreg [dreg:$0x4]  }
0x30d: {  	s0 =	sadd.s32 @!p0 $0x100000, s0  }
0x30e: {  	[sflag:s0] =	ssyncadd.tile.s32 @!p0 $0x1;
	_ =	shalt  }
.Lfunc_end2:
_tile_overlayer_lowered:
.L_overlay_start_2:
0x30f: {  	(tag) =	ssettag $0x2  }
0x310: {  	s0 =	rddreg [dreg:$0x0];
	s2 =	stileid.u32  }
0x311: {  	s1 =	rddreg [dreg:$0x1];
	p0 =	sne.s32 s2, $0x0  }
0x312: {  	s3 =	rddreg [dreg:$0x2];
	[bflag:$0x3] =	sbarrier.arrive $0xFFFF;
	s2 =	simm.s32 @!p0 $0x1C03  }
0x313: {  	[timem:s3], [sflag:s2] =	dma.local @!p0 [hbm:s0], s1  }
0x314: {  	s0 =	simm.s32 @!p0 $0x3  }
0x315: {  	_ =	swait.ge @!p0 [sflag:s0], s1  }
0x316: {  	s1 =	ssub.s32 @!p0 $0x0, s1;
	[sflag:s0] =	ssyncset.done @!p0 $0x0  }
0x317: {  	[sflag:s0] =	ssyncadd.s32 @!p0 s1  }
0x318: {  	[bflag:$0x3] =	sbarrier.arrive $0xFFFF  }
0x319: {  	_ =	shalt  }

</sc_bundles>
